<compile_context>
chip_gen: v7x
topology: tpu7x:2x2x1
jax: 0.10.2.dev20260603
libtpu: 0.0.44.dev20260713+nightly
codegen_flags: <defaults>
</compile_context>

<pallas_src>
import functools

import jax
import jax.numpy as jnp
from jax import lax
from jax.experimental import pallas as pl
from jax.experimental.pallas import tpu as pltpu
from jax.experimental.pallas import tpu_sc as plsc

NUM_HEADS = 32
NPOS = 64 * 64
LANES = 16
NGROUPS = NPOS // 64


def _sc_gather(table, packed):
    mesh = plsc.VectorSubcoreMesh(core_axis_name="c", subcore_axis_name="s")

    @functools.partial(
        pl.kernel,
        mesh=mesh,
        out_type=jax.ShapeDtypeStruct((NUM_HEADS, 64, 64), jnp.float32),
        scratch_types=[
            pltpu.VMEM((15, 15), jnp.float32),
            pltpu.VMEM((8, 128), jnp.int32),
            pltpu.VMEM((64, 64), jnp.float32),
            pltpu.SemaphoreType.DMA,
            pltpu.SemaphoreType.DMA,
        ],
        compiler_params=pltpu.CompilerParams(needs_layout_passes=False),
    )
    def run(table_hbm, packed_hbm, out_hbm, table_v, pk_v, out_v, sem_t, sem_p):
        wid = lax.axis_index("s") * 2 + lax.axis_index("c")
        ct = pltpu.async_copy(table_hbm.at[wid], table_v, sem_t)
        cp = pltpu.async_copy(packed_hbm, pk_v, sem_p)
        ct.wait()
        cp.wait()

        for g in range(NGROUPS):
            w = pk_v[g // 8, pl.ds((g % 8) * LANES, LANES)]
            for j in range(4):
                b = lax.shift_right_logical(w, 8 * j) & 0xFF
                rb = b & 0xF
                fb = lax.shift_right_logical(b, 4)
                out_v[g, pl.ds(j * LANES, LANES)] = (
                    plsc.load_gather(table_v, [rb, fb]))

        pltpu.sync_copy(out_v, out_hbm.at[wid])

    return run(table, packed)


def _pack_nibbles(rank_idx, file_idx):
    m4 = (rank_idx | (file_idx << 4)).reshape(8, 8, 4, LANES)
    w = (m4[:, :, 0] | (m4[:, :, 1] << 8)
         | (m4[:, :, 2] << 16) | (m4[:, :, 3] << 24))
    return w.reshape(8, 128)


def kernel(bias_table, rank_idx, file_idx):
    return _sc_gather(bias_table, _pack_nibbles(rank_idx, file_idx))

# --- scband reference (transcript-rebuilt; emitter-appended) ---
"""Pipeline reference for scband-shaw-relative-position-bias-24197845746100 (READ-ONLY COPY).

The authoritative reference and input builder live on the scoring server;
editing this copy changes nothing except your own understanding.
"""

import jax, jax.numpy as jnp
import numpy as np

NUM_HEADS = 32

def setup_inputs(seed: int = 0) -> dict:
    key = jax.random.key(seed)
    # learned parameter: bias table [num_heads, 15, 15], trunc-normal std=0.02
    bias_table = jax.random.truncated_normal(key, -2.0, 2.0, (NUM_HEADS, 15, 15), dtype=jnp.float32) * 0.02
    # chess board coords: square_rank(sq) = sq // 8, square_file(sq) = sq % 8
    sq = np.arange(64)
    ranks = sq // 8
    files = sq % 8
    rank_idx = jnp.asarray(ranks[:, None] - ranks[None, :] + 7, dtype=jnp.int32)
    file_idx = jnp.asarray(files[:, None] - files[None, :] + 7, dtype=jnp.int32)
    return {"bias_table": bias_table, "rank_idx": rank_idx, "file_idx": file_idx}

def reference(bias_table, rank_idx, file_idx):
    # gather: bias_table[:, rank_idx, file_idx] -> [num_heads, 64, 64]
    return bias_table[:, rank_idx, file_idx]

if __name__ == "__main__":
    import jax
    _d = setup_inputs()
    print(jax.jit(kernel)(*tuple(_d.values())))

</pallas_src>

<mosaic_0001>
#map = affine_map<(d0, d1) -> (0, 0, 0)>
#map1 = affine_map<(d0, d1) -> (0, 0)>
module attributes {stable_mosaic.version = 14 : i64} {
  func.func @run(%arg0: i32, %arg1: i32, %arg2: memref<32x15x15xf32, #tpu.memory_space<hbm>>, %arg3: memref<8x128xi32, #tpu.memory_space<hbm>>, %arg4: memref<32x64x64xf32, #tpu.memory_space<hbm>>, %arg5: memref<15x15xf32, #tpu.memory_space<vmem>>, %arg6: memref<8x128xi32, #tpu.memory_space<vmem>>, %arg7: memref<64x64xf32, #tpu.memory_space<vmem>>, %arg8: memref<!tpu.dma_semaphore, #tpu.memory_space<semaphore_mem>>, %arg9: memref<!tpu.dma_semaphore, #tpu.memory_space<semaphore_mem>>) attributes {dimension_semantics = [#tpu.dimension_semantics<core_parallel>, #tpu.dimension_semantics<subcore_parallel>], iteration_bounds = array<i64: 2, 16>, scalar_prefetch = 0 : i64, scratch_operands = 5 : i64, tpu.core_type = #tpu.core_type<sc_vector_subcore>, window_params = [{transform_indices = #map}, {transform_indices = #map1}, {transform_indices = #map}]} {
    %mul3A = arith.constant 2 : i32
    %mul3A_0 = arith.muli %arg1, %mul3A : i32
    %add3A = arith.addi %mul3A_0, %arg0 : i32
    %dma_start3A = arith.constant 0 : i32
    %dma_start3A_1 = arith.constant 0 : i32
    %dma_start3A_2 = tpu.memref_slice %arg2[%add3A, %dma_start3A, %dma_start3A_1] : memref<32x15x15xf32, #tpu.memory_space<hbm>> -> memref<1x15x15xf32, #tpu.memory_space<hbm>>
    %dma_start3A_3 = tpu.memref_squeeze %dma_start3A_2 : memref<1x15x15xf32, #tpu.memory_space<hbm>> -> memref<15x15xf32, #tpu.memory_space<hbm>>
    %dma_start3A_4 = arith.constant 0 : i32
    %dma_start3A_5 = arith.constant 0 : i32
    %dma_start3A_6 = tpu.memref_slice %arg2[%add3A, %dma_start3A_4, %dma_start3A_5] : memref<32x15x15xf32, #tpu.memory_space<hbm>> -> memref<1x15x15xf32, #tpu.memory_space<hbm>>
    %dma_start3A_7 = tpu.memref_squeeze %dma_start3A_6 : memref<1x15x15xf32, #tpu.memory_space<hbm>> -> memref<15x15xf32, #tpu.memory_space<hbm>>
    tpu.enqueue_dma source(%dma_start3A_7 : memref<15x15xf32, #tpu.memory_space<hbm>>) target(%arg5 : memref<15x15xf32, #tpu.memory_space<vmem>>) target_semaphore(%arg8 : memref<!tpu.dma_semaphore, #tpu.memory_space<semaphore_mem>>)
    tpu.enqueue_dma source(%arg3 : memref<8x128xi32, #tpu.memory_space<hbm>>) target(%arg6 : memref<8x128xi32, #tpu.memory_space<vmem>>) target_semaphore(%arg9 : memref<!tpu.dma_semaphore, #tpu.memory_space<semaphore_mem>>)
    %dma_wait3A = arith.constant 0 : i32
    %dma_wait3A_8 = arith.constant 0 : i32
    %dma_wait3A_9 = tpu.memref_slice %arg2[%add3A, %dma_wait3A, %dma_wait3A_8] : memref<32x15x15xf32, #tpu.memory_space<hbm>> -> memref<1x15x15xf32, #tpu.memory_space<hbm>>
    %dma_wait3A_10 = tpu.memref_squeeze %dma_wait3A_9 : memref<1x15x15xf32, #tpu.memory_space<hbm>> -> memref<15x15xf32, #tpu.memory_space<hbm>>
    %dma_wait3A_11 = arith.constant 0 : i32
    %dma_wait3A_12 = arith.constant 0 : i32
    %dma_wait3A_13 = tpu.memref_slice %arg2[%add3A, %dma_wait3A_11, %dma_wait3A_12] : memref<32x15x15xf32, #tpu.memory_space<hbm>> -> memref<1x15x15xf32, #tpu.memory_space<hbm>>
    %dma_wait3A_14 = tpu.memref_squeeze %dma_wait3A_13 : memref<1x15x15xf32, #tpu.memory_space<hbm>> -> memref<15x15xf32, #tpu.memory_space<hbm>>
    tpu.wait_dma2 semaphore(%arg8 : memref<!tpu.dma_semaphore, #tpu.memory_space<semaphore_mem>>) src(%dma_wait3A_14 : memref<15x15xf32, #tpu.memory_space<hbm>>) dst(%arg5 : memref<15x15xf32, #tpu.memory_space<vmem>>)
    tpu.wait_dma2 semaphore(%arg9 : memref<!tpu.dma_semaphore, #tpu.memory_space<semaphore_mem>>) src(%arg3 : memref<8x128xi32, #tpu.memory_space<hbm>>) dst(%arg6 : memref<8x128xi32, #tpu.memory_space<vmem>>)
    %get3A = arith.constant 0 : i32
    %get3A_15 = arith.index_cast %get3A : i32 to index
    %get3A_16 = arith.constant 0 : index
    %get3A_17 = tpu.vector_load %arg6[%get3A_15, %get3A_16] {strides = array<i32>} : memref<8x128xi32, #tpu.memory_space<vmem>>, vector<16xi32>,
    %shift_right_logical3A = arith.constant 0 : i32
    %shift_right_logical3A_18 = vector.broadcast %shift_right_logical3A : i32 to vector<16xi32>
    %shift_right_logical3A_19 = arith.shrui %get3A_17, %shift_right_logical3A_18 : vector<16xi32>
    %and3A = arith.constant 255 : i32
    %and3A_20 = vector.broadcast %and3A : i32 to vector<16xi32>
    %and3A_21 = arith.andi %shift_right_logical3A_19, %and3A_20 : vector<16xi32>
    %and3A_22 = arith.constant 15 : i32
    %and3A_23 = vector.broadcast %and3A_22 : i32 to vector<16xi32>
    %and3A_24 = arith.andi %and3A_21, %and3A_23 : vector<16xi32>
    %shift_right_logical3A_25 = arith.constant 4 : i32
    %shift_right_logical3A_26 = vector.broadcast %shift_right_logical3A_25 : i32 to vector<16xi32>
    %shift_right_logical3A_27 = arith.shrui %and3A_21, %shift_right_logical3A_26 : vector<16xi32>
    %gather3A = tpu.vector_load_idx %arg5[%and3A_24, %shift_right_logical3A_27] : memref<15x15xf32, #tpu.memory_space<vmem>>[vector<16xi32>, vector<16xi32>], vector<16xf32>,
    %swap3A = arith.constant 0 : i32
    %swap3A_28 = arith.index_cast %swap3A : i32 to index
    %swap3A_29 = arith.constant 0 : index
    %swap3A_30 = tpu.vector_load %arg7[%swap3A_28, %swap3A_29] {strides = array<i32>} : memref<64x64xf32, #tpu.memory_space<vmem>>, vector<16xf32>,
    tpu.vector_store %arg7[%swap3A_28, %swap3A_29], %gather3A {strides = array<i32>} : memref<64x64xf32, #tpu.memory_space<vmem>>, vector<16xf32>,
    %shift_right_logical3A_31 = arith.constant 8 : i32
    %shift_right_logical3A_32 = vector.broadcast %shift_right_logical3A_31 : i32 to vector<16xi32>
    %shift_right_logical3A_33 = arith.shrui %get3A_17, %shift_right_logical3A_32 : vector<16xi32>
    %and3A_34 = arith.constant 255 : i32
    %and3A_35 = vector.broadcast %and3A_34 : i32 to vector<16xi32>
    %and3A_36 = arith.andi %shift_right_logical3A_33, %and3A_35 : vector<16xi32>
    %and3A_37 = arith.constant 15 : i32
    %and3A_38 = vector.broadcast %and3A_37 : i32 to vector<16xi32>
    %and3A_39 = arith.andi %and3A_36, %and3A_38 : vector<16xi32>
    %shift_right_logical3A_40 = arith.constant 4 : i32
    %shift_right_logical3A_41 = vector.broadcast %shift_right_logical3A_40 : i32 to vector<16xi32>
    %shift_right_logical3A_42 = arith.shrui %and3A_36, %shift_right_logical3A_41 : vector<16xi32>
    %gather3A_43 = tpu.vector_load_idx %arg5[%and3A_39, %shift_right_logical3A_42] : memref<15x15xf32, #tpu.memory_space<vmem>>[vector<16xi32>, vector<16xi32>], vector<16xf32>,
    %swap3A_44 = arith.constant 0 : i32
    %swap3A_45 = arith.index_cast %swap3A_44 : i32 to index
    %swap3A_46 = arith.constant 16 : index
    %swap3A_47 = tpu.vector_load %arg7[%swap3A_45, %swap3A_46] {strides = array<i32>} : memref<64x64xf32, #tpu.memory_space<vmem>>, vector<16xf32>,
    tpu.vector_store %arg7[%swap3A_45, %swap3A_46], %gather3A_43 {strides = array<i32>} : memref<64x64xf32, #tpu.memory_space<vmem>>, vector<16xf32>,
    %shift_right_logical3A_48 = arith.constant 16 : i32
    %shift_right_logical3A_49 = vector.broadcast %shift_right_logical3A_48 : i32 to vector<16xi32>
    %shift_right_logical3A_50 = arith.shrui %get3A_17, %shift_right_logical3A_49 : vector<16xi32>
    %and3A_51 = arith.constant 255 : i32
    %and3A_52 = vector.broadcast %and3A_51 : i32 to vector<16xi32>
    %and3A_53 = arith.andi %shift_right_logical3A_50, %and3A_52 : vector<16xi32>
    %and3A_54 = arith.constant 15 : i32
    %and3A_55 = vector.broadcast %and3A_54 : i32 to vector<16xi32>
    %and3A_56 = arith.andi %and3A_53, %and3A_55 : vector<16xi32>
    %shift_right_logical3A_57 = arith.constant 4 : i32
    %shift_right_logical3A_58 = vector.broadcast %shift_right_logical3A_57 : i32 to vector<16xi32>
    %shift_right_logical3A_59 = arith.shrui %and3A_53, %shift_right_logical3A_58 : vector<16xi32>
    %gather3A_60 = tpu.vector_load_idx %arg5[%and3A_56, %shift_right_logical3A_59] : memref<15x15xf32, #tpu.memory_space<vmem>>[vector<16xi32>, vector<16xi32>], vector<16xf32>,
    %swap3A_61 = arith.constant 0 : i32
    %swap3A_62 = arith.index_cast %swap3A_61 : i32 to index
    %swap3A_63 = arith.constant 32 : index
    %swap3A_64 = tpu.vector_load %arg7[%swap3A_62, %swap3A_63] {strides = array<i32>} : memref<64x64xf32, #tpu.memory_space<vmem>>, vector<16xf32>,
    tpu.vector_store %arg7[%swap3A_62, %swap3A_63], %gather3A_60 {strides = array<i32>} : memref<64x64xf32, #tpu.memory_space<vmem>>, vector<16xf32>,
    %shift_right_logical3A_65 = arith.constant 24 : i32
    %shift_right_logical3A_66 = vector.broadcast %shift_right_logical3A_65 : i32 to vector<16xi32>
    %shift_right_logical3A_67 = arith.shrui %get3A_17, %shift_right_logical3A_66 : vector<16xi32>
    %and3A_68 = arith.constant 255 : i32
    %and3A_69 = vector.broadcast %and3A_68 : i32 to vector<16xi32>
    %and3A_70 = arith.andi %shift_right_logical3A_67, %and3A_69 : vector<16xi32>
    %and3A_71 = arith.constant 15 : i32
    %and3A_72 = vector.broadcast %and3A_71 : i32 to vector<16xi32>
    %and3A_73 = arith.andi %and3A_70, %and3A_72 : vector<16xi32>
    %shift_right_logical3A_74 = arith.constant 4 : i32
    %shift_right_logical3A_75 = vector.broadcast %shift_right_logical3A_74 : i32 to vector<16xi32>
    %shift_right_logical3A_76 = arith.shrui %and3A_70, %shift_right_logical3A_75 : vector<16xi32>
    %gather3A_77 = tpu.vector_load_idx %arg5[%and3A_73, %shift_right_logical3A_76] : memref<15x15xf32, #tpu.memory_space<vmem>>[vector<16xi32>, vector<16xi32>], vector<16xf32>,
    %swap3A_78 = arith.constant 0 : i32
    %swap3A_79 = arith.index_cast %swap3A_78 : i32 to index
    %swap3A_80 = arith.constant 48 : index
    %swap3A_81 = tpu.vector_load %arg7[%swap3A_79, %swap3A_80] {strides = array<i32>} : memref<64x64xf32, #tpu.memory_space<vmem>>, vector<16xf32>,
    tpu.vector_store %arg7[%swap3A_79, %swap3A_80], %gather3A_77 {strides = array<i32>} : memref<64x64xf32, #tpu.memory_space<vmem>>, vector<16xf32>,
    %get3A_82 = arith.constant 0 : i32
    %get3A_83 = arith.index_cast %get3A_82 : i32 to index
    %get3A_84 = arith.constant 16 : index
    %get3A_85 = tpu.vector_load %arg6[%get3A_83, %get3A_84] {strides = array<i32>} : memref<8x128xi32, #tpu.memory_space<vmem>>, vector<16xi32>,
    %shift_right_logical3A_86 = arith.constant 0 : i32
    %shift_right_logical3A_87 = vector.broadcast %shift_right_logical3A_86 : i32 to vector<16xi32>
    %shift_right_logical3A_88 = arith.shrui %get3A_85, %shift_right_logical3A_87 : vector<16xi32>
    %and3A_89 = arith.constant 255 : i32
    %and3A_90 = vector.broadcast %and3A_89 : i32 to vector<16xi32>
    %and3A_91 = arith.andi %shift_right_logical3A_88, %and3A_90 : vector<16xi32>
    %and3A_92 = arith.constant 15 : i32
    %and3A_93 = vector.broadcast %and3A_92 : i32 to vector<16xi32>
    %and3A_94 = arith.andi %and3A_91, %and3A_93 : vector<16xi32>
    %shift_right_logical3A_95 = arith.constant 4 : i32
    %shift_right_logical3A_96 = vector.broadcast %shift_right_logical3A_95 : i32 to vector<16xi32>
    %shift_right_logical3A_97 = arith.shrui %and3A_91, %shift_right_logical3A_96 : vector<16xi32>
    %gather3A_98 = tpu.vector_load_idx %arg5[%and3A_94, %shift_right_logical3A_97] : memref<15x15xf32, #tpu.memory_space<vmem>>[vector<16xi32>, vector<16xi32>], vector<16xf32>,
    %swap3A_99 = arith.constant 1 : i32
    %swap3A_100 = arith.index_cast %swap3A_99 : i32 to index
    %swap3A_101 = arith.constant 0 : index
    %swap3A_102 = tpu.vector_load %arg7[%swap3A_100, %swap3A_101] {strides = array<i32>} : memref<64x64xf32, #tpu.memory_space<vmem>>, vector<16xf32>,
    tpu.vector_store %arg7[%swap3A_100, %swap3A_101], %gather3A_98 {strides = array<i32>} : memref<64x64xf32, #tpu.memory_space<vmem>>, vector<16xf32>,
    %shift_right_logical3A_103 = arith.constant 8 : i32
    %shift_right_logical3A_104 = vector.broadcast %shift_right_logical3A_103 : i32 to vector<16xi32>
    %shift_right_logical3A_105 = arith.shrui %get3A_85, %shift_right_logical3A_104 : vector<16xi32>
    %and3A_106 = arith.constant 255 : i32
    %and3A_107 = vector.broadcast %and3A_106 : i32 to vector<16xi32>
    %and3A_108 = arith.andi %shift_right_logical3A_105, %and3A_107 : vector<16xi32>
    %and3A_109 = arith.constant 15 : i32
    %and3A_110 = vector.broadcast %and3A_109 : i32 to vector<16xi32>
    %and3A_111 = arith.andi %and3A_108, %and3A_110 : vector<16xi32>
    %shift_right_logical3A_112 = arith.constant 4 : i32
    %shift_right_logical3A_113 = vector.broadcast %shift_right_logical3A_112 : i32 to vector<16xi32>
    %shift_right_logical3A_114 = arith.shrui %and3A_108, %shift_right_logical3A_113 : vector<16xi32>
    %gather3A_115 = tpu.vector_load_idx %arg5[%and3A_111, %shift_right_logical3A_114] : memref<15x15xf32, #tpu.memory_space<vmem>>[vector<16xi32>, vector<16xi32>], vector<16xf32>,
    %swap3A_116 = arith.constant 1 : i32
    %swap3A_117 = arith.index_cast %swap3A_116 : i32 to index
    %swap3A_118 = arith.constant 16 : index
    %swap3A_119 = tpu.vector_load %arg7[%swap3A_117, %swap3A_118] {strides = array<i32>} : memref<64x64xf32, #tpu.memory_space<vmem>>, vector<16xf32>,
    tpu.vector_store %arg7[%swap3A_117, %swap3A_118], %gather3A_115 {strides = array<i32>} : memref<64x64xf32, #tpu.memory_space<vmem>>, vector<16xf32>,
    %shift_right_logical3A_120 = arith.constant 16 : i32
    %shift_right_logical3A_121 = vector.broadcast %shift_right_logical3A_120 : i32 to vector<16xi32>
    %shift_right_logical3A_122 = arith.shrui %get3A_85, %shift_right_logical3A_121 : vector<16xi32>
    %and3A_123 = arith.constant 255 : i32
    %and3A_124 = vector.broadcast %and3A_123 : i32 to vector<16xi32>
    %and3A_125 = arith.andi %shift_right_logical3A_122, %and3A_124 : vector<16xi32>
    %and3A_126 = arith.constant 15 : i32
    %and3A_127 = vector.broadcast %and3A_126 : i32 to vector<16xi32>
    %and3A_128 = arith.andi %and3A_125, %and3A_127 : vector<16xi32>
    %shift_right_logical3A_129 = arith.constant 4 : i32
    %shift_right_logical3A_130 = vector.broadcast %shift_right_logical3A_129 : i32 to vector<16xi32>
    %shift_right_logical3A_131 = arith.shrui %and3A_125, %shift_right_logical3A_130 : vector<16xi32>
    %gather3A_132 = tpu.vector_load_idx %arg5[%and3A_128, %shift_right_logical3A_131] : memref<15x15xf32, #tpu.memory_space<vmem>>[vector<16xi32>, vector<16xi32>], vector<16xf32>,
    %swap3A_133 = arith.constant 1 : i32
    %swap3A_134 = arith.index_cast %swap3A_133 : i32 to index
    %swap3A_135 = arith.constant 32 : index
    %swap3A_136 = tpu.vector_load %arg7[%swap3A_134, %swap3A_135] {strides = array<i32>} : memref<64x64xf32, #tpu.memory_space<vmem>>, vector<16xf32>,
    tpu.vector_store %arg7[%swap3A_134, %swap3A_135], %gather3A_132 {strides = array<i32>} : memref<64x64xf32, #tpu.memory_space<vmem>>, vector<16xf32>,
    %shift_right_logical3A_137 = arith.constant 24 : i32
    %shift_right_logical3A_138 = vector.broadcast %shift_right_logical3A_137 : i32 to vector<16xi32>
    %shift_right_logical3A_139 = arith.shrui %get3A_85, %shift_right_logical3A_138 : vector<16xi32>
    %and3A_140 = arith.constant 255 : i32
    %and3A_141 = vector.broadcast %and3A_140 : i32 to vector<16xi32>
    %and3A_142 = arith.andi %shift_right_logical3A_139, %and3A_141 : vector<16xi32>
    %and3A_143 = arith.constant 15 : i32
    %and3A_144 = vector.broadcast %and3A_143 : i32 to vector<16xi32>
    %and3A_145 = arith.andi %and3A_142, %and3A_144 : vector<16xi32>
    %shift_right_logical3A_146 = arith.constant 4 : i32
    %shift_right_logical3A_147 = vector.broadcast %shift_right_logical3A_146 : i32 to vector<16xi32>
    %shift_right_logical3A_148 = arith.shrui %and3A_142, %shift_right_logical3A_147 : vector<16xi32>
    %gather3A_149 = tpu.vector_load_idx %arg5[%and3A_145, %shift_right_logical3A_148] : memref<15x15xf32, #tpu.memory_space<vmem>>[vector<16xi32>, vector<16xi32>], vector<16xf32>,
    %swap3A_150 = arith.constant 1 : i32
    %swap3A_151 = arith.index_cast %swap3A_150 : i32 to index
    %swap3A_152 = arith.constant 48 : index
    %swap3A_153 = tpu.vector_load %arg7[%swap3A_151, %swap3A_152] {strides = array<i32>} : memref<64x64xf32, #tpu.memory_space<vmem>>, vector<16xf32>,
    tpu.vector_store %arg7[%swap3A_151, %swap3A_152], %gather3A_149 {strides = array<i32>} : memref<64x64xf32, #tpu.memory_space<vmem>>, vector<16xf32>,
    %get3A_154 = arith.constant 0 : i32
    %get3A_155 = arith.index_cast %get3A_154 : i32 to index
    %get3A_156 = arith.constant 32 : index
    %get3A_157 = tpu.vector_load %arg6[%get3A_155, %get3A_156] {strides = array<i32>} : memref<8x128xi32, #tpu.memory_space<vmem>>, vector<16xi32>,
    %shift_right_logical3A_158 = arith.constant 0 : i32
    %shift_right_logical3A_159 = vector.broadcast %shift_right_logical3A_158 : i32 to vector<16xi32>
    %shift_right_logical3A_160 = arith.shrui %get3A_157, %shift_right_logical3A_159 : vector<16xi32>
    %and3A_161 = arith.constant 255 : i32
    %and3A_162 = vector.broadcast %and3A_161 : i32 to vector<16xi32>
    %and3A_163 = arith.andi %shift_right_logical3A_160, %and3A_162 : vector<16xi32>
    %and3A_164 = arith.constant 15 : i32
    %and3A_165 = vector.broadcast %and3A_164 : i32 to vector<16xi32>
    %and3A_166 = arith.andi %and3A_163, %and3A_165 : vector<16xi32>
    %shift_right_logical3A_167 = arith.constant 4 : i32
    %shift_right_logical3A_168 = vector.broadcast %shift_right_logical3A_167 : i32 to vector<16xi32>
    %shift_right_logical3A_169 = arith.shrui %and3A_163, %shift_right_logical3A_168 : vector<16xi32>
    %gather3A_170 = tpu.vector_load_idx %arg5[%and3A_166, %shift_right_logical3A_169] : memref<15x15xf32, #tpu.memory_space<vmem>>[vector<16xi32>, vector<16xi32>], vector<16xf32>,
    %swap3A_171 = arith.constant 2 : i32
    %swap3A_172 = arith.index_cast %swap3A_171 : i32 to index
    %swap3A_173 = arith.constant 0 : index
    %swap3A_174 = tpu.vector_load %arg7[%swap3A_172, %swap3A_173] {strides = array<i32>} : memref<64x64xf32, #tpu.memory_space<vmem>>, vector<16xf32>,
    tpu.vector_store %arg7[%swap3A_172, %swap3A_173], %gather3A_170 {strides = array<i32>} : memref<64x64xf32, #tpu.memory_space<vmem>>, vector<16xf32>,
    %shift_right_logical3A_175 = arith.constant 8 : i32
    %shift_right_logical3A_176 = vector.broadcast %shift_right_logical3A_175 : i32 to vector<16xi32>
    %shift_right_logical3A_177 = arith.shrui %get3A_157, %shift_right_logical3A_176 : vector<16xi32>
    %and3A_178 = arith.constant 255 : i32
    %and3A_179 = vector.broadcast %and3A_178 : i32 to vector<16xi32>
    %and3A_180 = arith.andi %shift_right_logical3A_177, %and3A_179 : vector<16xi32>
    %and3A_181 = arith.constant 15 : i32
    %and3A_182 = vector.broadcast %and3A_181 : i32 to vector<16xi32>
    %and3A_183 = arith.andi %and3A_180, %and3A_182 : vector<16xi32>
    %shift_right_logical3A_184 = arith.constant 4 : i32
    %shift_right_logical3A_185 = vector.broadcast %shift_right_logical3A_184 : i32 to vector<16xi32>
    %shift_right_logical3A_186 = arith.shrui %and3A_180, %shift_right_logical3A_185 : vector<16xi32>
    %gather3A_187 = tpu.vector_load_idx %arg5[%and3A_183, %shift_right_logical3A_186] : memref<15x15xf32, #tpu.memory_space<vmem>>[vector<16xi32>, vector<16xi32>], vector<16xf32>,
    %swap3A_188 = arith.constant 2 : i32
    %swap3A_189 = arith.index_cast %swap3A_188 : i32 to index
    %swap3A_190 = arith.constant 16 : index
    %swap3A_191 = tpu.vector_load %arg7[%swap3A_189, %swap3A_190] {strides = array<i32>} : memref<64x64xf32, #tpu.memory_space<vmem>>, vector<16xf32>,
    tpu.vector_store %arg7[%swap3A_189, %swap3A_190], %gather3A_187 {strides = array<i32>} : memref<64x64xf32, #tpu.memory_space<vmem>>, vector<16xf32>,
    %shift_right_logical3A_192 = arith.constant 16 : i32
    %shift_right_logical3A_193 = vector.broadcast %shift_right_logical3A_192 : i32 to vector<16xi32>
    %shift_right_logical3A_194 = arith.shrui %get3A_157, %shift_right_logical3A_193 : vector<16xi32>
    %and3A_195 = arith.constant 255 : i32
    %and3A_196 = vector.broadcast %and3A_195 : i32 to vector<16xi32>
    %and3A_197 = arith.andi %shift_right_logical3A_194, %and3A_196 : vector<16xi32>
    %and3A_198 = arith.constant 15 : i32
    %and3A_199 = vector.broadcast %and3A_198 : i32 to vector<16xi32>
    %and3A_200 = arith.andi %and3A_197, %and3A_199 : vector<16xi32>
    %shift_right_logical3A_201 = arith.constant 4 : i32
    %shift_right_logical3A_202 = vector.broadcast %shift_right_logical3A_201 : i32 to vector<16xi32>
    %shift_right_logical3A_203 = arith.shrui %and3A_197, %shift_right_logical3A_202 : vector<16xi32>
    %gather3A_204 = tpu.vector_load_idx %arg5[%and3A_200, %shift_right_logical3A_203] : memref<15x15xf32, #tpu.memory_space<vmem>>[vector<16xi32>, vector<16xi32>], vector<16xf32>,
    %swap3A_205 = arith.constant 2 : i32
    %swap3A_206 = arith.index_cast %swap3A_205 : i32 to index
    %swap3A_207 = arith.constant 32 : index
    %swap3A_208 = tpu.vector_load %arg7[%swap3A_206, %swap3A_207] {strides = array<i32>} : memref<64x64xf32, #tpu.memory_space<vmem>>, vector<16xf32>,
    tpu.vector_store %arg7[%swap3A_206, %swap3A_207], %gather3A_204 {strides = array<i32>} : memref<64x64xf32, #tpu.memory_space<vmem>>, vector<16xf32>,
    %shift_right_logical3A_209 = arith.constant 24 : i32
    %shift_right_logical3A_210 = vector.broadcast %shift_right_logical3A_209 : i32 to vector<16xi32>
    %shift_right_logical3A_211 = arith.shrui %get3A_157, %shift_right_logical3A_210 : vector<16xi32>
    %and3A_212 = arith.constant 255 : i32
    %and3A_213 = vector.broadcast %and3A_212 : i32 to vector<16xi32>
    %and3A_214 = arith.andi %shift_right_logical3A_211, %and3A_213 : vector<16xi32>
    %and3A_215 = arith.constant 15 : i32
    %and3A_216 = vector.broadcast %and3A_215 : i32 to vector<16xi32>
    %and3A_217 = arith.andi %and3A_214, %and3A_216 : vector<16xi32>
    %shift_right_logical3A_218 = arith.constant 4 : i32
    %shift_right_logical3A_219 = vector.broadcast %shift_right_logical3A_218 : i32 to vector<16xi32>
    %shift_right_logical3A_220 = arith.shrui %and3A_214, %shift_right_logical3A_219 : vector<16xi32>
    %gather3A_221 = tpu.vector_load_idx %arg5[%and3A_217, %shift_right_logical3A_220] : memref<15x15xf32, #tpu.memory_space<vmem>>[vector<16xi32>, vector<16xi32>], vector<16xf32>,
    %swap3A_222 = arith.constant 2 : i32
    %swap3A_223 = arith.index_cast %swap3A_222 : i32 to index
    %swap3A_224 = arith.constant 48 : index
    %swap3A_225 = tpu.vector_load %arg7[%swap3A_223, %swap3A_224] {strides = array<i32>} : memref<64x64xf32, #tpu.memory_space<vmem>>, vector<16xf32>,
    tpu.vector_store %arg7[%swap3A_223, %swap3A_224], %gather3A_221 {strides = array<i32>} : memref<64x64xf32, #tpu.memory_space<vmem>>, vector<16xf32>,
    %get3A_226 = arith.constant 0 : i32
    %get3A_227 = arith.index_cast %get3A_226 : i32 to index
    %get3A_228 = arith.constant 48 : index
    %get3A_229 = tpu.vector_load %arg6[%get3A_227, %get3A_228] {strides = array<i32>} : memref<8x128xi32, #tpu.memory_space<vmem>>, vector<16xi32>,
    %shift_right_logical3A_230 = arith.constant 0 : i32
    %shift_right_logical3A_231 = vector.broadcast %shift_right_logical3A_230 : i32 to vector<16xi32>
    %shift_right_logical3A_232 = arith.shrui %get3A_229, %shift_right_logical3A_231 : vector<16xi32>
    %and3A_233 = arith.constant 255 : i32
    %and3A_234 = vector.broadcast %and3A_233 : i32 to vector<16xi32>
    %and3A_235 = arith.andi %shift_right_logical3A_232, %and3A_234 : vector<16xi32>
    %and3A_236 = arith.constant 15 : i32
    %and3A_237 = vector.broadcast %and3A_236 : i32 to vector<16xi32>
    %and3A_238 = arith.andi %and3A_235, %and3A_237 : vector<16xi32>
    %shift_right_logical3A_239 = arith.constant 4 : i32
    %shift_right_logical3A_240 = vector.broadcast %shift_right_logical3A_239 : i32 to vector<16xi32>
    %shift_right_logical3A_241 = arith.shrui %and3A_235, %shift_right_logical3A_240 : vector<16xi32>
    %gather3A_242 = tpu.vector_load_idx %arg5[%and3A_238, %shift_right_logical3A_241] : memref<15x15xf32, #tpu.memory_space<vmem>>[vector<16xi32>, vector<16xi32>], vector<16xf32>,
    %swap3A_243 = arith.constant 3 : i32
    %swap3A_244 = arith.index_cast %swap3A_243 : i32 to index
    %swap3A_245 = arith.constant 0 : index
    %swap3A_246 = tpu.vector_load %arg7[%swap3A_244, %swap3A_245] {strides = array<i32>} : memref<64x64xf32, #tpu.memory_space<vmem>>, vector<16xf32>,
    tpu.vector_store %arg7[%swap3A_244, %swap3A_245], %gather3A_242 {strides = array<i32>} : memref<64x64xf32, #tpu.memory_space<vmem>>, vector<16xf32>,
    %shift_right_logical3A_247 = arith.constant 8 : i32
    %shift_right_logical3A_248 = vector.broadcast %shift_right_logical3A_247 : i32 to vector<16xi32>
    %shift_right_logical3A_249 = arith.shrui %get3A_229, %shift_right_logical3A_248 : vector<16xi32>
    %and3A_250 = arith.constant 255 : i32
    %and3A_251 = vector.broadcast %and3A_250 : i32 to vector<16xi32>
    %and3A_252 = arith.andi %shift_right_logical3A_249, %and3A_251 : vector<16xi32>
    %and3A_253 = arith.constant 15 : i32
    %and3A_254 = vector.broadcast %and3A_253 : i32 to vector<16xi32>
    %and3A_255 = arith.andi %and3A_252, %and3A_254 : vector<16xi32>
    %shift_right_logical3A_256 = arith.constant 4 : i32
    %shift_right_logical3A_257 = vector.broadcast %shift_right_logical3A_256 : i32 to vector<16xi32>
    %shift_right_logical3A_258 = arith.shrui %and3A_252, %shift_right_logical3A_257 : vector<16xi32>
    %gather3A_259 = tpu.vector_load_idx %arg5[%and3A_255, %shift_right_logical3A_258] : memref<15x15xf32, #tpu.memory_space<vmem>>[vector<16xi32>, vector<16xi32>], vector<16xf32>,
    %swap3A_260 = arith.constant 3 : i32
    %swap3A_261 = arith.index_cast %swap3A_260 : i32 to index
    %swap3A_262 = arith.constant 16 : index
    %swap3A_263 = tpu.vector_load %arg7[%swap3A_261, %swap3A_262] {strides = array<i32>} : memref<64x64xf32, #tpu.memory_space<vmem>>, vector<16xf32>,
    tpu.vector_store %arg7[%swap3A_261, %swap3A_262], %gather3A_259 {strides = array<i32>} : memref<64x64xf32, #tpu.memory_space<vmem>>, vector<16xf32>,
    %shift_right_logical3A_264 = arith.constant 16 : i32
    %shift_right_logical3A_265 = vector.broadcast %shift_right_logical3A_264 : i32 to vector<16xi32>
    %shift_right_logical3A_266 = arith.shrui %get3A_229, %shift_right_logical3A_265 : vector<16xi32>
    %and3A_267 = arith.constant 255 : i32
    %and3A_268 = vector.broadcast %and3A_267 : i32 to vector<16xi32>
    %and3A_269 = arith.andi %shift_right_logical3A_266, %and3A_268 : vector<16xi32>
    %and3A_270 = arith.constant 15 : i32
    %and3A_271 = vector.broadcast %and3A_270 : i32 to vector<16xi32>
    %and3A_272 = arith.andi %and3A_269, %and3A_271 : vector<16xi32>
    %shift_right_logical3A_273 = arith.constant 4 : i32
    %shift_right_logical3A_274 = vector.broadcast %shift_right_logical3A_273 : i32 to vector<16xi32>
    %shift_right_logical3A_275 = arith.shrui %and3A_269, %shift_right_logical3A_274 : vector<16xi32>
    %gather3A_276 = tpu.vector_load_idx %arg5[%and3A_272, %shift_right_logical3A_275] : memref<15x15xf32, #tpu.memory_space<vmem>>[vector<16xi32>, vector<16xi32>], vector<16xf32>,
    %swap3A_277 = arith.constant 3 : i32
    %swap3A_278 = arith.index_cast %swap3A_277 : i32 to index
    %swap3A_279 = arith.constant 32 : index
    %swap3A_280 = tpu.vector_load %arg7[%swap3A_278, %swap3A_279] {strides = array<i32>} : memref<64x64xf32, #tpu.memory_space<vmem>>, vector<16xf32>,
    tpu.vector_store %arg7[%swap3A_278, %swap3A_279], %gather3A_276 {strides = array<i32>} : memref<64x64xf32, #tpu.memory_space<vmem>>, vector<16xf32>,
    %shift_right_logical3A_281 = arith.constant 24 : i32
    %shift_right_logical3A_282 = vector.broadcast %shift_right_logical3A_281 : i32 to vector<16xi32>
    %shift_right_logical3A_283 = arith.shrui %get3A_229, %shift_right_logical3A_282 : vector<16xi32>
    %and3A_284 = arith.constant 255 : i32
    %and3A_285 = vector.broadcast %and3A_284 : i32 to vector<16xi32>
    %and3A_286 = arith.andi %shift_right_logical3A_283, %and3A_285 : vector<16xi32>
    %and3A_287 = arith.constant 15 : i32
    %and3A_288 = vector.broadcast %and3A_287 : i32 to vector<16xi32>
    %and3A_289 = arith.andi %and3A_286, %and3A_288 : vector<16xi32>
    %shift_right_logical3A_290 = arith.constant 4 : i32
    %shift_right_logical3A_291 = vector.broadcast %shift_right_logical3A_290 : i32 to vector<16xi32>
    %shift_right_logical3A_292 = arith.shrui %and3A_286, %shift_right_logical3A_291 : vector<16xi32>
    %gather3A_293 = tpu.vector_load_idx %arg5[%and3A_289, %shift_right_logical3A_292] : memref<15x15xf32, #tpu.memory_space<vmem>>[vector<16xi32>, vector<16xi32>], vector<16xf32>,
    %swap3A_294 = arith.constant 3 : i32
    %swap3A_295 = arith.index_cast %swap3A_294 : i32 to index
    %swap3A_296 = arith.constant 48 : index
    %swap3A_297 = tpu.vector_load %arg7[%swap3A_295, %swap3A_296] {strides = array<i32>} : memref<64x64xf32, #tpu.memory_space<vmem>>, vector<16xf32>,
    tpu.vector_store %arg7[%swap3A_295, %swap3A_296], %gather3A_293 {strides = array<i32>} : memref<64x64xf32, #tpu.memory_space<vmem>>, vector<16xf32>,
    %get3A_298 = arith.constant 0 : i32
    %get3A_299 = arith.index_cast %get3A_298 : i32 to index
    %get3A_300 = arith.constant 64 : index
    %get3A_301 = tpu.vector_load %arg6[%get3A_299, %get3A_300] {strides = array<i32>} : memref<8x128xi32, #tpu.memory_space<vmem>>, vector<16xi32>,
    %shift_right_logical3A_302 = arith.constant 0 : i32
    %shift_right_logical3A_303 = vector.broadcast %shift_right_logical3A_302 : i32 to vector<16xi32>
    %shift_right_logical3A_304 = arith.shrui %get3A_301, %shift_right_logical3A_303 : vector<16xi32>
    %and3A_305 = arith.constant 255 : i32
    %and3A_306 = vector.broadcast %and3A_305 : i32 to vector<16xi32>
    %and3A_307 = arith.andi %shift_right_logical3A_304, %and3A_306 : vector<16xi32>
    %and3A_308 = arith.constant 15 : i32
    %and3A_309 = vector.broadcast %and3A_308 : i32 to vector<16xi32>
    %and3A_310 = arith.andi %and3A_307, %and3A_309 : vector<16xi32>
    %shift_right_logical3A_311 = arith.constant 4 : i32
    %shift_right_logical3A_312 = vector.broadcast %shift_right_logical3A_311 : i32 to vector<16xi32>
    %shift_right_logical3A_313 = arith.shrui %and3A_307, %shift_right_logical3A_312 : vector<16xi32>
    %gather3A_314 = tpu.vector_load_idx %arg5[%and3A_310, %shift_right_logical3A_313] : memref<15x15xf32, #tpu.memory_space<vmem>>[vector<16xi32>, vector<16xi32>], vector<16xf32>,
    %swap3A_315 = arith.constant 4 : i32
    %swap3A_316 = arith.index_cast %swap3A_315 : i32 to index
    %swap3A_317 = arith.constant 0 : index
    %swap3A_318 = tpu.vector_load %arg7[%swap3A_316, %swap3A_317] {strides = array<i32>} : memref<64x64xf32, #tpu.memory_space<vmem>>, vector<16xf32>,
    tpu.vector_store %arg7[%swap3A_316, %swap3A_317], %gather3A_314 {strides = array<i32>} : memref<64x64xf32, #tpu.memory_space<vmem>>, vector<16xf32>,
    %shift_right_logical3A_319 = arith.constant 8 : i32
    %shift_right_logical3A_320 = vector.broadcast %shift_right_logical3A_319 : i32 to vector<16xi32>
    %shift_right_logical3A_321 = arith.shrui %get3A_301, %shift_right_logical3A_320 : vector<16xi32>
    %and3A_322 = arith.constant 255 : i32
    %and3A_323 = vector.broadcast %and3A_322 : i32 to vector<16xi32>
    %and3A_324 = arith.andi %shift_right_logical3A_321, %and3A_323 : vector<16xi32>
    %and3A_325 = arith.constant 15 : i32
    %and3A_326 = vector.broadcast %and3A_325 : i32 to vector<16xi32>
    %and3A_327 = arith.andi %and3A_324, %and3A_326 : vector<16xi32>
    %shift_right_logical3A_328 = arith.constant 4 : i32
    %shift_right_logical3A_329 = vector.broadcast %shift_right_logical3A_328 : i32 to vector<16xi32>
    %shift_right_logical3A_330 = arith.shrui %and3A_324, %shift_right_logical3A_329 : vector<16xi32>
    %gather3A_331 = tpu.vector_load_idx %arg5[%and3A_327, %shift_right_logical3A_330] : memref<15x15xf32, #tpu.memory_space<vmem>>[vector<16xi32>, vector<16xi32>], vector<16xf32>,
    %swap3A_332 = arith.constant 4 : i32
    %swap3A_333 = arith.index_cast %swap3A_332 : i32 to index
    %swap3A_334 = arith.constant 16 : index
    %swap3A_335 = tpu.vector_load %arg7[%swap3A_333, %swap3A_334] {strides = array<i32>} : memref<64x64xf32, #tpu.memory_space<vmem>>, vector<16xf32>,
    tpu.vector_store %arg7[%swap3A_333, %swap3A_334], %gather3A_331 {strides = array<i32>} : memref<64x64xf32, #tpu.memory_space<vmem>>, vector<16xf32>,
    %shift_right_logical3A_336 = arith.constant 16 : i32
    %shift_right_logical3A_337 = vector.broadcast %shift_right_logical3A_336 : i32 to vector<16xi32>
    %shift_right_logical3A_338 = arith.shrui %get3A_301, %shift_right_logical3A_337 : vector<16xi32>
    %and3A_339 = arith.constant 255 : i32
    %and3A_340 = vector.broadcast %and3A_339 : i32 to vector<16xi32>
    %and3A_341 = arith.andi %shift_right_logical3A_338, %and3A_340 : vector<16xi32>
    %and3A_342 = arith.constant 15 : i32
    %and3A_343 = vector.broadcast %and3A_342 : i32 to vector<16xi32>
    %and3A_344 = arith.andi %and3A_341, %and3A_343 : vector<16xi32>
    %shift_right_logical3A_345 = arith.constant 4 : i32
    %shift_right_logical3A_346 = vector.broadcast %shift_right_logical3A_345 : i32 to vector<16xi32>
    %shift_right_logical3A_347 = arith.shrui %and3A_341, %shift_right_logical3A_346 : vector<16xi32>
    %gather3A_348 = tpu.vector_load_idx %arg5[%and3A_344, %shift_right_logical3A_347] : memref<15x15xf32, #tpu.memory_space<vmem>>[vector<16xi32>, vector<16xi32>], vector<16xf32>,
    %swap3A_349 = arith.constant 4 : i32
    %swap3A_350 = arith.index_cast %swap3A_349 : i32 to index
    %swap3A_351 = arith.constant 32 : index
    %swap3A_352 = tpu.vector_load %arg7[%swap3A_350, %swap3A_351] {strides = array<i32>} : memref<64x64xf32, #tpu.memory_space<vmem>>, vector<16xf32>,
    tpu.vector_store %arg7[%swap3A_350, %swap3A_351], %gather3A_348 {strides = array<i32>} : memref<64x64xf32, #tpu.memory_space<vmem>>, vector<16xf32>,
    %shift_right_logical3A_353 = arith.constant 24 : i32
    %shift_right_logical3A_354 = vector.broadcast %shift_right_logical3A_353 : i32 to vector<16xi32>
    %shift_right_logical3A_355 = arith.shrui %get3A_301, %shift_right_logical3A_354 : vector<16xi32>
    %and3A_356 = arith.constant 255 : i32
    %and3A_357 = vector.broadcast %and3A_356 : i32 to vector<16xi32>
    %and3A_358 = arith.andi %shift_right_logical3A_355, %and3A_357 : vector<16xi32>
    %and3A_359 = arith.constant 15 : i32
    %and3A_360 = vector.broadcast %and3A_359 : i32 to vector<16xi32>
    %and3A_361 = arith.andi %and3A_358, %and3A_360 : vector<16xi32>
    %shift_right_logical3A_362 = arith.constant 4 : i32
    %shift_right_logical3A_363 = vector.broadcast %shift_right_logical3A_362 : i32 to vector<16xi32>
    %shift_right_logical3A_364 = arith.shrui %and3A_358, %shift_right_logical3A_363 : vector<16xi32>
    %gather3A_365 = tpu.vector_load_idx %arg5[%and3A_361, %shift_right_logical3A_364] : memref<15x15xf32, #tpu.memory_space<vmem>>[vector<16xi32>, vector<16xi32>], vector<16xf32>,
    %swap3A_366 = arith.constant 4 : i32
    %swap3A_367 = arith.index_cast %swap3A_366 : i32 to index
    %swap3A_368 = arith.constant 48 : index
    %swap3A_369 = tpu.vector_load %arg7[%swap3A_367, %swap3A_368] {strides = array<i32>} : memref<64x64xf32, #tpu.memory_space<vmem>>, vector<16xf32>,
    tpu.vector_store %arg7[%swap3A_367, %swap3A_368], %gather3A_365 {strides = array<i32>} : memref<64x64xf32, #tpu.memory_space<vmem>>, vector<16xf32>,
    %get3A_370 = arith.constant 0 : i32
    %get3A_371 = arith.index_cast %get3A_370 : i32 to index
    %get3A_372 = arith.constant 80 : index
    %get3A_373 = tpu.vector_load %arg6[%get3A_371, %get3A_372] {strides = array<i32>} : memref<8x128xi32, #tpu.memory_space<vmem>>, vector<16xi32>,
    %shift_right_logical3A_374 = arith.constant 0 : i32
    %shift_right_logical3A_375 = vector.broadcast %shift_right_logical3A_374 : i32 to vector<16xi32>
    %shift_right_logical3A_376 = arith.shrui %get3A_373, %shift_right_logical3A_375 : vector<16xi32>
    %and3A_377 = arith.constant 255 : i32
    %and3A_378 = vector.broadcast %and3A_377 : i32 to vector<16xi32>
    %and3A_379 = arith.andi %shift_right_logical3A_376, %and3A_378 : vector<16xi32>
    %and3A_380 = arith.constant 15 : i32
    %and3A_381 = vector.broadcast %and3A_380 : i32 to vector<16xi32>
    %and3A_382 = arith.andi %and3A_379, %and3A_381 : vector<16xi32>
    %shift_right_logical3A_383 = arith.constant 4 : i32
    %shift_right_logical3A_384 = vector.broadcast %shift_right_logical3A_383 : i32 to vector<16xi32>
    %shift_right_logical3A_385 = arith.shrui %and3A_379, %shift_right_logical3A_384 : vector<16xi32>
    %gather3A_386 = tpu.vector_load_idx %arg5[%and3A_382, %shift_right_logical3A_385] : memref<15x15xf32, #tpu.memory_space<vmem>>[vector<16xi32>, vector<16xi32>], vector<16xf32>,
    %swap3A_387 = arith.constant 5 : i32
    %swap3A_388 = arith.index_cast %swap3A_387 : i32 to index
    %swap3A_389 = arith.constant 0 : index
    %swap3A_390 = tpu.vector_load %arg7[%swap3A_388, %swap3A_389] {strides = array<i32>} : memref<64x64xf32, #tpu.memory_space<vmem>>, vector<16xf32>,
    tpu.vector_store %arg7[%swap3A_388, %swap3A_389], %gather3A_386 {strides = array<i32>} : memref<64x64xf32, #tpu.memory_space<vmem>>, vector<16xf32>,
    %shift_right_logical3A_391 = arith.constant 8 : i32
    %shift_right_logical3A_392 = vector.broadcast %shift_right_logical3A_391 : i32 to vector<16xi32>
    %shift_right_logical3A_393 = arith.shrui %get3A_373, %shift_right_logical3A_392 : vector<16xi32>
    %and3A_394 = arith.constant 255 : i32
    %and3A_395 = vector.broadcast %and3A_394 : i32 to vector<16xi32>
    %and3A_396 = arith.andi %shift_right_logical3A_393, %and3A_395 : vector<16xi32>
    %and3A_397 = arith.constant 15 : i32
    %and3A_398 = vector.broadcast %and3A_397 : i32 to vector<16xi32>
    %and3A_399 = arith.andi %and3A_396, %and3A_398 : vector<16xi32>
    %shift_right_logical3A_400 = arith.constant 4 : i32
    %shift_right_logical3A_401 = vector.broadcast %shift_right_logical3A_400 : i32 to vector<16xi32>
    %shift_right_logical3A_402 = arith.shrui %and3A_396, %shift_right_logical3A_401 : vector<16xi32>
    %gather3A_403 = tpu.vector_load_idx %arg5[%and3A_399, %shift_right_logical3A_402] : memref<15x15xf32, #tpu.memory_space<vmem>>[vector<16xi32>, vector<16xi32>], vector<16xf32>,
    %swap3A_404 = arith.constant 5 : i32
    %swap3A_405 = arith.index_cast %swap3A_404 : i32 to index
    %swap3A_406 = arith.constant 16 : index
    %swap3A_407 = tpu.vector_load %arg7[%swap3A_405, %swap3A_406] {strides = array<i32>} : memref<64x64xf32, #tpu.memory_space<vmem>>, vector<16xf32>,
    tpu.vector_store %arg7[%swap3A_405, %swap3A_406], %gather3A_403 {strides = array<i32>} : memref<64x64xf32, #tpu.memory_space<vmem>>, vector<16xf32>,
    %shift_right_logical3A_408 = arith.constant 16 : i32
    %shift_right_logical3A_409 = vector.broadcast %shift_right_logical3A_408 : i32 to vector<16xi32>
    %shift_right_logical3A_410 = arith.shrui %get3A_373, %shift_right_logical3A_409 : vector<16xi32>
    %and3A_411 = arith.constant 255 : i32
    %and3A_412 = vector.broadcast %and3A_411 : i32 to vector<16xi32>
    %and3A_413 = arith.andi %shift_right_logical3A_410, %and3A_412 : vector<16xi32>
    %and3A_414 = arith.constant 15 : i32
    %and3A_415 = vector.broadcast %and3A_414 : i32 to vector<16xi32>
    %and3A_416 = arith.andi %and3A_413, %and3A_415 : vector<16xi32>
    %shift_right_logical3A_417 = arith.constant 4 : i32
    %shift_right_logical3A_418 = vector.broadcast %shift_right_logical3A_417 : i32 to vector<16xi32>
    %shift_right_logical3A_419 = arith.shrui %and3A_413, %shift_right_logical3A_418 : vector<16xi32>
    %gather3A_420 = tpu.vector_load_idx %arg5[%and3A_416, %shift_right_logical3A_419] : memref<15x15xf32, #tpu.memory_space<vmem>>[vector<16xi32>, vector<16xi32>], vector<16xf32>,
    %swap3A_421 = arith.constant 5 : i32
    %swap3A_422 = arith.index_cast %swap3A_421 : i32 to index
    %swap3A_423 = arith.constant 32 : index
    %swap3A_424 = tpu.vector_load %arg7[%swap3A_422, %swap3A_423] {strides = array<i32>} : memref<64x64xf32, #tpu.memory_space<vmem>>, vector<16xf32>,
    tpu.vector_store %arg7[%swap3A_422, %swap3A_423], %gather3A_420 {strides = array<i32>} : memref<64x64xf32, #tpu.memory_space<vmem>>, vector<16xf32>,
    %shift_right_logical3A_425 = arith.constant 24 : i32
    %shift_right_logical3A_426 = vector.broadcast %shift_right_logical3A_425 : i32 to vector<16xi32>
    %shift_right_logical3A_427 = arith.shrui %get3A_373, %shift_right_logical3A_426 : vector<16xi32>
    %and3A_428 = arith.constant 255 : i32
    %and3A_429 = vector.broadcast %and3A_428 : i32 to vector<16xi32>
    %and3A_430 = arith.andi %shift_right_logical3A_427, %and3A_429 : vector<16xi32>
    %and3A_431 = arith.constant 15 : i32
    %and3A_432 = vector.broadcast %and3A_431 : i32 to vector<16xi32>
    %and3A_433 = arith.andi %and3A_430, %and3A_432 : vector<16xi32>
    %shift_right_logical3A_434 = arith.constant 4 : i32
    %shift_right_logical3A_435 = vector.broadcast %shift_right_logical3A_434 : i32 to vector<16xi32>
    %shift_right_logical3A_436 = arith.shrui %and3A_430, %shift_right_logical3A_435 : vector<16xi32>
    %gather3A_437 = tpu.vector_load_idx %arg5[%and3A_433, %shift_right_logical3A_436] : memref<15x15xf32, #tpu.memory_space<vmem>>[vector<16xi32>, vector<16xi32>], vector<16xf32>,
    %swap3A_438 = arith.constant 5 : i32
    %swap3A_439 = arith.index_cast %swap3A_438 : i32 to index
    %swap3A_440 = arith.constant 48 : index
    %swap3A_441 = tpu.vector_load %arg7[%swap3A_439, %swap3A_440] {strides = array<i32>} : memref<64x64xf32, #tpu.memory_space<vmem>>, vector<16xf32>,
    tpu.vector_store %arg7[%swap3A_439, %swap3A_440], %gather3A_437 {strides = array<i32>} : memref<64x64xf32, #tpu.memory_space<vmem>>, vector<16xf32>,
    %get3A_442 = arith.constant 0 : i32
    %get3A_443 = arith.index_cast %get3A_442 : i32 to index
    %get3A_444 = arith.constant 96 : index
    %get3A_445 = tpu.vector_load %arg6[%get3A_443, %get3A_444] {strides = array<i32>} : memref<8x128xi32, #tpu.memory_space<vmem>>, vector<16xi32>,
    %shift_right_logical3A_446 = arith.constant 0 : i32
    %shift_right_logical3A_447 = vector.broadcast %shift_right_logical3A_446 : i32 to vector<16xi32>
    %shift_right_logical3A_448 = arith.shrui %get3A_445, %shift_right_logical3A_447 : vector<16xi32>
    %and3A_449 = arith.constant 255 : i32
    %and3A_450 = vector.broadcast %and3A_449 : i32 to vector<16xi32>
    %and3A_451 = arith.andi %shift_right_logical3A_448, %and3A_450 : vector<16xi32>
    %and3A_452 = arith.constant 15 : i32
    %and3A_453 = vector.broadcast %and3A_452 : i32 to vector<16xi32>
    %and3A_454 = arith.andi %and3A_451, %and3A_453 : vector<16xi32>
    %shift_right_logical3A_455 = arith.constant 4 : i32
    %shift_right_logical3A_456 = vector.broadcast %shift_right_logical3A_455 : i32 to vector<16xi32>
    %shift_right_logical3A_457 = arith.shrui %and3A_451, %shift_right_logical3A_456 : vector<16xi32>
    %gather3A_458 = tpu.vector_load_idx %arg5[%and3A_454, %shift_right_logical3A_457] : memref<15x15xf32, #tpu.memory_space<vmem>>[vector<16xi32>, vector<16xi32>], vector<16xf32>,
    %swap3A_459 = arith.constant 6 : i32
    %swap3A_460 = arith.index_cast %swap3A_459 : i32 to index
    %swap3A_461 = arith.constant 0 : index
    %swap3A_462 = tpu.vector_load %arg7[%swap3A_460, %swap3A_461] {strides = array<i32>} : memref<64x64xf32, #tpu.memory_space<vmem>>, vector<16xf32>,
    tpu.vector_store %arg7[%swap3A_460, %swap3A_461], %gather3A_458 {strides = array<i32>} : memref<64x64xf32, #tpu.memory_space<vmem>>, vector<16xf32>,
    %shift_right_logical3A_463 = arith.constant 8 : i32
    %shift_right_logical3A_464 = vector.broadcast %shift_right_logical3A_463 : i32 to vector<16xi32>
    %shift_right_logical3A_465 = arith.shrui %get3A_445, %shift_right_logical3A_464 : vector<16xi32>
    %and3A_466 = arith.constant 255 : i32
    %and3A_467 = vector.broadcast %and3A_466 : i32 to vector<16xi32>
    %and3A_468 = arith.andi %shift_right_logical3A_465, %and3A_467 : vector<16xi32>
    %and3A_469 = arith.constant 15 : i32
    %and3A_470 = vector.broadcast %and3A_469 : i32 to vector<16xi32>
    %and3A_471 = arith.andi %and3A_468, %and3A_470 : vector<16xi32>
    %shift_right_logical3A_472 = arith.constant 4 : i32
    %shift_right_logical3A_473 = vector.broadcast %shift_right_logical3A_472 : i32 to vector<16xi32>
    %shift_right_logical3A_474 = arith.shrui %and3A_468, %shift_right_logical3A_473 : vector<16xi32>
    %gather3A_475 = tpu.vector_load_idx %arg5[%and3A_471, %shift_right_logical3A_474] : memref<15x15xf32, #tpu.memory_space<vmem>>[vector<16xi32>, vector<16xi32>], vector<16xf32>,
    %swap3A_476 = arith.constant 6 : i32
    %swap3A_477 = arith.index_cast %swap3A_476 : i32 to index
    %swap3A_478 = arith.constant 16 : index
    %swap3A_479 = tpu.vector_load %arg7[%swap3A_477, %swap3A_478] {strides = array<i32>} : memref<64x64xf32, #tpu.memory_space<vmem>>, vector<16xf32>,
    tpu.vector_store %arg7[%swap3A_477, %swap3A_478], %gather3A_475 {strides = array<i32>} : memref<64x64xf32, #tpu.memory_space<vmem>>, vector<16xf32>,
    %shift_right_logical3A_480 = arith.constant 16 : i32
    %shift_right_logical3A_481 = vector.broadcast %shift_right_logical3A_480 : i32 to vector<16xi32>
    %shift_right_logical3A_482 = arith.shrui %get3A_445, %shift_right_logical3A_481 : vector<16xi32>
    %and3A_483 = arith.constant 255 : i32
    %and3A_484 = vector.broadcast %and3A_483 : i32 to vector<16xi32>
    %and3A_485 = arith.andi %shift_right_logical3A_482, %and3A_484 : vector<16xi32>
    %and3A_486 = arith.constant 15 : i32
    %and3A_487 = vector.broadcast %and3A_486 : i32 to vector<16xi32>
    %and3A_488 = arith.andi %and3A_485, %and3A_487 : vector<16xi32>
    %shift_right_logical3A_489 = arith.constant 4 : i32
    %shift_right_logical3A_490 = vector.broadcast %shift_right_logical3A_489 : i32 to vector<16xi32>
    %shift_right_logical3A_491 = arith.shrui %and3A_485, %shift_right_logical3A_490 : vector<16xi32>
    %gather3A_492 = tpu.vector_load_idx %arg5[%and3A_488, %shift_right_logical3A_491] : memref<15x15xf32, #tpu.memory_space<vmem>>[vector<16xi32>, vector<16xi32>], vector<16xf32>,
    %swap3A_493 = arith.constant 6 : i32
    %swap3A_494 = arith.index_cast %swap3A_493 : i32 to index
    %swap3A_495 = arith.constant 32 : index
    %swap3A_496 = tpu.vector_load %arg7[%swap3A_494, %swap3A_495] {strides = array<i32>} : memref<64x64xf32, #tpu.memory_space<vmem>>, vector<16xf32>,
    tpu.vector_store %arg7[%swap3A_494, %swap3A_495], %gather3A_492 {strides = array<i32>} : memref<64x64xf32, #tpu.memory_space<vmem>>, vector<16xf32>,
    %shift_right_logical3A_497 = arith.constant 24 : i32
    %shift_right_logical3A_498 = vector.broadcast %shift_right_logical3A_497 : i32 to vector<16xi32>
    %shift_right_logical3A_499 = arith.shrui %get3A_445, %shift_right_logical3A_498 : vector<16xi32>
    %and3A_500 = arith.constant 255 : i32
    %and3A_501 = vector.broadcast %and3A_500 : i32 to vector<16xi32>
    %and3A_502 = arith.andi %shift_right_logical3A_499, %and3A_501 : vector<16xi32>
    %and3A_503 = arith.constant 15 : i32
    %and3A_504 = vector.broadcast %and3A_503 : i32 to vector<16xi32>
    %and3A_505 = arith.andi %and3A_502, %and3A_504 : vector<16xi32>
    %shift_right_logical3A_506 = arith.constant 4 : i32
    %shift_right_logical3A_507 = vector.broadcast %shift_right_logical3A_506 : i32 to vector<16xi32>
    %shift_right_logical3A_508 = arith.shrui %and3A_502, %shift_right_logical3A_507 : vector<16xi32>
    %gather3A_509 = tpu.vector_load_idx %arg5[%and3A_505, %shift_right_logical3A_508] : memref<15x15xf32, #tpu.memory_space<vmem>>[vector<16xi32>, vector<16xi32>], vector<16xf32>,
    %swap3A_510 = arith.constant 6 : i32
    %swap3A_511 = arith.index_cast %swap3A_510 : i32 to index
    %swap3A_512 = arith.constant 48 : index
    %swap3A_513 = tpu.vector_load %arg7[%swap3A_511, %swap3A_512] {strides = array<i32>} : memref<64x64xf32, #tpu.memory_space<vmem>>, vector<16xf32>,
    tpu.vector_store %arg7[%swap3A_511, %swap3A_512], %gather3A_509 {strides = array<i32>} : memref<64x64xf32, #tpu.memory_space<vmem>>, vector<16xf32>,
    %get3A_514 = arith.constant 0 : i32
    %get3A_515 = arith.index_cast %get3A_514 : i32 to index
    %get3A_516 = arith.constant 112 : index
    %get3A_517 = tpu.vector_load %arg6[%get3A_515, %get3A_516] {strides = array<i32>} : memref<8x128xi32, #tpu.memory_space<vmem>>, vector<16xi32>,
    %shift_right_logical3A_518 = arith.constant 0 : i32
    %shift_right_logical3A_519 = vector.broadcast %shift_right_logical3A_518 : i32 to vector<16xi32>
    %shift_right_logical3A_520 = arith.shrui %get3A_517, %shift_right_logical3A_519 : vector<16xi32>
    %and3A_521 = arith.constant 255 : i32
    %and3A_522 = vector.broadcast %and3A_521 : i32 to vector<16xi32>
    %and3A_523 = arith.andi %shift_right_logical3A_520, %and3A_522 : vector<16xi32>
    %and3A_524 = arith.constant 15 : i32
    %and3A_525 = vector.broadcast %and3A_524 : i32 to vector<16xi32>
    %and3A_526 = arith.andi %and3A_523, %and3A_525 : vector<16xi32>
    %shift_right_logical3A_527 = arith.constant 4 : i32
    %shift_right_logical3A_528 = vector.broadcast %shift_right_logical3A_527 : i32 to vector<16xi32>
    %shift_right_logical3A_529 = arith.shrui %and3A_523, %shift_right_logical3A_528 : vector<16xi32>
    %gather3A_530 = tpu.vector_load_idx %arg5[%and3A_526, %shift_right_logical3A_529] : memref<15x15xf32, #tpu.memory_space<vmem>>[vector<16xi32>, vector<16xi32>], vector<16xf32>,
    %swap3A_531 = arith.constant 7 : i32
    %swap3A_532 = arith.index_cast %swap3A_531 : i32 to index
    %swap3A_533 = arith.constant 0 : index
    %swap3A_534 = tpu.vector_load %arg7[%swap3A_532, %swap3A_533] {strides = array<i32>} : memref<64x64xf32, #tpu.memory_space<vmem>>, vector<16xf32>,
    tpu.vector_store %arg7[%swap3A_532, %swap3A_533], %gather3A_530 {strides = array<i32>} : memref<64x64xf32, #tpu.memory_space<vmem>>, vector<16xf32>,
    %shift_right_logical3A_535 = arith.constant 8 : i32
    %shift_right_logical3A_536 = vector.broadcast %shift_right_logical3A_535 : i32 to vector<16xi32>
    %shift_right_logical3A_537 = arith.shrui %get3A_517, %shift_right_logical3A_536 : vector<16xi32>
    %and3A_538 = arith.constant 255 : i32
    %and3A_539 = vector.broadcast %and3A_538 : i32 to vector<16xi32>
    %and3A_540 = arith.andi %shift_right_logical3A_537, %and3A_539 : vector<16xi32>
    %and3A_541 = arith.constant 15 : i32
    %and3A_542 = vector.broadcast %and3A_541 : i32 to vector<16xi32>
    %and3A_543 = arith.andi %and3A_540, %and3A_542 : vector<16xi32>
    %shift_right_logical3A_544 = arith.constant 4 : i32
    %shift_right_logical3A_545 = vector.broadcast %shift_right_logical3A_544 : i32 to vector<16xi32>
    %shift_right_logical3A_546 = arith.shrui %and3A_540, %shift_right_logical3A_545 : vector<16xi32>
    %gather3A_547 = tpu.vector_load_idx %arg5[%and3A_543, %shift_right_logical3A_546] : memref<15x15xf32, #tpu.memory_space<vmem>>[vector<16xi32>, vector<16xi32>], vector<16xf32>,
    %swap3A_548 = arith.constant 7 : i32
    %swap3A_549 = arith.index_cast %swap3A_548 : i32 to index
    %swap3A_550 = arith.constant 16 : index
    %swap3A_551 = tpu.vector_load %arg7[%swap3A_549, %swap3A_550] {strides = array<i32>} : memref<64x64xf32, #tpu.memory_space<vmem>>, vector<16xf32>,
    tpu.vector_store %arg7[%swap3A_549, %swap3A_550], %gather3A_547 {strides = array<i32>} : memref<64x64xf32, #tpu.memory_space<vmem>>, vector<16xf32>,
    %shift_right_logical3A_552 = arith.constant 16 : i32
    %shift_right_logical3A_553 = vector.broadcast %shift_right_logical3A_552 : i32 to vector<16xi32>
    %shift_right_logical3A_554 = arith.shrui %get3A_517, %shift_right_logical3A_553 : vector<16xi32>
    %and3A_555 = arith.constant 255 : i32
    %and3A_556 = vector.broadcast %and3A_555 : i32 to vector<16xi32>
    %and3A_557 = arith.andi %shift_right_logical3A_554, %and3A_556 : vector<16xi32>
    %and3A_558 = arith.constant 15 : i32
    %and3A_559 = vector.broadcast %and3A_558 : i32 to vector<16xi32>
    %and3A_560 = arith.andi %and3A_557, %and3A_559 : vector<16xi32>
    %shift_right_logical3A_561 = arith.constant 4 : i32
    %shift_right_logical3A_562 = vector.broadcast %shift_right_logical3A_561 : i32 to vector<16xi32>
    %shift_right_logical3A_563 = arith.shrui %and3A_557, %shift_right_logical3A_562 : vector<16xi32>
    %gather3A_564 = tpu.vector_load_idx %arg5[%and3A_560, %shift_right_logical3A_563] : memref<15x15xf32, #tpu.memory_space<vmem>>[vector<16xi32>, vector<16xi32>], vector<16xf32>,
    %swap3A_565 = arith.constant 7 : i32
    %swap3A_566 = arith.index_cast %swap3A_565 : i32 to index
    %swap3A_567 = arith.constant 32 : index
    %swap3A_568 = tpu.vector_load %arg7[%swap3A_566, %swap3A_567] {strides = array<i32>} : memref<64x64xf32, #tpu.memory_space<vmem>>, vector<16xf32>,
    tpu.vector_store %arg7[%swap3A_566, %swap3A_567], %gather3A_564 {strides = array<i32>} : memref<64x64xf32, #tpu.memory_space<vmem>>, vector<16xf32>,
    %shift_right_logical3A_569 = arith.constant 24 : i32
    %shift_right_logical3A_570 = vector.broadcast %shift_right_logical3A_569 : i32 to vector<16xi32>
    %shift_right_logical3A_571 = arith.shrui %get3A_517, %shift_right_logical3A_570 : vector<16xi32>
    %and3A_572 = arith.constant 255 : i32
    %and3A_573 = vector.broadcast %and3A_572 : i32 to vector<16xi32>
    %and3A_574 = arith.andi %shift_right_logical3A_571, %and3A_573 : vector<16xi32>
    %and3A_575 = arith.constant 15 : i32
    %and3A_576 = vector.broadcast %and3A_575 : i32 to vector<16xi32>
    %and3A_577 = arith.andi %and3A_574, %and3A_576 : vector<16xi32>
    %shift_right_logical3A_578 = arith.constant 4 : i32
    %shift_right_logical3A_579 = vector.broadcast %shift_right_logical3A_578 : i32 to vector<16xi32>
    %shift_right_logical3A_580 = arith.shrui %and3A_574, %shift_right_logical3A_579 : vector<16xi32>
    %gather3A_581 = tpu.vector_load_idx %arg5[%and3A_577, %shift_right_logical3A_580] : memref<15x15xf32, #tpu.memory_space<vmem>>[vector<16xi32>, vector<16xi32>], vector<16xf32>,
    %swap3A_582 = arith.constant 7 : i32
    %swap3A_583 = arith.index_cast %swap3A_582 : i32 to index
    %swap3A_584 = arith.constant 48 : index
    %swap3A_585 = tpu.vector_load %arg7[%swap3A_583, %swap3A_584] {strides = array<i32>} : memref<64x64xf32, #tpu.memory_space<vmem>>, vector<16xf32>,
    tpu.vector_store %arg7[%swap3A_583, %swap3A_584], %gather3A_581 {strides = array<i32>} : memref<64x64xf32, #tpu.memory_space<vmem>>, vector<16xf32>,
    %get3A_586 = arith.constant 1 : i32
    %get3A_587 = arith.index_cast %get3A_586 : i32 to index
    %get3A_588 = arith.constant 0 : index
    %get3A_589 = tpu.vector_load %arg6[%get3A_587, %get3A_588] {strides = array<i32>} : memref<8x128xi32, #tpu.memory_space<vmem>>, vector<16xi32>,
    %shift_right_logical3A_590 = arith.constant 0 : i32
    %shift_right_logical3A_591 = vector.broadcast %shift_right_logical3A_590 : i32 to vector<16xi32>
    %shift_right_logical3A_592 = arith.shrui %get3A_589, %shift_right_logical3A_591 : vector<16xi32>
    %and3A_593 = arith.constant 255 : i32
    %and3A_594 = vector.broadcast %and3A_593 : i32 to vector<16xi32>
    %and3A_595 = arith.andi %shift_right_logical3A_592, %and3A_594 : vector<16xi32>
    %and3A_596 = arith.constant 15 : i32
    %and3A_597 = vector.broadcast %and3A_596 : i32 to vector<16xi32>
    %and3A_598 = arith.andi %and3A_595, %and3A_597 : vector<16xi32>
    %shift_right_logical3A_599 = arith.constant 4 : i32
    %shift_right_logical3A_600 = vector.broadcast %shift_right_logical3A_599 : i32 to vector<16xi32>
    %shift_right_logical3A_601 = arith.shrui %and3A_595, %shift_right_logical3A_600 : vector<16xi32>
    %gather3A_602 = tpu.vector_load_idx %arg5[%and3A_598, %shift_right_logical3A_601] : memref<15x15xf32, #tpu.memory_space<vmem>>[vector<16xi32>, vector<16xi32>], vector<16xf32>,
    %swap3A_603 = arith.constant 8 : i32
    %swap3A_604 = arith.index_cast %swap3A_603 : i32 to index
    %swap3A_605 = arith.constant 0 : index
    %swap3A_606 = tpu.vector_load %arg7[%swap3A_604, %swap3A_605] {strides = array<i32>} : memref<64x64xf32, #tpu.memory_space<vmem>>, vector<16xf32>,
    tpu.vector_store %arg7[%swap3A_604, %swap3A_605], %gather3A_602 {strides = array<i32>} : memref<64x64xf32, #tpu.memory_space<vmem>>, vector<16xf32>,
    %shift_right_logical3A_607 = arith.constant 8 : i32
    %shift_right_logical3A_608 = vector.broadcast %shift_right_logical3A_607 : i32 to vector<16xi32>
    %shift_right_logical3A_609 = arith.shrui %get3A_589, %shift_right_logical3A_608 : vector<16xi32>
    %and3A_610 = arith.constant 255 : i32
    %and3A_611 = vector.broadcast %and3A_610 : i32 to vector<16xi32>
    %and3A_612 = arith.andi %shift_right_logical3A_609, %and3A_611 : vector<16xi32>
    %and3A_613 = arith.constant 15 : i32
    %and3A_614 = vector.broadcast %and3A_613 : i32 to vector<16xi32>
    %and3A_615 = arith.andi %and3A_612, %and3A_614 : vector<16xi32>
    %shift_right_logical3A_616 = arith.constant 4 : i32
    %shift_right_logical3A_617 = vector.broadcast %shift_right_logical3A_616 : i32 to vector<16xi32>
    %shift_right_logical3A_618 = arith.shrui %and3A_612, %shift_right_logical3A_617 : vector<16xi32>
    %gather3A_619 = tpu.vector_load_idx %arg5[%and3A_615, %shift_right_logical3A_618] : memref<15x15xf32, #tpu.memory_space<vmem>>[vector<16xi32>, vector<16xi32>], vector<16xf32>,
    %swap3A_620 = arith.constant 8 : i32
    %swap3A_621 = arith.index_cast %swap3A_620 : i32 to index
    %swap3A_622 = arith.constant 16 : index
    %swap3A_623 = tpu.vector_load %arg7[%swap3A_621, %swap3A_622] {strides = array<i32>} : memref<64x64xf32, #tpu.memory_space<vmem>>, vector<16xf32>,
    tpu.vector_store %arg7[%swap3A_621, %swap3A_622], %gather3A_619 {strides = array<i32>} : memref<64x64xf32, #tpu.memory_space<vmem>>, vector<16xf32>,
    %shift_right_logical3A_624 = arith.constant 16 : i32
    %shift_right_logical3A_625 = vector.broadcast %shift_right_logical3A_624 : i32 to vector<16xi32>
    %shift_right_logical3A_626 = arith.shrui %get3A_589, %shift_right_logical3A_625 : vector<16xi32>
    %and3A_627 = arith.constant 255 : i32
    %and3A_628 = vector.broadcast %and3A_627 : i32 to vector<16xi32>
    %and3A_629 = arith.andi %shift_right_logical3A_626, %and3A_628 : vector<16xi32>
    %and3A_630 = arith.constant 15 : i32
    %and3A_631 = vector.broadcast %and3A_630 : i32 to vector<16xi32>
    %and3A_632 = arith.andi %and3A_629, %and3A_631 : vector<16xi32>
    %shift_right_logical3A_633 = arith.constant 4 : i32
    %shift_right_logical3A_634 = vector.broadcast %shift_right_logical3A_633 : i32 to vector<16xi32>
    %shift_right_logical3A_635 = arith.shrui %and3A_629, %shift_right_logical3A_634 : vector<16xi32>
    %gather3A_636 = tpu.vector_load_idx %arg5[%and3A_632, %shift_right_logical3A_635] : memref<15x15xf32, #tpu.memory_space<vmem>>[vector<16xi32>, vector<16xi32>], vector<16xf32>,
    %swap3A_637 = arith.constant 8 : i32
    %swap3A_638 = arith.index_cast %swap3A_637 : i32 to index
    %swap3A_639 = arith.constant 32 : index
    %swap3A_640 = tpu.vector_load %arg7[%swap3A_638, %swap3A_639] {strides = array<i32>} : memref<64x64xf32, #tpu.memory_space<vmem>>, vector<16xf32>,
    tpu.vector_store %arg7[%swap3A_638, %swap3A_639], %gather3A_636 {strides = array<i32>} : memref<64x64xf32, #tpu.memory_space<vmem>>, vector<16xf32>,
    %shift_right_logical3A_641 = arith.constant 24 : i32
    %shift_right_logical3A_642 = vector.broadcast %shift_right_logical3A_641 : i32 to vector<16xi32>
    %shift_right_logical3A_643 = arith.shrui %get3A_589, %shift_right_logical3A_642 : vector<16xi32>
    %and3A_644 = arith.constant 255 : i32
    %and3A_645 = vector.broadcast %and3A_644 : i32 to vector<16xi32>
    %and3A_646 = arith.andi %shift_right_logical3A_643, %and3A_645 : vector<16xi32>
    %and3A_647 = arith.constant 15 : i32
    %and3A_648 = vector.broadcast %and3A_647 : i32 to vector<16xi32>
    %and3A_649 = arith.andi %and3A_646, %and3A_648 : vector<16xi32>
    %shift_right_logical3A_650 = arith.constant 4 : i32
    %shift_right_logical3A_651 = vector.broadcast %shift_right_logical3A_650 : i32 to vector<16xi32>
    %shift_right_logical3A_652 = arith.shrui %and3A_646, %shift_right_logical3A_651 : vector<16xi32>
    %gather3A_653 = tpu.vector_load_idx %arg5[%and3A_649, %shift_right_logical3A_652] : memref<15x15xf32, #tpu.memory_space<vmem>>[vector<16xi32>, vector<16xi32>], vector<16xf32>,
    %swap3A_654 = arith.constant 8 : i32
    %swap3A_655 = arith.index_cast %swap3A_654 : i32 to index
    %swap3A_656 = arith.constant 48 : index
    %swap3A_657 = tpu.vector_load %arg7[%swap3A_655, %swap3A_656] {strides = array<i32>} : memref<64x64xf32, #tpu.memory_space<vmem>>, vector<16xf32>,
    tpu.vector_store %arg7[%swap3A_655, %swap3A_656], %gather3A_653 {strides = array<i32>} : memref<64x64xf32, #tpu.memory_space<vmem>>, vector<16xf32>,
    %get3A_658 = arith.constant 1 : i32
    %get3A_659 = arith.index_cast %get3A_658 : i32 to index
    %get3A_660 = arith.constant 16 : index
    %get3A_661 = tpu.vector_load %arg6[%get3A_659, %get3A_660] {strides = array<i32>} : memref<8x128xi32, #tpu.memory_space<vmem>>, vector<16xi32>,
    %shift_right_logical3A_662 = arith.constant 0 : i32
    %shift_right_logical3A_663 = vector.broadcast %shift_right_logical3A_662 : i32 to vector<16xi32>
    %shift_right_logical3A_664 = arith.shrui %get3A_661, %shift_right_logical3A_663 : vector<16xi32>
    %and3A_665 = arith.constant 255 : i32
    %and3A_666 = vector.broadcast %and3A_665 : i32 to vector<16xi32>
    %and3A_667 = arith.andi %shift_right_logical3A_664, %and3A_666 : vector<16xi32>
    %and3A_668 = arith.constant 15 : i32
    %and3A_669 = vector.broadcast %and3A_668 : i32 to vector<16xi32>
    %and3A_670 = arith.andi %and3A_667, %and3A_669 : vector<16xi32>
    %shift_right_logical3A_671 = arith.constant 4 : i32
    %shift_right_logical3A_672 = vector.broadcast %shift_right_logical3A_671 : i32 to vector<16xi32>
    %shift_right_logical3A_673 = arith.shrui %and3A_667, %shift_right_logical3A_672 : vector<16xi32>
    %gather3A_674 = tpu.vector_load_idx %arg5[%and3A_670, %shift_right_logical3A_673] : memref<15x15xf32, #tpu.memory_space<vmem>>[vector<16xi32>, vector<16xi32>], vector<16xf32>,
    %swap3A_675 = arith.constant 9 : i32
    %swap3A_676 = arith.index_cast %swap3A_675 : i32 to index
    %swap3A_677 = arith.constant 0 : index
    %swap3A_678 = tpu.vector_load %arg7[%swap3A_676, %swap3A_677] {strides = array<i32>} : memref<64x64xf32, #tpu.memory_space<vmem>>, vector<16xf32>,
    tpu.vector_store %arg7[%swap3A_676, %swap3A_677], %gather3A_674 {strides = array<i32>} : memref<64x64xf32, #tpu.memory_space<vmem>>, vector<16xf32>,
    %shift_right_logical3A_679 = arith.constant 8 : i32
    %shift_right_logical3A_680 = vector.broadcast %shift_right_logical3A_679 : i32 to vector<16xi32>
    %shift_right_logical3A_681 = arith.shrui %get3A_661, %shift_right_logical3A_680 : vector<16xi32>
    %and3A_682 = arith.constant 255 : i32
    %and3A_683 = vector.broadcast %and3A_682 : i32 to vector<16xi32>
    %and3A_684 = arith.andi %shift_right_logical3A_681, %and3A_683 : vector<16xi32>
    %and3A_685 = arith.constant 15 : i32
    %and3A_686 = vector.broadcast %and3A_685 : i32 to vector<16xi32>
    %and3A_687 = arith.andi %and3A_684, %and3A_686 : vector<16xi32>
    %shift_right_logical3A_688 = arith.constant 4 : i32
    %shift_right_logical3A_689 = vector.broadcast %shift_right_logical3A_688 : i32 to vector<16xi32>
    %shift_right_logical3A_690 = arith.shrui %and3A_684, %shift_right_logical3A_689 : vector<16xi32>
    %gather3A_691 = tpu.vector_load_idx %arg5[%and3A_687, %shift_right_logical3A_690] : memref<15x15xf32, #tpu.memory_space<vmem>>[vector<16xi32>, vector<16xi32>], vector<16xf32>,
    %swap3A_692 = arith.constant 9 : i32
    %swap3A_693 = arith.index_cast %swap3A_692 : i32 to index
    %swap3A_694 = arith.constant 16 : index
    %swap3A_695 = tpu.vector_load %arg7[%swap3A_693, %swap3A_694] {strides = array<i32>} : memref<64x64xf32, #tpu.memory_space<vmem>>, vector<16xf32>,
    tpu.vector_store %arg7[%swap3A_693, %swap3A_694], %gather3A_691 {strides = array<i32>} : memref<64x64xf32, #tpu.memory_space<vmem>>, vector<16xf32>,
    %shift_right_logical3A_696 = arith.constant 16 : i32
    %shift_right_logical3A_697 = vector.broadcast %shift_right_logical3A_696 : i32 to vector<16xi32>
    %shift_right_logical3A_698 = arith.shrui %get3A_661, %shift_right_logical3A_697 : vector<16xi32>
    %and3A_699 = arith.constant 255 : i32
    %and3A_700 = vector.broadcast %and3A_699 : i32 to vector<16xi32>
    %and3A_701 = arith.andi %shift_right_logical3A_698, %and3A_700 : vector<16xi32>
    %and3A_702 = arith.constant 15 : i32
    %and3A_703 = vector.broadcast %and3A_702 : i32 to vector<16xi32>
    %and3A_704 = arith.andi %and3A_701, %and3A_703 : vector<16xi32>
    %shift_right_logical3A_705 = arith.constant 4 : i32
    %shift_right_logical3A_706 = vector.broadcast %shift_right_logical3A_705 : i32 to vector<16xi32>
    %shift_right_logical3A_707 = arith.shrui %and3A_701, %shift_right_logical3A_706 : vector<16xi32>
    %gather3A_708 = tpu.vector_load_idx %arg5[%and3A_704, %shift_right_logical3A_707] : memref<15x15xf32, #tpu.memory_space<vmem>>[vector<16xi32>, vector<16xi32>], vector<16xf32>,
    %swap3A_709 = arith.constant 9 : i32
    %swap3A_710 = arith.index_cast %swap3A_709 : i32 to index
    %swap3A_711 = arith.constant 32 : index
    %swap3A_712 = tpu.vector_load %arg7[%swap3A_710, %swap3A_711] {strides = array<i32>} : memref<64x64xf32, #tpu.memory_space<vmem>>, vector<16xf32>,
    tpu.vector_store %arg7[%swap3A_710, %swap3A_711], %gather3A_708 {strides = array<i32>} : memref<64x64xf32, #tpu.memory_space<vmem>>, vector<16xf32>,
    %shift_right_logical3A_713 = arith.constant 24 : i32
    %shift_right_logical3A_714 = vector.broadcast %shift_right_logical3A_713 : i32 to vector<16xi32>
    %shift_right_logical3A_715 = arith.shrui %get3A_661, %shift_right_logical3A_714 : vector<16xi32>
    %and3A_716 = arith.constant 255 : i32
    %and3A_717 = vector.broadcast %and3A_716 : i32 to vector<16xi32>
    %and3A_718 = arith.andi %shift_right_logical3A_715, %and3A_717 : vector<16xi32>
    %and3A_719 = arith.constant 15 : i32
    %and3A_720 = vector.broadcast %and3A_719 : i32 to vector<16xi32>
    %and3A_721 = arith.andi %and3A_718, %and3A_720 : vector<16xi32>
    %shift_right_logical3A_722 = arith.constant 4 : i32
    %shift_right_logical3A_723 = vector.broadcast %shift_right_logical3A_722 : i32 to vector<16xi32>
    %shift_right_logical3A_724 = arith.shrui %and3A_718, %shift_right_logical3A_723 : vector<16xi32>
    %gather3A_725 = tpu.vector_load_idx %arg5[%and3A_721, %shift_right_logical3A_724] : memref<15x15xf32, #tpu.memory_space<vmem>>[vector<16xi32>, vector<16xi32>], vector<16xf32>,
    %swap3A_726 = arith.constant 9 : i32
    %swap3A_727 = arith.index_cast %swap3A_726 : i32 to index
    %swap3A_728 = arith.constant 48 : index
    %swap3A_729 = tpu.vector_load %arg7[%swap3A_727, %swap3A_728] {strides = array<i32>} : memref<64x64xf32, #tpu.memory_space<vmem>>, vector<16xf32>,
    tpu.vector_store %arg7[%swap3A_727, %swap3A_728], %gather3A_725 {strides = array<i32>} : memref<64x64xf32, #tpu.memory_space<vmem>>, vector<16xf32>,
    %get3A_730 = arith.constant 1 : i32
    %get3A_731 = arith.index_cast %get3A_730 : i32 to index
    %get3A_732 = arith.constant 32 : index
    %get3A_733 = tpu.vector_load %arg6[%get3A_731, %get3A_732] {strides = array<i32>} : memref<8x128xi32, #tpu.memory_space<vmem>>, vector<16xi32>,
    %shift_right_logical3A_734 = arith.constant 0 : i32
    %shift_right_logical3A_735 = vector.broadcast %shift_right_logical3A_734 : i32 to vector<16xi32>
    %shift_right_logical3A_736 = arith.shrui %get3A_733, %shift_right_logical3A_735 : vector<16xi32>
    %and3A_737 = arith.constant 255 : i32
    %and3A_738 = vector.broadcast %and3A_737 : i32 to vector<16xi32>
    %and3A_739 = arith.andi %shift_right_logical3A_736, %and3A_738 : vector<16xi32>
    %and3A_740 = arith.constant 15 : i32
    %and3A_741 = vector.broadcast %and3A_740 : i32 to vector<16xi32>
    %and3A_742 = arith.andi %and3A_739, %and3A_741 : vector<16xi32>
    %shift_right_logical3A_743 = arith.constant 4 : i32
    %shift_right_logical3A_744 = vector.broadcast %shift_right_logical3A_743 : i32 to vector<16xi32>
    %shift_right_logical3A_745 = arith.shrui %and3A_739, %shift_right_logical3A_744 : vector<16xi32>
    %gather3A_746 = tpu.vector_load_idx %arg5[%and3A_742, %shift_right_logical3A_745] : memref<15x15xf32, #tpu.memory_space<vmem>>[vector<16xi32>, vector<16xi32>], vector<16xf32>,
    %swap3A_747 = arith.constant 10 : i32
    %swap3A_748 = arith.index_cast %swap3A_747 : i32 to index
    %swap3A_749 = arith.constant 0 : index
    %swap3A_750 = tpu.vector_load %arg7[%swap3A_748, %swap3A_749] {strides = array<i32>} : memref<64x64xf32, #tpu.memory_space<vmem>>, vector<16xf32>,
    tpu.vector_store %arg7[%swap3A_748, %swap3A_749], %gather3A_746 {strides = array<i32>} : memref<64x64xf32, #tpu.memory_space<vmem>>, vector<16xf32>,
    %shift_right_logical3A_751 = arith.constant 8 : i32
    %shift_right_logical3A_752 = vector.broadcast %shift_right_logical3A_751 : i32 to vector<16xi32>
    %shift_right_logical3A_753 = arith.shrui %get3A_733, %shift_right_logical3A_752 : vector<16xi32>
    %and3A_754 = arith.constant 255 : i32
    %and3A_755 = vector.broadcast %and3A_754 : i32 to vector<16xi32>
    %and3A_756 = arith.andi %shift_right_logical3A_753, %and3A_755 : vector<16xi32>
    %and3A_757 = arith.constant 15 : i32
    %and3A_758 = vector.broadcast %and3A_757 : i32 to vector<16xi32>
    %and3A_759 = arith.andi %and3A_756, %and3A_758 : vector<16xi32>
    %shift_right_logical3A_760 = arith.constant 4 : i32
    %shift_right_logical3A_761 = vector.broadcast %shift_right_logical3A_760 : i32 to vector<16xi32>
    %shift_right_logical3A_762 = arith.shrui %and3A_756, %shift_right_logical3A_761 : vector<16xi32>
    %gather3A_763 = tpu.vector_load_idx %arg5[%and3A_759, %shift_right_logical3A_762] : memref<15x15xf32, #tpu.memory_space<vmem>>[vector<16xi32>, vector<16xi32>], vector<16xf32>,
    %swap3A_764 = arith.constant 10 : i32
    %swap3A_765 = arith.index_cast %swap3A_764 : i32 to index
    %swap3A_766 = arith.constant 16 : index
    %swap3A_767 = tpu.vector_load %arg7[%swap3A_765, %swap3A_766] {strides = array<i32>} : memref<64x64xf32, #tpu.memory_space<vmem>>, vector<16xf32>,
    tpu.vector_store %arg7[%swap3A_765, %swap3A_766], %gather3A_763 {strides = array<i32>} : memref<64x64xf32, #tpu.memory_space<vmem>>, vector<16xf32>,
    %shift_right_logical3A_768 = arith.constant 16 : i32
    %shift_right_logical3A_769 = vector.broadcast %shift_right_logical3A_768 : i32 to vector<16xi32>
    %shift_right_logical3A_770 = arith.shrui %get3A_733, %shift_right_logical3A_769 : vector<16xi32>
    %and3A_771 = arith.constant 255 : i32
    %and3A_772 = vector.broadcast %and3A_771 : i32 to vector<16xi32>
    %and3A_773 = arith.andi %shift_right_logical3A_770, %and3A_772 : vector<16xi32>
    %and3A_774 = arith.constant 15 : i32
    %and3A_775 = vector.broadcast %and3A_774 : i32 to vector<16xi32>
    %and3A_776 = arith.andi %and3A_773, %and3A_775 : vector<16xi32>
    %shift_right_logical3A_777 = arith.constant 4 : i32
    %shift_right_logical3A_778 = vector.broadcast %shift_right_logical3A_777 : i32 to vector<16xi32>
    %shift_right_logical3A_779 = arith.shrui %and3A_773, %shift_right_logical3A_778 : vector<16xi32>
    %gather3A_780 = tpu.vector_load_idx %arg5[%and3A_776, %shift_right_logical3A_779] : memref<15x15xf32, #tpu.memory_space<vmem>>[vector<16xi32>, vector<16xi32>], vector<16xf32>,
    %swap3A_781 = arith.constant 10 : i32
    %swap3A_782 = arith.index_cast %swap3A_781 : i32 to index
    %swap3A_783 = arith.constant 32 : index
    %swap3A_784 = tpu.vector_load %arg7[%swap3A_782, %swap3A_783] {strides = array<i32>} : memref<64x64xf32, #tpu.memory_space<vmem>>, vector<16xf32>,
    tpu.vector_store %arg7[%swap3A_782, %swap3A_783], %gather3A_780 {strides = array<i32>} : memref<64x64xf32, #tpu.memory_space<vmem>>, vector<16xf32>,
    %shift_right_logical3A_785 = arith.constant 24 : i32
    %shift_right_logical3A_786 = vector.broadcast %shift_right_logical3A_785 : i32 to vector<16xi32>
    %shift_right_logical3A_787 = arith.shrui %get3A_733, %shift_right_logical3A_786 : vector<16xi32>
    %and3A_788 = arith.constant 255 : i32
    %and3A_789 = vector.broadcast %and3A_788 : i32 to vector<16xi32>
    %and3A_790 = arith.andi %shift_right_logical3A_787, %and3A_789 : vector<16xi32>
    %and3A_791 = arith.constant 15 : i32
    %and3A_792 = vector.broadcast %and3A_791 : i32 to vector<16xi32>
    %and3A_793 = arith.andi %and3A_790, %and3A_792 : vector<16xi32>
    %shift_right_logical3A_794 = arith.constant 4 : i32
    %shift_right_logical3A_795 = vector.broadcast %shift_right_logical3A_794 : i32 to vector<16xi32>
    %shift_right_logical3A_796 = arith.shrui %and3A_790, %shift_right_logical3A_795 : vector<16xi32>
    %gather3A_797 = tpu.vector_load_idx %arg5[%and3A_793, %shift_right_logical3A_796] : memref<15x15xf32, #tpu.memory_space<vmem>>[vector<16xi32>, vector<16xi32>], vector<16xf32>,
    %swap3A_798 = arith.constant 10 : i32
    %swap3A_799 = arith.index_cast %swap3A_798 : i32 to index
    %swap3A_800 = arith.constant 48 : index
    %swap3A_801 = tpu.vector_load %arg7[%swap3A_799, %swap3A_800] {strides = array<i32>} : memref<64x64xf32, #tpu.memory_space<vmem>>, vector<16xf32>,
    tpu.vector_store %arg7[%swap3A_799, %swap3A_800], %gather3A_797 {strides = array<i32>} : memref<64x64xf32, #tpu.memory_space<vmem>>, vector<16xf32>,
    %get3A_802 = arith.constant 1 : i32
    %get3A_803 = arith.index_cast %get3A_802 : i32 to index
    %get3A_804 = arith.constant 48 : index
    %get3A_805 = tpu.vector_load %arg6[%get3A_803, %get3A_804] {strides = array<i32>} : memref<8x128xi32, #tpu.memory_space<vmem>>, vector<16xi32>,
    %shift_right_logical3A_806 = arith.constant 0 : i32
    %shift_right_logical3A_807 = vector.broadcast %shift_right_logical3A_806 : i32 to vector<16xi32>
    %shift_right_logical3A_808 = arith.shrui %get3A_805, %shift_right_logical3A_807 : vector<16xi32>
    %and3A_809 = arith.constant 255 : i32
    %and3A_810 = vector.broadcast %and3A_809 : i32 to vector<16xi32>
    %and3A_811 = arith.andi %shift_right_logical3A_808, %and3A_810 : vector<16xi32>
    %and3A_812 = arith.constant 15 : i32
    %and3A_813 = vector.broadcast %and3A_812 : i32 to vector<16xi32>
    %and3A_814 = arith.andi %and3A_811, %and3A_813 : vector<16xi32>
    %shift_right_logical3A_815 = arith.constant 4 : i32
    %shift_right_logical3A_816 = vector.broadcast %shift_right_logical3A_815 : i32 to vector<16xi32>
    %shift_right_logical3A_817 = arith.shrui %and3A_811, %shift_right_logical3A_816 : vector<16xi32>
    %gather3A_818 = tpu.vector_load_idx %arg5[%and3A_814, %shift_right_logical3A_817] : memref<15x15xf32, #tpu.memory_space<vmem>>[vector<16xi32>, vector<16xi32>], vector<16xf32>,
    %swap3A_819 = arith.constant 11 : i32
    %swap3A_820 = arith.index_cast %swap3A_819 : i32 to index
    %swap3A_821 = arith.constant 0 : index
    %swap3A_822 = tpu.vector_load %arg7[%swap3A_820, %swap3A_821] {strides = array<i32>} : memref<64x64xf32, #tpu.memory_space<vmem>>, vector<16xf32>,
    tpu.vector_store %arg7[%swap3A_820, %swap3A_821], %gather3A_818 {strides = array<i32>} : memref<64x64xf32, #tpu.memory_space<vmem>>, vector<16xf32>,
    %shift_right_logical3A_823 = arith.constant 8 : i32
    %shift_right_logical3A_824 = vector.broadcast %shift_right_logical3A_823 : i32 to vector<16xi32>
    %shift_right_logical3A_825 = arith.shrui %get3A_805, %shift_right_logical3A_824 : vector<16xi32>
    %and3A_826 = arith.constant 255 : i32
    %and3A_827 = vector.broadcast %and3A_826 : i32 to vector<16xi32>
    %and3A_828 = arith.andi %shift_right_logical3A_825, %and3A_827 : vector<16xi32>
    %and3A_829 = arith.constant 15 : i32
    %and3A_830 = vector.broadcast %and3A_829 : i32 to vector<16xi32>
    %and3A_831 = arith.andi %and3A_828, %and3A_830 : vector<16xi32>
    %shift_right_logical3A_832 = arith.constant 4 : i32
    %shift_right_logical3A_833 = vector.broadcast %shift_right_logical3A_832 : i32 to vector<16xi32>
    %shift_right_logical3A_834 = arith.shrui %and3A_828, %shift_right_logical3A_833 : vector<16xi32>
    %gather3A_835 = tpu.vector_load_idx %arg5[%and3A_831, %shift_right_logical3A_834] : memref<15x15xf32, #tpu.memory_space<vmem>>[vector<16xi32>, vector<16xi32>], vector<16xf32>,
    %swap3A_836 = arith.constant 11 : i32
    %swap3A_837 = arith.index_cast %swap3A_836 : i32 to index
    %swap3A_838 = arith.constant 16 : index
    %swap3A_839 = tpu.vector_load %arg7[%swap3A_837, %swap3A_838] {strides = array<i32>} : memref<64x64xf32, #tpu.memory_space<vmem>>, vector<16xf32>,
    tpu.vector_store %arg7[%swap3A_837, %swap3A_838], %gather3A_835 {strides = array<i32>} : memref<64x64xf32, #tpu.memory_space<vmem>>, vector<16xf32>,
    %shift_right_logical3A_840 = arith.constant 16 : i32
    %shift_right_logical3A_841 = vector.broadcast %shift_right_logical3A_840 : i32 to vector<16xi32>
    %shift_right_logical3A_842 = arith.shrui %get3A_805, %shift_right_logical3A_841 : vector<16xi32>
    %and3A_843 = arith.constant 255 : i32
    %and3A_844 = vector.broadcast %and3A_843 : i32 to vector<16xi32>
    %and3A_845 = arith.andi %shift_right_logical3A_842, %and3A_844 : vector<16xi32>
    %and3A_846 = arith.constant 15 : i32
    %and3A_847 = vector.broadcast %and3A_846 : i32 to vector<16xi32>
    %and3A_848 = arith.andi %and3A_845, %and3A_847 : vector<16xi32>
    %shift_right_logical3A_849 = arith.constant 4 : i32
    %shift_right_logical3A_850 = vector.broadcast %shift_right_logical3A_849 : i32 to vector<16xi32>
    %shift_right_logical3A_851 = arith.shrui %and3A_845, %shift_right_logical3A_850 : vector<16xi32>
    %gather3A_852 = tpu.vector_load_idx %arg5[%and3A_848, %shift_right_logical3A_851] : memref<15x15xf32, #tpu.memory_space<vmem>>[vector<16xi32>, vector<16xi32>], vector<16xf32>,
    %swap3A_853 = arith.constant 11 : i32
    %swap3A_854 = arith.index_cast %swap3A_853 : i32 to index
    %swap3A_855 = arith.constant 32 : index
    %swap3A_856 = tpu.vector_load %arg7[%swap3A_854, %swap3A_855] {strides = array<i32>} : memref<64x64xf32, #tpu.memory_space<vmem>>, vector<16xf32>,
    tpu.vector_store %arg7[%swap3A_854, %swap3A_855], %gather3A_852 {strides = array<i32>} : memref<64x64xf32, #tpu.memory_space<vmem>>, vector<16xf32>,
    %shift_right_logical3A_857 = arith.constant 24 : i32
    %shift_right_logical3A_858 = vector.broadcast %shift_right_logical3A_857 : i32 to vector<16xi32>
    %shift_right_logical3A_859 = arith.shrui %get3A_805, %shift_right_logical3A_858 : vector<16xi32>
    %and3A_860 = arith.constant 255 : i32
    %and3A_861 = vector.broadcast %and3A_860 : i32 to vector<16xi32>
    %and3A_862 = arith.andi %shift_right_logical3A_859, %and3A_861 : vector<16xi32>
    %and3A_863 = arith.constant 15 : i32
    %and3A_864 = vector.broadcast %and3A_863 : i32 to vector<16xi32>
    %and3A_865 = arith.andi %and3A_862, %and3A_864 : vector<16xi32>
    %shift_right_logical3A_866 = arith.constant 4 : i32
    %shift_right_logical3A_867 = vector.broadcast %shift_right_logical3A_866 : i32 to vector<16xi32>
    %shift_right_logical3A_868 = arith.shrui %and3A_862, %shift_right_logical3A_867 : vector<16xi32>
    %gather3A_869 = tpu.vector_load_idx %arg5[%and3A_865, %shift_right_logical3A_868] : memref<15x15xf32, #tpu.memory_space<vmem>>[vector<16xi32>, vector<16xi32>], vector<16xf32>,
    %swap3A_870 = arith.constant 11 : i32
    %swap3A_871 = arith.index_cast %swap3A_870 : i32 to index
    %swap3A_872 = arith.constant 48 : index
    %swap3A_873 = tpu.vector_load %arg7[%swap3A_871, %swap3A_872] {strides = array<i32>} : memref<64x64xf32, #tpu.memory_space<vmem>>, vector<16xf32>,
    tpu.vector_store %arg7[%swap3A_871, %swap3A_872], %gather3A_869 {strides = array<i32>} : memref<64x64xf32, #tpu.memory_space<vmem>>, vector<16xf32>,
    %get3A_874 = arith.constant 1 : i32
    %get3A_875 = arith.index_cast %get3A_874 : i32 to index
    %get3A_876 = arith.constant 64 : index
    %get3A_877 = tpu.vector_load %arg6[%get3A_875, %get3A_876] {strides = array<i32>} : memref<8x128xi32, #tpu.memory_space<vmem>>, vector<16xi32>,
    %shift_right_logical3A_878 = arith.constant 0 : i32
    %shift_right_logical3A_879 = vector.broadcast %shift_right_logical3A_878 : i32 to vector<16xi32>
    %shift_right_logical3A_880 = arith.shrui %get3A_877, %shift_right_logical3A_879 : vector<16xi32>
    %and3A_881 = arith.constant 255 : i32
    %and3A_882 = vector.broadcast %and3A_881 : i32 to vector<16xi32>
    %and3A_883 = arith.andi %shift_right_logical3A_880, %and3A_882 : vector<16xi32>
    %and3A_884 = arith.constant 15 : i32
    %and3A_885 = vector.broadcast %and3A_884 : i32 to vector<16xi32>
    %and3A_886 = arith.andi %and3A_883, %and3A_885 : vector<16xi32>
    %shift_right_logical3A_887 = arith.constant 4 : i32
    %shift_right_logical3A_888 = vector.broadcast %shift_right_logical3A_887 : i32 to vector<16xi32>
    %shift_right_logical3A_889 = arith.shrui %and3A_883, %shift_right_logical3A_888 : vector<16xi32>
    %gather3A_890 = tpu.vector_load_idx %arg5[%and3A_886, %shift_right_logical3A_889] : memref<15x15xf32, #tpu.memory_space<vmem>>[vector<16xi32>, vector<16xi32>], vector<16xf32>,
    %swap3A_891 = arith.constant 12 : i32
    %swap3A_892 = arith.index_cast %swap3A_891 : i32 to index
    %swap3A_893 = arith.constant 0 : index
    %swap3A_894 = tpu.vector_load %arg7[%swap3A_892, %swap3A_893] {strides = array<i32>} : memref<64x64xf32, #tpu.memory_space<vmem>>, vector<16xf32>,
    tpu.vector_store %arg7[%swap3A_892, %swap3A_893], %gather3A_890 {strides = array<i32>} : memref<64x64xf32, #tpu.memory_space<vmem>>, vector<16xf32>,
    %shift_right_logical3A_895 = arith.constant 8 : i32
    %shift_right_logical3A_896 = vector.broadcast %shift_right_logical3A_895 : i32 to vector<16xi32>
    %shift_right_logical3A_897 = arith.shrui %get3A_877, %shift_right_logical3A_896 : vector<16xi32>
    %and3A_898 = arith.constant 255 : i32
    %and3A_899 = vector.broadcast %and3A_898 : i32 to vector<16xi32>
    %and3A_900 = arith.andi %shift_right_logical3A_897, %and3A_899 : vector<16xi32>
    %and3A_901 = arith.constant 15 : i32
    %and3A_902 = vector.broadcast %and3A_901 : i32 to vector<16xi32>
    %and3A_903 = arith.andi %and3A_900, %and3A_902 : vector<16xi32>
    %shift_right_logical3A_904 = arith.constant 4 : i32
    %shift_right_logical3A_905 = vector.broadcast %shift_right_logical3A_904 : i32 to vector<16xi32>
    %shift_right_logical3A_906 = arith.shrui %and3A_900, %shift_right_logical3A_905 : vector<16xi32>
    %gather3A_907 = tpu.vector_load_idx %arg5[%and3A_903, %shift_right_logical3A_906] : memref<15x15xf32, #tpu.memory_space<vmem>>[vector<16xi32>, vector<16xi32>], vector<16xf32>,
    %swap3A_908 = arith.constant 12 : i32
    %swap3A_909 = arith.index_cast %swap3A_908 : i32 to index
    %swap3A_910 = arith.constant 16 : index
    %swap3A_911 = tpu.vector_load %arg7[%swap3A_909, %swap3A_910] {strides = array<i32>} : memref<64x64xf32, #tpu.memory_space<vmem>>, vector<16xf32>,
    tpu.vector_store %arg7[%swap3A_909, %swap3A_910], %gather3A_907 {strides = array<i32>} : memref<64x64xf32, #tpu.memory_space<vmem>>, vector<16xf32>,
    %shift_right_logical3A_912 = arith.constant 16 : i32
    %shift_right_logical3A_913 = vector.broadcast %shift_right_logical3A_912 : i32 to vector<16xi32>
    %shift_right_logical3A_914 = arith.shrui %get3A_877, %shift_right_logical3A_913 : vector<16xi32>
    %and3A_915 = arith.constant 255 : i32
    %and3A_916 = vector.broadcast %and3A_915 : i32 to vector<16xi32>
    %and3A_917 = arith.andi %shift_right_logical3A_914, %and3A_916 : vector<16xi32>
    %and3A_918 = arith.constant 15 : i32
    %and3A_919 = vector.broadcast %and3A_918 : i32 to vector<16xi32>
    %and3A_920 = arith.andi %and3A_917, %and3A_919 : vector<16xi32>
    %shift_right_logical3A_921 = arith.constant 4 : i32
    %shift_right_logical3A_922 = vector.broadcast %shift_right_logical3A_921 : i32 to vector<16xi32>
    %shift_right_logical3A_923 = arith.shrui %and3A_917, %shift_right_logical3A_922 : vector<16xi32>
    %gather3A_924 = tpu.vector_load_idx %arg5[%and3A_920, %shift_right_logical3A_923] : memref<15x15xf32, #tpu.memory_space<vmem>>[vector<16xi32>, vector<16xi32>], vector<16xf32>,
    %swap3A_925 = arith.constant 12 : i32
    %swap3A_926 = arith.index_cast %swap3A_925 : i32 to index
    %swap3A_927 = arith.constant 32 : index
    %swap3A_928 = tpu.vector_load %arg7[%swap3A_926, %swap3A_927] {strides = array<i32>} : memref<64x64xf32, #tpu.memory_space<vmem>>, vector<16xf32>,
    tpu.vector_store %arg7[%swap3A_926, %swap3A_927], %gather3A_924 {strides = array<i32>} : memref<64x64xf32, #tpu.memory_space<vmem>>, vector<16xf32>,
    %shift_right_logical3A_929 = arith.constant 24 : i32
    %shift_right_logical3A_930 = vector.broadcast %shift_right_logical3A_929 : i32 to vector<16xi32>
    %shift_right_logical3A_931 = arith.shrui %get3A_877, %shift_right_logical3A_930 : vector<16xi32>
    %and3A_932 = arith.constant 255 : i32
    %and3A_933 = vector.broadcast %and3A_932 : i32 to vector<16xi32>
    %and3A_934 = arith.andi %shift_right_logical3A_931, %and3A_933 : vector<16xi32>
    %and3A_935 = arith.constant 15 : i32
    %and3A_936 = vector.broadcast %and3A_935 : i32 to vector<16xi32>
    %and3A_937 = arith.andi %and3A_934, %and3A_936 : vector<16xi32>
    %shift_right_logical3A_938 = arith.constant 4 : i32
    %shift_right_logical3A_939 = vector.broadcast %shift_right_logical3A_938 : i32 to vector<16xi32>
    %shift_right_logical3A_940 = arith.shrui %and3A_934, %shift_right_logical3A_939 : vector<16xi32>
    %gather3A_941 = tpu.vector_load_idx %arg5[%and3A_937, %shift_right_logical3A_940] : memref<15x15xf32, #tpu.memory_space<vmem>>[vector<16xi32>, vector<16xi32>], vector<16xf32>,
    %swap3A_942 = arith.constant 12 : i32
    %swap3A_943 = arith.index_cast %swap3A_942 : i32 to index
    %swap3A_944 = arith.constant 48 : index
    %swap3A_945 = tpu.vector_load %arg7[%swap3A_943, %swap3A_944] {strides = array<i32>} : memref<64x64xf32, #tpu.memory_space<vmem>>, vector<16xf32>,
    tpu.vector_store %arg7[%swap3A_943, %swap3A_944], %gather3A_941 {strides = array<i32>} : memref<64x64xf32, #tpu.memory_space<vmem>>, vector<16xf32>,
    %get3A_946 = arith.constant 1 : i32
    %get3A_947 = arith.index_cast %get3A_946 : i32 to index
    %get3A_948 = arith.constant 80 : index
    %get3A_949 = tpu.vector_load %arg6[%get3A_947, %get3A_948] {strides = array<i32>} : memref<8x128xi32, #tpu.memory_space<vmem>>, vector<16xi32>,
    %shift_right_logical3A_950 = arith.constant 0 : i32
    %shift_right_logical3A_951 = vector.broadcast %shift_right_logical3A_950 : i32 to vector<16xi32>
    %shift_right_logical3A_952 = arith.shrui %get3A_949, %shift_right_logical3A_951 : vector<16xi32>
    %and3A_953 = arith.constant 255 : i32
    %and3A_954 = vector.broadcast %and3A_953 : i32 to vector<16xi32>
    %and3A_955 = arith.andi %shift_right_logical3A_952, %and3A_954 : vector<16xi32>
    %and3A_956 = arith.constant 15 : i32
    %and3A_957 = vector.broadcast %and3A_956 : i32 to vector<16xi32>
    %and3A_958 = arith.andi %and3A_955, %and3A_957 : vector<16xi32>
    %shift_right_logical3A_959 = arith.constant 4 : i32
    %shift_right_logical3A_960 = vector.broadcast %shift_right_logical3A_959 : i32 to vector<16xi32>
    %shift_right_logical3A_961 = arith.shrui %and3A_955, %shift_right_logical3A_960 : vector<16xi32>
    %gather3A_962 = tpu.vector_load_idx %arg5[%and3A_958, %shift_right_logical3A_961] : memref<15x15xf32, #tpu.memory_space<vmem>>[vector<16xi32>, vector<16xi32>], vector<16xf32>,
    %swap3A_963 = arith.constant 13 : i32
    %swap3A_964 = arith.index_cast %swap3A_963 : i32 to index
    %swap3A_965 = arith.constant 0 : index
    %swap3A_966 = tpu.vector_load %arg7[%swap3A_964, %swap3A_965] {strides = array<i32>} : memref<64x64xf32, #tpu.memory_space<vmem>>, vector<16xf32>,
    tpu.vector_store %arg7[%swap3A_964, %swap3A_965], %gather3A_962 {strides = array<i32>} : memref<64x64xf32, #tpu.memory_space<vmem>>, vector<16xf32>,
    %shift_right_logical3A_967 = arith.constant 8 : i32
    %shift_right_logical3A_968 = vector.broadcast %shift_right_logical3A_967 : i32 to vector<16xi32>
    %shift_right_logical3A_969 = arith.shrui %get3A_949, %shift_right_logical3A_968 : vector<16xi32>
    %and3A_970 = arith.constant 255 : i32
    %and3A_971 = vector.broadcast %and3A_970 : i32 to vector<16xi32>
    %and3A_972 = arith.andi %shift_right_logical3A_969, %and3A_971 : vector<16xi32>
    %and3A_973 = arith.constant 15 : i32
    %and3A_974 = vector.broadcast %and3A_973 : i32 to vector<16xi32>
    %and3A_975 = arith.andi %and3A_972, %and3A_974 : vector<16xi32>
    %shift_right_logical3A_976 = arith.constant 4 : i32
    %shift_right_logical3A_977 = vector.broadcast %shift_right_logical3A_976 : i32 to vector<16xi32>
    %shift_right_logical3A_978 = arith.shrui %and3A_972, %shift_right_logical3A_977 : vector<16xi32>
    %gather3A_979 = tpu.vector_load_idx %arg5[%and3A_975, %shift_right_logical3A_978] : memref<15x15xf32, #tpu.memory_space<vmem>>[vector<16xi32>, vector<16xi32>], vector<16xf32>,
    %swap3A_980 = arith.constant 13 : i32
    %swap3A_981 = arith.index_cast %swap3A_980 : i32 to index
    %swap3A_982 = arith.constant 16 : index
    %swap3A_983 = tpu.vector_load %arg7[%swap3A_981, %swap3A_982] {strides = array<i32>} : memref<64x64xf32, #tpu.memory_space<vmem>>, vector<16xf32>,
    tpu.vector_store %arg7[%swap3A_981, %swap3A_982], %gather3A_979 {strides = array<i32>} : memref<64x64xf32, #tpu.memory_space<vmem>>, vector<16xf32>,
    %shift_right_logical3A_984 = arith.constant 16 : i32
    %shift_right_logical3A_985 = vector.broadcast %shift_right_logical3A_984 : i32 to vector<16xi32>
    %shift_right_logical3A_986 = arith.shrui %get3A_949, %shift_right_logical3A_985 : vector<16xi32>
    %and3A_987 = arith.constant 255 : i32
    %and3A_988 = vector.broadcast %and3A_987 : i32 to vector<16xi32>
    %and3A_989 = arith.andi %shift_right_logical3A_986, %and3A_988 : vector<16xi32>
    %and3A_990 = arith.constant 15 : i32
    %and3A_991 = vector.broadcast %and3A_990 : i32 to vector<16xi32>
    %and3A_992 = arith.andi %and3A_989, %and3A_991 : vector<16xi32>
    %shift_right_logical3A_993 = arith.constant 4 : i32
    %shift_right_logical3A_994 = vector.broadcast %shift_right_logical3A_993 : i32 to vector<16xi32>
    %shift_right_logical3A_995 = arith.shrui %and3A_989, %shift_right_logical3A_994 : vector<16xi32>
    %gather3A_996 = tpu.vector_load_idx %arg5[%and3A_992, %shift_right_logical3A_995] : memref<15x15xf32, #tpu.memory_space<vmem>>[vector<16xi32>, vector<16xi32>], vector<16xf32>,
    %swap3A_997 = arith.constant 13 : i32
    %swap3A_998 = arith.index_cast %swap3A_997 : i32 to index
    %swap3A_999 = arith.constant 32 : index
    %swap3A_1000 = tpu.vector_load %arg7[%swap3A_998, %swap3A_999] {strides = array<i32>} : memref<64x64xf32, #tpu.memory_space<vmem>>, vector<16xf32>,
    tpu.vector_store %arg7[%swap3A_998, %swap3A_999], %gather3A_996 {strides = array<i32>} : memref<64x64xf32, #tpu.memory_space<vmem>>, vector<16xf32>,
    %shift_right_logical3A_1001 = arith.constant 24 : i32
    %shift_right_logical3A_1002 = vector.broadcast %shift_right_logical3A_1001 : i32 to vector<16xi32>
    %shift_right_logical3A_1003 = arith.shrui %get3A_949, %shift_right_logical3A_1002 : vector<16xi32>
    %and3A_1004 = arith.constant 255 : i32
    %and3A_1005 = vector.broadcast %and3A_1004 : i32 to vector<16xi32>
    %and3A_1006 = arith.andi %shift_right_logical3A_1003, %and3A_1005 : vector<16xi32>
    %and3A_1007 = arith.constant 15 : i32
    %and3A_1008 = vector.broadcast %and3A_1007 : i32 to vector<16xi32>
    %and3A_1009 = arith.andi %and3A_1006, %and3A_1008 : vector<16xi32>
    %shift_right_logical3A_1010 = arith.constant 4 : i32
    %shift_right_logical3A_1011 = vector.broadcast %shift_right_logical3A_1010 : i32 to vector<16xi32>
    %shift_right_logical3A_1012 = arith.shrui %and3A_1006, %shift_right_logical3A_1011 : vector<16xi32>
    %gather3A_1013 = tpu.vector_load_idx %arg5[%and3A_1009, %shift_right_logical3A_1012] : memref<15x15xf32, #tpu.memory_space<vmem>>[vector<16xi32>, vector<16xi32>], vector<16xf32>,
    %swap3A_1014 = arith.constant 13 : i32
    %swap3A_1015 = arith.index_cast %swap3A_1014 : i32 to index
    %swap3A_1016 = arith.constant 48 : index
    %swap3A_1017 = tpu.vector_load %arg7[%swap3A_1015, %swap3A_1016] {strides = array<i32>} : memref<64x64xf32, #tpu.memory_space<vmem>>, vector<16xf32>,
    tpu.vector_store %arg7[%swap3A_1015, %swap3A_1016], %gather3A_1013 {strides = array<i32>} : memref<64x64xf32, #tpu.memory_space<vmem>>, vector<16xf32>,
    %get3A_1018 = arith.constant 1 : i32
    %get3A_1019 = arith.index_cast %get3A_1018 : i32 to index
    %get3A_1020 = arith.constant 96 : index
    %get3A_1021 = tpu.vector_load %arg6[%get3A_1019, %get3A_1020] {strides = array<i32>} : memref<8x128xi32, #tpu.memory_space<vmem>>, vector<16xi32>,
    %shift_right_logical3A_1022 = arith.constant 0 : i32
    %shift_right_logical3A_1023 = vector.broadcast %shift_right_logical3A_1022 : i32 to vector<16xi32>
    %shift_right_logical3A_1024 = arith.shrui %get3A_1021, %shift_right_logical3A_1023 : vector<16xi32>
    %and3A_1025 = arith.constant 255 : i32
    %and3A_1026 = vector.broadcast %and3A_1025 : i32 to vector<16xi32>
    %and3A_1027 = arith.andi %shift_right_logical3A_1024, %and3A_1026 : vector<16xi32>
    %and3A_1028 = arith.constant 15 : i32
    %and3A_1029 = vector.broadcast %and3A_1028 : i32 to vector<16xi32>
    %and3A_1030 = arith.andi %and3A_1027, %and3A_1029 : vector<16xi32>
    %shift_right_logical3A_1031 = arith.constant 4 : i32
    %shift_right_logical3A_1032 = vector.broadcast %shift_right_logical3A_1031 : i32 to vector<16xi32>
    %shift_right_logical3A_1033 = arith.shrui %and3A_1027, %shift_right_logical3A_1032 : vector<16xi32>
    %gather3A_1034 = tpu.vector_load_idx %arg5[%and3A_1030, %shift_right_logical3A_1033] : memref<15x15xf32, #tpu.memory_space<vmem>>[vector<16xi32>, vector<16xi32>], vector<16xf32>,
    %swap3A_1035 = arith.constant 14 : i32
    %swap3A_1036 = arith.index_cast %swap3A_1035 : i32 to index
    %swap3A_1037 = arith.constant 0 : index
    %swap3A_1038 = tpu.vector_load %arg7[%swap3A_1036, %swap3A_1037] {strides = array<i32>} : memref<64x64xf32, #tpu.memory_space<vmem>>, vector<16xf32>,
    tpu.vector_store %arg7[%swap3A_1036, %swap3A_1037], %gather3A_1034 {strides = array<i32>} : memref<64x64xf32, #tpu.memory_space<vmem>>, vector<16xf32>,
    %shift_right_logical3A_1039 = arith.constant 8 : i32
    %shift_right_logical3A_1040 = vector.broadcast %shift_right_logical3A_1039 : i32 to vector<16xi32>
    %shift_right_logical3A_1041 = arith.shrui %get3A_1021, %shift_right_logical3A_1040 : vector<16xi32>
    %and3A_1042 = arith.constant 255 : i32
    %and3A_1043 = vector.broadcast %and3A_1042 : i32 to vector<16xi32>
    %and3A_1044 = arith.andi %shift_right_logical3A_1041, %and3A_1043 : vector<16xi32>
    %and3A_1045 = arith.constant 15 : i32
    %and3A_1046 = vector.broadcast %and3A_1045 : i32 to vector<16xi32>
    %and3A_1047 = arith.andi %and3A_1044, %and3A_1046 : vector<16xi32>
    %shift_right_logical3A_1048 = arith.constant 4 : i32
    %shift_right_logical3A_1049 = vector.broadcast %shift_right_logical3A_1048 : i32 to vector<16xi32>
    %shift_right_logical3A_1050 = arith.shrui %and3A_1044, %shift_right_logical3A_1049 : vector<16xi32>
    %gather3A_1051 = tpu.vector_load_idx %arg5[%and3A_1047, %shift_right_logical3A_1050] : memref<15x15xf32, #tpu.memory_space<vmem>>[vector<16xi32>, vector<16xi32>], vector<16xf32>,
    %swap3A_1052 = arith.constant 14 : i32
    %swap3A_1053 = arith.index_cast %swap3A_1052 : i32 to index
    %swap3A_1054 = arith.constant 16 : index
    %swap3A_1055 = tpu.vector_load %arg7[%swap3A_1053, %swap3A_1054] {strides = array<i32>} : memref<64x64xf32, #tpu.memory_space<vmem>>, vector<16xf32>,
    tpu.vector_store %arg7[%swap3A_1053, %swap3A_1054], %gather3A_1051 {strides = array<i32>} : memref<64x64xf32, #tpu.memory_space<vmem>>, vector<16xf32>,
    %shift_right_logical3A_1056 = arith.constant 16 : i32
    %shift_right_logical3A_1057 = vector.broadcast %shift_right_logical3A_1056 : i32 to vector<16xi32>
    %shift_right_logical3A_1058 = arith.shrui %get3A_1021, %shift_right_logical3A_1057 : vector<16xi32>
    %and3A_1059 = arith.constant 255 : i32
    %and3A_1060 = vector.broadcast %and3A_1059 : i32 to vector<16xi32>
    %and3A_1061 = arith.andi %shift_right_logical3A_1058, %and3A_1060 : vector<16xi32>
    %and3A_1062 = arith.constant 15 : i32
    %and3A_1063 = vector.broadcast %and3A_1062 : i32 to vector<16xi32>
    %and3A_1064 = arith.andi %and3A_1061, %and3A_1063 : vector<16xi32>
    %shift_right_logical3A_1065 = arith.constant 4 : i32
    %shift_right_logical3A_1066 = vector.broadcast %shift_right_logical3A_1065 : i32 to vector<16xi32>
    %shift_right_logical3A_1067 = arith.shrui %and3A_1061, %shift_right_logical3A_1066 : vector<16xi32>
    %gather3A_1068 = tpu.vector_load_idx %arg5[%and3A_1064, %shift_right_logical3A_1067] : memref<15x15xf32, #tpu.memory_space<vmem>>[vector<16xi32>, vector<16xi32>], vector<16xf32>,
    %swap3A_1069 = arith.constant 14 : i32
    %swap3A_1070 = arith.index_cast %swap3A_1069 : i32 to index
    %swap3A_1071 = arith.constant 32 : index
    %swap3A_1072 = tpu.vector_load %arg7[%swap3A_1070, %swap3A_1071] {strides = array<i32>} : memref<64x64xf32, #tpu.memory_space<vmem>>, vector<16xf32>,
    tpu.vector_store %arg7[%swap3A_1070, %swap3A_1071], %gather3A_1068 {strides = array<i32>} : memref<64x64xf32, #tpu.memory_space<vmem>>, vector<16xf32>,
    %shift_right_logical3A_1073 = arith.constant 24 : i32
    %shift_right_logical3A_1074 = vector.broadcast %shift_right_logical3A_1073 : i32 to vector<16xi32>
    %shift_right_logical3A_1075 = arith.shrui %get3A_1021, %shift_right_logical3A_1074 : vector<16xi32>
    %and3A_1076 = arith.constant 255 : i32
    %and3A_1077 = vector.broadcast %and3A_1076 : i32 to vector<16xi32>
    %and3A_1078 = arith.andi %shift_right_logical3A_1075, %and3A_1077 : vector<16xi32>
    %and3A_1079 = arith.constant 15 : i32
    %and3A_1080 = vector.broadcast %and3A_1079 : i32 to vector<16xi32>
    %and3A_1081 = arith.andi %and3A_1078, %and3A_1080 : vector<16xi32>
    %shift_right_logical3A_1082 = arith.constant 4 : i32
    %shift_right_logical3A_1083 = vector.broadcast %shift_right_logical3A_1082 : i32 to vector<16xi32>
    %shift_right_logical3A_1084 = arith.shrui %and3A_1078, %shift_right_logical3A_1083 : vector<16xi32>
    %gather3A_1085 = tpu.vector_load_idx %arg5[%and3A_1081, %shift_right_logical3A_1084] : memref<15x15xf32, #tpu.memory_space<vmem>>[vector<16xi32>, vector<16xi32>], vector<16xf32>,
    %swap3A_1086 = arith.constant 14 : i32
    %swap3A_1087 = arith.index_cast %swap3A_1086 : i32 to index
    %swap3A_1088 = arith.constant 48 : index
    %swap3A_1089 = tpu.vector_load %arg7[%swap3A_1087, %swap3A_1088] {strides = array<i32>} : memref<64x64xf32, #tpu.memory_space<vmem>>, vector<16xf32>,
    tpu.vector_store %arg7[%swap3A_1087, %swap3A_1088], %gather3A_1085 {strides = array<i32>} : memref<64x64xf32, #tpu.memory_space<vmem>>, vector<16xf32>,
    %get3A_1090 = arith.constant 1 : i32
    %get3A_1091 = arith.index_cast %get3A_1090 : i32 to index
    %get3A_1092 = arith.constant 112 : index
    %get3A_1093 = tpu.vector_load %arg6[%get3A_1091, %get3A_1092] {strides = array<i32>} : memref<8x128xi32, #tpu.memory_space<vmem>>, vector<16xi32>,
    %shift_right_logical3A_1094 = arith.constant 0 : i32
    %shift_right_logical3A_1095 = vector.broadcast %shift_right_logical3A_1094 : i32 to vector<16xi32>
    %shift_right_logical3A_1096 = arith.shrui %get3A_1093, %shift_right_logical3A_1095 : vector<16xi32>
    %and3A_1097 = arith.constant 255 : i32
    %and3A_1098 = vector.broadcast %and3A_1097 : i32 to vector<16xi32>
    %and3A_1099 = arith.andi %shift_right_logical3A_1096, %and3A_1098 : vector<16xi32>
    %and3A_1100 = arith.constant 15 : i32
    %and3A_1101 = vector.broadcast %and3A_1100 : i32 to vector<16xi32>
    %and3A_1102 = arith.andi %and3A_1099, %and3A_1101 : vector<16xi32>
    %shift_right_logical3A_1103 = arith.constant 4 : i32
    %shift_right_logical3A_1104 = vector.broadcast %shift_right_logical3A_1103 : i32 to vector<16xi32>
    %shift_right_logical3A_1105 = arith.shrui %and3A_1099, %shift_right_logical3A_1104 : vector<16xi32>
    %gather3A_1106 = tpu.vector_load_idx %arg5[%and3A_1102, %shift_right_logical3A_1105] : memref<15x15xf32, #tpu.memory_space<vmem>>[vector<16xi32>, vector<16xi32>], vector<16xf32>,
    %swap3A_1107 = arith.constant 15 : i32
    %swap3A_1108 = arith.index_cast %swap3A_1107 : i32 to index
    %swap3A_1109 = arith.constant 0 : index
    %swap3A_1110 = tpu.vector_load %arg7[%swap3A_1108, %swap3A_1109] {strides = array<i32>} : memref<64x64xf32, #tpu.memory_space<vmem>>, vector<16xf32>,
    tpu.vector_store %arg7[%swap3A_1108, %swap3A_1109], %gather3A_1106 {strides = array<i32>} : memref<64x64xf32, #tpu.memory_space<vmem>>, vector<16xf32>,
    %shift_right_logical3A_1111 = arith.constant 8 : i32
    %shift_right_logical3A_1112 = vector.broadcast %shift_right_logical3A_1111 : i32 to vector<16xi32>
    %shift_right_logical3A_1113 = arith.shrui %get3A_1093, %shift_right_logical3A_1112 : vector<16xi32>
    %and3A_1114 = arith.constant 255 : i32
    %and3A_1115 = vector.broadcast %and3A_1114 : i32 to vector<16xi32>
    %and3A_1116 = arith.andi %shift_right_logical3A_1113, %and3A_1115 : vector<16xi32>
    %and3A_1117 = arith.constant 15 : i32
    %and3A_1118 = vector.broadcast %and3A_1117 : i32 to vector<16xi32>
    %and3A_1119 = arith.andi %and3A_1116, %and3A_1118 : vector<16xi32>
    %shift_right_logical3A_1120 = arith.constant 4 : i32
    %shift_right_logical3A_1121 = vector.broadcast %shift_right_logical3A_1120 : i32 to vector<16xi32>
    %shift_right_logical3A_1122 = arith.shrui %and3A_1116, %shift_right_logical3A_1121 : vector<16xi32>
    %gather3A_1123 = tpu.vector_load_idx %arg5[%and3A_1119, %shift_right_logical3A_1122] : memref<15x15xf32, #tpu.memory_space<vmem>>[vector<16xi32>, vector<16xi32>], vector<16xf32>,
    %swap3A_1124 = arith.constant 15 : i32
    %swap3A_1125 = arith.index_cast %swap3A_1124 : i32 to index
    %swap3A_1126 = arith.constant 16 : index
    %swap3A_1127 = tpu.vector_load %arg7[%swap3A_1125, %swap3A_1126] {strides = array<i32>} : memref<64x64xf32, #tpu.memory_space<vmem>>, vector<16xf32>,
    tpu.vector_store %arg7[%swap3A_1125, %swap3A_1126], %gather3A_1123 {strides = array<i32>} : memref<64x64xf32, #tpu.memory_space<vmem>>, vector<16xf32>,
    %shift_right_logical3A_1128 = arith.constant 16 : i32
    %shift_right_logical3A_1129 = vector.broadcast %shift_right_logical3A_1128 : i32 to vector<16xi32>
    %shift_right_logical3A_1130 = arith.shrui %get3A_1093, %shift_right_logical3A_1129 : vector<16xi32>
    %and3A_1131 = arith.constant 255 : i32
    %and3A_1132 = vector.broadcast %and3A_1131 : i32 to vector<16xi32>
    %and3A_1133 = arith.andi %shift_right_logical3A_1130, %and3A_1132 : vector<16xi32>
    %and3A_1134 = arith.constant 15 : i32
    %and3A_1135 = vector.broadcast %and3A_1134 : i32 to vector<16xi32>
    %and3A_1136 = arith.andi %and3A_1133, %and3A_1135 : vector<16xi32>
    %shift_right_logical3A_1137 = arith.constant 4 : i32
    %shift_right_logical3A_1138 = vector.broadcast %shift_right_logical3A_1137 : i32 to vector<16xi32>
    %shift_right_logical3A_1139 = arith.shrui %and3A_1133, %shift_right_logical3A_1138 : vector<16xi32>
    %gather3A_1140 = tpu.vector_load_idx %arg5[%and3A_1136, %shift_right_logical3A_1139] : memref<15x15xf32, #tpu.memory_space<vmem>>[vector<16xi32>, vector<16xi32>], vector<16xf32>,
    %swap3A_1141 = arith.constant 15 : i32
    %swap3A_1142 = arith.index_cast %swap3A_1141 : i32 to index
    %swap3A_1143 = arith.constant 32 : index
    %swap3A_1144 = tpu.vector_load %arg7[%swap3A_1142, %swap3A_1143] {strides = array<i32>} : memref<64x64xf32, #tpu.memory_space<vmem>>, vector<16xf32>,
    tpu.vector_store %arg7[%swap3A_1142, %swap3A_1143], %gather3A_1140 {strides = array<i32>} : memref<64x64xf32, #tpu.memory_space<vmem>>, vector<16xf32>,
    %shift_right_logical3A_1145 = arith.constant 24 : i32
    %shift_right_logical3A_1146 = vector.broadcast %shift_right_logical3A_1145 : i32 to vector<16xi32>
    %shift_right_logical3A_1147 = arith.shrui %get3A_1093, %shift_right_logical3A_1146 : vector<16xi32>
    %and3A_1148 = arith.constant 255 : i32
    %and3A_1149 = vector.broadcast %and3A_1148 : i32 to vector<16xi32>
    %and3A_1150 = arith.andi %shift_right_logical3A_1147, %and3A_1149 : vector<16xi32>
    %and3A_1151 = arith.constant 15 : i32
    %and3A_1152 = vector.broadcast %and3A_1151 : i32 to vector<16xi32>
    %and3A_1153 = arith.andi %and3A_1150, %and3A_1152 : vector<16xi32>
    %shift_right_logical3A_1154 = arith.constant 4 : i32
    %shift_right_logical3A_1155 = vector.broadcast %shift_right_logical3A_1154 : i32 to vector<16xi32>
    %shift_right_logical3A_1156 = arith.shrui %and3A_1150, %shift_right_logical3A_1155 : vector<16xi32>
    %gather3A_1157 = tpu.vector_load_idx %arg5[%and3A_1153, %shift_right_logical3A_1156] : memref<15x15xf32, #tpu.memory_space<vmem>>[vector<16xi32>, vector<16xi32>], vector<16xf32>,
    %swap3A_1158 = arith.constant 15 : i32
    %swap3A_1159 = arith.index_cast %swap3A_1158 : i32 to index
    %swap3A_1160 = arith.constant 48 : index
    %swap3A_1161 = tpu.vector_load %arg7[%swap3A_1159, %swap3A_1160] {strides = array<i32>} : memref<64x64xf32, #tpu.memory_space<vmem>>, vector<16xf32>,
    tpu.vector_store %arg7[%swap3A_1159, %swap3A_1160], %gather3A_1157 {strides = array<i32>} : memref<64x64xf32, #tpu.memory_space<vmem>>, vector<16xf32>,
    %get3A_1162 = arith.constant 2 : i32
    %get3A_1163 = arith.index_cast %get3A_1162 : i32 to index
    %get3A_1164 = arith.constant 0 : index
    %get3A_1165 = tpu.vector_load %arg6[%get3A_1163, %get3A_1164] {strides = array<i32>} : memref<8x128xi32, #tpu.memory_space<vmem>>, vector<16xi32>,
    %shift_right_logical3A_1166 = arith.constant 0 : i32
    %shift_right_logical3A_1167 = vector.broadcast %shift_right_logical3A_1166 : i32 to vector<16xi32>
    %shift_right_logical3A_1168 = arith.shrui %get3A_1165, %shift_right_logical3A_1167 : vector<16xi32>
    %and3A_1169 = arith.constant 255 : i32
    %and3A_1170 = vector.broadcast %and3A_1169 : i32 to vector<16xi32>
    %and3A_1171 = arith.andi %shift_right_logical3A_1168, %and3A_1170 : vector<16xi32>
    %and3A_1172 = arith.constant 15 : i32
    %and3A_1173 = vector.broadcast %and3A_1172 : i32 to vector<16xi32>
    %and3A_1174 = arith.andi %and3A_1171, %and3A_1173 : vector<16xi32>
    %shift_right_logical3A_1175 = arith.constant 4 : i32
    %shift_right_logical3A_1176 = vector.broadcast %shift_right_logical3A_1175 : i32 to vector<16xi32>
    %shift_right_logical3A_1177 = arith.shrui %and3A_1171, %shift_right_logical3A_1176 : vector<16xi32>
    %gather3A_1178 = tpu.vector_load_idx %arg5[%and3A_1174, %shift_right_logical3A_1177] : memref<15x15xf32, #tpu.memory_space<vmem>>[vector<16xi32>, vector<16xi32>], vector<16xf32>,
    %swap3A_1179 = arith.constant 16 : i32
    %swap3A_1180 = arith.index_cast %swap3A_1179 : i32 to index
    %swap3A_1181 = arith.constant 0 : index
    %swap3A_1182 = tpu.vector_load %arg7[%swap3A_1180, %swap3A_1181] {strides = array<i32>} : memref<64x64xf32, #tpu.memory_space<vmem>>, vector<16xf32>,
    tpu.vector_store %arg7[%swap3A_1180, %swap3A_1181], %gather3A_1178 {strides = array<i32>} : memref<64x64xf32, #tpu.memory_space<vmem>>, vector<16xf32>,
    %shift_right_logical3A_1183 = arith.constant 8 : i32
    %shift_right_logical3A_1184 = vector.broadcast %shift_right_logical3A_1183 : i32 to vector<16xi32>
    %shift_right_logical3A_1185 = arith.shrui %get3A_1165, %shift_right_logical3A_1184 : vector<16xi32>
    %and3A_1186 = arith.constant 255 : i32
    %and3A_1187 = vector.broadcast %and3A_1186 : i32 to vector<16xi32>
    %and3A_1188 = arith.andi %shift_right_logical3A_1185, %and3A_1187 : vector<16xi32>
    %and3A_1189 = arith.constant 15 : i32
    %and3A_1190 = vector.broadcast %and3A_1189 : i32 to vector<16xi32>
    %and3A_1191 = arith.andi %and3A_1188, %and3A_1190 : vector<16xi32>
    %shift_right_logical3A_1192 = arith.constant 4 : i32
    %shift_right_logical3A_1193 = vector.broadcast %shift_right_logical3A_1192 : i32 to vector<16xi32>
    %shift_right_logical3A_1194 = arith.shrui %and3A_1188, %shift_right_logical3A_1193 : vector<16xi32>
    %gather3A_1195 = tpu.vector_load_idx %arg5[%and3A_1191, %shift_right_logical3A_1194] : memref<15x15xf32, #tpu.memory_space<vmem>>[vector<16xi32>, vector<16xi32>], vector<16xf32>,
    %swap3A_1196 = arith.constant 16 : i32
    %swap3A_1197 = arith.index_cast %swap3A_1196 : i32 to index
    %swap3A_1198 = arith.constant 16 : index
    %swap3A_1199 = tpu.vector_load %arg7[%swap3A_1197, %swap3A_1198] {strides = array<i32>} : memref<64x64xf32, #tpu.memory_space<vmem>>, vector<16xf32>,
    tpu.vector_store %arg7[%swap3A_1197, %swap3A_1198], %gather3A_1195 {strides = array<i32>} : memref<64x64xf32, #tpu.memory_space<vmem>>, vector<16xf32>,
    %shift_right_logical3A_1200 = arith.constant 16 : i32
    %shift_right_logical3A_1201 = vector.broadcast %shift_right_logical3A_1200 : i32 to vector<16xi32>
    %shift_right_logical3A_1202 = arith.shrui %get3A_1165, %shift_right_logical3A_1201 : vector<16xi32>
    %and3A_1203 = arith.constant 255 : i32
    %and3A_1204 = vector.broadcast %and3A_1203 : i32 to vector<16xi32>
    %and3A_1205 = arith.andi %shift_right_logical3A_1202, %and3A_1204 : vector<16xi32>
    %and3A_1206 = arith.constant 15 : i32
    %and3A_1207 = vector.broadcast %and3A_1206 : i32 to vector<16xi32>
    %and3A_1208 = arith.andi %and3A_1205, %and3A_1207 : vector<16xi32>
    %shift_right_logical3A_1209 = arith.constant 4 : i32
    %shift_right_logical3A_1210 = vector.broadcast %shift_right_logical3A_1209 : i32 to vector<16xi32>
    %shift_right_logical3A_1211 = arith.shrui %and3A_1205, %shift_right_logical3A_1210 : vector<16xi32>
    %gather3A_1212 = tpu.vector_load_idx %arg5[%and3A_1208, %shift_right_logical3A_1211] : memref<15x15xf32, #tpu.memory_space<vmem>>[vector<16xi32>, vector<16xi32>], vector<16xf32>,
    %swap3A_1213 = arith.constant 16 : i32
    %swap3A_1214 = arith.index_cast %swap3A_1213 : i32 to index
    %swap3A_1215 = arith.constant 32 : index
    %swap3A_1216 = tpu.vector_load %arg7[%swap3A_1214, %swap3A_1215] {strides = array<i32>} : memref<64x64xf32, #tpu.memory_space<vmem>>, vector<16xf32>,
    tpu.vector_store %arg7[%swap3A_1214, %swap3A_1215], %gather3A_1212 {strides = array<i32>} : memref<64x64xf32, #tpu.memory_space<vmem>>, vector<16xf32>,
    %shift_right_logical3A_1217 = arith.constant 24 : i32
    %shift_right_logical3A_1218 = vector.broadcast %shift_right_logical3A_1217 : i32 to vector<16xi32>
    %shift_right_logical3A_1219 = arith.shrui %get3A_1165, %shift_right_logical3A_1218 : vector<16xi32>
    %and3A_1220 = arith.constant 255 : i32
    %and3A_1221 = vector.broadcast %and3A_1220 : i32 to vector<16xi32>
    %and3A_1222 = arith.andi %shift_right_logical3A_1219, %and3A_1221 : vector<16xi32>
    %and3A_1223 = arith.constant 15 : i32
    %and3A_1224 = vector.broadcast %and3A_1223 : i32 to vector<16xi32>
    %and3A_1225 = arith.andi %and3A_1222, %and3A_1224 : vector<16xi32>
    %shift_right_logical3A_1226 = arith.constant 4 : i32
    %shift_right_logical3A_1227 = vector.broadcast %shift_right_logical3A_1226 : i32 to vector<16xi32>
    %shift_right_logical3A_1228 = arith.shrui %and3A_1222, %shift_right_logical3A_1227 : vector<16xi32>
    %gather3A_1229 = tpu.vector_load_idx %arg5[%and3A_1225, %shift_right_logical3A_1228] : memref<15x15xf32, #tpu.memory_space<vmem>>[vector<16xi32>, vector<16xi32>], vector<16xf32>,
    %swap3A_1230 = arith.constant 16 : i32
    %swap3A_1231 = arith.index_cast %swap3A_1230 : i32 to index
    %swap3A_1232 = arith.constant 48 : index
    %swap3A_1233 = tpu.vector_load %arg7[%swap3A_1231, %swap3A_1232] {strides = array<i32>} : memref<64x64xf32, #tpu.memory_space<vmem>>, vector<16xf32>,
    tpu.vector_store %arg7[%swap3A_1231, %swap3A_1232], %gather3A_1229 {strides = array<i32>} : memref<64x64xf32, #tpu.memory_space<vmem>>, vector<16xf32>,
    %get3A_1234 = arith.constant 2 : i32
    %get3A_1235 = arith.index_cast %get3A_1234 : i32 to index
    %get3A_1236 = arith.constant 16 : index
    %get3A_1237 = tpu.vector_load %arg6[%get3A_1235, %get3A_1236] {strides = array<i32>} : memref<8x128xi32, #tpu.memory_space<vmem>>, vector<16xi32>,
    %shift_right_logical3A_1238 = arith.constant 0 : i32
    %shift_right_logical3A_1239 = vector.broadcast %shift_right_logical3A_1238 : i32 to vector<16xi32>
    %shift_right_logical3A_1240 = arith.shrui %get3A_1237, %shift_right_logical3A_1239 : vector<16xi32>
    %and3A_1241 = arith.constant 255 : i32
    %and3A_1242 = vector.broadcast %and3A_1241 : i32 to vector<16xi32>
    %and3A_1243 = arith.andi %shift_right_logical3A_1240, %and3A_1242 : vector<16xi32>
    %and3A_1244 = arith.constant 15 : i32
    %and3A_1245 = vector.broadcast %and3A_1244 : i32 to vector<16xi32>
    %and3A_1246 = arith.andi %and3A_1243, %and3A_1245 : vector<16xi32>
    %shift_right_logical3A_1247 = arith.constant 4 : i32
    %shift_right_logical3A_1248 = vector.broadcast %shift_right_logical3A_1247 : i32 to vector<16xi32>
    %shift_right_logical3A_1249 = arith.shrui %and3A_1243, %shift_right_logical3A_1248 : vector<16xi32>
    %gather3A_1250 = tpu.vector_load_idx %arg5[%and3A_1246, %shift_right_logical3A_1249] : memref<15x15xf32, #tpu.memory_space<vmem>>[vector<16xi32>, vector<16xi32>], vector<16xf32>,
    %swap3A_1251 = arith.constant 17 : i32
    %swap3A_1252 = arith.index_cast %swap3A_1251 : i32 to index
    %swap3A_1253 = arith.constant 0 : index
    %swap3A_1254 = tpu.vector_load %arg7[%swap3A_1252, %swap3A_1253] {strides = array<i32>} : memref<64x64xf32, #tpu.memory_space<vmem>>, vector<16xf32>,
    tpu.vector_store %arg7[%swap3A_1252, %swap3A_1253], %gather3A_1250 {strides = array<i32>} : memref<64x64xf32, #tpu.memory_space<vmem>>, vector<16xf32>,
    %shift_right_logical3A_1255 = arith.constant 8 : i32
    %shift_right_logical3A_1256 = vector.broadcast %shift_right_logical3A_1255 : i32 to vector<16xi32>
    %shift_right_logical3A_1257 = arith.shrui %get3A_1237, %shift_right_logical3A_1256 : vector<16xi32>
    %and3A_1258 = arith.constant 255 : i32
    %and3A_1259 = vector.broadcast %and3A_1258 : i32 to vector<16xi32>
    %and3A_1260 = arith.andi %shift_right_logical3A_1257, %and3A_1259 : vector<16xi32>
    %and3A_1261 = arith.constant 15 : i32
    %and3A_1262 = vector.broadcast %and3A_1261 : i32 to vector<16xi32>
    %and3A_1263 = arith.andi %and3A_1260, %and3A_1262 : vector<16xi32>
    %shift_right_logical3A_1264 = arith.constant 4 : i32
    %shift_right_logical3A_1265 = vector.broadcast %shift_right_logical3A_1264 : i32 to vector<16xi32>
    %shift_right_logical3A_1266 = arith.shrui %and3A_1260, %shift_right_logical3A_1265 : vector<16xi32>
    %gather3A_1267 = tpu.vector_load_idx %arg5[%and3A_1263, %shift_right_logical3A_1266] : memref<15x15xf32, #tpu.memory_space<vmem>>[vector<16xi32>, vector<16xi32>], vector<16xf32>,
    %swap3A_1268 = arith.constant 17 : i32
    %swap3A_1269 = arith.index_cast %swap3A_1268 : i32 to index
    %swap3A_1270 = arith.constant 16 : index
    %swap3A_1271 = tpu.vector_load %arg7[%swap3A_1269, %swap3A_1270] {strides = array<i32>} : memref<64x64xf32, #tpu.memory_space<vmem>>, vector<16xf32>,
    tpu.vector_store %arg7[%swap3A_1269, %swap3A_1270], %gather3A_1267 {strides = array<i32>} : memref<64x64xf32, #tpu.memory_space<vmem>>, vector<16xf32>,
    %shift_right_logical3A_1272 = arith.constant 16 : i32
    %shift_right_logical3A_1273 = vector.broadcast %shift_right_logical3A_1272 : i32 to vector<16xi32>
    %shift_right_logical3A_1274 = arith.shrui %get3A_1237, %shift_right_logical3A_1273 : vector<16xi32>
    %and3A_1275 = arith.constant 255 : i32
    %and3A_1276 = vector.broadcast %and3A_1275 : i32 to vector<16xi32>
    %and3A_1277 = arith.andi %shift_right_logical3A_1274, %and3A_1276 : vector<16xi32>
    %and3A_1278 = arith.constant 15 : i32
    %and3A_1279 = vector.broadcast %and3A_1278 : i32 to vector<16xi32>
    %and3A_1280 = arith.andi %and3A_1277, %and3A_1279 : vector<16xi32>
    %shift_right_logical3A_1281 = arith.constant 4 : i32
    %shift_right_logical3A_1282 = vector.broadcast %shift_right_logical3A_1281 : i32 to vector<16xi32>
    %shift_right_logical3A_1283 = arith.shrui %and3A_1277, %shift_right_logical3A_1282 : vector<16xi32>
    %gather3A_1284 = tpu.vector_load_idx %arg5[%and3A_1280, %shift_right_logical3A_1283] : memref<15x15xf32, #tpu.memory_space<vmem>>[vector<16xi32>, vector<16xi32>], vector<16xf32>,
    %swap3A_1285 = arith.constant 17 : i32
    %swap3A_1286 = arith.index_cast %swap3A_1285 : i32 to index
    %swap3A_1287 = arith.constant 32 : index
    %swap3A_1288 = tpu.vector_load %arg7[%swap3A_1286, %swap3A_1287] {strides = array<i32>} : memref<64x64xf32, #tpu.memory_space<vmem>>, vector<16xf32>,
    tpu.vector_store %arg7[%swap3A_1286, %swap3A_1287], %gather3A_1284 {strides = array<i32>} : memref<64x64xf32, #tpu.memory_space<vmem>>, vector<16xf32>,
    %shift_right_logical3A_1289 = arith.constant 24 : i32
    %shift_right_logical3A_1290 = vector.broadcast %shift_right_logical3A_1289 : i32 to vector<16xi32>
    %shift_right_logical3A_1291 = arith.shrui %get3A_1237, %shift_right_logical3A_1290 : vector<16xi32>
    %and3A_1292 = arith.constant 255 : i32
    %and3A_1293 = vector.broadcast %and3A_1292 : i32 to vector<16xi32>
    %and3A_1294 = arith.andi %shift_right_logical3A_1291, %and3A_1293 : vector<16xi32>
    %and3A_1295 = arith.constant 15 : i32
    %and3A_1296 = vector.broadcast %and3A_1295 : i32 to vector<16xi32>
    %and3A_1297 = arith.andi %and3A_1294, %and3A_1296 : vector<16xi32>
    %shift_right_logical3A_1298 = arith.constant 4 : i32
    %shift_right_logical3A_1299 = vector.broadcast %shift_right_logical3A_1298 : i32 to vector<16xi32>
    %shift_right_logical3A_1300 = arith.shrui %and3A_1294, %shift_right_logical3A_1299 : vector<16xi32>
    %gather3A_1301 = tpu.vector_load_idx %arg5[%and3A_1297, %shift_right_logical3A_1300] : memref<15x15xf32, #tpu.memory_space<vmem>>[vector<16xi32>, vector<16xi32>], vector<16xf32>,
    %swap3A_1302 = arith.constant 17 : i32
    %swap3A_1303 = arith.index_cast %swap3A_1302 : i32 to index
    %swap3A_1304 = arith.constant 48 : index
    %swap3A_1305 = tpu.vector_load %arg7[%swap3A_1303, %swap3A_1304] {strides = array<i32>} : memref<64x64xf32, #tpu.memory_space<vmem>>, vector<16xf32>,
    tpu.vector_store %arg7[%swap3A_1303, %swap3A_1304], %gather3A_1301 {strides = array<i32>} : memref<64x64xf32, #tpu.memory_space<vmem>>, vector<16xf32>,
    %get3A_1306 = arith.constant 2 : i32
    %get3A_1307 = arith.index_cast %get3A_1306 : i32 to index
    %get3A_1308 = arith.constant 32 : index
    %get3A_1309 = tpu.vector_load %arg6[%get3A_1307, %get3A_1308] {strides = array<i32>} : memref<8x128xi32, #tpu.memory_space<vmem>>, vector<16xi32>,
    %shift_right_logical3A_1310 = arith.constant 0 : i32
    %shift_right_logical3A_1311 = vector.broadcast %shift_right_logical3A_1310 : i32 to vector<16xi32>
    %shift_right_logical3A_1312 = arith.shrui %get3A_1309, %shift_right_logical3A_1311 : vector<16xi32>
    %and3A_1313 = arith.constant 255 : i32
    %and3A_1314 = vector.broadcast %and3A_1313 : i32 to vector<16xi32>
    %and3A_1315 = arith.andi %shift_right_logical3A_1312, %and3A_1314 : vector<16xi32>
    %and3A_1316 = arith.constant 15 : i32
    %and3A_1317 = vector.broadcast %and3A_1316 : i32 to vector<16xi32>
    %and3A_1318 = arith.andi %and3A_1315, %and3A_1317 : vector<16xi32>
    %shift_right_logical3A_1319 = arith.constant 4 : i32
    %shift_right_logical3A_1320 = vector.broadcast %shift_right_logical3A_1319 : i32 to vector<16xi32>
    %shift_right_logical3A_1321 = arith.shrui %and3A_1315, %shift_right_logical3A_1320 : vector<16xi32>
    %gather3A_1322 = tpu.vector_load_idx %arg5[%and3A_1318, %shift_right_logical3A_1321] : memref<15x15xf32, #tpu.memory_space<vmem>>[vector<16xi32>, vector<16xi32>], vector<16xf32>,
    %swap3A_1323 = arith.constant 18 : i32
    %swap3A_1324 = arith.index_cast %swap3A_1323 : i32 to index
    %swap3A_1325 = arith.constant 0 : index
    %swap3A_1326 = tpu.vector_load %arg7[%swap3A_1324, %swap3A_1325] {strides = array<i32>} : memref<64x64xf32, #tpu.memory_space<vmem>>, vector<16xf32>,
    tpu.vector_store %arg7[%swap3A_1324, %swap3A_1325], %gather3A_1322 {strides = array<i32>} : memref<64x64xf32, #tpu.memory_space<vmem>>, vector<16xf32>,
    %shift_right_logical3A_1327 = arith.constant 8 : i32
    %shift_right_logical3A_1328 = vector.broadcast %shift_right_logical3A_1327 : i32 to vector<16xi32>
    %shift_right_logical3A_1329 = arith.shrui %get3A_1309, %shift_right_logical3A_1328 : vector<16xi32>
    %and3A_1330 = arith.constant 255 : i32
    %and3A_1331 = vector.broadcast %and3A_1330 : i32 to vector<16xi32>
    %and3A_1332 = arith.andi %shift_right_logical3A_1329, %and3A_1331 : vector<16xi32>
    %and3A_1333 = arith.constant 15 : i32
    %and3A_1334 = vector.broadcast %and3A_1333 : i32 to vector<16xi32>
    %and3A_1335 = arith.andi %and3A_1332, %and3A_1334 : vector<16xi32>
    %shift_right_logical3A_1336 = arith.constant 4 : i32
    %shift_right_logical3A_1337 = vector.broadcast %shift_right_logical3A_1336 : i32 to vector<16xi32>
    %shift_right_logical3A_1338 = arith.shrui %and3A_1332, %shift_right_logical3A_1337 : vector<16xi32>
    %gather3A_1339 = tpu.vector_load_idx %arg5[%and3A_1335, %shift_right_logical3A_1338] : memref<15x15xf32, #tpu.memory_space<vmem>>[vector<16xi32>, vector<16xi32>], vector<16xf32>,
    %swap3A_1340 = arith.constant 18 : i32
    %swap3A_1341 = arith.index_cast %swap3A_1340 : i32 to index
    %swap3A_1342 = arith.constant 16 : index
    %swap3A_1343 = tpu.vector_load %arg7[%swap3A_1341, %swap3A_1342] {strides = array<i32>} : memref<64x64xf32, #tpu.memory_space<vmem>>, vector<16xf32>,
    tpu.vector_store %arg7[%swap3A_1341, %swap3A_1342], %gather3A_1339 {strides = array<i32>} : memref<64x64xf32, #tpu.memory_space<vmem>>, vector<16xf32>,
    %shift_right_logical3A_1344 = arith.constant 16 : i32
    %shift_right_logical3A_1345 = vector.broadcast %shift_right_logical3A_1344 : i32 to vector<16xi32>
    %shift_right_logical3A_1346 = arith.shrui %get3A_1309, %shift_right_logical3A_1345 : vector<16xi32>
    %and3A_1347 = arith.constant 255 : i32
    %and3A_1348 = vector.broadcast %and3A_1347 : i32 to vector<16xi32>
    %and3A_1349 = arith.andi %shift_right_logical3A_1346, %and3A_1348 : vector<16xi32>
    %and3A_1350 = arith.constant 15 : i32
    %and3A_1351 = vector.broadcast %and3A_1350 : i32 to vector<16xi32>
    %and3A_1352 = arith.andi %and3A_1349, %and3A_1351 : vector<16xi32>
    %shift_right_logical3A_1353 = arith.constant 4 : i32
    %shift_right_logical3A_1354 = vector.broadcast %shift_right_logical3A_1353 : i32 to vector<16xi32>
    %shift_right_logical3A_1355 = arith.shrui %and3A_1349, %shift_right_logical3A_1354 : vector<16xi32>
    %gather3A_1356 = tpu.vector_load_idx %arg5[%and3A_1352, %shift_right_logical3A_1355] : memref<15x15xf32, #tpu.memory_space<vmem>>[vector<16xi32>, vector<16xi32>], vector<16xf32>,
    %swap3A_1357 = arith.constant 18 : i32
    %swap3A_1358 = arith.index_cast %swap3A_1357 : i32 to index
    %swap3A_1359 = arith.constant 32 : index
    %swap3A_1360 = tpu.vector_load %arg7[%swap3A_1358, %swap3A_1359] {strides = array<i32>} : memref<64x64xf32, #tpu.memory_space<vmem>>, vector<16xf32>,
    tpu.vector_store %arg7[%swap3A_1358, %swap3A_1359], %gather3A_1356 {strides = array<i32>} : memref<64x64xf32, #tpu.memory_space<vmem>>, vector<16xf32>,
    %shift_right_logical3A_1361 = arith.constant 24 : i32
    %shift_right_logical3A_1362 = vector.broadcast %shift_right_logical3A_1361 : i32 to vector<16xi32>
    %shift_right_logical3A_1363 = arith.shrui %get3A_1309, %shift_right_logical3A_1362 : vector<16xi32>
    %and3A_1364 = arith.constant 255 : i32
    %and3A_1365 = vector.broadcast %and3A_1364 : i32 to vector<16xi32>
    %and3A_1366 = arith.andi %shift_right_logical3A_1363, %and3A_1365 : vector<16xi32>
    %and3A_1367 = arith.constant 15 : i32
    %and3A_1368 = vector.broadcast %and3A_1367 : i32 to vector<16xi32>
    %and3A_1369 = arith.andi %and3A_1366, %and3A_1368 : vector<16xi32>
    %shift_right_logical3A_1370 = arith.constant 4 : i32
    %shift_right_logical3A_1371 = vector.broadcast %shift_right_logical3A_1370 : i32 to vector<16xi32>
    %shift_right_logical3A_1372 = arith.shrui %and3A_1366, %shift_right_logical3A_1371 : vector<16xi32>
    %gather3A_1373 = tpu.vector_load_idx %arg5[%and3A_1369, %shift_right_logical3A_1372] : memref<15x15xf32, #tpu.memory_space<vmem>>[vector<16xi32>, vector<16xi32>], vector<16xf32>,
    %swap3A_1374 = arith.constant 18 : i32
    %swap3A_1375 = arith.index_cast %swap3A_1374 : i32 to index
    %swap3A_1376 = arith.constant 48 : index
    %swap3A_1377 = tpu.vector_load %arg7[%swap3A_1375, %swap3A_1376] {strides = array<i32>} : memref<64x64xf32, #tpu.memory_space<vmem>>, vector<16xf32>,
    tpu.vector_store %arg7[%swap3A_1375, %swap3A_1376], %gather3A_1373 {strides = array<i32>} : memref<64x64xf32, #tpu.memory_space<vmem>>, vector<16xf32>,
    %get3A_1378 = arith.constant 2 : i32
    %get3A_1379 = arith.index_cast %get3A_1378 : i32 to index
    %get3A_1380 = arith.constant 48 : index
    %get3A_1381 = tpu.vector_load %arg6[%get3A_1379, %get3A_1380] {strides = array<i32>} : memref<8x128xi32, #tpu.memory_space<vmem>>, vector<16xi32>,
    %shift_right_logical3A_1382 = arith.constant 0 : i32
    %shift_right_logical3A_1383 = vector.broadcast %shift_right_logical3A_1382 : i32 to vector<16xi32>
    %shift_right_logical3A_1384 = arith.shrui %get3A_1381, %shift_right_logical3A_1383 : vector<16xi32>
    %and3A_1385 = arith.constant 255 : i32
    %and3A_1386 = vector.broadcast %and3A_1385 : i32 to vector<16xi32>
    %and3A_1387 = arith.andi %shift_right_logical3A_1384, %and3A_1386 : vector<16xi32>
    %and3A_1388 = arith.constant 15 : i32
    %and3A_1389 = vector.broadcast %and3A_1388 : i32 to vector<16xi32>
    %and3A_1390 = arith.andi %and3A_1387, %and3A_1389 : vector<16xi32>
    %shift_right_logical3A_1391 = arith.constant 4 : i32
    %shift_right_logical3A_1392 = vector.broadcast %shift_right_logical3A_1391 : i32 to vector<16xi32>
    %shift_right_logical3A_1393 = arith.shrui %and3A_1387, %shift_right_logical3A_1392 : vector<16xi32>
    %gather3A_1394 = tpu.vector_load_idx %arg5[%and3A_1390, %shift_right_logical3A_1393] : memref<15x15xf32, #tpu.memory_space<vmem>>[vector<16xi32>, vector<16xi32>], vector<16xf32>,
    %swap3A_1395 = arith.constant 19 : i32
    %swap3A_1396 = arith.index_cast %swap3A_1395 : i32 to index
    %swap3A_1397 = arith.constant 0 : index
    %swap3A_1398 = tpu.vector_load %arg7[%swap3A_1396, %swap3A_1397] {strides = array<i32>} : memref<64x64xf32, #tpu.memory_space<vmem>>, vector<16xf32>,
    tpu.vector_store %arg7[%swap3A_1396, %swap3A_1397], %gather3A_1394 {strides = array<i32>} : memref<64x64xf32, #tpu.memory_space<vmem>>, vector<16xf32>,
    %shift_right_logical3A_1399 = arith.constant 8 : i32
    %shift_right_logical3A_1400 = vector.broadcast %shift_right_logical3A_1399 : i32 to vector<16xi32>
    %shift_right_logical3A_1401 = arith.shrui %get3A_1381, %shift_right_logical3A_1400 : vector<16xi32>
    %and3A_1402 = arith.constant 255 : i32
    %and3A_1403 = vector.broadcast %and3A_1402 : i32 to vector<16xi32>
    %and3A_1404 = arith.andi %shift_right_logical3A_1401, %and3A_1403 : vector<16xi32>
    %and3A_1405 = arith.constant 15 : i32
    %and3A_1406 = vector.broadcast %and3A_1405 : i32 to vector<16xi32>
    %and3A_1407 = arith.andi %and3A_1404, %and3A_1406 : vector<16xi32>
    %shift_right_logical3A_1408 = arith.constant 4 : i32
    %shift_right_logical3A_1409 = vector.broadcast %shift_right_logical3A_1408 : i32 to vector<16xi32>
    %shift_right_logical3A_1410 = arith.shrui %and3A_1404, %shift_right_logical3A_1409 : vector<16xi32>
    %gather3A_1411 = tpu.vector_load_idx %arg5[%and3A_1407, %shift_right_logical3A_1410] : memref<15x15xf32, #tpu.memory_space<vmem>>[vector<16xi32>, vector<16xi32>], vector<16xf32>,
    %swap3A_1412 = arith.constant 19 : i32
    %swap3A_1413 = arith.index_cast %swap3A_1412 : i32 to index
    %swap3A_1414 = arith.constant 16 : index
    %swap3A_1415 = tpu.vector_load %arg7[%swap3A_1413, %swap3A_1414] {strides = array<i32>} : memref<64x64xf32, #tpu.memory_space<vmem>>, vector<16xf32>,
    tpu.vector_store %arg7[%swap3A_1413, %swap3A_1414], %gather3A_1411 {strides = array<i32>} : memref<64x64xf32, #tpu.memory_space<vmem>>, vector<16xf32>,
    %shift_right_logical3A_1416 = arith.constant 16 : i32
    %shift_right_logical3A_1417 = vector.broadcast %shift_right_logical3A_1416 : i32 to vector<16xi32>
    %shift_right_logical3A_1418 = arith.shrui %get3A_1381, %shift_right_logical3A_1417 : vector<16xi32>
    %and3A_1419 = arith.constant 255 : i32
    %and3A_1420 = vector.broadcast %and3A_1419 : i32 to vector<16xi32>
    %and3A_1421 = arith.andi %shift_right_logical3A_1418, %and3A_1420 : vector<16xi32>
    %and3A_1422 = arith.constant 15 : i32
    %and3A_1423 = vector.broadcast %and3A_1422 : i32 to vector<16xi32>
    %and3A_1424 = arith.andi %and3A_1421, %and3A_1423 : vector<16xi32>
    %shift_right_logical3A_1425 = arith.constant 4 : i32
    %shift_right_logical3A_1426 = vector.broadcast %shift_right_logical3A_1425 : i32 to vector<16xi32>
    %shift_right_logical3A_1427 = arith.shrui %and3A_1421, %shift_right_logical3A_1426 : vector<16xi32>
    %gather3A_1428 = tpu.vector_load_idx %arg5[%and3A_1424, %shift_right_logical3A_1427] : memref<15x15xf32, #tpu.memory_space<vmem>>[vector<16xi32>, vector<16xi32>], vector<16xf32>,
    %swap3A_1429 = arith.constant 19 : i32
    %swap3A_1430 = arith.index_cast %swap3A_1429 : i32 to index
    %swap3A_1431 = arith.constant 32 : index
    %swap3A_1432 = tpu.vector_load %arg7[%swap3A_1430, %swap3A_1431] {strides = array<i32>} : memref<64x64xf32, #tpu.memory_space<vmem>>, vector<16xf32>,
    tpu.vector_store %arg7[%swap3A_1430, %swap3A_1431], %gather3A_1428 {strides = array<i32>} : memref<64x64xf32, #tpu.memory_space<vmem>>, vector<16xf32>,
    %shift_right_logical3A_1433 = arith.constant 24 : i32
    %shift_right_logical3A_1434 = vector.broadcast %shift_right_logical3A_1433 : i32 to vector<16xi32>
    %shift_right_logical3A_1435 = arith.shrui %get3A_1381, %shift_right_logical3A_1434 : vector<16xi32>
    %and3A_1436 = arith.constant 255 : i32
    %and3A_1437 = vector.broadcast %and3A_1436 : i32 to vector<16xi32>
    %and3A_1438 = arith.andi %shift_right_logical3A_1435, %and3A_1437 : vector<16xi32>
    %and3A_1439 = arith.constant 15 : i32
    %and3A_1440 = vector.broadcast %and3A_1439 : i32 to vector<16xi32>
    %and3A_1441 = arith.andi %and3A_1438, %and3A_1440 : vector<16xi32>
    %shift_right_logical3A_1442 = arith.constant 4 : i32
    %shift_right_logical3A_1443 = vector.broadcast %shift_right_logical3A_1442 : i32 to vector<16xi32>
    %shift_right_logical3A_1444 = arith.shrui %and3A_1438, %shift_right_logical3A_1443 : vector<16xi32>
    %gather3A_1445 = tpu.vector_load_idx %arg5[%and3A_1441, %shift_right_logical3A_1444] : memref<15x15xf32, #tpu.memory_space<vmem>>[vector<16xi32>, vector<16xi32>], vector<16xf32>,
    %swap3A_1446 = arith.constant 19 : i32
    %swap3A_1447 = arith.index_cast %swap3A_1446 : i32 to index
    %swap3A_1448 = arith.constant 48 : index
    %swap3A_1449 = tpu.vector_load %arg7[%swap3A_1447, %swap3A_1448] {strides = array<i32>} : memref<64x64xf32, #tpu.memory_space<vmem>>, vector<16xf32>,
    tpu.vector_store %arg7[%swap3A_1447, %swap3A_1448], %gather3A_1445 {strides = array<i32>} : memref<64x64xf32, #tpu.memory_space<vmem>>, vector<16xf32>,
    %get3A_1450 = arith.constant 2 : i32
    %get3A_1451 = arith.index_cast %get3A_1450 : i32 to index
    %get3A_1452 = arith.constant 64 : index
    %get3A_1453 = tpu.vector_load %arg6[%get3A_1451, %get3A_1452] {strides = array<i32>} : memref<8x128xi32, #tpu.memory_space<vmem>>, vector<16xi32>,
    %shift_right_logical3A_1454 = arith.constant 0 : i32
    %shift_right_logical3A_1455 = vector.broadcast %shift_right_logical3A_1454 : i32 to vector<16xi32>
    %shift_right_logical3A_1456 = arith.shrui %get3A_1453, %shift_right_logical3A_1455 : vector<16xi32>
    %and3A_1457 = arith.constant 255 : i32
    %and3A_1458 = vector.broadcast %and3A_1457 : i32 to vector<16xi32>
    %and3A_1459 = arith.andi %shift_right_logical3A_1456, %and3A_1458 : vector<16xi32>
    %and3A_1460 = arith.constant 15 : i32
    %and3A_1461 = vector.broadcast %and3A_1460 : i32 to vector<16xi32>
    %and3A_1462 = arith.andi %and3A_1459, %and3A_1461 : vector<16xi32>
    %shift_right_logical3A_1463 = arith.constant 4 : i32
    %shift_right_logical3A_1464 = vector.broadcast %shift_right_logical3A_1463 : i32 to vector<16xi32>
    %shift_right_logical3A_1465 = arith.shrui %and3A_1459, %shift_right_logical3A_1464 : vector<16xi32>
    %gather3A_1466 = tpu.vector_load_idx %arg5[%and3A_1462, %shift_right_logical3A_1465] : memref<15x15xf32, #tpu.memory_space<vmem>>[vector<16xi32>, vector<16xi32>], vector<16xf32>,
    %swap3A_1467 = arith.constant 20 : i32
    %swap3A_1468 = arith.index_cast %swap3A_1467 : i32 to index
    %swap3A_1469 = arith.constant 0 : index
    %swap3A_1470 = tpu.vector_load %arg7[%swap3A_1468, %swap3A_1469] {strides = array<i32>} : memref<64x64xf32, #tpu.memory_space<vmem>>, vector<16xf32>,
    tpu.vector_store %arg7[%swap3A_1468, %swap3A_1469], %gather3A_1466 {strides = array<i32>} : memref<64x64xf32, #tpu.memory_space<vmem>>, vector<16xf32>,
    %shift_right_logical3A_1471 = arith.constant 8 : i32
    %shift_right_logical3A_1472 = vector.broadcast %shift_right_logical3A_1471 : i32 to vector<16xi32>
    %shift_right_logical3A_1473 = arith.shrui %get3A_1453, %shift_right_logical3A_1472 : vector<16xi32>
    %and3A_1474 = arith.constant 255 : i32
    %and3A_1475 = vector.broadcast %and3A_1474 : i32 to vector<16xi32>
    %and3A_1476 = arith.andi %shift_right_logical3A_1473, %and3A_1475 : vector<16xi32>
    %and3A_1477 = arith.constant 15 : i32
    %and3A_1478 = vector.broadcast %and3A_1477 : i32 to vector<16xi32>
    %and3A_1479 = arith.andi %and3A_1476, %and3A_1478 : vector<16xi32>
    %shift_right_logical3A_1480 = arith.constant 4 : i32
    %shift_right_logical3A_1481 = vector.broadcast %shift_right_logical3A_1480 : i32 to vector<16xi32>
    %shift_right_logical3A_1482 = arith.shrui %and3A_1476, %shift_right_logical3A_1481 : vector<16xi32>
    %gather3A_1483 = tpu.vector_load_idx %arg5[%and3A_1479, %shift_right_logical3A_1482] : memref<15x15xf32, #tpu.memory_space<vmem>>[vector<16xi32>, vector<16xi32>], vector<16xf32>,
    %swap3A_1484 = arith.constant 20 : i32
    %swap3A_1485 = arith.index_cast %swap3A_1484 : i32 to index
    %swap3A_1486 = arith.constant 16 : index
    %swap3A_1487 = tpu.vector_load %arg7[%swap3A_1485, %swap3A_1486] {strides = array<i32>} : memref<64x64xf32, #tpu.memory_space<vmem>>, vector<16xf32>,
    tpu.vector_store %arg7[%swap3A_1485, %swap3A_1486], %gather3A_1483 {strides = array<i32>} : memref<64x64xf32, #tpu.memory_space<vmem>>, vector<16xf32>,
    %shift_right_logical3A_1488 = arith.constant 16 : i32
    %shift_right_logical3A_1489 = vector.broadcast %shift_right_logical3A_1488 : i32 to vector<16xi32>
    %shift_right_logical3A_1490 = arith.shrui %get3A_1453, %shift_right_logical3A_1489 : vector<16xi32>
    %and3A_1491 = arith.constant 255 : i32
    %and3A_1492 = vector.broadcast %and3A_1491 : i32 to vector<16xi32>
    %and3A_1493 = arith.andi %shift_right_logical3A_1490, %and3A_1492 : vector<16xi32>
    %and3A_1494 = arith.constant 15 : i32
    %and3A_1495 = vector.broadcast %and3A_1494 : i32 to vector<16xi32>
    %and3A_1496 = arith.andi %and3A_1493, %and3A_1495 : vector<16xi32>
    %shift_right_logical3A_1497 = arith.constant 4 : i32
    %shift_right_logical3A_1498 = vector.broadcast %shift_right_logical3A_1497 : i32 to vector<16xi32>
    %shift_right_logical3A_1499 = arith.shrui %and3A_1493, %shift_right_logical3A_1498 : vector<16xi32>
    %gather3A_1500 = tpu.vector_load_idx %arg5[%and3A_1496, %shift_right_logical3A_1499] : memref<15x15xf32, #tpu.memory_space<vmem>>[vector<16xi32>, vector<16xi32>], vector<16xf32>,
    %swap3A_1501 = arith.constant 20 : i32
    %swap3A_1502 = arith.index_cast %swap3A_1501 : i32 to index
    %swap3A_1503 = arith.constant 32 : index
    %swap3A_1504 = tpu.vector_load %arg7[%swap3A_1502, %swap3A_1503] {strides = array<i32>} : memref<64x64xf32, #tpu.memory_space<vmem>>, vector<16xf32>,
    tpu.vector_store %arg7[%swap3A_1502, %swap3A_1503], %gather3A_1500 {strides = array<i32>} : memref<64x64xf32, #tpu.memory_space<vmem>>, vector<16xf32>,
    %shift_right_logical3A_1505 = arith.constant 24 : i32
    %shift_right_logical3A_1506 = vector.broadcast %shift_right_logical3A_1505 : i32 to vector<16xi32>
    %shift_right_logical3A_1507 = arith.shrui %get3A_1453, %shift_right_logical3A_1506 : vector<16xi32>
    %and3A_1508 = arith.constant 255 : i32
    %and3A_1509 = vector.broadcast %and3A_1508 : i32 to vector<16xi32>
    %and3A_1510 = arith.andi %shift_right_logical3A_1507, %and3A_1509 : vector<16xi32>
    %and3A_1511 = arith.constant 15 : i32
    %and3A_1512 = vector.broadcast %and3A_1511 : i32 to vector<16xi32>
    %and3A_1513 = arith.andi %and3A_1510, %and3A_1512 : vector<16xi32>
    %shift_right_logical3A_1514 = arith.constant 4 : i32
    %shift_right_logical3A_1515 = vector.broadcast %shift_right_logical3A_1514 : i32 to vector<16xi32>
    %shift_right_logical3A_1516 = arith.shrui %and3A_1510, %shift_right_logical3A_1515 : vector<16xi32>
    %gather3A_1517 = tpu.vector_load_idx %arg5[%and3A_1513, %shift_right_logical3A_1516] : memref<15x15xf32, #tpu.memory_space<vmem>>[vector<16xi32>, vector<16xi32>], vector<16xf32>,
    %swap3A_1518 = arith.constant 20 : i32
    %swap3A_1519 = arith.index_cast %swap3A_1518 : i32 to index
    %swap3A_1520 = arith.constant 48 : index
    %swap3A_1521 = tpu.vector_load %arg7[%swap3A_1519, %swap3A_1520] {strides = array<i32>} : memref<64x64xf32, #tpu.memory_space<vmem>>, vector<16xf32>,
    tpu.vector_store %arg7[%swap3A_1519, %swap3A_1520], %gather3A_1517 {strides = array<i32>} : memref<64x64xf32, #tpu.memory_space<vmem>>, vector<16xf32>,
    %get3A_1522 = arith.constant 2 : i32
    %get3A_1523 = arith.index_cast %get3A_1522 : i32 to index
    %get3A_1524 = arith.constant 80 : index
    %get3A_1525 = tpu.vector_load %arg6[%get3A_1523, %get3A_1524] {strides = array<i32>} : memref<8x128xi32, #tpu.memory_space<vmem>>, vector<16xi32>,
    %shift_right_logical3A_1526 = arith.constant 0 : i32
    %shift_right_logical3A_1527 = vector.broadcast %shift_right_logical3A_1526 : i32 to vector<16xi32>
    %shift_right_logical3A_1528 = arith.shrui %get3A_1525, %shift_right_logical3A_1527 : vector<16xi32>
    %and3A_1529 = arith.constant 255 : i32
    %and3A_1530 = vector.broadcast %and3A_1529 : i32 to vector<16xi32>
    %and3A_1531 = arith.andi %shift_right_logical3A_1528, %and3A_1530 : vector<16xi32>
    %and3A_1532 = arith.constant 15 : i32
    %and3A_1533 = vector.broadcast %and3A_1532 : i32 to vector<16xi32>
    %and3A_1534 = arith.andi %and3A_1531, %and3A_1533 : vector<16xi32>
    %shift_right_logical3A_1535 = arith.constant 4 : i32
    %shift_right_logical3A_1536 = vector.broadcast %shift_right_logical3A_1535 : i32 to vector<16xi32>
    %shift_right_logical3A_1537 = arith.shrui %and3A_1531, %shift_right_logical3A_1536 : vector<16xi32>
    %gather3A_1538 = tpu.vector_load_idx %arg5[%and3A_1534, %shift_right_logical3A_1537] : memref<15x15xf32, #tpu.memory_space<vmem>>[vector<16xi32>, vector<16xi32>], vector<16xf32>,
    %swap3A_1539 = arith.constant 21 : i32
    %swap3A_1540 = arith.index_cast %swap3A_1539 : i32 to index
    %swap3A_1541 = arith.constant 0 : index
    %swap3A_1542 = tpu.vector_load %arg7[%swap3A_1540, %swap3A_1541] {strides = array<i32>} : memref<64x64xf32, #tpu.memory_space<vmem>>, vector<16xf32>,
    tpu.vector_store %arg7[%swap3A_1540, %swap3A_1541], %gather3A_1538 {strides = array<i32>} : memref<64x64xf32, #tpu.memory_space<vmem>>, vector<16xf32>,
    %shift_right_logical3A_1543 = arith.constant 8 : i32
    %shift_right_logical3A_1544 = vector.broadcast %shift_right_logical3A_1543 : i32 to vector<16xi32>
    %shift_right_logical3A_1545 = arith.shrui %get3A_1525, %shift_right_logical3A_1544 : vector<16xi32>
    %and3A_1546 = arith.constant 255 : i32
    %and3A_1547 = vector.broadcast %and3A_1546 : i32 to vector<16xi32>
    %and3A_1548 = arith.andi %shift_right_logical3A_1545, %and3A_1547 : vector<16xi32>
    %and3A_1549 = arith.constant 15 : i32
    %and3A_1550 = vector.broadcast %and3A_1549 : i32 to vector<16xi32>
    %and3A_1551 = arith.andi %and3A_1548, %and3A_1550 : vector<16xi32>
    %shift_right_logical3A_1552 = arith.constant 4 : i32
    %shift_right_logical3A_1553 = vector.broadcast %shift_right_logical3A_1552 : i32 to vector<16xi32>
    %shift_right_logical3A_1554 = arith.shrui %and3A_1548, %shift_right_logical3A_1553 : vector<16xi32>
    %gather3A_1555 = tpu.vector_load_idx %arg5[%and3A_1551, %shift_right_logical3A_1554] : memref<15x15xf32, #tpu.memory_space<vmem>>[vector<16xi32>, vector<16xi32>], vector<16xf32>,
    %swap3A_1556 = arith.constant 21 : i32
    %swap3A_1557 = arith.index_cast %swap3A_1556 : i32 to index
    %swap3A_1558 = arith.constant 16 : index
    %swap3A_1559 = tpu.vector_load %arg7[%swap3A_1557, %swap3A_1558] {strides = array<i32>} : memref<64x64xf32, #tpu.memory_space<vmem>>, vector<16xf32>,
    tpu.vector_store %arg7[%swap3A_1557, %swap3A_1558], %gather3A_1555 {strides = array<i32>} : memref<64x64xf32, #tpu.memory_space<vmem>>, vector<16xf32>,
    %shift_right_logical3A_1560 = arith.constant 16 : i32
    %shift_right_logical3A_1561 = vector.broadcast %shift_right_logical3A_1560 : i32 to vector<16xi32>
    %shift_right_logical3A_1562 = arith.shrui %get3A_1525, %shift_right_logical3A_1561 : vector<16xi32>
    %and3A_1563 = arith.constant 255 : i32
    %and3A_1564 = vector.broadcast %and3A_1563 : i32 to vector<16xi32>
    %and3A_1565 = arith.andi %shift_right_logical3A_1562, %and3A_1564 : vector<16xi32>
    %and3A_1566 = arith.constant 15 : i32
    %and3A_1567 = vector.broadcast %and3A_1566 : i32 to vector<16xi32>
    %and3A_1568 = arith.andi %and3A_1565, %and3A_1567 : vector<16xi32>
    %shift_right_logical3A_1569 = arith.constant 4 : i32
    %shift_right_logical3A_1570 = vector.broadcast %shift_right_logical3A_1569 : i32 to vector<16xi32>
    %shift_right_logical3A_1571 = arith.shrui %and3A_1565, %shift_right_logical3A_1570 : vector<16xi32>
    %gather3A_1572 = tpu.vector_load_idx %arg5[%and3A_1568, %shift_right_logical3A_1571] : memref<15x15xf32, #tpu.memory_space<vmem>>[vector<16xi32>, vector<16xi32>], vector<16xf32>,
    %swap3A_1573 = arith.constant 21 : i32
    %swap3A_1574 = arith.index_cast %swap3A_1573 : i32 to index
    %swap3A_1575 = arith.constant 32 : index
    %swap3A_1576 = tpu.vector_load %arg7[%swap3A_1574, %swap3A_1575] {strides = array<i32>} : memref<64x64xf32, #tpu.memory_space<vmem>>, vector<16xf32>,
    tpu.vector_store %arg7[%swap3A_1574, %swap3A_1575], %gather3A_1572 {strides = array<i32>} : memref<64x64xf32, #tpu.memory_space<vmem>>, vector<16xf32>,
    %shift_right_logical3A_1577 = arith.constant 24 : i32
    %shift_right_logical3A_1578 = vector.broadcast %shift_right_logical3A_1577 : i32 to vector<16xi32>
    %shift_right_logical3A_1579 = arith.shrui %get3A_1525, %shift_right_logical3A_1578 : vector<16xi32>
    %and3A_1580 = arith.constant 255 : i32
    %and3A_1581 = vector.broadcast %and3A_1580 : i32 to vector<16xi32>
    %and3A_1582 = arith.andi %shift_right_logical3A_1579, %and3A_1581 : vector<16xi32>
    %and3A_1583 = arith.constant 15 : i32
    %and3A_1584 = vector.broadcast %and3A_1583 : i32 to vector<16xi32>
    %and3A_1585 = arith.andi %and3A_1582, %and3A_1584 : vector<16xi32>
    %shift_right_logical3A_1586 = arith.constant 4 : i32
    %shift_right_logical3A_1587 = vector.broadcast %shift_right_logical3A_1586 : i32 to vector<16xi32>
    %shift_right_logical3A_1588 = arith.shrui %and3A_1582, %shift_right_logical3A_1587 : vector<16xi32>
    %gather3A_1589 = tpu.vector_load_idx %arg5[%and3A_1585, %shift_right_logical3A_1588] : memref<15x15xf32, #tpu.memory_space<vmem>>[vector<16xi32>, vector<16xi32>], vector<16xf32>,
    %swap3A_1590 = arith.constant 21 : i32
    %swap3A_1591 = arith.index_cast %swap3A_1590 : i32 to index
    %swap3A_1592 = arith.constant 48 : index
    %swap3A_1593 = tpu.vector_load %arg7[%swap3A_1591, %swap3A_1592] {strides = array<i32>} : memref<64x64xf32, #tpu.memory_space<vmem>>, vector<16xf32>,
    tpu.vector_store %arg7[%swap3A_1591, %swap3A_1592], %gather3A_1589 {strides = array<i32>} : memref<64x64xf32, #tpu.memory_space<vmem>>, vector<16xf32>,
    %get3A_1594 = arith.constant 2 : i32
    %get3A_1595 = arith.index_cast %get3A_1594 : i32 to index
    %get3A_1596 = arith.constant 96 : index
    %get3A_1597 = tpu.vector_load %arg6[%get3A_1595, %get3A_1596] {strides = array<i32>} : memref<8x128xi32, #tpu.memory_space<vmem>>, vector<16xi32>,
    %shift_right_logical3A_1598 = arith.constant 0 : i32
    %shift_right_logical3A_1599 = vector.broadcast %shift_right_logical3A_1598 : i32 to vector<16xi32>
    %shift_right_logical3A_1600 = arith.shrui %get3A_1597, %shift_right_logical3A_1599 : vector<16xi32>
    %and3A_1601 = arith.constant 255 : i32
    %and3A_1602 = vector.broadcast %and3A_1601 : i32 to vector<16xi32>
    %and3A_1603 = arith.andi %shift_right_logical3A_1600, %and3A_1602 : vector<16xi32>
    %and3A_1604 = arith.constant 15 : i32
    %and3A_1605 = vector.broadcast %and3A_1604 : i32 to vector<16xi32>
    %and3A_1606 = arith.andi %and3A_1603, %and3A_1605 : vector<16xi32>
    %shift_right_logical3A_1607 = arith.constant 4 : i32
    %shift_right_logical3A_1608 = vector.broadcast %shift_right_logical3A_1607 : i32 to vector<16xi32>
    %shift_right_logical3A_1609 = arith.shrui %and3A_1603, %shift_right_logical3A_1608 : vector<16xi32>
    %gather3A_1610 = tpu.vector_load_idx %arg5[%and3A_1606, %shift_right_logical3A_1609] : memref<15x15xf32, #tpu.memory_space<vmem>>[vector<16xi32>, vector<16xi32>], vector<16xf32>,
    %swap3A_1611 = arith.constant 22 : i32
    %swap3A_1612 = arith.index_cast %swap3A_1611 : i32 to index
    %swap3A_1613 = arith.constant 0 : index
    %swap3A_1614 = tpu.vector_load %arg7[%swap3A_1612, %swap3A_1613] {strides = array<i32>} : memref<64x64xf32, #tpu.memory_space<vmem>>, vector<16xf32>,
    tpu.vector_store %arg7[%swap3A_1612, %swap3A_1613], %gather3A_1610 {strides = array<i32>} : memref<64x64xf32, #tpu.memory_space<vmem>>, vector<16xf32>,
    %shift_right_logical3A_1615 = arith.constant 8 : i32
    %shift_right_logical3A_1616 = vector.broadcast %shift_right_logical3A_1615 : i32 to vector<16xi32>
    %shift_right_logical3A_1617 = arith.shrui %get3A_1597, %shift_right_logical3A_1616 : vector<16xi32>
    %and3A_1618 = arith.constant 255 : i32
    %and3A_1619 = vector.broadcast %and3A_1618 : i32 to vector<16xi32>
    %and3A_1620 = arith.andi %shift_right_logical3A_1617, %and3A_1619 : vector<16xi32>
    %and3A_1621 = arith.constant 15 : i32
    %and3A_1622 = vector.broadcast %and3A_1621 : i32 to vector<16xi32>
    %and3A_1623 = arith.andi %and3A_1620, %and3A_1622 : vector<16xi32>
    %shift_right_logical3A_1624 = arith.constant 4 : i32
    %shift_right_logical3A_1625 = vector.broadcast %shift_right_logical3A_1624 : i32 to vector<16xi32>
    %shift_right_logical3A_1626 = arith.shrui %and3A_1620, %shift_right_logical3A_1625 : vector<16xi32>
    %gather3A_1627 = tpu.vector_load_idx %arg5[%and3A_1623, %shift_right_logical3A_1626] : memref<15x15xf32, #tpu.memory_space<vmem>>[vector<16xi32>, vector<16xi32>], vector<16xf32>,
    %swap3A_1628 = arith.constant 22 : i32
    %swap3A_1629 = arith.index_cast %swap3A_1628 : i32 to index
    %swap3A_1630 = arith.constant 16 : index
    %swap3A_1631 = tpu.vector_load %arg7[%swap3A_1629, %swap3A_1630] {strides = array<i32>} : memref<64x64xf32, #tpu.memory_space<vmem>>, vector<16xf32>,
    tpu.vector_store %arg7[%swap3A_1629, %swap3A_1630], %gather3A_1627 {strides = array<i32>} : memref<64x64xf32, #tpu.memory_space<vmem>>, vector<16xf32>,
    %shift_right_logical3A_1632 = arith.constant 16 : i32
    %shift_right_logical3A_1633 = vector.broadcast %shift_right_logical3A_1632 : i32 to vector<16xi32>
    %shift_right_logical3A_1634 = arith.shrui %get3A_1597, %shift_right_logical3A_1633 : vector<16xi32>
    %and3A_1635 = arith.constant 255 : i32
    %and3A_1636 = vector.broadcast %and3A_1635 : i32 to vector<16xi32>
    %and3A_1637 = arith.andi %shift_right_logical3A_1634, %and3A_1636 : vector<16xi32>
    %and3A_1638 = arith.constant 15 : i32
    %and3A_1639 = vector.broadcast %and3A_1638 : i32 to vector<16xi32>
    %and3A_1640 = arith.andi %and3A_1637, %and3A_1639 : vector<16xi32>
    %shift_right_logical3A_1641 = arith.constant 4 : i32
    %shift_right_logical3A_1642 = vector.broadcast %shift_right_logical3A_1641 : i32 to vector<16xi32>
    %shift_right_logical3A_1643 = arith.shrui %and3A_1637, %shift_right_logical3A_1642 : vector<16xi32>
    %gather3A_1644 = tpu.vector_load_idx %arg5[%and3A_1640, %shift_right_logical3A_1643] : memref<15x15xf32, #tpu.memory_space<vmem>>[vector<16xi32>, vector<16xi32>], vector<16xf32>,
    %swap3A_1645 = arith.constant 22 : i32
    %swap3A_1646 = arith.index_cast %swap3A_1645 : i32 to index
    %swap3A_1647 = arith.constant 32 : index
    %swap3A_1648 = tpu.vector_load %arg7[%swap3A_1646, %swap3A_1647] {strides = array<i32>} : memref<64x64xf32, #tpu.memory_space<vmem>>, vector<16xf32>,
    tpu.vector_store %arg7[%swap3A_1646, %swap3A_1647], %gather3A_1644 {strides = array<i32>} : memref<64x64xf32, #tpu.memory_space<vmem>>, vector<16xf32>,
    %shift_right_logical3A_1649 = arith.constant 24 : i32
    %shift_right_logical3A_1650 = vector.broadcast %shift_right_logical3A_1649 : i32 to vector<16xi32>
    %shift_right_logical3A_1651 = arith.shrui %get3A_1597, %shift_right_logical3A_1650 : vector<16xi32>
    %and3A_1652 = arith.constant 255 : i32
    %and3A_1653 = vector.broadcast %and3A_1652 : i32 to vector<16xi32>
    %and3A_1654 = arith.andi %shift_right_logical3A_1651, %and3A_1653 : vector<16xi32>
    %and3A_1655 = arith.constant 15 : i32
    %and3A_1656 = vector.broadcast %and3A_1655 : i32 to vector<16xi32>
    %and3A_1657 = arith.andi %and3A_1654, %and3A_1656 : vector<16xi32>
    %shift_right_logical3A_1658 = arith.constant 4 : i32
    %shift_right_logical3A_1659 = vector.broadcast %shift_right_logical3A_1658 : i32 to vector<16xi32>
    %shift_right_logical3A_1660 = arith.shrui %and3A_1654, %shift_right_logical3A_1659 : vector<16xi32>
    %gather3A_1661 = tpu.vector_load_idx %arg5[%and3A_1657, %shift_right_logical3A_1660] : memref<15x15xf32, #tpu.memory_space<vmem>>[vector<16xi32>, vector<16xi32>], vector<16xf32>,
    %swap3A_1662 = arith.constant 22 : i32
    %swap3A_1663 = arith.index_cast %swap3A_1662 : i32 to index
    %swap3A_1664 = arith.constant 48 : index
    %swap3A_1665 = tpu.vector_load %arg7[%swap3A_1663, %swap3A_1664] {strides = array<i32>} : memref<64x64xf32, #tpu.memory_space<vmem>>, vector<16xf32>,
    tpu.vector_store %arg7[%swap3A_1663, %swap3A_1664], %gather3A_1661 {strides = array<i32>} : memref<64x64xf32, #tpu.memory_space<vmem>>, vector<16xf32>,
    %get3A_1666 = arith.constant 2 : i32
    %get3A_1667 = arith.index_cast %get3A_1666 : i32 to index
    %get3A_1668 = arith.constant 112 : index
    %get3A_1669 = tpu.vector_load %arg6[%get3A_1667, %get3A_1668] {strides = array<i32>} : memref<8x128xi32, #tpu.memory_space<vmem>>, vector<16xi32>,
    %shift_right_logical3A_1670 = arith.constant 0 : i32
    %shift_right_logical3A_1671 = vector.broadcast %shift_right_logical3A_1670 : i32 to vector<16xi32>
    %shift_right_logical3A_1672 = arith.shrui %get3A_1669, %shift_right_logical3A_1671 : vector<16xi32>
    %and3A_1673 = arith.constant 255 : i32
    %and3A_1674 = vector.broadcast %and3A_1673 : i32 to vector<16xi32>
    %and3A_1675 = arith.andi %shift_right_logical3A_1672, %and3A_1674 : vector<16xi32>
    %and3A_1676 = arith.constant 15 : i32
    %and3A_1677 = vector.broadcast %and3A_1676 : i32 to vector<16xi32>
    %and3A_1678 = arith.andi %and3A_1675, %and3A_1677 : vector<16xi32>
    %shift_right_logical3A_1679 = arith.constant 4 : i32
    %shift_right_logical3A_1680 = vector.broadcast %shift_right_logical3A_1679 : i32 to vector<16xi32>
    %shift_right_logical3A_1681 = arith.shrui %and3A_1675, %shift_right_logical3A_1680 : vector<16xi32>
    %gather3A_1682 = tpu.vector_load_idx %arg5[%and3A_1678, %shift_right_logical3A_1681] : memref<15x15xf32, #tpu.memory_space<vmem>>[vector<16xi32>, vector<16xi32>], vector<16xf32>,
    %swap3A_1683 = arith.constant 23 : i32
    %swap3A_1684 = arith.index_cast %swap3A_1683 : i32 to index
    %swap3A_1685 = arith.constant 0 : index
    %swap3A_1686 = tpu.vector_load %arg7[%swap3A_1684, %swap3A_1685] {strides = array<i32>} : memref<64x64xf32, #tpu.memory_space<vmem>>, vector<16xf32>,
    tpu.vector_store %arg7[%swap3A_1684, %swap3A_1685], %gather3A_1682 {strides = array<i32>} : memref<64x64xf32, #tpu.memory_space<vmem>>, vector<16xf32>,
    %shift_right_logical3A_1687 = arith.constant 8 : i32
    %shift_right_logical3A_1688 = vector.broadcast %shift_right_logical3A_1687 : i32 to vector<16xi32>
    %shift_right_logical3A_1689 = arith.shrui %get3A_1669, %shift_right_logical3A_1688 : vector<16xi32>
    %and3A_1690 = arith.constant 255 : i32
    %and3A_1691 = vector.broadcast %and3A_1690 : i32 to vector<16xi32>
    %and3A_1692 = arith.andi %shift_right_logical3A_1689, %and3A_1691 : vector<16xi32>
    %and3A_1693 = arith.constant 15 : i32
    %and3A_1694 = vector.broadcast %and3A_1693 : i32 to vector<16xi32>
    %and3A_1695 = arith.andi %and3A_1692, %and3A_1694 : vector<16xi32>
    %shift_right_logical3A_1696 = arith.constant 4 : i32
    %shift_right_logical3A_1697 = vector.broadcast %shift_right_logical3A_1696 : i32 to vector<16xi32>
    %shift_right_logical3A_1698 = arith.shrui %and3A_1692, %shift_right_logical3A_1697 : vector<16xi32>
    %gather3A_1699 = tpu.vector_load_idx %arg5[%and3A_1695, %shift_right_logical3A_1698] : memref<15x15xf32, #tpu.memory_space<vmem>>[vector<16xi32>, vector<16xi32>], vector<16xf32>,
    %swap3A_1700 = arith.constant 23 : i32
    %swap3A_1701 = arith.index_cast %swap3A_1700 : i32 to index
    %swap3A_1702 = arith.constant 16 : index
    %swap3A_1703 = tpu.vector_load %arg7[%swap3A_1701, %swap3A_1702] {strides = array<i32>} : memref<64x64xf32, #tpu.memory_space<vmem>>, vector<16xf32>,
    tpu.vector_store %arg7[%swap3A_1701, %swap3A_1702], %gather3A_1699 {strides = array<i32>} : memref<64x64xf32, #tpu.memory_space<vmem>>, vector<16xf32>,
    %shift_right_logical3A_1704 = arith.constant 16 : i32
    %shift_right_logical3A_1705 = vector.broadcast %shift_right_logical3A_1704 : i32 to vector<16xi32>
    %shift_right_logical3A_1706 = arith.shrui %get3A_1669, %shift_right_logical3A_1705 : vector<16xi32>
    %and3A_1707 = arith.constant 255 : i32
    %and3A_1708 = vector.broadcast %and3A_1707 : i32 to vector<16xi32>
    %and3A_1709 = arith.andi %shift_right_logical3A_1706, %and3A_1708 : vector<16xi32>
    %and3A_1710 = arith.constant 15 : i32
    %and3A_1711 = vector.broadcast %and3A_1710 : i32 to vector<16xi32>
    %and3A_1712 = arith.andi %and3A_1709, %and3A_1711 : vector<16xi32>
    %shift_right_logical3A_1713 = arith.constant 4 : i32
    %shift_right_logical3A_1714 = vector.broadcast %shift_right_logical3A_1713 : i32 to vector<16xi32>
    %shift_right_logical3A_1715 = arith.shrui %and3A_1709, %shift_right_logical3A_1714 : vector<16xi32>
    %gather3A_1716 = tpu.vector_load_idx %arg5[%and3A_1712, %shift_right_logical3A_1715] : memref<15x15xf32, #tpu.memory_space<vmem>>[vector<16xi32>, vector<16xi32>], vector<16xf32>,
    %swap3A_1717 = arith.constant 23 : i32
    %swap3A_1718 = arith.index_cast %swap3A_1717 : i32 to index
    %swap3A_1719 = arith.constant 32 : index
    %swap3A_1720 = tpu.vector_load %arg7[%swap3A_1718, %swap3A_1719] {strides = array<i32>} : memref<64x64xf32, #tpu.memory_space<vmem>>, vector<16xf32>,
    tpu.vector_store %arg7[%swap3A_1718, %swap3A_1719], %gather3A_1716 {strides = array<i32>} : memref<64x64xf32, #tpu.memory_space<vmem>>, vector<16xf32>,
    %shift_right_logical3A_1721 = arith.constant 24 : i32
    %shift_right_logical3A_1722 = vector.broadcast %shift_right_logical3A_1721 : i32 to vector<16xi32>
    %shift_right_logical3A_1723 = arith.shrui %get3A_1669, %shift_right_logical3A_1722 : vector<16xi32>
    %and3A_1724 = arith.constant 255 : i32
    %and3A_1725 = vector.broadcast %and3A_1724 : i32 to vector<16xi32>
    %and3A_1726 = arith.andi %shift_right_logical3A_1723, %and3A_1725 : vector<16xi32>
    %and3A_1727 = arith.constant 15 : i32
    %and3A_1728 = vector.broadcast %and3A_1727 : i32 to vector<16xi32>
    %and3A_1729 = arith.andi %and3A_1726, %and3A_1728 : vector<16xi32>
    %shift_right_logical3A_1730 = arith.constant 4 : i32
    %shift_right_logical3A_1731 = vector.broadcast %shift_right_logical3A_1730 : i32 to vector<16xi32>
    %shift_right_logical3A_1732 = arith.shrui %and3A_1726, %shift_right_logical3A_1731 : vector<16xi32>
    %gather3A_1733 = tpu.vector_load_idx %arg5[%and3A_1729, %shift_right_logical3A_1732] : memref<15x15xf32, #tpu.memory_space<vmem>>[vector<16xi32>, vector<16xi32>], vector<16xf32>,
    %swap3A_1734 = arith.constant 23 : i32
    %swap3A_1735 = arith.index_cast %swap3A_1734 : i32 to index
    %swap3A_1736 = arith.constant 48 : index
    %swap3A_1737 = tpu.vector_load %arg7[%swap3A_1735, %swap3A_1736] {strides = array<i32>} : memref<64x64xf32, #tpu.memory_space<vmem>>, vector<16xf32>,
    tpu.vector_store %arg7[%swap3A_1735, %swap3A_1736], %gather3A_1733 {strides = array<i32>} : memref<64x64xf32, #tpu.memory_space<vmem>>, vector<16xf32>,
    %get3A_1738 = arith.constant 3 : i32
    %get3A_1739 = arith.index_cast %get3A_1738 : i32 to index
    %get3A_1740 = arith.constant 0 : index
    %get3A_1741 = tpu.vector_load %arg6[%get3A_1739, %get3A_1740] {strides = array<i32>} : memref<8x128xi32, #tpu.memory_space<vmem>>, vector<16xi32>,
    %shift_right_logical3A_1742 = arith.constant 0 : i32
    %shift_right_logical3A_1743 = vector.broadcast %shift_right_logical3A_1742 : i32 to vector<16xi32>
    %shift_right_logical3A_1744 = arith.shrui %get3A_1741, %shift_right_logical3A_1743 : vector<16xi32>
    %and3A_1745 = arith.constant 255 : i32
    %and3A_1746 = vector.broadcast %and3A_1745 : i32 to vector<16xi32>
    %and3A_1747 = arith.andi %shift_right_logical3A_1744, %and3A_1746 : vector<16xi32>
    %and3A_1748 = arith.constant 15 : i32
    %and3A_1749 = vector.broadcast %and3A_1748 : i32 to vector<16xi32>
    %and3A_1750 = arith.andi %and3A_1747, %and3A_1749 : vector<16xi32>
    %shift_right_logical3A_1751 = arith.constant 4 : i32
    %shift_right_logical3A_1752 = vector.broadcast %shift_right_logical3A_1751 : i32 to vector<16xi32>
    %shift_right_logical3A_1753 = arith.shrui %and3A_1747, %shift_right_logical3A_1752 : vector<16xi32>
    %gather3A_1754 = tpu.vector_load_idx %arg5[%and3A_1750, %shift_right_logical3A_1753] : memref<15x15xf32, #tpu.memory_space<vmem>>[vector<16xi32>, vector<16xi32>], vector<16xf32>,
    %swap3A_1755 = arith.constant 24 : i32
    %swap3A_1756 = arith.index_cast %swap3A_1755 : i32 to index
    %swap3A_1757 = arith.constant 0 : index
    %swap3A_1758 = tpu.vector_load %arg7[%swap3A_1756, %swap3A_1757] {strides = array<i32>} : memref<64x64xf32, #tpu.memory_space<vmem>>, vector<16xf32>,
    tpu.vector_store %arg7[%swap3A_1756, %swap3A_1757], %gather3A_1754 {strides = array<i32>} : memref<64x64xf32, #tpu.memory_space<vmem>>, vector<16xf32>,
    %shift_right_logical3A_1759 = arith.constant 8 : i32
    %shift_right_logical3A_1760 = vector.broadcast %shift_right_logical3A_1759 : i32 to vector<16xi32>
    %shift_right_logical3A_1761 = arith.shrui %get3A_1741, %shift_right_logical3A_1760 : vector<16xi32>
    %and3A_1762 = arith.constant 255 : i32
    %and3A_1763 = vector.broadcast %and3A_1762 : i32 to vector<16xi32>
    %and3A_1764 = arith.andi %shift_right_logical3A_1761, %and3A_1763 : vector<16xi32>
    %and3A_1765 = arith.constant 15 : i32
    %and3A_1766 = vector.broadcast %and3A_1765 : i32 to vector<16xi32>
    %and3A_1767 = arith.andi %and3A_1764, %and3A_1766 : vector<16xi32>
    %shift_right_logical3A_1768 = arith.constant 4 : i32
    %shift_right_logical3A_1769 = vector.broadcast %shift_right_logical3A_1768 : i32 to vector<16xi32>
    %shift_right_logical3A_1770 = arith.shrui %and3A_1764, %shift_right_logical3A_1769 : vector<16xi32>
    %gather3A_1771 = tpu.vector_load_idx %arg5[%and3A_1767, %shift_right_logical3A_1770] : memref<15x15xf32, #tpu.memory_space<vmem>>[vector<16xi32>, vector<16xi32>], vector<16xf32>,
    %swap3A_1772 = arith.constant 24 : i32
    %swap3A_1773 = arith.index_cast %swap3A_1772 : i32 to index
    %swap3A_1774 = arith.constant 16 : index
    %swap3A_1775 = tpu.vector_load %arg7[%swap3A_1773, %swap3A_1774] {strides = array<i32>} : memref<64x64xf32, #tpu.memory_space<vmem>>, vector<16xf32>,
    tpu.vector_store %arg7[%swap3A_1773, %swap3A_1774], %gather3A_1771 {strides = array<i32>} : memref<64x64xf32, #tpu.memory_space<vmem>>, vector<16xf32>,
    %shift_right_logical3A_1776 = arith.constant 16 : i32
    %shift_right_logical3A_1777 = vector.broadcast %shift_right_logical3A_1776 : i32 to vector<16xi32>
    %shift_right_logical3A_1778 = arith.shrui %get3A_1741, %shift_right_logical3A_1777 : vector<16xi32>
    %and3A_1779 = arith.constant 255 : i32
    %and3A_1780 = vector.broadcast %and3A_1779 : i32 to vector<16xi32>
    %and3A_1781 = arith.andi %shift_right_logical3A_1778, %and3A_1780 : vector<16xi32>
    %and3A_1782 = arith.constant 15 : i32
    %and3A_1783 = vector.broadcast %and3A_1782 : i32 to vector<16xi32>
    %and3A_1784 = arith.andi %and3A_1781, %and3A_1783 : vector<16xi32>
    %shift_right_logical3A_1785 = arith.constant 4 : i32
    %shift_right_logical3A_1786 = vector.broadcast %shift_right_logical3A_1785 : i32 to vector<16xi32>
    %shift_right_logical3A_1787 = arith.shrui %and3A_1781, %shift_right_logical3A_1786 : vector<16xi32>
    %gather3A_1788 = tpu.vector_load_idx %arg5[%and3A_1784, %shift_right_logical3A_1787] : memref<15x15xf32, #tpu.memory_space<vmem>>[vector<16xi32>, vector<16xi32>], vector<16xf32>,
    %swap3A_1789 = arith.constant 24 : i32
    %swap3A_1790 = arith.index_cast %swap3A_1789 : i32 to index
    %swap3A_1791 = arith.constant 32 : index
    %swap3A_1792 = tpu.vector_load %arg7[%swap3A_1790, %swap3A_1791] {strides = array<i32>} : memref<64x64xf32, #tpu.memory_space<vmem>>, vector<16xf32>,
    tpu.vector_store %arg7[%swap3A_1790, %swap3A_1791], %gather3A_1788 {strides = array<i32>} : memref<64x64xf32, #tpu.memory_space<vmem>>, vector<16xf32>,
    %shift_right_logical3A_1793 = arith.constant 24 : i32
    %shift_right_logical3A_1794 = vector.broadcast %shift_right_logical3A_1793 : i32 to vector<16xi32>
    %shift_right_logical3A_1795 = arith.shrui %get3A_1741, %shift_right_logical3A_1794 : vector<16xi32>
    %and3A_1796 = arith.constant 255 : i32
    %and3A_1797 = vector.broadcast %and3A_1796 : i32 to vector<16xi32>
    %and3A_1798 = arith.andi %shift_right_logical3A_1795, %and3A_1797 : vector<16xi32>
    %and3A_1799 = arith.constant 15 : i32
    %and3A_1800 = vector.broadcast %and3A_1799 : i32 to vector<16xi32>
    %and3A_1801 = arith.andi %and3A_1798, %and3A_1800 : vector<16xi32>
    %shift_right_logical3A_1802 = arith.constant 4 : i32
    %shift_right_logical3A_1803 = vector.broadcast %shift_right_logical3A_1802 : i32 to vector<16xi32>
    %shift_right_logical3A_1804 = arith.shrui %and3A_1798, %shift_right_logical3A_1803 : vector<16xi32>
    %gather3A_1805 = tpu.vector_load_idx %arg5[%and3A_1801, %shift_right_logical3A_1804] : memref<15x15xf32, #tpu.memory_space<vmem>>[vector<16xi32>, vector<16xi32>], vector<16xf32>,
    %swap3A_1806 = arith.constant 24 : i32
    %swap3A_1807 = arith.index_cast %swap3A_1806 : i32 to index
    %swap3A_1808 = arith.constant 48 : index
    %swap3A_1809 = tpu.vector_load %arg7[%swap3A_1807, %swap3A_1808] {strides = array<i32>} : memref<64x64xf32, #tpu.memory_space<vmem>>, vector<16xf32>,
    tpu.vector_store %arg7[%swap3A_1807, %swap3A_1808], %gather3A_1805 {strides = array<i32>} : memref<64x64xf32, #tpu.memory_space<vmem>>, vector<16xf32>,
    %get3A_1810 = arith.constant 3 : i32
    %get3A_1811 = arith.index_cast %get3A_1810 : i32 to index
    %get3A_1812 = arith.constant 16 : index
    %get3A_1813 = tpu.vector_load %arg6[%get3A_1811, %get3A_1812] {strides = array<i32>} : memref<8x128xi32, #tpu.memory_space<vmem>>, vector<16xi32>,
    %shift_right_logical3A_1814 = arith.constant 0 : i32
    %shift_right_logical3A_1815 = vector.broadcast %shift_right_logical3A_1814 : i32 to vector<16xi32>
    %shift_right_logical3A_1816 = arith.shrui %get3A_1813, %shift_right_logical3A_1815 : vector<16xi32>
    %and3A_1817 = arith.constant 255 : i32
    %and3A_1818 = vector.broadcast %and3A_1817 : i32 to vector<16xi32>
    %and3A_1819 = arith.andi %shift_right_logical3A_1816, %and3A_1818 : vector<16xi32>
    %and3A_1820 = arith.constant 15 : i32
    %and3A_1821 = vector.broadcast %and3A_1820 : i32 to vector<16xi32>
    %and3A_1822 = arith.andi %and3A_1819, %and3A_1821 : vector<16xi32>
    %shift_right_logical3A_1823 = arith.constant 4 : i32
    %shift_right_logical3A_1824 = vector.broadcast %shift_right_logical3A_1823 : i32 to vector<16xi32>
    %shift_right_logical3A_1825 = arith.shrui %and3A_1819, %shift_right_logical3A_1824 : vector<16xi32>
    %gather3A_1826 = tpu.vector_load_idx %arg5[%and3A_1822, %shift_right_logical3A_1825] : memref<15x15xf32, #tpu.memory_space<vmem>>[vector<16xi32>, vector<16xi32>], vector<16xf32>,
    %swap3A_1827 = arith.constant 25 : i32
    %swap3A_1828 = arith.index_cast %swap3A_1827 : i32 to index
    %swap3A_1829 = arith.constant 0 : index
    %swap3A_1830 = tpu.vector_load %arg7[%swap3A_1828, %swap3A_1829] {strides = array<i32>} : memref<64x64xf32, #tpu.memory_space<vmem>>, vector<16xf32>,
    tpu.vector_store %arg7[%swap3A_1828, %swap3A_1829], %gather3A_1826 {strides = array<i32>} : memref<64x64xf32, #tpu.memory_space<vmem>>, vector<16xf32>,
    %shift_right_logical3A_1831 = arith.constant 8 : i32
    %shift_right_logical3A_1832 = vector.broadcast %shift_right_logical3A_1831 : i32 to vector<16xi32>
    %shift_right_logical3A_1833 = arith.shrui %get3A_1813, %shift_right_logical3A_1832 : vector<16xi32>
    %and3A_1834 = arith.constant 255 : i32
    %and3A_1835 = vector.broadcast %and3A_1834 : i32 to vector<16xi32>
    %and3A_1836 = arith.andi %shift_right_logical3A_1833, %and3A_1835 : vector<16xi32>
    %and3A_1837 = arith.constant 15 : i32
    %and3A_1838 = vector.broadcast %and3A_1837 : i32 to vector<16xi32>
    %and3A_1839 = arith.andi %and3A_1836, %and3A_1838 : vector<16xi32>
    %shift_right_logical3A_1840 = arith.constant 4 : i32
    %shift_right_logical3A_1841 = vector.broadcast %shift_right_logical3A_1840 : i32 to vector<16xi32>
    %shift_right_logical3A_1842 = arith.shrui %and3A_1836, %shift_right_logical3A_1841 : vector<16xi32>
    %gather3A_1843 = tpu.vector_load_idx %arg5[%and3A_1839, %shift_right_logical3A_1842] : memref<15x15xf32, #tpu.memory_space<vmem>>[vector<16xi32>, vector<16xi32>], vector<16xf32>,
    %swap3A_1844 = arith.constant 25 : i32
    %swap3A_1845 = arith.index_cast %swap3A_1844 : i32 to index
    %swap3A_1846 = arith.constant 16 : index
    %swap3A_1847 = tpu.vector_load %arg7[%swap3A_1845, %swap3A_1846] {strides = array<i32>} : memref<64x64xf32, #tpu.memory_space<vmem>>, vector<16xf32>,
    tpu.vector_store %arg7[%swap3A_1845, %swap3A_1846], %gather3A_1843 {strides = array<i32>} : memref<64x64xf32, #tpu.memory_space<vmem>>, vector<16xf32>,
    %shift_right_logical3A_1848 = arith.constant 16 : i32
    %shift_right_logical3A_1849 = vector.broadcast %shift_right_logical3A_1848 : i32 to vector<16xi32>
    %shift_right_logical3A_1850 = arith.shrui %get3A_1813, %shift_right_logical3A_1849 : vector<16xi32>
    %and3A_1851 = arith.constant 255 : i32
    %and3A_1852 = vector.broadcast %and3A_1851 : i32 to vector<16xi32>
    %and3A_1853 = arith.andi %shift_right_logical3A_1850, %and3A_1852 : vector<16xi32>
    %and3A_1854 = arith.constant 15 : i32
    %and3A_1855 = vector.broadcast %and3A_1854 : i32 to vector<16xi32>
    %and3A_1856 = arith.andi %and3A_1853, %and3A_1855 : vector<16xi32>
    %shift_right_logical3A_1857 = arith.constant 4 : i32
    %shift_right_logical3A_1858 = vector.broadcast %shift_right_logical3A_1857 : i32 to vector<16xi32>
    %shift_right_logical3A_1859 = arith.shrui %and3A_1853, %shift_right_logical3A_1858 : vector<16xi32>
    %gather3A_1860 = tpu.vector_load_idx %arg5[%and3A_1856, %shift_right_logical3A_1859] : memref<15x15xf32, #tpu.memory_space<vmem>>[vector<16xi32>, vector<16xi32>], vector<16xf32>,
    %swap3A_1861 = arith.constant 25 : i32
    %swap3A_1862 = arith.index_cast %swap3A_1861 : i32 to index
    %swap3A_1863 = arith.constant 32 : index
    %swap3A_1864 = tpu.vector_load %arg7[%swap3A_1862, %swap3A_1863] {strides = array<i32>} : memref<64x64xf32, #tpu.memory_space<vmem>>, vector<16xf32>,
    tpu.vector_store %arg7[%swap3A_1862, %swap3A_1863], %gather3A_1860 {strides = array<i32>} : memref<64x64xf32, #tpu.memory_space<vmem>>, vector<16xf32>,
    %shift_right_logical3A_1865 = arith.constant 24 : i32
    %shift_right_logical3A_1866 = vector.broadcast %shift_right_logical3A_1865 : i32 to vector<16xi32>
    %shift_right_logical3A_1867 = arith.shrui %get3A_1813, %shift_right_logical3A_1866 : vector<16xi32>
    %and3A_1868 = arith.constant 255 : i32
    %and3A_1869 = vector.broadcast %and3A_1868 : i32 to vector<16xi32>
    %and3A_1870 = arith.andi %shift_right_logical3A_1867, %and3A_1869 : vector<16xi32>
    %and3A_1871 = arith.constant 15 : i32
    %and3A_1872 = vector.broadcast %and3A_1871 : i32 to vector<16xi32>
    %and3A_1873 = arith.andi %and3A_1870, %and3A_1872 : vector<16xi32>
    %shift_right_logical3A_1874 = arith.constant 4 : i32
    %shift_right_logical3A_1875 = vector.broadcast %shift_right_logical3A_1874 : i32 to vector<16xi32>
    %shift_right_logical3A_1876 = arith.shrui %and3A_1870, %shift_right_logical3A_1875 : vector<16xi32>
    %gather3A_1877 = tpu.vector_load_idx %arg5[%and3A_1873, %shift_right_logical3A_1876] : memref<15x15xf32, #tpu.memory_space<vmem>>[vector<16xi32>, vector<16xi32>], vector<16xf32>,
    %swap3A_1878 = arith.constant 25 : i32
    %swap3A_1879 = arith.index_cast %swap3A_1878 : i32 to index
    %swap3A_1880 = arith.constant 48 : index
    %swap3A_1881 = tpu.vector_load %arg7[%swap3A_1879, %swap3A_1880] {strides = array<i32>} : memref<64x64xf32, #tpu.memory_space<vmem>>, vector<16xf32>,
    tpu.vector_store %arg7[%swap3A_1879, %swap3A_1880], %gather3A_1877 {strides = array<i32>} : memref<64x64xf32, #tpu.memory_space<vmem>>, vector<16xf32>,
    %get3A_1882 = arith.constant 3 : i32
    %get3A_1883 = arith.index_cast %get3A_1882 : i32 to index
    %get3A_1884 = arith.constant 32 : index
    %get3A_1885 = tpu.vector_load %arg6[%get3A_1883, %get3A_1884] {strides = array<i32>} : memref<8x128xi32, #tpu.memory_space<vmem>>, vector<16xi32>,
    %shift_right_logical3A_1886 = arith.constant 0 : i32
    %shift_right_logical3A_1887 = vector.broadcast %shift_right_logical3A_1886 : i32 to vector<16xi32>
    %shift_right_logical3A_1888 = arith.shrui %get3A_1885, %shift_right_logical3A_1887 : vector<16xi32>
    %and3A_1889 = arith.constant 255 : i32
    %and3A_1890 = vector.broadcast %and3A_1889 : i32 to vector<16xi32>
    %and3A_1891 = arith.andi %shift_right_logical3A_1888, %and3A_1890 : vector<16xi32>
    %and3A_1892 = arith.constant 15 : i32
    %and3A_1893 = vector.broadcast %and3A_1892 : i32 to vector<16xi32>
    %and3A_1894 = arith.andi %and3A_1891, %and3A_1893 : vector<16xi32>
    %shift_right_logical3A_1895 = arith.constant 4 : i32
    %shift_right_logical3A_1896 = vector.broadcast %shift_right_logical3A_1895 : i32 to vector<16xi32>
    %shift_right_logical3A_1897 = arith.shrui %and3A_1891, %shift_right_logical3A_1896 : vector<16xi32>
    %gather3A_1898 = tpu.vector_load_idx %arg5[%and3A_1894, %shift_right_logical3A_1897] : memref<15x15xf32, #tpu.memory_space<vmem>>[vector<16xi32>, vector<16xi32>], vector<16xf32>,
    %swap3A_1899 = arith.constant 26 : i32
    %swap3A_1900 = arith.index_cast %swap3A_1899 : i32 to index
    %swap3A_1901 = arith.constant 0 : index
    %swap3A_1902 = tpu.vector_load %arg7[%swap3A_1900, %swap3A_1901] {strides = array<i32>} : memref<64x64xf32, #tpu.memory_space<vmem>>, vector<16xf32>,
    tpu.vector_store %arg7[%swap3A_1900, %swap3A_1901], %gather3A_1898 {strides = array<i32>} : memref<64x64xf32, #tpu.memory_space<vmem>>, vector<16xf32>,
    %shift_right_logical3A_1903 = arith.constant 8 : i32
    %shift_right_logical3A_1904 = vector.broadcast %shift_right_logical3A_1903 : i32 to vector<16xi32>
    %shift_right_logical3A_1905 = arith.shrui %get3A_1885, %shift_right_logical3A_1904 : vector<16xi32>
    %and3A_1906 = arith.constant 255 : i32
    %and3A_1907 = vector.broadcast %and3A_1906 : i32 to vector<16xi32>
    %and3A_1908 = arith.andi %shift_right_logical3A_1905, %and3A_1907 : vector<16xi32>
    %and3A_1909 = arith.constant 15 : i32
    %and3A_1910 = vector.broadcast %and3A_1909 : i32 to vector<16xi32>
    %and3A_1911 = arith.andi %and3A_1908, %and3A_1910 : vector<16xi32>
    %shift_right_logical3A_1912 = arith.constant 4 : i32
    %shift_right_logical3A_1913 = vector.broadcast %shift_right_logical3A_1912 : i32 to vector<16xi32>
    %shift_right_logical3A_1914 = arith.shrui %and3A_1908, %shift_right_logical3A_1913 : vector<16xi32>
    %gather3A_1915 = tpu.vector_load_idx %arg5[%and3A_1911, %shift_right_logical3A_1914] : memref<15x15xf32, #tpu.memory_space<vmem>>[vector<16xi32>, vector<16xi32>], vector<16xf32>,
    %swap3A_1916 = arith.constant 26 : i32
    %swap3A_1917 = arith.index_cast %swap3A_1916 : i32 to index
    %swap3A_1918 = arith.constant 16 : index
    %swap3A_1919 = tpu.vector_load %arg7[%swap3A_1917, %swap3A_1918] {strides = array<i32>} : memref<64x64xf32, #tpu.memory_space<vmem>>, vector<16xf32>,
    tpu.vector_store %arg7[%swap3A_1917, %swap3A_1918], %gather3A_1915 {strides = array<i32>} : memref<64x64xf32, #tpu.memory_space<vmem>>, vector<16xf32>,
    %shift_right_logical3A_1920 = arith.constant 16 : i32
    %shift_right_logical3A_1921 = vector.broadcast %shift_right_logical3A_1920 : i32 to vector<16xi32>
    %shift_right_logical3A_1922 = arith.shrui %get3A_1885, %shift_right_logical3A_1921 : vector<16xi32>
    %and3A_1923 = arith.constant 255 : i32
    %and3A_1924 = vector.broadcast %and3A_1923 : i32 to vector<16xi32>
    %and3A_1925 = arith.andi %shift_right_logical3A_1922, %and3A_1924 : vector<16xi32>
    %and3A_1926 = arith.constant 15 : i32
    %and3A_1927 = vector.broadcast %and3A_1926 : i32 to vector<16xi32>
    %and3A_1928 = arith.andi %and3A_1925, %and3A_1927 : vector<16xi32>
    %shift_right_logical3A_1929 = arith.constant 4 : i32
    %shift_right_logical3A_1930 = vector.broadcast %shift_right_logical3A_1929 : i32 to vector<16xi32>
    %shift_right_logical3A_1931 = arith.shrui %and3A_1925, %shift_right_logical3A_1930 : vector<16xi32>
    %gather3A_1932 = tpu.vector_load_idx %arg5[%and3A_1928, %shift_right_logical3A_1931] : memref<15x15xf32, #tpu.memory_space<vmem>>[vector<16xi32>, vector<16xi32>], vector<16xf32>,
    %swap3A_1933 = arith.constant 26 : i32
    %swap3A_1934 = arith.index_cast %swap3A_1933 : i32 to index
    %swap3A_1935 = arith.constant 32 : index
    %swap3A_1936 = tpu.vector_load %arg7[%swap3A_1934, %swap3A_1935] {strides = array<i32>} : memref<64x64xf32, #tpu.memory_space<vmem>>, vector<16xf32>,
    tpu.vector_store %arg7[%swap3A_1934, %swap3A_1935], %gather3A_1932 {strides = array<i32>} : memref<64x64xf32, #tpu.memory_space<vmem>>, vector<16xf32>,
    %shift_right_logical3A_1937 = arith.constant 24 : i32
    %shift_right_logical3A_1938 = vector.broadcast %shift_right_logical3A_1937 : i32 to vector<16xi32>
    %shift_right_logical3A_1939 = arith.shrui %get3A_1885, %shift_right_logical3A_1938 : vector<16xi32>
    %and3A_1940 = arith.constant 255 : i32
    %and3A_1941 = vector.broadcast %and3A_1940 : i32 to vector<16xi32>
    %and3A_1942 = arith.andi %shift_right_logical3A_1939, %and3A_1941 : vector<16xi32>
    %and3A_1943 = arith.constant 15 : i32
    %and3A_1944 = vector.broadcast %and3A_1943 : i32 to vector<16xi32>
    %and3A_1945 = arith.andi %and3A_1942, %and3A_1944 : vector<16xi32>
    %shift_right_logical3A_1946 = arith.constant 4 : i32
    %shift_right_logical3A_1947 = vector.broadcast %shift_right_logical3A_1946 : i32 to vector<16xi32>
    %shift_right_logical3A_1948 = arith.shrui %and3A_1942, %shift_right_logical3A_1947 : vector<16xi32>
    %gather3A_1949 = tpu.vector_load_idx %arg5[%and3A_1945, %shift_right_logical3A_1948] : memref<15x15xf32, #tpu.memory_space<vmem>>[vector<16xi32>, vector<16xi32>], vector<16xf32>,
    %swap3A_1950 = arith.constant 26 : i32
    %swap3A_1951 = arith.index_cast %swap3A_1950 : i32 to index
    %swap3A_1952 = arith.constant 48 : index
    %swap3A_1953 = tpu.vector_load %arg7[%swap3A_1951, %swap3A_1952] {strides = array<i32>} : memref<64x64xf32, #tpu.memory_space<vmem>>, vector<16xf32>,
    tpu.vector_store %arg7[%swap3A_1951, %swap3A_1952], %gather3A_1949 {strides = array<i32>} : memref<64x64xf32, #tpu.memory_space<vmem>>, vector<16xf32>,
    %get3A_1954 = arith.constant 3 : i32
    %get3A_1955 = arith.index_cast %get3A_1954 : i32 to index
    %get3A_1956 = arith.constant 48 : index
    %get3A_1957 = tpu.vector_load %arg6[%get3A_1955, %get3A_1956] {strides = array<i32>} : memref<8x128xi32, #tpu.memory_space<vmem>>, vector<16xi32>,
    %shift_right_logical3A_1958 = arith.constant 0 : i32
    %shift_right_logical3A_1959 = vector.broadcast %shift_right_logical3A_1958 : i32 to vector<16xi32>
    %shift_right_logical3A_1960 = arith.shrui %get3A_1957, %shift_right_logical3A_1959 : vector<16xi32>
    %and3A_1961 = arith.constant 255 : i32
    %and3A_1962 = vector.broadcast %and3A_1961 : i32 to vector<16xi32>
    %and3A_1963 = arith.andi %shift_right_logical3A_1960, %and3A_1962 : vector<16xi32>
    %and3A_1964 = arith.constant 15 : i32
    %and3A_1965 = vector.broadcast %and3A_1964 : i32 to vector<16xi32>
    %and3A_1966 = arith.andi %and3A_1963, %and3A_1965 : vector<16xi32>
    %shift_right_logical3A_1967 = arith.constant 4 : i32
    %shift_right_logical3A_1968 = vector.broadcast %shift_right_logical3A_1967 : i32 to vector<16xi32>
    %shift_right_logical3A_1969 = arith.shrui %and3A_1963, %shift_right_logical3A_1968 : vector<16xi32>
    %gather3A_1970 = tpu.vector_load_idx %arg5[%and3A_1966, %shift_right_logical3A_1969] : memref<15x15xf32, #tpu.memory_space<vmem>>[vector<16xi32>, vector<16xi32>], vector<16xf32>,
    %swap3A_1971 = arith.constant 27 : i32
    %swap3A_1972 = arith.index_cast %swap3A_1971 : i32 to index
    %swap3A_1973 = arith.constant 0 : index
    %swap3A_1974 = tpu.vector_load %arg7[%swap3A_1972, %swap3A_1973] {strides = array<i32>} : memref<64x64xf32, #tpu.memory_space<vmem>>, vector<16xf32>,
    tpu.vector_store %arg7[%swap3A_1972, %swap3A_1973], %gather3A_1970 {strides = array<i32>} : memref<64x64xf32, #tpu.memory_space<vmem>>, vector<16xf32>,
    %shift_right_logical3A_1975 = arith.constant 8 : i32
    %shift_right_logical3A_1976 = vector.broadcast %shift_right_logical3A_1975 : i32 to vector<16xi32>
    %shift_right_logical3A_1977 = arith.shrui %get3A_1957, %shift_right_logical3A_1976 : vector<16xi32>
    %and3A_1978 = arith.constant 255 : i32
    %and3A_1979 = vector.broadcast %and3A_1978 : i32 to vector<16xi32>
    %and3A_1980 = arith.andi %shift_right_logical3A_1977, %and3A_1979 : vector<16xi32>
    %and3A_1981 = arith.constant 15 : i32
    %and3A_1982 = vector.broadcast %and3A_1981 : i32 to vector<16xi32>
    %and3A_1983 = arith.andi %and3A_1980, %and3A_1982 : vector<16xi32>
    %shift_right_logical3A_1984 = arith.constant 4 : i32
    %shift_right_logical3A_1985 = vector.broadcast %shift_right_logical3A_1984 : i32 to vector<16xi32>
    %shift_right_logical3A_1986 = arith.shrui %and3A_1980, %shift_right_logical3A_1985 : vector<16xi32>
    %gather3A_1987 = tpu.vector_load_idx %arg5[%and3A_1983, %shift_right_logical3A_1986] : memref<15x15xf32, #tpu.memory_space<vmem>>[vector<16xi32>, vector<16xi32>], vector<16xf32>,
    %swap3A_1988 = arith.constant 27 : i32
    %swap3A_1989 = arith.index_cast %swap3A_1988 : i32 to index
    %swap3A_1990 = arith.constant 16 : index
    %swap3A_1991 = tpu.vector_load %arg7[%swap3A_1989, %swap3A_1990] {strides = array<i32>} : memref<64x64xf32, #tpu.memory_space<vmem>>, vector<16xf32>,
    tpu.vector_store %arg7[%swap3A_1989, %swap3A_1990], %gather3A_1987 {strides = array<i32>} : memref<64x64xf32, #tpu.memory_space<vmem>>, vector<16xf32>,
    %shift_right_logical3A_1992 = arith.constant 16 : i32
    %shift_right_logical3A_1993 = vector.broadcast %shift_right_logical3A_1992 : i32 to vector<16xi32>
    %shift_right_logical3A_1994 = arith.shrui %get3A_1957, %shift_right_logical3A_1993 : vector<16xi32>
    %and3A_1995 = arith.constant 255 : i32
    %and3A_1996 = vector.broadcast %and3A_1995 : i32 to vector<16xi32>
    %and3A_1997 = arith.andi %shift_right_logical3A_1994, %and3A_1996 : vector<16xi32>
    %and3A_1998 = arith.constant 15 : i32
    %and3A_1999 = vector.broadcast %and3A_1998 : i32 to vector<16xi32>
    %and3A_2000 = arith.andi %and3A_1997, %and3A_1999 : vector<16xi32>
    %shift_right_logical3A_2001 = arith.constant 4 : i32
    %shift_right_logical3A_2002 = vector.broadcast %shift_right_logical3A_2001 : i32 to vector<16xi32>
    %shift_right_logical3A_2003 = arith.shrui %and3A_1997, %shift_right_logical3A_2002 : vector<16xi32>
    %gather3A_2004 = tpu.vector_load_idx %arg5[%and3A_2000, %shift_right_logical3A_2003] : memref<15x15xf32, #tpu.memory_space<vmem>>[vector<16xi32>, vector<16xi32>], vector<16xf32>,
    %swap3A_2005 = arith.constant 27 : i32
    %swap3A_2006 = arith.index_cast %swap3A_2005 : i32 to index
    %swap3A_2007 = arith.constant 32 : index
    %swap3A_2008 = tpu.vector_load %arg7[%swap3A_2006, %swap3A_2007] {strides = array<i32>} : memref<64x64xf32, #tpu.memory_space<vmem>>, vector<16xf32>,
    tpu.vector_store %arg7[%swap3A_2006, %swap3A_2007], %gather3A_2004 {strides = array<i32>} : memref<64x64xf32, #tpu.memory_space<vmem>>, vector<16xf32>,
    %shift_right_logical3A_2009 = arith.constant 24 : i32
    %shift_right_logical3A_2010 = vector.broadcast %shift_right_logical3A_2009 : i32 to vector<16xi32>
    %shift_right_logical3A_2011 = arith.shrui %get3A_1957, %shift_right_logical3A_2010 : vector<16xi32>
    %and3A_2012 = arith.constant 255 : i32
    %and3A_2013 = vector.broadcast %and3A_2012 : i32 to vector<16xi32>
    %and3A_2014 = arith.andi %shift_right_logical3A_2011, %and3A_2013 : vector<16xi32>
    %and3A_2015 = arith.constant 15 : i32
    %and3A_2016 = vector.broadcast %and3A_2015 : i32 to vector<16xi32>
    %and3A_2017 = arith.andi %and3A_2014, %and3A_2016 : vector<16xi32>
    %shift_right_logical3A_2018 = arith.constant 4 : i32
    %shift_right_logical3A_2019 = vector.broadcast %shift_right_logical3A_2018 : i32 to vector<16xi32>
    %shift_right_logical3A_2020 = arith.shrui %and3A_2014, %shift_right_logical3A_2019 : vector<16xi32>
    %gather3A_2021 = tpu.vector_load_idx %arg5[%and3A_2017, %shift_right_logical3A_2020] : memref<15x15xf32, #tpu.memory_space<vmem>>[vector<16xi32>, vector<16xi32>], vector<16xf32>,
    %swap3A_2022 = arith.constant 27 : i32
    %swap3A_2023 = arith.index_cast %swap3A_2022 : i32 to index
    %swap3A_2024 = arith.constant 48 : index
    %swap3A_2025 = tpu.vector_load %arg7[%swap3A_2023, %swap3A_2024] {strides = array<i32>} : memref<64x64xf32, #tpu.memory_space<vmem>>, vector<16xf32>,
    tpu.vector_store %arg7[%swap3A_2023, %swap3A_2024], %gather3A_2021 {strides = array<i32>} : memref<64x64xf32, #tpu.memory_space<vmem>>, vector<16xf32>,
    %get3A_2026 = arith.constant 3 : i32
    %get3A_2027 = arith.index_cast %get3A_2026 : i32 to index
    %get3A_2028 = arith.constant 64 : index
    %get3A_2029 = tpu.vector_load %arg6[%get3A_2027, %get3A_2028] {strides = array<i32>} : memref<8x128xi32, #tpu.memory_space<vmem>>, vector<16xi32>,
    %shift_right_logical3A_2030 = arith.constant 0 : i32
    %shift_right_logical3A_2031 = vector.broadcast %shift_right_logical3A_2030 : i32 to vector<16xi32>
    %shift_right_logical3A_2032 = arith.shrui %get3A_2029, %shift_right_logical3A_2031 : vector<16xi32>
    %and3A_2033 = arith.constant 255 : i32
    %and3A_2034 = vector.broadcast %and3A_2033 : i32 to vector<16xi32>
    %and3A_2035 = arith.andi %shift_right_logical3A_2032, %and3A_2034 : vector<16xi32>
    %and3A_2036 = arith.constant 15 : i32
    %and3A_2037 = vector.broadcast %and3A_2036 : i32 to vector<16xi32>
    %and3A_2038 = arith.andi %and3A_2035, %and3A_2037 : vector<16xi32>
    %shift_right_logical3A_2039 = arith.constant 4 : i32
    %shift_right_logical3A_2040 = vector.broadcast %shift_right_logical3A_2039 : i32 to vector<16xi32>
    %shift_right_logical3A_2041 = arith.shrui %and3A_2035, %shift_right_logical3A_2040 : vector<16xi32>
    %gather3A_2042 = tpu.vector_load_idx %arg5[%and3A_2038, %shift_right_logical3A_2041] : memref<15x15xf32, #tpu.memory_space<vmem>>[vector<16xi32>, vector<16xi32>], vector<16xf32>,
    %swap3A_2043 = arith.constant 28 : i32
    %swap3A_2044 = arith.index_cast %swap3A_2043 : i32 to index
    %swap3A_2045 = arith.constant 0 : index
    %swap3A_2046 = tpu.vector_load %arg7[%swap3A_2044, %swap3A_2045] {strides = array<i32>} : memref<64x64xf32, #tpu.memory_space<vmem>>, vector<16xf32>,
    tpu.vector_store %arg7[%swap3A_2044, %swap3A_2045], %gather3A_2042 {strides = array<i32>} : memref<64x64xf32, #tpu.memory_space<vmem>>, vector<16xf32>,
    %shift_right_logical3A_2047 = arith.constant 8 : i32
    %shift_right_logical3A_2048 = vector.broadcast %shift_right_logical3A_2047 : i32 to vector<16xi32>
    %shift_right_logical3A_2049 = arith.shrui %get3A_2029, %shift_right_logical3A_2048 : vector<16xi32>
    %and3A_2050 = arith.constant 255 : i32
    %and3A_2051 = vector.broadcast %and3A_2050 : i32 to vector<16xi32>
    %and3A_2052 = arith.andi %shift_right_logical3A_2049, %and3A_2051 : vector<16xi32>
    %and3A_2053 = arith.constant 15 : i32
    %and3A_2054 = vector.broadcast %and3A_2053 : i32 to vector<16xi32>
    %and3A_2055 = arith.andi %and3A_2052, %and3A_2054 : vector<16xi32>
    %shift_right_logical3A_2056 = arith.constant 4 : i32
    %shift_right_logical3A_2057 = vector.broadcast %shift_right_logical3A_2056 : i32 to vector<16xi32>
    %shift_right_logical3A_2058 = arith.shrui %and3A_2052, %shift_right_logical3A_2057 : vector<16xi32>
    %gather3A_2059 = tpu.vector_load_idx %arg5[%and3A_2055, %shift_right_logical3A_2058] : memref<15x15xf32, #tpu.memory_space<vmem>>[vector<16xi32>, vector<16xi32>], vector<16xf32>,
    %swap3A_2060 = arith.constant 28 : i32
    %swap3A_2061 = arith.index_cast %swap3A_2060 : i32 to index
    %swap3A_2062 = arith.constant 16 : index
    %swap3A_2063 = tpu.vector_load %arg7[%swap3A_2061, %swap3A_2062] {strides = array<i32>} : memref<64x64xf32, #tpu.memory_space<vmem>>, vector<16xf32>,
    tpu.vector_store %arg7[%swap3A_2061, %swap3A_2062], %gather3A_2059 {strides = array<i32>} : memref<64x64xf32, #tpu.memory_space<vmem>>, vector<16xf32>,
    %shift_right_logical3A_2064 = arith.constant 16 : i32
    %shift_right_logical3A_2065 = vector.broadcast %shift_right_logical3A_2064 : i32 to vector<16xi32>
    %shift_right_logical3A_2066 = arith.shrui %get3A_2029, %shift_right_logical3A_2065 : vector<16xi32>
    %and3A_2067 = arith.constant 255 : i32
    %and3A_2068 = vector.broadcast %and3A_2067 : i32 to vector<16xi32>
    %and3A_2069 = arith.andi %shift_right_logical3A_2066, %and3A_2068 : vector<16xi32>
    %and3A_2070 = arith.constant 15 : i32
    %and3A_2071 = vector.broadcast %and3A_2070 : i32 to vector<16xi32>
    %and3A_2072 = arith.andi %and3A_2069, %and3A_2071 : vector<16xi32>
    %shift_right_logical3A_2073 = arith.constant 4 : i32
    %shift_right_logical3A_2074 = vector.broadcast %shift_right_logical3A_2073 : i32 to vector<16xi32>
    %shift_right_logical3A_2075 = arith.shrui %and3A_2069, %shift_right_logical3A_2074 : vector<16xi32>
    %gather3A_2076 = tpu.vector_load_idx %arg5[%and3A_2072, %shift_right_logical3A_2075] : memref<15x15xf32, #tpu.memory_space<vmem>>[vector<16xi32>, vector<16xi32>], vector<16xf32>,
    %swap3A_2077 = arith.constant 28 : i32
    %swap3A_2078 = arith.index_cast %swap3A_2077 : i32 to index
    %swap3A_2079 = arith.constant 32 : index
    %swap3A_2080 = tpu.vector_load %arg7[%swap3A_2078, %swap3A_2079] {strides = array<i32>} : memref<64x64xf32, #tpu.memory_space<vmem>>, vector<16xf32>,
    tpu.vector_store %arg7[%swap3A_2078, %swap3A_2079], %gather3A_2076 {strides = array<i32>} : memref<64x64xf32, #tpu.memory_space<vmem>>, vector<16xf32>,
    %shift_right_logical3A_2081 = arith.constant 24 : i32
    %shift_right_logical3A_2082 = vector.broadcast %shift_right_logical3A_2081 : i32 to vector<16xi32>
    %shift_right_logical3A_2083 = arith.shrui %get3A_2029, %shift_right_logical3A_2082 : vector<16xi32>
    %and3A_2084 = arith.constant 255 : i32
    %and3A_2085 = vector.broadcast %and3A_2084 : i32 to vector<16xi32>
    %and3A_2086 = arith.andi %shift_right_logical3A_2083, %and3A_2085 : vector<16xi32>
    %and3A_2087 = arith.constant 15 : i32
    %and3A_2088 = vector.broadcast %and3A_2087 : i32 to vector<16xi32>
    %and3A_2089 = arith.andi %and3A_2086, %and3A_2088 : vector<16xi32>
    %shift_right_logical3A_2090 = arith.constant 4 : i32
    %shift_right_logical3A_2091 = vector.broadcast %shift_right_logical3A_2090 : i32 to vector<16xi32>
    %shift_right_logical3A_2092 = arith.shrui %and3A_2086, %shift_right_logical3A_2091 : vector<16xi32>
    %gather3A_2093 = tpu.vector_load_idx %arg5[%and3A_2089, %shift_right_logical3A_2092] : memref<15x15xf32, #tpu.memory_space<vmem>>[vector<16xi32>, vector<16xi32>], vector<16xf32>,
    %swap3A_2094 = arith.constant 28 : i32
    %swap3A_2095 = arith.index_cast %swap3A_2094 : i32 to index
    %swap3A_2096 = arith.constant 48 : index
    %swap3A_2097 = tpu.vector_load %arg7[%swap3A_2095, %swap3A_2096] {strides = array<i32>} : memref<64x64xf32, #tpu.memory_space<vmem>>, vector<16xf32>,
    tpu.vector_store %arg7[%swap3A_2095, %swap3A_2096], %gather3A_2093 {strides = array<i32>} : memref<64x64xf32, #tpu.memory_space<vmem>>, vector<16xf32>,
    %get3A_2098 = arith.constant 3 : i32
    %get3A_2099 = arith.index_cast %get3A_2098 : i32 to index
    %get3A_2100 = arith.constant 80 : index
    %get3A_2101 = tpu.vector_load %arg6[%get3A_2099, %get3A_2100] {strides = array<i32>} : memref<8x128xi32, #tpu.memory_space<vmem>>, vector<16xi32>,
    %shift_right_logical3A_2102 = arith.constant 0 : i32
    %shift_right_logical3A_2103 = vector.broadcast %shift_right_logical3A_2102 : i32 to vector<16xi32>
    %shift_right_logical3A_2104 = arith.shrui %get3A_2101, %shift_right_logical3A_2103 : vector<16xi32>
    %and3A_2105 = arith.constant 255 : i32
    %and3A_2106 = vector.broadcast %and3A_2105 : i32 to vector<16xi32>
    %and3A_2107 = arith.andi %shift_right_logical3A_2104, %and3A_2106 : vector<16xi32>
    %and3A_2108 = arith.constant 15 : i32
    %and3A_2109 = vector.broadcast %and3A_2108 : i32 to vector<16xi32>
    %and3A_2110 = arith.andi %and3A_2107, %and3A_2109 : vector<16xi32>
    %shift_right_logical3A_2111 = arith.constant 4 : i32
    %shift_right_logical3A_2112 = vector.broadcast %shift_right_logical3A_2111 : i32 to vector<16xi32>
    %shift_right_logical3A_2113 = arith.shrui %and3A_2107, %shift_right_logical3A_2112 : vector<16xi32>
    %gather3A_2114 = tpu.vector_load_idx %arg5[%and3A_2110, %shift_right_logical3A_2113] : memref<15x15xf32, #tpu.memory_space<vmem>>[vector<16xi32>, vector<16xi32>], vector<16xf32>,
    %swap3A_2115 = arith.constant 29 : i32
    %swap3A_2116 = arith.index_cast %swap3A_2115 : i32 to index
    %swap3A_2117 = arith.constant 0 : index
    %swap3A_2118 = tpu.vector_load %arg7[%swap3A_2116, %swap3A_2117] {strides = array<i32>} : memref<64x64xf32, #tpu.memory_space<vmem>>, vector<16xf32>,
    tpu.vector_store %arg7[%swap3A_2116, %swap3A_2117], %gather3A_2114 {strides = array<i32>} : memref<64x64xf32, #tpu.memory_space<vmem>>, vector<16xf32>,
    %shift_right_logical3A_2119 = arith.constant 8 : i32
    %shift_right_logical3A_2120 = vector.broadcast %shift_right_logical3A_2119 : i32 to vector<16xi32>
    %shift_right_logical3A_2121 = arith.shrui %get3A_2101, %shift_right_logical3A_2120 : vector<16xi32>
    %and3A_2122 = arith.constant 255 : i32
    %and3A_2123 = vector.broadcast %and3A_2122 : i32 to vector<16xi32>
    %and3A_2124 = arith.andi %shift_right_logical3A_2121, %and3A_2123 : vector<16xi32>
    %and3A_2125 = arith.constant 15 : i32
    %and3A_2126 = vector.broadcast %and3A_2125 : i32 to vector<16xi32>
    %and3A_2127 = arith.andi %and3A_2124, %and3A_2126 : vector<16xi32>
    %shift_right_logical3A_2128 = arith.constant 4 : i32
    %shift_right_logical3A_2129 = vector.broadcast %shift_right_logical3A_2128 : i32 to vector<16xi32>
    %shift_right_logical3A_2130 = arith.shrui %and3A_2124, %shift_right_logical3A_2129 : vector<16xi32>
    %gather3A_2131 = tpu.vector_load_idx %arg5[%and3A_2127, %shift_right_logical3A_2130] : memref<15x15xf32, #tpu.memory_space<vmem>>[vector<16xi32>, vector<16xi32>], vector<16xf32>,
    %swap3A_2132 = arith.constant 29 : i32
    %swap3A_2133 = arith.index_cast %swap3A_2132 : i32 to index
    %swap3A_2134 = arith.constant 16 : index
    %swap3A_2135 = tpu.vector_load %arg7[%swap3A_2133, %swap3A_2134] {strides = array<i32>} : memref<64x64xf32, #tpu.memory_space<vmem>>, vector<16xf32>,
    tpu.vector_store %arg7[%swap3A_2133, %swap3A_2134], %gather3A_2131 {strides = array<i32>} : memref<64x64xf32, #tpu.memory_space<vmem>>, vector<16xf32>,
    %shift_right_logical3A_2136 = arith.constant 16 : i32
    %shift_right_logical3A_2137 = vector.broadcast %shift_right_logical3A_2136 : i32 to vector<16xi32>
    %shift_right_logical3A_2138 = arith.shrui %get3A_2101, %shift_right_logical3A_2137 : vector<16xi32>
    %and3A_2139 = arith.constant 255 : i32
    %and3A_2140 = vector.broadcast %and3A_2139 : i32 to vector<16xi32>
    %and3A_2141 = arith.andi %shift_right_logical3A_2138, %and3A_2140 : vector<16xi32>
    %and3A_2142 = arith.constant 15 : i32
    %and3A_2143 = vector.broadcast %and3A_2142 : i32 to vector<16xi32>
    %and3A_2144 = arith.andi %and3A_2141, %and3A_2143 : vector<16xi32>
    %shift_right_logical3A_2145 = arith.constant 4 : i32
    %shift_right_logical3A_2146 = vector.broadcast %shift_right_logical3A_2145 : i32 to vector<16xi32>
    %shift_right_logical3A_2147 = arith.shrui %and3A_2141, %shift_right_logical3A_2146 : vector<16xi32>
    %gather3A_2148 = tpu.vector_load_idx %arg5[%and3A_2144, %shift_right_logical3A_2147] : memref<15x15xf32, #tpu.memory_space<vmem>>[vector<16xi32>, vector<16xi32>], vector<16xf32>,
    %swap3A_2149 = arith.constant 29 : i32
    %swap3A_2150 = arith.index_cast %swap3A_2149 : i32 to index
    %swap3A_2151 = arith.constant 32 : index
    %swap3A_2152 = tpu.vector_load %arg7[%swap3A_2150, %swap3A_2151] {strides = array<i32>} : memref<64x64xf32, #tpu.memory_space<vmem>>, vector<16xf32>,
    tpu.vector_store %arg7[%swap3A_2150, %swap3A_2151], %gather3A_2148 {strides = array<i32>} : memref<64x64xf32, #tpu.memory_space<vmem>>, vector<16xf32>,
    %shift_right_logical3A_2153 = arith.constant 24 : i32
    %shift_right_logical3A_2154 = vector.broadcast %shift_right_logical3A_2153 : i32 to vector<16xi32>
    %shift_right_logical3A_2155 = arith.shrui %get3A_2101, %shift_right_logical3A_2154 : vector<16xi32>
    %and3A_2156 = arith.constant 255 : i32
    %and3A_2157 = vector.broadcast %and3A_2156 : i32 to vector<16xi32>
    %and3A_2158 = arith.andi %shift_right_logical3A_2155, %and3A_2157 : vector<16xi32>
    %and3A_2159 = arith.constant 15 : i32
    %and3A_2160 = vector.broadcast %and3A_2159 : i32 to vector<16xi32>
    %and3A_2161 = arith.andi %and3A_2158, %and3A_2160 : vector<16xi32>
    %shift_right_logical3A_2162 = arith.constant 4 : i32
    %shift_right_logical3A_2163 = vector.broadcast %shift_right_logical3A_2162 : i32 to vector<16xi32>
    %shift_right_logical3A_2164 = arith.shrui %and3A_2158, %shift_right_logical3A_2163 : vector<16xi32>
    %gather3A_2165 = tpu.vector_load_idx %arg5[%and3A_2161, %shift_right_logical3A_2164] : memref<15x15xf32, #tpu.memory_space<vmem>>[vector<16xi32>, vector<16xi32>], vector<16xf32>,
    %swap3A_2166 = arith.constant 29 : i32
    %swap3A_2167 = arith.index_cast %swap3A_2166 : i32 to index
    %swap3A_2168 = arith.constant 48 : index
    %swap3A_2169 = tpu.vector_load %arg7[%swap3A_2167, %swap3A_2168] {strides = array<i32>} : memref<64x64xf32, #tpu.memory_space<vmem>>, vector<16xf32>,
    tpu.vector_store %arg7[%swap3A_2167, %swap3A_2168], %gather3A_2165 {strides = array<i32>} : memref<64x64xf32, #tpu.memory_space<vmem>>, vector<16xf32>,
    %get3A_2170 = arith.constant 3 : i32
    %get3A_2171 = arith.index_cast %get3A_2170 : i32 to index
    %get3A_2172 = arith.constant 96 : index
    %get3A_2173 = tpu.vector_load %arg6[%get3A_2171, %get3A_2172] {strides = array<i32>} : memref<8x128xi32, #tpu.memory_space<vmem>>, vector<16xi32>,
    %shift_right_logical3A_2174 = arith.constant 0 : i32
    %shift_right_logical3A_2175 = vector.broadcast %shift_right_logical3A_2174 : i32 to vector<16xi32>
    %shift_right_logical3A_2176 = arith.shrui %get3A_2173, %shift_right_logical3A_2175 : vector<16xi32>
    %and3A_2177 = arith.constant 255 : i32
    %and3A_2178 = vector.broadcast %and3A_2177 : i32 to vector<16xi32>
    %and3A_2179 = arith.andi %shift_right_logical3A_2176, %and3A_2178 : vector<16xi32>
    %and3A_2180 = arith.constant 15 : i32
    %and3A_2181 = vector.broadcast %and3A_2180 : i32 to vector<16xi32>
    %and3A_2182 = arith.andi %and3A_2179, %and3A_2181 : vector<16xi32>
    %shift_right_logical3A_2183 = arith.constant 4 : i32
    %shift_right_logical3A_2184 = vector.broadcast %shift_right_logical3A_2183 : i32 to vector<16xi32>
    %shift_right_logical3A_2185 = arith.shrui %and3A_2179, %shift_right_logical3A_2184 : vector<16xi32>
    %gather3A_2186 = tpu.vector_load_idx %arg5[%and3A_2182, %shift_right_logical3A_2185] : memref<15x15xf32, #tpu.memory_space<vmem>>[vector<16xi32>, vector<16xi32>], vector<16xf32>,
    %swap3A_2187 = arith.constant 30 : i32
    %swap3A_2188 = arith.index_cast %swap3A_2187 : i32 to index
    %swap3A_2189 = arith.constant 0 : index
    %swap3A_2190 = tpu.vector_load %arg7[%swap3A_2188, %swap3A_2189] {strides = array<i32>} : memref<64x64xf32, #tpu.memory_space<vmem>>, vector<16xf32>,
    tpu.vector_store %arg7[%swap3A_2188, %swap3A_2189], %gather3A_2186 {strides = array<i32>} : memref<64x64xf32, #tpu.memory_space<vmem>>, vector<16xf32>,
    %shift_right_logical3A_2191 = arith.constant 8 : i32
    %shift_right_logical3A_2192 = vector.broadcast %shift_right_logical3A_2191 : i32 to vector<16xi32>
    %shift_right_logical3A_2193 = arith.shrui %get3A_2173, %shift_right_logical3A_2192 : vector<16xi32>
    %and3A_2194 = arith.constant 255 : i32
    %and3A_2195 = vector.broadcast %and3A_2194 : i32 to vector<16xi32>
    %and3A_2196 = arith.andi %shift_right_logical3A_2193, %and3A_2195 : vector<16xi32>
    %and3A_2197 = arith.constant 15 : i32
    %and3A_2198 = vector.broadcast %and3A_2197 : i32 to vector<16xi32>
    %and3A_2199 = arith.andi %and3A_2196, %and3A_2198 : vector<16xi32>
    %shift_right_logical3A_2200 = arith.constant 4 : i32
    %shift_right_logical3A_2201 = vector.broadcast %shift_right_logical3A_2200 : i32 to vector<16xi32>
    %shift_right_logical3A_2202 = arith.shrui %and3A_2196, %shift_right_logical3A_2201 : vector<16xi32>
    %gather3A_2203 = tpu.vector_load_idx %arg5[%and3A_2199, %shift_right_logical3A_2202] : memref<15x15xf32, #tpu.memory_space<vmem>>[vector<16xi32>, vector<16xi32>], vector<16xf32>,
    %swap3A_2204 = arith.constant 30 : i32
    %swap3A_2205 = arith.index_cast %swap3A_2204 : i32 to index
    %swap3A_2206 = arith.constant 16 : index
    %swap3A_2207 = tpu.vector_load %arg7[%swap3A_2205, %swap3A_2206] {strides = array<i32>} : memref<64x64xf32, #tpu.memory_space<vmem>>, vector<16xf32>,
    tpu.vector_store %arg7[%swap3A_2205, %swap3A_2206], %gather3A_2203 {strides = array<i32>} : memref<64x64xf32, #tpu.memory_space<vmem>>, vector<16xf32>,
    %shift_right_logical3A_2208 = arith.constant 16 : i32
    %shift_right_logical3A_2209 = vector.broadcast %shift_right_logical3A_2208 : i32 to vector<16xi32>
    %shift_right_logical3A_2210 = arith.shrui %get3A_2173, %shift_right_logical3A_2209 : vector<16xi32>
    %and3A_2211 = arith.constant 255 : i32
    %and3A_2212 = vector.broadcast %and3A_2211 : i32 to vector<16xi32>
    %and3A_2213 = arith.andi %shift_right_logical3A_2210, %and3A_2212 : vector<16xi32>
    %and3A_2214 = arith.constant 15 : i32
    %and3A_2215 = vector.broadcast %and3A_2214 : i32 to vector<16xi32>
    %and3A_2216 = arith.andi %and3A_2213, %and3A_2215 : vector<16xi32>
    %shift_right_logical3A_2217 = arith.constant 4 : i32
    %shift_right_logical3A_2218 = vector.broadcast %shift_right_logical3A_2217 : i32 to vector<16xi32>
    %shift_right_logical3A_2219 = arith.shrui %and3A_2213, %shift_right_logical3A_2218 : vector<16xi32>
    %gather3A_2220 = tpu.vector_load_idx %arg5[%and3A_2216, %shift_right_logical3A_2219] : memref<15x15xf32, #tpu.memory_space<vmem>>[vector<16xi32>, vector<16xi32>], vector<16xf32>,
    %swap3A_2221 = arith.constant 30 : i32
    %swap3A_2222 = arith.index_cast %swap3A_2221 : i32 to index
    %swap3A_2223 = arith.constant 32 : index
    %swap3A_2224 = tpu.vector_load %arg7[%swap3A_2222, %swap3A_2223] {strides = array<i32>} : memref<64x64xf32, #tpu.memory_space<vmem>>, vector<16xf32>,
    tpu.vector_store %arg7[%swap3A_2222, %swap3A_2223], %gather3A_2220 {strides = array<i32>} : memref<64x64xf32, #tpu.memory_space<vmem>>, vector<16xf32>,
    %shift_right_logical3A_2225 = arith.constant 24 : i32
    %shift_right_logical3A_2226 = vector.broadcast %shift_right_logical3A_2225 : i32 to vector<16xi32>
    %shift_right_logical3A_2227 = arith.shrui %get3A_2173, %shift_right_logical3A_2226 : vector<16xi32>
    %and3A_2228 = arith.constant 255 : i32
    %and3A_2229 = vector.broadcast %and3A_2228 : i32 to vector<16xi32>
    %and3A_2230 = arith.andi %shift_right_logical3A_2227, %and3A_2229 : vector<16xi32>
    %and3A_2231 = arith.constant 15 : i32
    %and3A_2232 = vector.broadcast %and3A_2231 : i32 to vector<16xi32>
    %and3A_2233 = arith.andi %and3A_2230, %and3A_2232 : vector<16xi32>
    %shift_right_logical3A_2234 = arith.constant 4 : i32
    %shift_right_logical3A_2235 = vector.broadcast %shift_right_logical3A_2234 : i32 to vector<16xi32>
    %shift_right_logical3A_2236 = arith.shrui %and3A_2230, %shift_right_logical3A_2235 : vector<16xi32>
    %gather3A_2237 = tpu.vector_load_idx %arg5[%and3A_2233, %shift_right_logical3A_2236] : memref<15x15xf32, #tpu.memory_space<vmem>>[vector<16xi32>, vector<16xi32>], vector<16xf32>,
    %swap3A_2238 = arith.constant 30 : i32
    %swap3A_2239 = arith.index_cast %swap3A_2238 : i32 to index
    %swap3A_2240 = arith.constant 48 : index
    %swap3A_2241 = tpu.vector_load %arg7[%swap3A_2239, %swap3A_2240] {strides = array<i32>} : memref<64x64xf32, #tpu.memory_space<vmem>>, vector<16xf32>,
    tpu.vector_store %arg7[%swap3A_2239, %swap3A_2240], %gather3A_2237 {strides = array<i32>} : memref<64x64xf32, #tpu.memory_space<vmem>>, vector<16xf32>,
    %get3A_2242 = arith.constant 3 : i32
    %get3A_2243 = arith.index_cast %get3A_2242 : i32 to index
    %get3A_2244 = arith.constant 112 : index
    %get3A_2245 = tpu.vector_load %arg6[%get3A_2243, %get3A_2244] {strides = array<i32>} : memref<8x128xi32, #tpu.memory_space<vmem>>, vector<16xi32>,
    %shift_right_logical3A_2246 = arith.constant 0 : i32
    %shift_right_logical3A_2247 = vector.broadcast %shift_right_logical3A_2246 : i32 to vector<16xi32>
    %shift_right_logical3A_2248 = arith.shrui %get3A_2245, %shift_right_logical3A_2247 : vector<16xi32>
    %and3A_2249 = arith.constant 255 : i32
    %and3A_2250 = vector.broadcast %and3A_2249 : i32 to vector<16xi32>
    %and3A_2251 = arith.andi %shift_right_logical3A_2248, %and3A_2250 : vector<16xi32>
    %and3A_2252 = arith.constant 15 : i32
    %and3A_2253 = vector.broadcast %and3A_2252 : i32 to vector<16xi32>
    %and3A_2254 = arith.andi %and3A_2251, %and3A_2253 : vector<16xi32>
    %shift_right_logical3A_2255 = arith.constant 4 : i32
    %shift_right_logical3A_2256 = vector.broadcast %shift_right_logical3A_2255 : i32 to vector<16xi32>
    %shift_right_logical3A_2257 = arith.shrui %and3A_2251, %shift_right_logical3A_2256 : vector<16xi32>
    %gather3A_2258 = tpu.vector_load_idx %arg5[%and3A_2254, %shift_right_logical3A_2257] : memref<15x15xf32, #tpu.memory_space<vmem>>[vector<16xi32>, vector<16xi32>], vector<16xf32>,
    %swap3A_2259 = arith.constant 31 : i32
    %swap3A_2260 = arith.index_cast %swap3A_2259 : i32 to index
    %swap3A_2261 = arith.constant 0 : index
    %swap3A_2262 = tpu.vector_load %arg7[%swap3A_2260, %swap3A_2261] {strides = array<i32>} : memref<64x64xf32, #tpu.memory_space<vmem>>, vector<16xf32>,
    tpu.vector_store %arg7[%swap3A_2260, %swap3A_2261], %gather3A_2258 {strides = array<i32>} : memref<64x64xf32, #tpu.memory_space<vmem>>, vector<16xf32>,
    %shift_right_logical3A_2263 = arith.constant 8 : i32
    %shift_right_logical3A_2264 = vector.broadcast %shift_right_logical3A_2263 : i32 to vector<16xi32>
    %shift_right_logical3A_2265 = arith.shrui %get3A_2245, %shift_right_logical3A_2264 : vector<16xi32>
    %and3A_2266 = arith.constant 255 : i32
    %and3A_2267 = vector.broadcast %and3A_2266 : i32 to vector<16xi32>
    %and3A_2268 = arith.andi %shift_right_logical3A_2265, %and3A_2267 : vector<16xi32>
    %and3A_2269 = arith.constant 15 : i32
    %and3A_2270 = vector.broadcast %and3A_2269 : i32 to vector<16xi32>
    %and3A_2271 = arith.andi %and3A_2268, %and3A_2270 : vector<16xi32>
    %shift_right_logical3A_2272 = arith.constant 4 : i32
    %shift_right_logical3A_2273 = vector.broadcast %shift_right_logical3A_2272 : i32 to vector<16xi32>
    %shift_right_logical3A_2274 = arith.shrui %and3A_2268, %shift_right_logical3A_2273 : vector<16xi32>
    %gather3A_2275 = tpu.vector_load_idx %arg5[%and3A_2271, %shift_right_logical3A_2274] : memref<15x15xf32, #tpu.memory_space<vmem>>[vector<16xi32>, vector<16xi32>], vector<16xf32>,
    %swap3A_2276 = arith.constant 31 : i32
    %swap3A_2277 = arith.index_cast %swap3A_2276 : i32 to index
    %swap3A_2278 = arith.constant 16 : index
    %swap3A_2279 = tpu.vector_load %arg7[%swap3A_2277, %swap3A_2278] {strides = array<i32>} : memref<64x64xf32, #tpu.memory_space<vmem>>, vector<16xf32>,
    tpu.vector_store %arg7[%swap3A_2277, %swap3A_2278], %gather3A_2275 {strides = array<i32>} : memref<64x64xf32, #tpu.memory_space<vmem>>, vector<16xf32>,
    %shift_right_logical3A_2280 = arith.constant 16 : i32
    %shift_right_logical3A_2281 = vector.broadcast %shift_right_logical3A_2280 : i32 to vector<16xi32>
    %shift_right_logical3A_2282 = arith.shrui %get3A_2245, %shift_right_logical3A_2281 : vector<16xi32>
    %and3A_2283 = arith.constant 255 : i32
    %and3A_2284 = vector.broadcast %and3A_2283 : i32 to vector<16xi32>
    %and3A_2285 = arith.andi %shift_right_logical3A_2282, %and3A_2284 : vector<16xi32>
    %and3A_2286 = arith.constant 15 : i32
    %and3A_2287 = vector.broadcast %and3A_2286 : i32 to vector<16xi32>
    %and3A_2288 = arith.andi %and3A_2285, %and3A_2287 : vector<16xi32>
    %shift_right_logical3A_2289 = arith.constant 4 : i32
    %shift_right_logical3A_2290 = vector.broadcast %shift_right_logical3A_2289 : i32 to vector<16xi32>
    %shift_right_logical3A_2291 = arith.shrui %and3A_2285, %shift_right_logical3A_2290 : vector<16xi32>
    %gather3A_2292 = tpu.vector_load_idx %arg5[%and3A_2288, %shift_right_logical3A_2291] : memref<15x15xf32, #tpu.memory_space<vmem>>[vector<16xi32>, vector<16xi32>], vector<16xf32>,
    %swap3A_2293 = arith.constant 31 : i32
    %swap3A_2294 = arith.index_cast %swap3A_2293 : i32 to index
    %swap3A_2295 = arith.constant 32 : index
    %swap3A_2296 = tpu.vector_load %arg7[%swap3A_2294, %swap3A_2295] {strides = array<i32>} : memref<64x64xf32, #tpu.memory_space<vmem>>, vector<16xf32>,
    tpu.vector_store %arg7[%swap3A_2294, %swap3A_2295], %gather3A_2292 {strides = array<i32>} : memref<64x64xf32, #tpu.memory_space<vmem>>, vector<16xf32>,
    %shift_right_logical3A_2297 = arith.constant 24 : i32
    %shift_right_logical3A_2298 = vector.broadcast %shift_right_logical3A_2297 : i32 to vector<16xi32>
    %shift_right_logical3A_2299 = arith.shrui %get3A_2245, %shift_right_logical3A_2298 : vector<16xi32>
    %and3A_2300 = arith.constant 255 : i32
    %and3A_2301 = vector.broadcast %and3A_2300 : i32 to vector<16xi32>
    %and3A_2302 = arith.andi %shift_right_logical3A_2299, %and3A_2301 : vector<16xi32>
    %and3A_2303 = arith.constant 15 : i32
    %and3A_2304 = vector.broadcast %and3A_2303 : i32 to vector<16xi32>
    %and3A_2305 = arith.andi %and3A_2302, %and3A_2304 : vector<16xi32>
    %shift_right_logical3A_2306 = arith.constant 4 : i32
    %shift_right_logical3A_2307 = vector.broadcast %shift_right_logical3A_2306 : i32 to vector<16xi32>
    %shift_right_logical3A_2308 = arith.shrui %and3A_2302, %shift_right_logical3A_2307 : vector<16xi32>
    %gather3A_2309 = tpu.vector_load_idx %arg5[%and3A_2305, %shift_right_logical3A_2308] : memref<15x15xf32, #tpu.memory_space<vmem>>[vector<16xi32>, vector<16xi32>], vector<16xf32>,
    %swap3A_2310 = arith.constant 31 : i32
    %swap3A_2311 = arith.index_cast %swap3A_2310 : i32 to index
    %swap3A_2312 = arith.constant 48 : index
    %swap3A_2313 = tpu.vector_load %arg7[%swap3A_2311, %swap3A_2312] {strides = array<i32>} : memref<64x64xf32, #tpu.memory_space<vmem>>, vector<16xf32>,
    tpu.vector_store %arg7[%swap3A_2311, %swap3A_2312], %gather3A_2309 {strides = array<i32>} : memref<64x64xf32, #tpu.memory_space<vmem>>, vector<16xf32>,
    %get3A_2314 = arith.constant 4 : i32
    %get3A_2315 = arith.index_cast %get3A_2314 : i32 to index
    %get3A_2316 = arith.constant 0 : index
    %get3A_2317 = tpu.vector_load %arg6[%get3A_2315, %get3A_2316] {strides = array<i32>} : memref<8x128xi32, #tpu.memory_space<vmem>>, vector<16xi32>,
    %shift_right_logical3A_2318 = arith.constant 0 : i32
    %shift_right_logical3A_2319 = vector.broadcast %shift_right_logical3A_2318 : i32 to vector<16xi32>
    %shift_right_logical3A_2320 = arith.shrui %get3A_2317, %shift_right_logical3A_2319 : vector<16xi32>
    %and3A_2321 = arith.constant 255 : i32
    %and3A_2322 = vector.broadcast %and3A_2321 : i32 to vector<16xi32>
    %and3A_2323 = arith.andi %shift_right_logical3A_2320, %and3A_2322 : vector<16xi32>
    %and3A_2324 = arith.constant 15 : i32
    %and3A_2325 = vector.broadcast %and3A_2324 : i32 to vector<16xi32>
    %and3A_2326 = arith.andi %and3A_2323, %and3A_2325 : vector<16xi32>
    %shift_right_logical3A_2327 = arith.constant 4 : i32
    %shift_right_logical3A_2328 = vector.broadcast %shift_right_logical3A_2327 : i32 to vector<16xi32>
    %shift_right_logical3A_2329 = arith.shrui %and3A_2323, %shift_right_logical3A_2328 : vector<16xi32>
    %gather3A_2330 = tpu.vector_load_idx %arg5[%and3A_2326, %shift_right_logical3A_2329] : memref<15x15xf32, #tpu.memory_space<vmem>>[vector<16xi32>, vector<16xi32>], vector<16xf32>,
    %swap3A_2331 = arith.constant 32 : i32
    %swap3A_2332 = arith.index_cast %swap3A_2331 : i32 to index
    %swap3A_2333 = arith.constant 0 : index
    %swap3A_2334 = tpu.vector_load %arg7[%swap3A_2332, %swap3A_2333] {strides = array<i32>} : memref<64x64xf32, #tpu.memory_space<vmem>>, vector<16xf32>,
    tpu.vector_store %arg7[%swap3A_2332, %swap3A_2333], %gather3A_2330 {strides = array<i32>} : memref<64x64xf32, #tpu.memory_space<vmem>>, vector<16xf32>,
    %shift_right_logical3A_2335 = arith.constant 8 : i32
    %shift_right_logical3A_2336 = vector.broadcast %shift_right_logical3A_2335 : i32 to vector<16xi32>
    %shift_right_logical3A_2337 = arith.shrui %get3A_2317, %shift_right_logical3A_2336 : vector<16xi32>
    %and3A_2338 = arith.constant 255 : i32
    %and3A_2339 = vector.broadcast %and3A_2338 : i32 to vector<16xi32>
    %and3A_2340 = arith.andi %shift_right_logical3A_2337, %and3A_2339 : vector<16xi32>
    %and3A_2341 = arith.constant 15 : i32
    %and3A_2342 = vector.broadcast %and3A_2341 : i32 to vector<16xi32>
    %and3A_2343 = arith.andi %and3A_2340, %and3A_2342 : vector<16xi32>
    %shift_right_logical3A_2344 = arith.constant 4 : i32
    %shift_right_logical3A_2345 = vector.broadcast %shift_right_logical3A_2344 : i32 to vector<16xi32>
    %shift_right_logical3A_2346 = arith.shrui %and3A_2340, %shift_right_logical3A_2345 : vector<16xi32>
    %gather3A_2347 = tpu.vector_load_idx %arg5[%and3A_2343, %shift_right_logical3A_2346] : memref<15x15xf32, #tpu.memory_space<vmem>>[vector<16xi32>, vector<16xi32>], vector<16xf32>,
    %swap3A_2348 = arith.constant 32 : i32
    %swap3A_2349 = arith.index_cast %swap3A_2348 : i32 to index
    %swap3A_2350 = arith.constant 16 : index
    %swap3A_2351 = tpu.vector_load %arg7[%swap3A_2349, %swap3A_2350] {strides = array<i32>} : memref<64x64xf32, #tpu.memory_space<vmem>>, vector<16xf32>,
    tpu.vector_store %arg7[%swap3A_2349, %swap3A_2350], %gather3A_2347 {strides = array<i32>} : memref<64x64xf32, #tpu.memory_space<vmem>>, vector<16xf32>,
    %shift_right_logical3A_2352 = arith.constant 16 : i32
    %shift_right_logical3A_2353 = vector.broadcast %shift_right_logical3A_2352 : i32 to vector<16xi32>
    %shift_right_logical3A_2354 = arith.shrui %get3A_2317, %shift_right_logical3A_2353 : vector<16xi32>
    %and3A_2355 = arith.constant 255 : i32
    %and3A_2356 = vector.broadcast %and3A_2355 : i32 to vector<16xi32>
    %and3A_2357 = arith.andi %shift_right_logical3A_2354, %and3A_2356 : vector<16xi32>
    %and3A_2358 = arith.constant 15 : i32
    %and3A_2359 = vector.broadcast %and3A_2358 : i32 to vector<16xi32>
    %and3A_2360 = arith.andi %and3A_2357, %and3A_2359 : vector<16xi32>
    %shift_right_logical3A_2361 = arith.constant 4 : i32
    %shift_right_logical3A_2362 = vector.broadcast %shift_right_logical3A_2361 : i32 to vector<16xi32>
    %shift_right_logical3A_2363 = arith.shrui %and3A_2357, %shift_right_logical3A_2362 : vector<16xi32>
    %gather3A_2364 = tpu.vector_load_idx %arg5[%and3A_2360, %shift_right_logical3A_2363] : memref<15x15xf32, #tpu.memory_space<vmem>>[vector<16xi32>, vector<16xi32>], vector<16xf32>,
    %swap3A_2365 = arith.constant 32 : i32
    %swap3A_2366 = arith.index_cast %swap3A_2365 : i32 to index
    %swap3A_2367 = arith.constant 32 : index
    %swap3A_2368 = tpu.vector_load %arg7[%swap3A_2366, %swap3A_2367] {strides = array<i32>} : memref<64x64xf32, #tpu.memory_space<vmem>>, vector<16xf32>,
    tpu.vector_store %arg7[%swap3A_2366, %swap3A_2367], %gather3A_2364 {strides = array<i32>} : memref<64x64xf32, #tpu.memory_space<vmem>>, vector<16xf32>,
    %shift_right_logical3A_2369 = arith.constant 24 : i32
    %shift_right_logical3A_2370 = vector.broadcast %shift_right_logical3A_2369 : i32 to vector<16xi32>
    %shift_right_logical3A_2371 = arith.shrui %get3A_2317, %shift_right_logical3A_2370 : vector<16xi32>
    %and3A_2372 = arith.constant 255 : i32
    %and3A_2373 = vector.broadcast %and3A_2372 : i32 to vector<16xi32>
    %and3A_2374 = arith.andi %shift_right_logical3A_2371, %and3A_2373 : vector<16xi32>
    %and3A_2375 = arith.constant 15 : i32
    %and3A_2376 = vector.broadcast %and3A_2375 : i32 to vector<16xi32>
    %and3A_2377 = arith.andi %and3A_2374, %and3A_2376 : vector<16xi32>
    %shift_right_logical3A_2378 = arith.constant 4 : i32
    %shift_right_logical3A_2379 = vector.broadcast %shift_right_logical3A_2378 : i32 to vector<16xi32>
    %shift_right_logical3A_2380 = arith.shrui %and3A_2374, %shift_right_logical3A_2379 : vector<16xi32>
    %gather3A_2381 = tpu.vector_load_idx %arg5[%and3A_2377, %shift_right_logical3A_2380] : memref<15x15xf32, #tpu.memory_space<vmem>>[vector<16xi32>, vector<16xi32>], vector<16xf32>,
    %swap3A_2382 = arith.constant 32 : i32
    %swap3A_2383 = arith.index_cast %swap3A_2382 : i32 to index
    %swap3A_2384 = arith.constant 48 : index
    %swap3A_2385 = tpu.vector_load %arg7[%swap3A_2383, %swap3A_2384] {strides = array<i32>} : memref<64x64xf32, #tpu.memory_space<vmem>>, vector<16xf32>,
    tpu.vector_store %arg7[%swap3A_2383, %swap3A_2384], %gather3A_2381 {strides = array<i32>} : memref<64x64xf32, #tpu.memory_space<vmem>>, vector<16xf32>,
    %get3A_2386 = arith.constant 4 : i32
    %get3A_2387 = arith.index_cast %get3A_2386 : i32 to index
    %get3A_2388 = arith.constant 16 : index
    %get3A_2389 = tpu.vector_load %arg6[%get3A_2387, %get3A_2388] {strides = array<i32>} : memref<8x128xi32, #tpu.memory_space<vmem>>, vector<16xi32>,
    %shift_right_logical3A_2390 = arith.constant 0 : i32
    %shift_right_logical3A_2391 = vector.broadcast %shift_right_logical3A_2390 : i32 to vector<16xi32>
    %shift_right_logical3A_2392 = arith.shrui %get3A_2389, %shift_right_logical3A_2391 : vector<16xi32>
    %and3A_2393 = arith.constant 255 : i32
    %and3A_2394 = vector.broadcast %and3A_2393 : i32 to vector<16xi32>
    %and3A_2395 = arith.andi %shift_right_logical3A_2392, %and3A_2394 : vector<16xi32>
    %and3A_2396 = arith.constant 15 : i32
    %and3A_2397 = vector.broadcast %and3A_2396 : i32 to vector<16xi32>
    %and3A_2398 = arith.andi %and3A_2395, %and3A_2397 : vector<16xi32>
    %shift_right_logical3A_2399 = arith.constant 4 : i32
    %shift_right_logical3A_2400 = vector.broadcast %shift_right_logical3A_2399 : i32 to vector<16xi32>
    %shift_right_logical3A_2401 = arith.shrui %and3A_2395, %shift_right_logical3A_2400 : vector<16xi32>
    %gather3A_2402 = tpu.vector_load_idx %arg5[%and3A_2398, %shift_right_logical3A_2401] : memref<15x15xf32, #tpu.memory_space<vmem>>[vector<16xi32>, vector<16xi32>], vector<16xf32>,
    %swap3A_2403 = arith.constant 33 : i32
    %swap3A_2404 = arith.index_cast %swap3A_2403 : i32 to index
    %swap3A_2405 = arith.constant 0 : index
    %swap3A_2406 = tpu.vector_load %arg7[%swap3A_2404, %swap3A_2405] {strides = array<i32>} : memref<64x64xf32, #tpu.memory_space<vmem>>, vector<16xf32>,
    tpu.vector_store %arg7[%swap3A_2404, %swap3A_2405], %gather3A_2402 {strides = array<i32>} : memref<64x64xf32, #tpu.memory_space<vmem>>, vector<16xf32>,
    %shift_right_logical3A_2407 = arith.constant 8 : i32
    %shift_right_logical3A_2408 = vector.broadcast %shift_right_logical3A_2407 : i32 to vector<16xi32>
    %shift_right_logical3A_2409 = arith.shrui %get3A_2389, %shift_right_logical3A_2408 : vector<16xi32>
    %and3A_2410 = arith.constant 255 : i32
    %and3A_2411 = vector.broadcast %and3A_2410 : i32 to vector<16xi32>
    %and3A_2412 = arith.andi %shift_right_logical3A_2409, %and3A_2411 : vector<16xi32>
    %and3A_2413 = arith.constant 15 : i32
    %and3A_2414 = vector.broadcast %and3A_2413 : i32 to vector<16xi32>
    %and3A_2415 = arith.andi %and3A_2412, %and3A_2414 : vector<16xi32>
    %shift_right_logical3A_2416 = arith.constant 4 : i32
    %shift_right_logical3A_2417 = vector.broadcast %shift_right_logical3A_2416 : i32 to vector<16xi32>
    %shift_right_logical3A_2418 = arith.shrui %and3A_2412, %shift_right_logical3A_2417 : vector<16xi32>
    %gather3A_2419 = tpu.vector_load_idx %arg5[%and3A_2415, %shift_right_logical3A_2418] : memref<15x15xf32, #tpu.memory_space<vmem>>[vector<16xi32>, vector<16xi32>], vector<16xf32>,
    %swap3A_2420 = arith.constant 33 : i32
    %swap3A_2421 = arith.index_cast %swap3A_2420 : i32 to index
    %swap3A_2422 = arith.constant 16 : index
    %swap3A_2423 = tpu.vector_load %arg7[%swap3A_2421, %swap3A_2422] {strides = array<i32>} : memref<64x64xf32, #tpu.memory_space<vmem>>, vector<16xf32>,
    tpu.vector_store %arg7[%swap3A_2421, %swap3A_2422], %gather3A_2419 {strides = array<i32>} : memref<64x64xf32, #tpu.memory_space<vmem>>, vector<16xf32>,
    %shift_right_logical3A_2424 = arith.constant 16 : i32
    %shift_right_logical3A_2425 = vector.broadcast %shift_right_logical3A_2424 : i32 to vector<16xi32>
    %shift_right_logical3A_2426 = arith.shrui %get3A_2389, %shift_right_logical3A_2425 : vector<16xi32>
    %and3A_2427 = arith.constant 255 : i32
    %and3A_2428 = vector.broadcast %and3A_2427 : i32 to vector<16xi32>
    %and3A_2429 = arith.andi %shift_right_logical3A_2426, %and3A_2428 : vector<16xi32>
    %and3A_2430 = arith.constant 15 : i32
    %and3A_2431 = vector.broadcast %and3A_2430 : i32 to vector<16xi32>
    %and3A_2432 = arith.andi %and3A_2429, %and3A_2431 : vector<16xi32>
    %shift_right_logical3A_2433 = arith.constant 4 : i32
    %shift_right_logical3A_2434 = vector.broadcast %shift_right_logical3A_2433 : i32 to vector<16xi32>
    %shift_right_logical3A_2435 = arith.shrui %and3A_2429, %shift_right_logical3A_2434 : vector<16xi32>
    %gather3A_2436 = tpu.vector_load_idx %arg5[%and3A_2432, %shift_right_logical3A_2435] : memref<15x15xf32, #tpu.memory_space<vmem>>[vector<16xi32>, vector<16xi32>], vector<16xf32>,
    %swap3A_2437 = arith.constant 33 : i32
    %swap3A_2438 = arith.index_cast %swap3A_2437 : i32 to index
    %swap3A_2439 = arith.constant 32 : index
    %swap3A_2440 = tpu.vector_load %arg7[%swap3A_2438, %swap3A_2439] {strides = array<i32>} : memref<64x64xf32, #tpu.memory_space<vmem>>, vector<16xf32>,
    tpu.vector_store %arg7[%swap3A_2438, %swap3A_2439], %gather3A_2436 {strides = array<i32>} : memref<64x64xf32, #tpu.memory_space<vmem>>, vector<16xf32>,
    %shift_right_logical3A_2441 = arith.constant 24 : i32
    %shift_right_logical3A_2442 = vector.broadcast %shift_right_logical3A_2441 : i32 to vector<16xi32>
    %shift_right_logical3A_2443 = arith.shrui %get3A_2389, %shift_right_logical3A_2442 : vector<16xi32>
    %and3A_2444 = arith.constant 255 : i32
    %and3A_2445 = vector.broadcast %and3A_2444 : i32 to vector<16xi32>
    %and3A_2446 = arith.andi %shift_right_logical3A_2443, %and3A_2445 : vector<16xi32>
    %and3A_2447 = arith.constant 15 : i32
    %and3A_2448 = vector.broadcast %and3A_2447 : i32 to vector<16xi32>
    %and3A_2449 = arith.andi %and3A_2446, %and3A_2448 : vector<16xi32>
    %shift_right_logical3A_2450 = arith.constant 4 : i32
    %shift_right_logical3A_2451 = vector.broadcast %shift_right_logical3A_2450 : i32 to vector<16xi32>
    %shift_right_logical3A_2452 = arith.shrui %and3A_2446, %shift_right_logical3A_2451 : vector<16xi32>
    %gather3A_2453 = tpu.vector_load_idx %arg5[%and3A_2449, %shift_right_logical3A_2452] : memref<15x15xf32, #tpu.memory_space<vmem>>[vector<16xi32>, vector<16xi32>], vector<16xf32>,
    %swap3A_2454 = arith.constant 33 : i32
    %swap3A_2455 = arith.index_cast %swap3A_2454 : i32 to index
    %swap3A_2456 = arith.constant 48 : index
    %swap3A_2457 = tpu.vector_load %arg7[%swap3A_2455, %swap3A_2456] {strides = array<i32>} : memref<64x64xf32, #tpu.memory_space<vmem>>, vector<16xf32>,
    tpu.vector_store %arg7[%swap3A_2455, %swap3A_2456], %gather3A_2453 {strides = array<i32>} : memref<64x64xf32, #tpu.memory_space<vmem>>, vector<16xf32>,
    %get3A_2458 = arith.constant 4 : i32
    %get3A_2459 = arith.index_cast %get3A_2458 : i32 to index
    %get3A_2460 = arith.constant 32 : index
    %get3A_2461 = tpu.vector_load %arg6[%get3A_2459, %get3A_2460] {strides = array<i32>} : memref<8x128xi32, #tpu.memory_space<vmem>>, vector<16xi32>,
    %shift_right_logical3A_2462 = arith.constant 0 : i32
    %shift_right_logical3A_2463 = vector.broadcast %shift_right_logical3A_2462 : i32 to vector<16xi32>
    %shift_right_logical3A_2464 = arith.shrui %get3A_2461, %shift_right_logical3A_2463 : vector<16xi32>
    %and3A_2465 = arith.constant 255 : i32
    %and3A_2466 = vector.broadcast %and3A_2465 : i32 to vector<16xi32>
    %and3A_2467 = arith.andi %shift_right_logical3A_2464, %and3A_2466 : vector<16xi32>
    %and3A_2468 = arith.constant 15 : i32
    %and3A_2469 = vector.broadcast %and3A_2468 : i32 to vector<16xi32>
    %and3A_2470 = arith.andi %and3A_2467, %and3A_2469 : vector<16xi32>
    %shift_right_logical3A_2471 = arith.constant 4 : i32
    %shift_right_logical3A_2472 = vector.broadcast %shift_right_logical3A_2471 : i32 to vector<16xi32>
    %shift_right_logical3A_2473 = arith.shrui %and3A_2467, %shift_right_logical3A_2472 : vector<16xi32>
    %gather3A_2474 = tpu.vector_load_idx %arg5[%and3A_2470, %shift_right_logical3A_2473] : memref<15x15xf32, #tpu.memory_space<vmem>>[vector<16xi32>, vector<16xi32>], vector<16xf32>,
    %swap3A_2475 = arith.constant 34 : i32
    %swap3A_2476 = arith.index_cast %swap3A_2475 : i32 to index
    %swap3A_2477 = arith.constant 0 : index
    %swap3A_2478 = tpu.vector_load %arg7[%swap3A_2476, %swap3A_2477] {strides = array<i32>} : memref<64x64xf32, #tpu.memory_space<vmem>>, vector<16xf32>,
    tpu.vector_store %arg7[%swap3A_2476, %swap3A_2477], %gather3A_2474 {strides = array<i32>} : memref<64x64xf32, #tpu.memory_space<vmem>>, vector<16xf32>,
    %shift_right_logical3A_2479 = arith.constant 8 : i32
    %shift_right_logical3A_2480 = vector.broadcast %shift_right_logical3A_2479 : i32 to vector<16xi32>
    %shift_right_logical3A_2481 = arith.shrui %get3A_2461, %shift_right_logical3A_2480 : vector<16xi32>
    %and3A_2482 = arith.constant 255 : i32
    %and3A_2483 = vector.broadcast %and3A_2482 : i32 to vector<16xi32>
    %and3A_2484 = arith.andi %shift_right_logical3A_2481, %and3A_2483 : vector<16xi32>
    %and3A_2485 = arith.constant 15 : i32
    %and3A_2486 = vector.broadcast %and3A_2485 : i32 to vector<16xi32>
    %and3A_2487 = arith.andi %and3A_2484, %and3A_2486 : vector<16xi32>
    %shift_right_logical3A_2488 = arith.constant 4 : i32
    %shift_right_logical3A_2489 = vector.broadcast %shift_right_logical3A_2488 : i32 to vector<16xi32>
    %shift_right_logical3A_2490 = arith.shrui %and3A_2484, %shift_right_logical3A_2489 : vector<16xi32>
    %gather3A_2491 = tpu.vector_load_idx %arg5[%and3A_2487, %shift_right_logical3A_2490] : memref<15x15xf32, #tpu.memory_space<vmem>>[vector<16xi32>, vector<16xi32>], vector<16xf32>,
    %swap3A_2492 = arith.constant 34 : i32
    %swap3A_2493 = arith.index_cast %swap3A_2492 : i32 to index
    %swap3A_2494 = arith.constant 16 : index
    %swap3A_2495 = tpu.vector_load %arg7[%swap3A_2493, %swap3A_2494] {strides = array<i32>} : memref<64x64xf32, #tpu.memory_space<vmem>>, vector<16xf32>,
    tpu.vector_store %arg7[%swap3A_2493, %swap3A_2494], %gather3A_2491 {strides = array<i32>} : memref<64x64xf32, #tpu.memory_space<vmem>>, vector<16xf32>,
    %shift_right_logical3A_2496 = arith.constant 16 : i32
    %shift_right_logical3A_2497 = vector.broadcast %shift_right_logical3A_2496 : i32 to vector<16xi32>
    %shift_right_logical3A_2498 = arith.shrui %get3A_2461, %shift_right_logical3A_2497 : vector<16xi32>
    %and3A_2499 = arith.constant 255 : i32
    %and3A_2500 = vector.broadcast %and3A_2499 : i32 to vector<16xi32>
    %and3A_2501 = arith.andi %shift_right_logical3A_2498, %and3A_2500 : vector<16xi32>
    %and3A_2502 = arith.constant 15 : i32
    %and3A_2503 = vector.broadcast %and3A_2502 : i32 to vector<16xi32>
    %and3A_2504 = arith.andi %and3A_2501, %and3A_2503 : vector<16xi32>
    %shift_right_logical3A_2505 = arith.constant 4 : i32
    %shift_right_logical3A_2506 = vector.broadcast %shift_right_logical3A_2505 : i32 to vector<16xi32>
    %shift_right_logical3A_2507 = arith.shrui %and3A_2501, %shift_right_logical3A_2506 : vector<16xi32>
    %gather3A_2508 = tpu.vector_load_idx %arg5[%and3A_2504, %shift_right_logical3A_2507] : memref<15x15xf32, #tpu.memory_space<vmem>>[vector<16xi32>, vector<16xi32>], vector<16xf32>,
    %swap3A_2509 = arith.constant 34 : i32
    %swap3A_2510 = arith.index_cast %swap3A_2509 : i32 to index
    %swap3A_2511 = arith.constant 32 : index
    %swap3A_2512 = tpu.vector_load %arg7[%swap3A_2510, %swap3A_2511] {strides = array<i32>} : memref<64x64xf32, #tpu.memory_space<vmem>>, vector<16xf32>,
    tpu.vector_store %arg7[%swap3A_2510, %swap3A_2511], %gather3A_2508 {strides = array<i32>} : memref<64x64xf32, #tpu.memory_space<vmem>>, vector<16xf32>,
    %shift_right_logical3A_2513 = arith.constant 24 : i32
    %shift_right_logical3A_2514 = vector.broadcast %shift_right_logical3A_2513 : i32 to vector<16xi32>
    %shift_right_logical3A_2515 = arith.shrui %get3A_2461, %shift_right_logical3A_2514 : vector<16xi32>
    %and3A_2516 = arith.constant 255 : i32
    %and3A_2517 = vector.broadcast %and3A_2516 : i32 to vector<16xi32>
    %and3A_2518 = arith.andi %shift_right_logical3A_2515, %and3A_2517 : vector<16xi32>
    %and3A_2519 = arith.constant 15 : i32
    %and3A_2520 = vector.broadcast %and3A_2519 : i32 to vector<16xi32>
    %and3A_2521 = arith.andi %and3A_2518, %and3A_2520 : vector<16xi32>
    %shift_right_logical3A_2522 = arith.constant 4 : i32
    %shift_right_logical3A_2523 = vector.broadcast %shift_right_logical3A_2522 : i32 to vector<16xi32>
    %shift_right_logical3A_2524 = arith.shrui %and3A_2518, %shift_right_logical3A_2523 : vector<16xi32>
    %gather3A_2525 = tpu.vector_load_idx %arg5[%and3A_2521, %shift_right_logical3A_2524] : memref<15x15xf32, #tpu.memory_space<vmem>>[vector<16xi32>, vector<16xi32>], vector<16xf32>,
    %swap3A_2526 = arith.constant 34 : i32
    %swap3A_2527 = arith.index_cast %swap3A_2526 : i32 to index
    %swap3A_2528 = arith.constant 48 : index
    %swap3A_2529 = tpu.vector_load %arg7[%swap3A_2527, %swap3A_2528] {strides = array<i32>} : memref<64x64xf32, #tpu.memory_space<vmem>>, vector<16xf32>,
    tpu.vector_store %arg7[%swap3A_2527, %swap3A_2528], %gather3A_2525 {strides = array<i32>} : memref<64x64xf32, #tpu.memory_space<vmem>>, vector<16xf32>,
    %get3A_2530 = arith.constant 4 : i32
    %get3A_2531 = arith.index_cast %get3A_2530 : i32 to index
    %get3A_2532 = arith.constant 48 : index
    %get3A_2533 = tpu.vector_load %arg6[%get3A_2531, %get3A_2532] {strides = array<i32>} : memref<8x128xi32, #tpu.memory_space<vmem>>, vector<16xi32>,
    %shift_right_logical3A_2534 = arith.constant 0 : i32
    %shift_right_logical3A_2535 = vector.broadcast %shift_right_logical3A_2534 : i32 to vector<16xi32>
    %shift_right_logical3A_2536 = arith.shrui %get3A_2533, %shift_right_logical3A_2535 : vector<16xi32>
    %and3A_2537 = arith.constant 255 : i32
    %and3A_2538 = vector.broadcast %and3A_2537 : i32 to vector<16xi32>
    %and3A_2539 = arith.andi %shift_right_logical3A_2536, %and3A_2538 : vector<16xi32>
    %and3A_2540 = arith.constant 15 : i32
    %and3A_2541 = vector.broadcast %and3A_2540 : i32 to vector<16xi32>
    %and3A_2542 = arith.andi %and3A_2539, %and3A_2541 : vector<16xi32>
    %shift_right_logical3A_2543 = arith.constant 4 : i32
    %shift_right_logical3A_2544 = vector.broadcast %shift_right_logical3A_2543 : i32 to vector<16xi32>
    %shift_right_logical3A_2545 = arith.shrui %and3A_2539, %shift_right_logical3A_2544 : vector<16xi32>
    %gather3A_2546 = tpu.vector_load_idx %arg5[%and3A_2542, %shift_right_logical3A_2545] : memref<15x15xf32, #tpu.memory_space<vmem>>[vector<16xi32>, vector<16xi32>], vector<16xf32>,
    %swap3A_2547 = arith.constant 35 : i32
    %swap3A_2548 = arith.index_cast %swap3A_2547 : i32 to index
    %swap3A_2549 = arith.constant 0 : index
    %swap3A_2550 = tpu.vector_load %arg7[%swap3A_2548, %swap3A_2549] {strides = array<i32>} : memref<64x64xf32, #tpu.memory_space<vmem>>, vector<16xf32>,
    tpu.vector_store %arg7[%swap3A_2548, %swap3A_2549], %gather3A_2546 {strides = array<i32>} : memref<64x64xf32, #tpu.memory_space<vmem>>, vector<16xf32>,
    %shift_right_logical3A_2551 = arith.constant 8 : i32
    %shift_right_logical3A_2552 = vector.broadcast %shift_right_logical3A_2551 : i32 to vector<16xi32>
    %shift_right_logical3A_2553 = arith.shrui %get3A_2533, %shift_right_logical3A_2552 : vector<16xi32>
    %and3A_2554 = arith.constant 255 : i32
    %and3A_2555 = vector.broadcast %and3A_2554 : i32 to vector<16xi32>
    %and3A_2556 = arith.andi %shift_right_logical3A_2553, %and3A_2555 : vector<16xi32>
    %and3A_2557 = arith.constant 15 : i32
    %and3A_2558 = vector.broadcast %and3A_2557 : i32 to vector<16xi32>
    %and3A_2559 = arith.andi %and3A_2556, %and3A_2558 : vector<16xi32>
    %shift_right_logical3A_2560 = arith.constant 4 : i32
    %shift_right_logical3A_2561 = vector.broadcast %shift_right_logical3A_2560 : i32 to vector<16xi32>
    %shift_right_logical3A_2562 = arith.shrui %and3A_2556, %shift_right_logical3A_2561 : vector<16xi32>
    %gather3A_2563 = tpu.vector_load_idx %arg5[%and3A_2559, %shift_right_logical3A_2562] : memref<15x15xf32, #tpu.memory_space<vmem>>[vector<16xi32>, vector<16xi32>], vector<16xf32>,
    %swap3A_2564 = arith.constant 35 : i32
    %swap3A_2565 = arith.index_cast %swap3A_2564 : i32 to index
    %swap3A_2566 = arith.constant 16 : index
    %swap3A_2567 = tpu.vector_load %arg7[%swap3A_2565, %swap3A_2566] {strides = array<i32>} : memref<64x64xf32, #tpu.memory_space<vmem>>, vector<16xf32>,
    tpu.vector_store %arg7[%swap3A_2565, %swap3A_2566], %gather3A_2563 {strides = array<i32>} : memref<64x64xf32, #tpu.memory_space<vmem>>, vector<16xf32>,
    %shift_right_logical3A_2568 = arith.constant 16 : i32
    %shift_right_logical3A_2569 = vector.broadcast %shift_right_logical3A_2568 : i32 to vector<16xi32>
    %shift_right_logical3A_2570 = arith.shrui %get3A_2533, %shift_right_logical3A_2569 : vector<16xi32>
    %and3A_2571 = arith.constant 255 : i32
    %and3A_2572 = vector.broadcast %and3A_2571 : i32 to vector<16xi32>
    %and3A_2573 = arith.andi %shift_right_logical3A_2570, %and3A_2572 : vector<16xi32>
    %and3A_2574 = arith.constant 15 : i32
    %and3A_2575 = vector.broadcast %and3A_2574 : i32 to vector<16xi32>
    %and3A_2576 = arith.andi %and3A_2573, %and3A_2575 : vector<16xi32>
    %shift_right_logical3A_2577 = arith.constant 4 : i32
    %shift_right_logical3A_2578 = vector.broadcast %shift_right_logical3A_2577 : i32 to vector<16xi32>
    %shift_right_logical3A_2579 = arith.shrui %and3A_2573, %shift_right_logical3A_2578 : vector<16xi32>
    %gather3A_2580 = tpu.vector_load_idx %arg5[%and3A_2576, %shift_right_logical3A_2579] : memref<15x15xf32, #tpu.memory_space<vmem>>[vector<16xi32>, vector<16xi32>], vector<16xf32>,
    %swap3A_2581 = arith.constant 35 : i32
    %swap3A_2582 = arith.index_cast %swap3A_2581 : i32 to index
    %swap3A_2583 = arith.constant 32 : index
    %swap3A_2584 = tpu.vector_load %arg7[%swap3A_2582, %swap3A_2583] {strides = array<i32>} : memref<64x64xf32, #tpu.memory_space<vmem>>, vector<16xf32>,
    tpu.vector_store %arg7[%swap3A_2582, %swap3A_2583], %gather3A_2580 {strides = array<i32>} : memref<64x64xf32, #tpu.memory_space<vmem>>, vector<16xf32>,
    %shift_right_logical3A_2585 = arith.constant 24 : i32
    %shift_right_logical3A_2586 = vector.broadcast %shift_right_logical3A_2585 : i32 to vector<16xi32>
    %shift_right_logical3A_2587 = arith.shrui %get3A_2533, %shift_right_logical3A_2586 : vector<16xi32>
    %and3A_2588 = arith.constant 255 : i32
    %and3A_2589 = vector.broadcast %and3A_2588 : i32 to vector<16xi32>
    %and3A_2590 = arith.andi %shift_right_logical3A_2587, %and3A_2589 : vector<16xi32>
    %and3A_2591 = arith.constant 15 : i32
    %and3A_2592 = vector.broadcast %and3A_2591 : i32 to vector<16xi32>
    %and3A_2593 = arith.andi %and3A_2590, %and3A_2592 : vector<16xi32>
    %shift_right_logical3A_2594 = arith.constant 4 : i32
    %shift_right_logical3A_2595 = vector.broadcast %shift_right_logical3A_2594 : i32 to vector<16xi32>
    %shift_right_logical3A_2596 = arith.shrui %and3A_2590, %shift_right_logical3A_2595 : vector<16xi32>
    %gather3A_2597 = tpu.vector_load_idx %arg5[%and3A_2593, %shift_right_logical3A_2596] : memref<15x15xf32, #tpu.memory_space<vmem>>[vector<16xi32>, vector<16xi32>], vector<16xf32>,
    %swap3A_2598 = arith.constant 35 : i32
    %swap3A_2599 = arith.index_cast %swap3A_2598 : i32 to index
    %swap3A_2600 = arith.constant 48 : index
    %swap3A_2601 = tpu.vector_load %arg7[%swap3A_2599, %swap3A_2600] {strides = array<i32>} : memref<64x64xf32, #tpu.memory_space<vmem>>, vector<16xf32>,
    tpu.vector_store %arg7[%swap3A_2599, %swap3A_2600], %gather3A_2597 {strides = array<i32>} : memref<64x64xf32, #tpu.memory_space<vmem>>, vector<16xf32>,
    %get3A_2602 = arith.constant 4 : i32
    %get3A_2603 = arith.index_cast %get3A_2602 : i32 to index
    %get3A_2604 = arith.constant 64 : index
    %get3A_2605 = tpu.vector_load %arg6[%get3A_2603, %get3A_2604] {strides = array<i32>} : memref<8x128xi32, #tpu.memory_space<vmem>>, vector<16xi32>,
    %shift_right_logical3A_2606 = arith.constant 0 : i32
    %shift_right_logical3A_2607 = vector.broadcast %shift_right_logical3A_2606 : i32 to vector<16xi32>
    %shift_right_logical3A_2608 = arith.shrui %get3A_2605, %shift_right_logical3A_2607 : vector<16xi32>
    %and3A_2609 = arith.constant 255 : i32
    %and3A_2610 = vector.broadcast %and3A_2609 : i32 to vector<16xi32>
    %and3A_2611 = arith.andi %shift_right_logical3A_2608, %and3A_2610 : vector<16xi32>
    %and3A_2612 = arith.constant 15 : i32
    %and3A_2613 = vector.broadcast %and3A_2612 : i32 to vector<16xi32>
    %and3A_2614 = arith.andi %and3A_2611, %and3A_2613 : vector<16xi32>
    %shift_right_logical3A_2615 = arith.constant 4 : i32
    %shift_right_logical3A_2616 = vector.broadcast %shift_right_logical3A_2615 : i32 to vector<16xi32>
    %shift_right_logical3A_2617 = arith.shrui %and3A_2611, %shift_right_logical3A_2616 : vector<16xi32>
    %gather3A_2618 = tpu.vector_load_idx %arg5[%and3A_2614, %shift_right_logical3A_2617] : memref<15x15xf32, #tpu.memory_space<vmem>>[vector<16xi32>, vector<16xi32>], vector<16xf32>,
    %swap3A_2619 = arith.constant 36 : i32
    %swap3A_2620 = arith.index_cast %swap3A_2619 : i32 to index
    %swap3A_2621 = arith.constant 0 : index
    %swap3A_2622 = tpu.vector_load %arg7[%swap3A_2620, %swap3A_2621] {strides = array<i32>} : memref<64x64xf32, #tpu.memory_space<vmem>>, vector<16xf32>,
    tpu.vector_store %arg7[%swap3A_2620, %swap3A_2621], %gather3A_2618 {strides = array<i32>} : memref<64x64xf32, #tpu.memory_space<vmem>>, vector<16xf32>,
    %shift_right_logical3A_2623 = arith.constant 8 : i32
    %shift_right_logical3A_2624 = vector.broadcast %shift_right_logical3A_2623 : i32 to vector<16xi32>
    %shift_right_logical3A_2625 = arith.shrui %get3A_2605, %shift_right_logical3A_2624 : vector<16xi32>
    %and3A_2626 = arith.constant 255 : i32
    %and3A_2627 = vector.broadcast %and3A_2626 : i32 to vector<16xi32>
    %and3A_2628 = arith.andi %shift_right_logical3A_2625, %and3A_2627 : vector<16xi32>
    %and3A_2629 = arith.constant 15 : i32
    %and3A_2630 = vector.broadcast %and3A_2629 : i32 to vector<16xi32>
    %and3A_2631 = arith.andi %and3A_2628, %and3A_2630 : vector<16xi32>
    %shift_right_logical3A_2632 = arith.constant 4 : i32
    %shift_right_logical3A_2633 = vector.broadcast %shift_right_logical3A_2632 : i32 to vector<16xi32>
    %shift_right_logical3A_2634 = arith.shrui %and3A_2628, %shift_right_logical3A_2633 : vector<16xi32>
    %gather3A_2635 = tpu.vector_load_idx %arg5[%and3A_2631, %shift_right_logical3A_2634] : memref<15x15xf32, #tpu.memory_space<vmem>>[vector<16xi32>, vector<16xi32>], vector<16xf32>,
    %swap3A_2636 = arith.constant 36 : i32
    %swap3A_2637 = arith.index_cast %swap3A_2636 : i32 to index
    %swap3A_2638 = arith.constant 16 : index
    %swap3A_2639 = tpu.vector_load %arg7[%swap3A_2637, %swap3A_2638] {strides = array<i32>} : memref<64x64xf32, #tpu.memory_space<vmem>>, vector<16xf32>,
    tpu.vector_store %arg7[%swap3A_2637, %swap3A_2638], %gather3A_2635 {strides = array<i32>} : memref<64x64xf32, #tpu.memory_space<vmem>>, vector<16xf32>,
    %shift_right_logical3A_2640 = arith.constant 16 : i32
    %shift_right_logical3A_2641 = vector.broadcast %shift_right_logical3A_2640 : i32 to vector<16xi32>
    %shift_right_logical3A_2642 = arith.shrui %get3A_2605, %shift_right_logical3A_2641 : vector<16xi32>
    %and3A_2643 = arith.constant 255 : i32
    %and3A_2644 = vector.broadcast %and3A_2643 : i32 to vector<16xi32>
    %and3A_2645 = arith.andi %shift_right_logical3A_2642, %and3A_2644 : vector<16xi32>
    %and3A_2646 = arith.constant 15 : i32
    %and3A_2647 = vector.broadcast %and3A_2646 : i32 to vector<16xi32>
    %and3A_2648 = arith.andi %and3A_2645, %and3A_2647 : vector<16xi32>
    %shift_right_logical3A_2649 = arith.constant 4 : i32
    %shift_right_logical3A_2650 = vector.broadcast %shift_right_logical3A_2649 : i32 to vector<16xi32>
    %shift_right_logical3A_2651 = arith.shrui %and3A_2645, %shift_right_logical3A_2650 : vector<16xi32>
    %gather3A_2652 = tpu.vector_load_idx %arg5[%and3A_2648, %shift_right_logical3A_2651] : memref<15x15xf32, #tpu.memory_space<vmem>>[vector<16xi32>, vector<16xi32>], vector<16xf32>,
    %swap3A_2653 = arith.constant 36 : i32
    %swap3A_2654 = arith.index_cast %swap3A_2653 : i32 to index
    %swap3A_2655 = arith.constant 32 : index
    %swap3A_2656 = tpu.vector_load %arg7[%swap3A_2654, %swap3A_2655] {strides = array<i32>} : memref<64x64xf32, #tpu.memory_space<vmem>>, vector<16xf32>,
    tpu.vector_store %arg7[%swap3A_2654, %swap3A_2655], %gather3A_2652 {strides = array<i32>} : memref<64x64xf32, #tpu.memory_space<vmem>>, vector<16xf32>,
    %shift_right_logical3A_2657 = arith.constant 24 : i32
    %shift_right_logical3A_2658 = vector.broadcast %shift_right_logical3A_2657 : i32 to vector<16xi32>
    %shift_right_logical3A_2659 = arith.shrui %get3A_2605, %shift_right_logical3A_2658 : vector<16xi32>
    %and3A_2660 = arith.constant 255 : i32
    %and3A_2661 = vector.broadcast %and3A_2660 : i32 to vector<16xi32>
    %and3A_2662 = arith.andi %shift_right_logical3A_2659, %and3A_2661 : vector<16xi32>
    %and3A_2663 = arith.constant 15 : i32
    %and3A_2664 = vector.broadcast %and3A_2663 : i32 to vector<16xi32>
    %and3A_2665 = arith.andi %and3A_2662, %and3A_2664 : vector<16xi32>
    %shift_right_logical3A_2666 = arith.constant 4 : i32
    %shift_right_logical3A_2667 = vector.broadcast %shift_right_logical3A_2666 : i32 to vector<16xi32>
    %shift_right_logical3A_2668 = arith.shrui %and3A_2662, %shift_right_logical3A_2667 : vector<16xi32>
    %gather3A_2669 = tpu.vector_load_idx %arg5[%and3A_2665, %shift_right_logical3A_2668] : memref<15x15xf32, #tpu.memory_space<vmem>>[vector<16xi32>, vector<16xi32>], vector<16xf32>,
    %swap3A_2670 = arith.constant 36 : i32
    %swap3A_2671 = arith.index_cast %swap3A_2670 : i32 to index
    %swap3A_2672 = arith.constant 48 : index
    %swap3A_2673 = tpu.vector_load %arg7[%swap3A_2671, %swap3A_2672] {strides = array<i32>} : memref<64x64xf32, #tpu.memory_space<vmem>>, vector<16xf32>,
    tpu.vector_store %arg7[%swap3A_2671, %swap3A_2672], %gather3A_2669 {strides = array<i32>} : memref<64x64xf32, #tpu.memory_space<vmem>>, vector<16xf32>,
    %get3A_2674 = arith.constant 4 : i32
    %get3A_2675 = arith.index_cast %get3A_2674 : i32 to index
    %get3A_2676 = arith.constant 80 : index
    %get3A_2677 = tpu.vector_load %arg6[%get3A_2675, %get3A_2676] {strides = array<i32>} : memref<8x128xi32, #tpu.memory_space<vmem>>, vector<16xi32>,
    %shift_right_logical3A_2678 = arith.constant 0 : i32
    %shift_right_logical3A_2679 = vector.broadcast %shift_right_logical3A_2678 : i32 to vector<16xi32>
    %shift_right_logical3A_2680 = arith.shrui %get3A_2677, %shift_right_logical3A_2679 : vector<16xi32>
    %and3A_2681 = arith.constant 255 : i32
    %and3A_2682 = vector.broadcast %and3A_2681 : i32 to vector<16xi32>
    %and3A_2683 = arith.andi %shift_right_logical3A_2680, %and3A_2682 : vector<16xi32>
    %and3A_2684 = arith.constant 15 : i32
    %and3A_2685 = vector.broadcast %and3A_2684 : i32 to vector<16xi32>
    %and3A_2686 = arith.andi %and3A_2683, %and3A_2685 : vector<16xi32>
    %shift_right_logical3A_2687 = arith.constant 4 : i32
    %shift_right_logical3A_2688 = vector.broadcast %shift_right_logical3A_2687 : i32 to vector<16xi32>
    %shift_right_logical3A_2689 = arith.shrui %and3A_2683, %shift_right_logical3A_2688 : vector<16xi32>
    %gather3A_2690 = tpu.vector_load_idx %arg5[%and3A_2686, %shift_right_logical3A_2689] : memref<15x15xf32, #tpu.memory_space<vmem>>[vector<16xi32>, vector<16xi32>], vector<16xf32>,
    %swap3A_2691 = arith.constant 37 : i32
    %swap3A_2692 = arith.index_cast %swap3A_2691 : i32 to index
    %swap3A_2693 = arith.constant 0 : index
    %swap3A_2694 = tpu.vector_load %arg7[%swap3A_2692, %swap3A_2693] {strides = array<i32>} : memref<64x64xf32, #tpu.memory_space<vmem>>, vector<16xf32>,
    tpu.vector_store %arg7[%swap3A_2692, %swap3A_2693], %gather3A_2690 {strides = array<i32>} : memref<64x64xf32, #tpu.memory_space<vmem>>, vector<16xf32>,
    %shift_right_logical3A_2695 = arith.constant 8 : i32
    %shift_right_logical3A_2696 = vector.broadcast %shift_right_logical3A_2695 : i32 to vector<16xi32>
    %shift_right_logical3A_2697 = arith.shrui %get3A_2677, %shift_right_logical3A_2696 : vector<16xi32>
    %and3A_2698 = arith.constant 255 : i32
    %and3A_2699 = vector.broadcast %and3A_2698 : i32 to vector<16xi32>
    %and3A_2700 = arith.andi %shift_right_logical3A_2697, %and3A_2699 : vector<16xi32>
    %and3A_2701 = arith.constant 15 : i32
    %and3A_2702 = vector.broadcast %and3A_2701 : i32 to vector<16xi32>
    %and3A_2703 = arith.andi %and3A_2700, %and3A_2702 : vector<16xi32>
    %shift_right_logical3A_2704 = arith.constant 4 : i32
    %shift_right_logical3A_2705 = vector.broadcast %shift_right_logical3A_2704 : i32 to vector<16xi32>
    %shift_right_logical3A_2706 = arith.shrui %and3A_2700, %shift_right_logical3A_2705 : vector<16xi32>
    %gather3A_2707 = tpu.vector_load_idx %arg5[%and3A_2703, %shift_right_logical3A_2706] : memref<15x15xf32, #tpu.memory_space<vmem>>[vector<16xi32>, vector<16xi32>], vector<16xf32>,
    %swap3A_2708 = arith.constant 37 : i32
    %swap3A_2709 = arith.index_cast %swap3A_2708 : i32 to index
    %swap3A_2710 = arith.constant 16 : index
    %swap3A_2711 = tpu.vector_load %arg7[%swap3A_2709, %swap3A_2710] {strides = array<i32>} : memref<64x64xf32, #tpu.memory_space<vmem>>, vector<16xf32>,
    tpu.vector_store %arg7[%swap3A_2709, %swap3A_2710], %gather3A_2707 {strides = array<i32>} : memref<64x64xf32, #tpu.memory_space<vmem>>, vector<16xf32>,
    %shift_right_logical3A_2712 = arith.constant 16 : i32
    %shift_right_logical3A_2713 = vector.broadcast %shift_right_logical3A_2712 : i32 to vector<16xi32>
    %shift_right_logical3A_2714 = arith.shrui %get3A_2677, %shift_right_logical3A_2713 : vector<16xi32>
    %and3A_2715 = arith.constant 255 : i32
    %and3A_2716 = vector.broadcast %and3A_2715 : i32 to vector<16xi32>
    %and3A_2717 = arith.andi %shift_right_logical3A_2714, %and3A_2716 : vector<16xi32>
    %and3A_2718 = arith.constant 15 : i32
    %and3A_2719 = vector.broadcast %and3A_2718 : i32 to vector<16xi32>
    %and3A_2720 = arith.andi %and3A_2717, %and3A_2719 : vector<16xi32>
    %shift_right_logical3A_2721 = arith.constant 4 : i32
    %shift_right_logical3A_2722 = vector.broadcast %shift_right_logical3A_2721 : i32 to vector<16xi32>
    %shift_right_logical3A_2723 = arith.shrui %and3A_2717, %shift_right_logical3A_2722 : vector<16xi32>
    %gather3A_2724 = tpu.vector_load_idx %arg5[%and3A_2720, %shift_right_logical3A_2723] : memref<15x15xf32, #tpu.memory_space<vmem>>[vector<16xi32>, vector<16xi32>], vector<16xf32>,
    %swap3A_2725 = arith.constant 37 : i32
    %swap3A_2726 = arith.index_cast %swap3A_2725 : i32 to index
    %swap3A_2727 = arith.constant 32 : index
    %swap3A_2728 = tpu.vector_load %arg7[%swap3A_2726, %swap3A_2727] {strides = array<i32>} : memref<64x64xf32, #tpu.memory_space<vmem>>, vector<16xf32>,
    tpu.vector_store %arg7[%swap3A_2726, %swap3A_2727], %gather3A_2724 {strides = array<i32>} : memref<64x64xf32, #tpu.memory_space<vmem>>, vector<16xf32>,
    %shift_right_logical3A_2729 = arith.constant 24 : i32
    %shift_right_logical3A_2730 = vector.broadcast %shift_right_logical3A_2729 : i32 to vector<16xi32>
    %shift_right_logical3A_2731 = arith.shrui %get3A_2677, %shift_right_logical3A_2730 : vector<16xi32>
    %and3A_2732 = arith.constant 255 : i32
    %and3A_2733 = vector.broadcast %and3A_2732 : i32 to vector<16xi32>
    %and3A_2734 = arith.andi %shift_right_logical3A_2731, %and3A_2733 : vector<16xi32>
    %and3A_2735 = arith.constant 15 : i32
    %and3A_2736 = vector.broadcast %and3A_2735 : i32 to vector<16xi32>
    %and3A_2737 = arith.andi %and3A_2734, %and3A_2736 : vector<16xi32>
    %shift_right_logical3A_2738 = arith.constant 4 : i32
    %shift_right_logical3A_2739 = vector.broadcast %shift_right_logical3A_2738 : i32 to vector<16xi32>
    %shift_right_logical3A_2740 = arith.shrui %and3A_2734, %shift_right_logical3A_2739 : vector<16xi32>
    %gather3A_2741 = tpu.vector_load_idx %arg5[%and3A_2737, %shift_right_logical3A_2740] : memref<15x15xf32, #tpu.memory_space<vmem>>[vector<16xi32>, vector<16xi32>], vector<16xf32>,
    %swap3A_2742 = arith.constant 37 : i32
    %swap3A_2743 = arith.index_cast %swap3A_2742 : i32 to index
    %swap3A_2744 = arith.constant 48 : index
    %swap3A_2745 = tpu.vector_load %arg7[%swap3A_2743, %swap3A_2744] {strides = array<i32>} : memref<64x64xf32, #tpu.memory_space<vmem>>, vector<16xf32>,
    tpu.vector_store %arg7[%swap3A_2743, %swap3A_2744], %gather3A_2741 {strides = array<i32>} : memref<64x64xf32, #tpu.memory_space<vmem>>, vector<16xf32>,
    %get3A_2746 = arith.constant 4 : i32
    %get3A_2747 = arith.index_cast %get3A_2746 : i32 to index
    %get3A_2748 = arith.constant 96 : index
    %get3A_2749 = tpu.vector_load %arg6[%get3A_2747, %get3A_2748] {strides = array<i32>} : memref<8x128xi32, #tpu.memory_space<vmem>>, vector<16xi32>,
    %shift_right_logical3A_2750 = arith.constant 0 : i32
    %shift_right_logical3A_2751 = vector.broadcast %shift_right_logical3A_2750 : i32 to vector<16xi32>
    %shift_right_logical3A_2752 = arith.shrui %get3A_2749, %shift_right_logical3A_2751 : vector<16xi32>
    %and3A_2753 = arith.constant 255 : i32
    %and3A_2754 = vector.broadcast %and3A_2753 : i32 to vector<16xi32>
    %and3A_2755 = arith.andi %shift_right_logical3A_2752, %and3A_2754 : vector<16xi32>
    %and3A_2756 = arith.constant 15 : i32
    %and3A_2757 = vector.broadcast %and3A_2756 : i32 to vector<16xi32>
    %and3A_2758 = arith.andi %and3A_2755, %and3A_2757 : vector<16xi32>
    %shift_right_logical3A_2759 = arith.constant 4 : i32
    %shift_right_logical3A_2760 = vector.broadcast %shift_right_logical3A_2759 : i32 to vector<16xi32>
    %shift_right_logical3A_2761 = arith.shrui %and3A_2755, %shift_right_logical3A_2760 : vector<16xi32>
    %gather3A_2762 = tpu.vector_load_idx %arg5[%and3A_2758, %shift_right_logical3A_2761] : memref<15x15xf32, #tpu.memory_space<vmem>>[vector<16xi32>, vector<16xi32>], vector<16xf32>,
    %swap3A_2763 = arith.constant 38 : i32
    %swap3A_2764 = arith.index_cast %swap3A_2763 : i32 to index
    %swap3A_2765 = arith.constant 0 : index
    %swap3A_2766 = tpu.vector_load %arg7[%swap3A_2764, %swap3A_2765] {strides = array<i32>} : memref<64x64xf32, #tpu.memory_space<vmem>>, vector<16xf32>,
    tpu.vector_store %arg7[%swap3A_2764, %swap3A_2765], %gather3A_2762 {strides = array<i32>} : memref<64x64xf32, #tpu.memory_space<vmem>>, vector<16xf32>,
    %shift_right_logical3A_2767 = arith.constant 8 : i32
    %shift_right_logical3A_2768 = vector.broadcast %shift_right_logical3A_2767 : i32 to vector<16xi32>
    %shift_right_logical3A_2769 = arith.shrui %get3A_2749, %shift_right_logical3A_2768 : vector<16xi32>
    %and3A_2770 = arith.constant 255 : i32
    %and3A_2771 = vector.broadcast %and3A_2770 : i32 to vector<16xi32>
    %and3A_2772 = arith.andi %shift_right_logical3A_2769, %and3A_2771 : vector<16xi32>
    %and3A_2773 = arith.constant 15 : i32
    %and3A_2774 = vector.broadcast %and3A_2773 : i32 to vector<16xi32>
    %and3A_2775 = arith.andi %and3A_2772, %and3A_2774 : vector<16xi32>
    %shift_right_logical3A_2776 = arith.constant 4 : i32
    %shift_right_logical3A_2777 = vector.broadcast %shift_right_logical3A_2776 : i32 to vector<16xi32>
    %shift_right_logical3A_2778 = arith.shrui %and3A_2772, %shift_right_logical3A_2777 : vector<16xi32>
    %gather3A_2779 = tpu.vector_load_idx %arg5[%and3A_2775, %shift_right_logical3A_2778] : memref<15x15xf32, #tpu.memory_space<vmem>>[vector<16xi32>, vector<16xi32>], vector<16xf32>,
    %swap3A_2780 = arith.constant 38 : i32
    %swap3A_2781 = arith.index_cast %swap3A_2780 : i32 to index
    %swap3A_2782 = arith.constant 16 : index
    %swap3A_2783 = tpu.vector_load %arg7[%swap3A_2781, %swap3A_2782] {strides = array<i32>} : memref<64x64xf32, #tpu.memory_space<vmem>>, vector<16xf32>,
    tpu.vector_store %arg7[%swap3A_2781, %swap3A_2782], %gather3A_2779 {strides = array<i32>} : memref<64x64xf32, #tpu.memory_space<vmem>>, vector<16xf32>,
    %shift_right_logical3A_2784 = arith.constant 16 : i32
    %shift_right_logical3A_2785 = vector.broadcast %shift_right_logical3A_2784 : i32 to vector<16xi32>
    %shift_right_logical3A_2786 = arith.shrui %get3A_2749, %shift_right_logical3A_2785 : vector<16xi32>
    %and3A_2787 = arith.constant 255 : i32
    %and3A_2788 = vector.broadcast %and3A_2787 : i32 to vector<16xi32>
    %and3A_2789 = arith.andi %shift_right_logical3A_2786, %and3A_2788 : vector<16xi32>
    %and3A_2790 = arith.constant 15 : i32
    %and3A_2791 = vector.broadcast %and3A_2790 : i32 to vector<16xi32>
    %and3A_2792 = arith.andi %and3A_2789, %and3A_2791 : vector<16xi32>
    %shift_right_logical3A_2793 = arith.constant 4 : i32
    %shift_right_logical3A_2794 = vector.broadcast %shift_right_logical3A_2793 : i32 to vector<16xi32>
    %shift_right_logical3A_2795 = arith.shrui %and3A_2789, %shift_right_logical3A_2794 : vector<16xi32>
    %gather3A_2796 = tpu.vector_load_idx %arg5[%and3A_2792, %shift_right_logical3A_2795] : memref<15x15xf32, #tpu.memory_space<vmem>>[vector<16xi32>, vector<16xi32>], vector<16xf32>,
    %swap3A_2797 = arith.constant 38 : i32
    %swap3A_2798 = arith.index_cast %swap3A_2797 : i32 to index
    %swap3A_2799 = arith.constant 32 : index
    %swap3A_2800 = tpu.vector_load %arg7[%swap3A_2798, %swap3A_2799] {strides = array<i32>} : memref<64x64xf32, #tpu.memory_space<vmem>>, vector<16xf32>,
    tpu.vector_store %arg7[%swap3A_2798, %swap3A_2799], %gather3A_2796 {strides = array<i32>} : memref<64x64xf32, #tpu.memory_space<vmem>>, vector<16xf32>,
    %shift_right_logical3A_2801 = arith.constant 24 : i32
    %shift_right_logical3A_2802 = vector.broadcast %shift_right_logical3A_2801 : i32 to vector<16xi32>
    %shift_right_logical3A_2803 = arith.shrui %get3A_2749, %shift_right_logical3A_2802 : vector<16xi32>
    %and3A_2804 = arith.constant 255 : i32
    %and3A_2805 = vector.broadcast %and3A_2804 : i32 to vector<16xi32>
    %and3A_2806 = arith.andi %shift_right_logical3A_2803, %and3A_2805 : vector<16xi32>
    %and3A_2807 = arith.constant 15 : i32
    %and3A_2808 = vector.broadcast %and3A_2807 : i32 to vector<16xi32>
    %and3A_2809 = arith.andi %and3A_2806, %and3A_2808 : vector<16xi32>
    %shift_right_logical3A_2810 = arith.constant 4 : i32
    %shift_right_logical3A_2811 = vector.broadcast %shift_right_logical3A_2810 : i32 to vector<16xi32>
    %shift_right_logical3A_2812 = arith.shrui %and3A_2806, %shift_right_logical3A_2811 : vector<16xi32>
    %gather3A_2813 = tpu.vector_load_idx %arg5[%and3A_2809, %shift_right_logical3A_2812] : memref<15x15xf32, #tpu.memory_space<vmem>>[vector<16xi32>, vector<16xi32>], vector<16xf32>,
    %swap3A_2814 = arith.constant 38 : i32
    %swap3A_2815 = arith.index_cast %swap3A_2814 : i32 to index
    %swap3A_2816 = arith.constant 48 : index
    %swap3A_2817 = tpu.vector_load %arg7[%swap3A_2815, %swap3A_2816] {strides = array<i32>} : memref<64x64xf32, #tpu.memory_space<vmem>>, vector<16xf32>,
    tpu.vector_store %arg7[%swap3A_2815, %swap3A_2816], %gather3A_2813 {strides = array<i32>} : memref<64x64xf32, #tpu.memory_space<vmem>>, vector<16xf32>,
    %get3A_2818 = arith.constant 4 : i32
    %get3A_2819 = arith.index_cast %get3A_2818 : i32 to index
    %get3A_2820 = arith.constant 112 : index
    %get3A_2821 = tpu.vector_load %arg6[%get3A_2819, %get3A_2820] {strides = array<i32>} : memref<8x128xi32, #tpu.memory_space<vmem>>, vector<16xi32>,
    %shift_right_logical3A_2822 = arith.constant 0 : i32
    %shift_right_logical3A_2823 = vector.broadcast %shift_right_logical3A_2822 : i32 to vector<16xi32>
    %shift_right_logical3A_2824 = arith.shrui %get3A_2821, %shift_right_logical3A_2823 : vector<16xi32>
    %and3A_2825 = arith.constant 255 : i32
    %and3A_2826 = vector.broadcast %and3A_2825 : i32 to vector<16xi32>
    %and3A_2827 = arith.andi %shift_right_logical3A_2824, %and3A_2826 : vector<16xi32>
    %and3A_2828 = arith.constant 15 : i32
    %and3A_2829 = vector.broadcast %and3A_2828 : i32 to vector<16xi32>
    %and3A_2830 = arith.andi %and3A_2827, %and3A_2829 : vector<16xi32>
    %shift_right_logical3A_2831 = arith.constant 4 : i32
    %shift_right_logical3A_2832 = vector.broadcast %shift_right_logical3A_2831 : i32 to vector<16xi32>
    %shift_right_logical3A_2833 = arith.shrui %and3A_2827, %shift_right_logical3A_2832 : vector<16xi32>
    %gather3A_2834 = tpu.vector_load_idx %arg5[%and3A_2830, %shift_right_logical3A_2833] : memref<15x15xf32, #tpu.memory_space<vmem>>[vector<16xi32>, vector<16xi32>], vector<16xf32>,
    %swap3A_2835 = arith.constant 39 : i32
    %swap3A_2836 = arith.index_cast %swap3A_2835 : i32 to index
    %swap3A_2837 = arith.constant 0 : index
    %swap3A_2838 = tpu.vector_load %arg7[%swap3A_2836, %swap3A_2837] {strides = array<i32>} : memref<64x64xf32, #tpu.memory_space<vmem>>, vector<16xf32>,
    tpu.vector_store %arg7[%swap3A_2836, %swap3A_2837], %gather3A_2834 {strides = array<i32>} : memref<64x64xf32, #tpu.memory_space<vmem>>, vector<16xf32>,
    %shift_right_logical3A_2839 = arith.constant 8 : i32
    %shift_right_logical3A_2840 = vector.broadcast %shift_right_logical3A_2839 : i32 to vector<16xi32>
    %shift_right_logical3A_2841 = arith.shrui %get3A_2821, %shift_right_logical3A_2840 : vector<16xi32>
    %and3A_2842 = arith.constant 255 : i32
    %and3A_2843 = vector.broadcast %and3A_2842 : i32 to vector<16xi32>
    %and3A_2844 = arith.andi %shift_right_logical3A_2841, %and3A_2843 : vector<16xi32>
    %and3A_2845 = arith.constant 15 : i32
    %and3A_2846 = vector.broadcast %and3A_2845 : i32 to vector<16xi32>
    %and3A_2847 = arith.andi %and3A_2844, %and3A_2846 : vector<16xi32>
    %shift_right_logical3A_2848 = arith.constant 4 : i32
    %shift_right_logical3A_2849 = vector.broadcast %shift_right_logical3A_2848 : i32 to vector<16xi32>
    %shift_right_logical3A_2850 = arith.shrui %and3A_2844, %shift_right_logical3A_2849 : vector<16xi32>
    %gather3A_2851 = tpu.vector_load_idx %arg5[%and3A_2847, %shift_right_logical3A_2850] : memref<15x15xf32, #tpu.memory_space<vmem>>[vector<16xi32>, vector<16xi32>], vector<16xf32>,
    %swap3A_2852 = arith.constant 39 : i32
    %swap3A_2853 = arith.index_cast %swap3A_2852 : i32 to index
    %swap3A_2854 = arith.constant 16 : index
    %swap3A_2855 = tpu.vector_load %arg7[%swap3A_2853, %swap3A_2854] {strides = array<i32>} : memref<64x64xf32, #tpu.memory_space<vmem>>, vector<16xf32>,
    tpu.vector_store %arg7[%swap3A_2853, %swap3A_2854], %gather3A_2851 {strides = array<i32>} : memref<64x64xf32, #tpu.memory_space<vmem>>, vector<16xf32>,
    %shift_right_logical3A_2856 = arith.constant 16 : i32
    %shift_right_logical3A_2857 = vector.broadcast %shift_right_logical3A_2856 : i32 to vector<16xi32>
    %shift_right_logical3A_2858 = arith.shrui %get3A_2821, %shift_right_logical3A_2857 : vector<16xi32>
    %and3A_2859 = arith.constant 255 : i32
    %and3A_2860 = vector.broadcast %and3A_2859 : i32 to vector<16xi32>
    %and3A_2861 = arith.andi %shift_right_logical3A_2858, %and3A_2860 : vector<16xi32>
    %and3A_2862 = arith.constant 15 : i32
    %and3A_2863 = vector.broadcast %and3A_2862 : i32 to vector<16xi32>
    %and3A_2864 = arith.andi %and3A_2861, %and3A_2863 : vector<16xi32>
    %shift_right_logical3A_2865 = arith.constant 4 : i32
    %shift_right_logical3A_2866 = vector.broadcast %shift_right_logical3A_2865 : i32 to vector<16xi32>
    %shift_right_logical3A_2867 = arith.shrui %and3A_2861, %shift_right_logical3A_2866 : vector<16xi32>
    %gather3A_2868 = tpu.vector_load_idx %arg5[%and3A_2864, %shift_right_logical3A_2867] : memref<15x15xf32, #tpu.memory_space<vmem>>[vector<16xi32>, vector<16xi32>], vector<16xf32>,
    %swap3A_2869 = arith.constant 39 : i32
    %swap3A_2870 = arith.index_cast %swap3A_2869 : i32 to index
    %swap3A_2871 = arith.constant 32 : index
    %swap3A_2872 = tpu.vector_load %arg7[%swap3A_2870, %swap3A_2871] {strides = array<i32>} : memref<64x64xf32, #tpu.memory_space<vmem>>, vector<16xf32>,
    tpu.vector_store %arg7[%swap3A_2870, %swap3A_2871], %gather3A_2868 {strides = array<i32>} : memref<64x64xf32, #tpu.memory_space<vmem>>, vector<16xf32>,
    %shift_right_logical3A_2873 = arith.constant 24 : i32
    %shift_right_logical3A_2874 = vector.broadcast %shift_right_logical3A_2873 : i32 to vector<16xi32>
    %shift_right_logical3A_2875 = arith.shrui %get3A_2821, %shift_right_logical3A_2874 : vector<16xi32>
    %and3A_2876 = arith.constant 255 : i32
    %and3A_2877 = vector.broadcast %and3A_2876 : i32 to vector<16xi32>
    %and3A_2878 = arith.andi %shift_right_logical3A_2875, %and3A_2877 : vector<16xi32>
    %and3A_2879 = arith.constant 15 : i32
    %and3A_2880 = vector.broadcast %and3A_2879 : i32 to vector<16xi32>
    %and3A_2881 = arith.andi %and3A_2878, %and3A_2880 : vector<16xi32>
    %shift_right_logical3A_2882 = arith.constant 4 : i32
    %shift_right_logical3A_2883 = vector.broadcast %shift_right_logical3A_2882 : i32 to vector<16xi32>
    %shift_right_logical3A_2884 = arith.shrui %and3A_2878, %shift_right_logical3A_2883 : vector<16xi32>
    %gather3A_2885 = tpu.vector_load_idx %arg5[%and3A_2881, %shift_right_logical3A_2884] : memref<15x15xf32, #tpu.memory_space<vmem>>[vector<16xi32>, vector<16xi32>], vector<16xf32>,
    %swap3A_2886 = arith.constant 39 : i32
    %swap3A_2887 = arith.index_cast %swap3A_2886 : i32 to index
    %swap3A_2888 = arith.constant 48 : index
    %swap3A_2889 = tpu.vector_load %arg7[%swap3A_2887, %swap3A_2888] {strides = array<i32>} : memref<64x64xf32, #tpu.memory_space<vmem>>, vector<16xf32>,
    tpu.vector_store %arg7[%swap3A_2887, %swap3A_2888], %gather3A_2885 {strides = array<i32>} : memref<64x64xf32, #tpu.memory_space<vmem>>, vector<16xf32>,
    %get3A_2890 = arith.constant 5 : i32
    %get3A_2891 = arith.index_cast %get3A_2890 : i32 to index
    %get3A_2892 = arith.constant 0 : index
    %get3A_2893 = tpu.vector_load %arg6[%get3A_2891, %get3A_2892] {strides = array<i32>} : memref<8x128xi32, #tpu.memory_space<vmem>>, vector<16xi32>,
    %shift_right_logical3A_2894 = arith.constant 0 : i32
    %shift_right_logical3A_2895 = vector.broadcast %shift_right_logical3A_2894 : i32 to vector<16xi32>
    %shift_right_logical3A_2896 = arith.shrui %get3A_2893, %shift_right_logical3A_2895 : vector<16xi32>
    %and3A_2897 = arith.constant 255 : i32
    %and3A_2898 = vector.broadcast %and3A_2897 : i32 to vector<16xi32>
    %and3A_2899 = arith.andi %shift_right_logical3A_2896, %and3A_2898 : vector<16xi32>
    %and3A_2900 = arith.constant 15 : i32
    %and3A_2901 = vector.broadcast %and3A_2900 : i32 to vector<16xi32>
    %and3A_2902 = arith.andi %and3A_2899, %and3A_2901 : vector<16xi32>
    %shift_right_logical3A_2903 = arith.constant 4 : i32
    %shift_right_logical3A_2904 = vector.broadcast %shift_right_logical3A_2903 : i32 to vector<16xi32>
    %shift_right_logical3A_2905 = arith.shrui %and3A_2899, %shift_right_logical3A_2904 : vector<16xi32>
    %gather3A_2906 = tpu.vector_load_idx %arg5[%and3A_2902, %shift_right_logical3A_2905] : memref<15x15xf32, #tpu.memory_space<vmem>>[vector<16xi32>, vector<16xi32>], vector<16xf32>,
    %swap3A_2907 = arith.constant 40 : i32
    %swap3A_2908 = arith.index_cast %swap3A_2907 : i32 to index
    %swap3A_2909 = arith.constant 0 : index
    %swap3A_2910 = tpu.vector_load %arg7[%swap3A_2908, %swap3A_2909] {strides = array<i32>} : memref<64x64xf32, #tpu.memory_space<vmem>>, vector<16xf32>,
    tpu.vector_store %arg7[%swap3A_2908, %swap3A_2909], %gather3A_2906 {strides = array<i32>} : memref<64x64xf32, #tpu.memory_space<vmem>>, vector<16xf32>,
    %shift_right_logical3A_2911 = arith.constant 8 : i32
    %shift_right_logical3A_2912 = vector.broadcast %shift_right_logical3A_2911 : i32 to vector<16xi32>
    %shift_right_logical3A_2913 = arith.shrui %get3A_2893, %shift_right_logical3A_2912 : vector<16xi32>
    %and3A_2914 = arith.constant 255 : i32
    %and3A_2915 = vector.broadcast %and3A_2914 : i32 to vector<16xi32>
    %and3A_2916 = arith.andi %shift_right_logical3A_2913, %and3A_2915 : vector<16xi32>
    %and3A_2917 = arith.constant 15 : i32
    %and3A_2918 = vector.broadcast %and3A_2917 : i32 to vector<16xi32>
    %and3A_2919 = arith.andi %and3A_2916, %and3A_2918 : vector<16xi32>
    %shift_right_logical3A_2920 = arith.constant 4 : i32
    %shift_right_logical3A_2921 = vector.broadcast %shift_right_logical3A_2920 : i32 to vector<16xi32>
    %shift_right_logical3A_2922 = arith.shrui %and3A_2916, %shift_right_logical3A_2921 : vector<16xi32>
    %gather3A_2923 = tpu.vector_load_idx %arg5[%and3A_2919, %shift_right_logical3A_2922] : memref<15x15xf32, #tpu.memory_space<vmem>>[vector<16xi32>, vector<16xi32>], vector<16xf32>,
    %swap3A_2924 = arith.constant 40 : i32
    %swap3A_2925 = arith.index_cast %swap3A_2924 : i32 to index
    %swap3A_2926 = arith.constant 16 : index
    %swap3A_2927 = tpu.vector_load %arg7[%swap3A_2925, %swap3A_2926] {strides = array<i32>} : memref<64x64xf32, #tpu.memory_space<vmem>>, vector<16xf32>,
    tpu.vector_store %arg7[%swap3A_2925, %swap3A_2926], %gather3A_2923 {strides = array<i32>} : memref<64x64xf32, #tpu.memory_space<vmem>>, vector<16xf32>,
    %shift_right_logical3A_2928 = arith.constant 16 : i32
    %shift_right_logical3A_2929 = vector.broadcast %shift_right_logical3A_2928 : i32 to vector<16xi32>
    %shift_right_logical3A_2930 = arith.shrui %get3A_2893, %shift_right_logical3A_2929 : vector<16xi32>
    %and3A_2931 = arith.constant 255 : i32
    %and3A_2932 = vector.broadcast %and3A_2931 : i32 to vector<16xi32>
    %and3A_2933 = arith.andi %shift_right_logical3A_2930, %and3A_2932 : vector<16xi32>
    %and3A_2934 = arith.constant 15 : i32
    %and3A_2935 = vector.broadcast %and3A_2934 : i32 to vector<16xi32>
    %and3A_2936 = arith.andi %and3A_2933, %and3A_2935 : vector<16xi32>
    %shift_right_logical3A_2937 = arith.constant 4 : i32
    %shift_right_logical3A_2938 = vector.broadcast %shift_right_logical3A_2937 : i32 to vector<16xi32>
    %shift_right_logical3A_2939 = arith.shrui %and3A_2933, %shift_right_logical3A_2938 : vector<16xi32>
    %gather3A_2940 = tpu.vector_load_idx %arg5[%and3A_2936, %shift_right_logical3A_2939] : memref<15x15xf32, #tpu.memory_space<vmem>>[vector<16xi32>, vector<16xi32>], vector<16xf32>,
    %swap3A_2941 = arith.constant 40 : i32
    %swap3A_2942 = arith.index_cast %swap3A_2941 : i32 to index
    %swap3A_2943 = arith.constant 32 : index
    %swap3A_2944 = tpu.vector_load %arg7[%swap3A_2942, %swap3A_2943] {strides = array<i32>} : memref<64x64xf32, #tpu.memory_space<vmem>>, vector<16xf32>,
    tpu.vector_store %arg7[%swap3A_2942, %swap3A_2943], %gather3A_2940 {strides = array<i32>} : memref<64x64xf32, #tpu.memory_space<vmem>>, vector<16xf32>,
    %shift_right_logical3A_2945 = arith.constant 24 : i32
    %shift_right_logical3A_2946 = vector.broadcast %shift_right_logical3A_2945 : i32 to vector<16xi32>
    %shift_right_logical3A_2947 = arith.shrui %get3A_2893, %shift_right_logical3A_2946 : vector<16xi32>
    %and3A_2948 = arith.constant 255 : i32
    %and3A_2949 = vector.broadcast %and3A_2948 : i32 to vector<16xi32>
    %and3A_2950 = arith.andi %shift_right_logical3A_2947, %and3A_2949 : vector<16xi32>
    %and3A_2951 = arith.constant 15 : i32
    %and3A_2952 = vector.broadcast %and3A_2951 : i32 to vector<16xi32>
    %and3A_2953 = arith.andi %and3A_2950, %and3A_2952 : vector<16xi32>
    %shift_right_logical3A_2954 = arith.constant 4 : i32
    %shift_right_logical3A_2955 = vector.broadcast %shift_right_logical3A_2954 : i32 to vector<16xi32>
    %shift_right_logical3A_2956 = arith.shrui %and3A_2950, %shift_right_logical3A_2955 : vector<16xi32>
    %gather3A_2957 = tpu.vector_load_idx %arg5[%and3A_2953, %shift_right_logical3A_2956] : memref<15x15xf32, #tpu.memory_space<vmem>>[vector<16xi32>, vector<16xi32>], vector<16xf32>,
    %swap3A_2958 = arith.constant 40 : i32
    %swap3A_2959 = arith.index_cast %swap3A_2958 : i32 to index
    %swap3A_2960 = arith.constant 48 : index
    %swap3A_2961 = tpu.vector_load %arg7[%swap3A_2959, %swap3A_2960] {strides = array<i32>} : memref<64x64xf32, #tpu.memory_space<vmem>>, vector<16xf32>,
    tpu.vector_store %arg7[%swap3A_2959, %swap3A_2960], %gather3A_2957 {strides = array<i32>} : memref<64x64xf32, #tpu.memory_space<vmem>>, vector<16xf32>,
    %get3A_2962 = arith.constant 5 : i32
    %get3A_2963 = arith.index_cast %get3A_2962 : i32 to index
    %get3A_2964 = arith.constant 16 : index
    %get3A_2965 = tpu.vector_load %arg6[%get3A_2963, %get3A_2964] {strides = array<i32>} : memref<8x128xi32, #tpu.memory_space<vmem>>, vector<16xi32>,
    %shift_right_logical3A_2966 = arith.constant 0 : i32
    %shift_right_logical3A_2967 = vector.broadcast %shift_right_logical3A_2966 : i32 to vector<16xi32>
    %shift_right_logical3A_2968 = arith.shrui %get3A_2965, %shift_right_logical3A_2967 : vector<16xi32>
    %and3A_2969 = arith.constant 255 : i32
    %and3A_2970 = vector.broadcast %and3A_2969 : i32 to vector<16xi32>
    %and3A_2971 = arith.andi %shift_right_logical3A_2968, %and3A_2970 : vector<16xi32>
    %and3A_2972 = arith.constant 15 : i32
    %and3A_2973 = vector.broadcast %and3A_2972 : i32 to vector<16xi32>
    %and3A_2974 = arith.andi %and3A_2971, %and3A_2973 : vector<16xi32>
    %shift_right_logical3A_2975 = arith.constant 4 : i32
    %shift_right_logical3A_2976 = vector.broadcast %shift_right_logical3A_2975 : i32 to vector<16xi32>
    %shift_right_logical3A_2977 = arith.shrui %and3A_2971, %shift_right_logical3A_2976 : vector<16xi32>
    %gather3A_2978 = tpu.vector_load_idx %arg5[%and3A_2974, %shift_right_logical3A_2977] : memref<15x15xf32, #tpu.memory_space<vmem>>[vector<16xi32>, vector<16xi32>], vector<16xf32>,
    %swap3A_2979 = arith.constant 41 : i32
    %swap3A_2980 = arith.index_cast %swap3A_2979 : i32 to index
    %swap3A_2981 = arith.constant 0 : index
    %swap3A_2982 = tpu.vector_load %arg7[%swap3A_2980, %swap3A_2981] {strides = array<i32>} : memref<64x64xf32, #tpu.memory_space<vmem>>, vector<16xf32>,
    tpu.vector_store %arg7[%swap3A_2980, %swap3A_2981], %gather3A_2978 {strides = array<i32>} : memref<64x64xf32, #tpu.memory_space<vmem>>, vector<16xf32>,
    %shift_right_logical3A_2983 = arith.constant 8 : i32
    %shift_right_logical3A_2984 = vector.broadcast %shift_right_logical3A_2983 : i32 to vector<16xi32>
    %shift_right_logical3A_2985 = arith.shrui %get3A_2965, %shift_right_logical3A_2984 : vector<16xi32>
    %and3A_2986 = arith.constant 255 : i32
    %and3A_2987 = vector.broadcast %and3A_2986 : i32 to vector<16xi32>
    %and3A_2988 = arith.andi %shift_right_logical3A_2985, %and3A_2987 : vector<16xi32>
    %and3A_2989 = arith.constant 15 : i32
    %and3A_2990 = vector.broadcast %and3A_2989 : i32 to vector<16xi32>
    %and3A_2991 = arith.andi %and3A_2988, %and3A_2990 : vector<16xi32>
    %shift_right_logical3A_2992 = arith.constant 4 : i32
    %shift_right_logical3A_2993 = vector.broadcast %shift_right_logical3A_2992 : i32 to vector<16xi32>
    %shift_right_logical3A_2994 = arith.shrui %and3A_2988, %shift_right_logical3A_2993 : vector<16xi32>
    %gather3A_2995 = tpu.vector_load_idx %arg5[%and3A_2991, %shift_right_logical3A_2994] : memref<15x15xf32, #tpu.memory_space<vmem>>[vector<16xi32>, vector<16xi32>], vector<16xf32>,
    %swap3A_2996 = arith.constant 41 : i32
    %swap3A_2997 = arith.index_cast %swap3A_2996 : i32 to index
    %swap3A_2998 = arith.constant 16 : index
    %swap3A_2999 = tpu.vector_load %arg7[%swap3A_2997, %swap3A_2998] {strides = array<i32>} : memref<64x64xf32, #tpu.memory_space<vmem>>, vector<16xf32>,
    tpu.vector_store %arg7[%swap3A_2997, %swap3A_2998], %gather3A_2995 {strides = array<i32>} : memref<64x64xf32, #tpu.memory_space<vmem>>, vector<16xf32>,
    %shift_right_logical3A_3000 = arith.constant 16 : i32
    %shift_right_logical3A_3001 = vector.broadcast %shift_right_logical3A_3000 : i32 to vector<16xi32>
    %shift_right_logical3A_3002 = arith.shrui %get3A_2965, %shift_right_logical3A_3001 : vector<16xi32>
    %and3A_3003 = arith.constant 255 : i32
    %and3A_3004 = vector.broadcast %and3A_3003 : i32 to vector<16xi32>
    %and3A_3005 = arith.andi %shift_right_logical3A_3002, %and3A_3004 : vector<16xi32>
    %and3A_3006 = arith.constant 15 : i32
    %and3A_3007 = vector.broadcast %and3A_3006 : i32 to vector<16xi32>
    %and3A_3008 = arith.andi %and3A_3005, %and3A_3007 : vector<16xi32>
    %shift_right_logical3A_3009 = arith.constant 4 : i32
    %shift_right_logical3A_3010 = vector.broadcast %shift_right_logical3A_3009 : i32 to vector<16xi32>
    %shift_right_logical3A_3011 = arith.shrui %and3A_3005, %shift_right_logical3A_3010 : vector<16xi32>
    %gather3A_3012 = tpu.vector_load_idx %arg5[%and3A_3008, %shift_right_logical3A_3011] : memref<15x15xf32, #tpu.memory_space<vmem>>[vector<16xi32>, vector<16xi32>], vector<16xf32>,
    %swap3A_3013 = arith.constant 41 : i32
    %swap3A_3014 = arith.index_cast %swap3A_3013 : i32 to index
    %swap3A_3015 = arith.constant 32 : index
    %swap3A_3016 = tpu.vector_load %arg7[%swap3A_3014, %swap3A_3015] {strides = array<i32>} : memref<64x64xf32, #tpu.memory_space<vmem>>, vector<16xf32>,
    tpu.vector_store %arg7[%swap3A_3014, %swap3A_3015], %gather3A_3012 {strides = array<i32>} : memref<64x64xf32, #tpu.memory_space<vmem>>, vector<16xf32>,
    %shift_right_logical3A_3017 = arith.constant 24 : i32
    %shift_right_logical3A_3018 = vector.broadcast %shift_right_logical3A_3017 : i32 to vector<16xi32>
    %shift_right_logical3A_3019 = arith.shrui %get3A_2965, %shift_right_logical3A_3018 : vector<16xi32>
    %and3A_3020 = arith.constant 255 : i32
    %and3A_3021 = vector.broadcast %and3A_3020 : i32 to vector<16xi32>
    %and3A_3022 = arith.andi %shift_right_logical3A_3019, %and3A_3021 : vector<16xi32>
    %and3A_3023 = arith.constant 15 : i32
    %and3A_3024 = vector.broadcast %and3A_3023 : i32 to vector<16xi32>
    %and3A_3025 = arith.andi %and3A_3022, %and3A_3024 : vector<16xi32>
    %shift_right_logical3A_3026 = arith.constant 4 : i32
    %shift_right_logical3A_3027 = vector.broadcast %shift_right_logical3A_3026 : i32 to vector<16xi32>
    %shift_right_logical3A_3028 = arith.shrui %and3A_3022, %shift_right_logical3A_3027 : vector<16xi32>
    %gather3A_3029 = tpu.vector_load_idx %arg5[%and3A_3025, %shift_right_logical3A_3028] : memref<15x15xf32, #tpu.memory_space<vmem>>[vector<16xi32>, vector<16xi32>], vector<16xf32>,
    %swap3A_3030 = arith.constant 41 : i32
    %swap3A_3031 = arith.index_cast %swap3A_3030 : i32 to index
    %swap3A_3032 = arith.constant 48 : index
    %swap3A_3033 = tpu.vector_load %arg7[%swap3A_3031, %swap3A_3032] {strides = array<i32>} : memref<64x64xf32, #tpu.memory_space<vmem>>, vector<16xf32>,
    tpu.vector_store %arg7[%swap3A_3031, %swap3A_3032], %gather3A_3029 {strides = array<i32>} : memref<64x64xf32, #tpu.memory_space<vmem>>, vector<16xf32>,
    %get3A_3034 = arith.constant 5 : i32
    %get3A_3035 = arith.index_cast %get3A_3034 : i32 to index
    %get3A_3036 = arith.constant 32 : index
    %get3A_3037 = tpu.vector_load %arg6[%get3A_3035, %get3A_3036] {strides = array<i32>} : memref<8x128xi32, #tpu.memory_space<vmem>>, vector<16xi32>,
    %shift_right_logical3A_3038 = arith.constant 0 : i32
    %shift_right_logical3A_3039 = vector.broadcast %shift_right_logical3A_3038 : i32 to vector<16xi32>
    %shift_right_logical3A_3040 = arith.shrui %get3A_3037, %shift_right_logical3A_3039 : vector<16xi32>
    %and3A_3041 = arith.constant 255 : i32
    %and3A_3042 = vector.broadcast %and3A_3041 : i32 to vector<16xi32>
    %and3A_3043 = arith.andi %shift_right_logical3A_3040, %and3A_3042 : vector<16xi32>
    %and3A_3044 = arith.constant 15 : i32
    %and3A_3045 = vector.broadcast %and3A_3044 : i32 to vector<16xi32>
    %and3A_3046 = arith.andi %and3A_3043, %and3A_3045 : vector<16xi32>
    %shift_right_logical3A_3047 = arith.constant 4 : i32
    %shift_right_logical3A_3048 = vector.broadcast %shift_right_logical3A_3047 : i32 to vector<16xi32>
    %shift_right_logical3A_3049 = arith.shrui %and3A_3043, %shift_right_logical3A_3048 : vector<16xi32>
    %gather3A_3050 = tpu.vector_load_idx %arg5[%and3A_3046, %shift_right_logical3A_3049] : memref<15x15xf32, #tpu.memory_space<vmem>>[vector<16xi32>, vector<16xi32>], vector<16xf32>,
    %swap3A_3051 = arith.constant 42 : i32
    %swap3A_3052 = arith.index_cast %swap3A_3051 : i32 to index
    %swap3A_3053 = arith.constant 0 : index
    %swap3A_3054 = tpu.vector_load %arg7[%swap3A_3052, %swap3A_3053] {strides = array<i32>} : memref<64x64xf32, #tpu.memory_space<vmem>>, vector<16xf32>,
    tpu.vector_store %arg7[%swap3A_3052, %swap3A_3053], %gather3A_3050 {strides = array<i32>} : memref<64x64xf32, #tpu.memory_space<vmem>>, vector<16xf32>,
    %shift_right_logical3A_3055 = arith.constant 8 : i32
    %shift_right_logical3A_3056 = vector.broadcast %shift_right_logical3A_3055 : i32 to vector<16xi32>
    %shift_right_logical3A_3057 = arith.shrui %get3A_3037, %shift_right_logical3A_3056 : vector<16xi32>
    %and3A_3058 = arith.constant 255 : i32
    %and3A_3059 = vector.broadcast %and3A_3058 : i32 to vector<16xi32>
    %and3A_3060 = arith.andi %shift_right_logical3A_3057, %and3A_3059 : vector<16xi32>
    %and3A_3061 = arith.constant 15 : i32
    %and3A_3062 = vector.broadcast %and3A_3061 : i32 to vector<16xi32>
    %and3A_3063 = arith.andi %and3A_3060, %and3A_3062 : vector<16xi32>
    %shift_right_logical3A_3064 = arith.constant 4 : i32
    %shift_right_logical3A_3065 = vector.broadcast %shift_right_logical3A_3064 : i32 to vector<16xi32>
    %shift_right_logical3A_3066 = arith.shrui %and3A_3060, %shift_right_logical3A_3065 : vector<16xi32>
    %gather3A_3067 = tpu.vector_load_idx %arg5[%and3A_3063, %shift_right_logical3A_3066] : memref<15x15xf32, #tpu.memory_space<vmem>>[vector<16xi32>, vector<16xi32>], vector<16xf32>,
    %swap3A_3068 = arith.constant 42 : i32
    %swap3A_3069 = arith.index_cast %swap3A_3068 : i32 to index
    %swap3A_3070 = arith.constant 16 : index
    %swap3A_3071 = tpu.vector_load %arg7[%swap3A_3069, %swap3A_3070] {strides = array<i32>} : memref<64x64xf32, #tpu.memory_space<vmem>>, vector<16xf32>,
    tpu.vector_store %arg7[%swap3A_3069, %swap3A_3070], %gather3A_3067 {strides = array<i32>} : memref<64x64xf32, #tpu.memory_space<vmem>>, vector<16xf32>,
    %shift_right_logical3A_3072 = arith.constant 16 : i32
    %shift_right_logical3A_3073 = vector.broadcast %shift_right_logical3A_3072 : i32 to vector<16xi32>
    %shift_right_logical3A_3074 = arith.shrui %get3A_3037, %shift_right_logical3A_3073 : vector<16xi32>
    %and3A_3075 = arith.constant 255 : i32
    %and3A_3076 = vector.broadcast %and3A_3075 : i32 to vector<16xi32>
    %and3A_3077 = arith.andi %shift_right_logical3A_3074, %and3A_3076 : vector<16xi32>
    %and3A_3078 = arith.constant 15 : i32
    %and3A_3079 = vector.broadcast %and3A_3078 : i32 to vector<16xi32>
    %and3A_3080 = arith.andi %and3A_3077, %and3A_3079 : vector<16xi32>
    %shift_right_logical3A_3081 = arith.constant 4 : i32
    %shift_right_logical3A_3082 = vector.broadcast %shift_right_logical3A_3081 : i32 to vector<16xi32>
    %shift_right_logical3A_3083 = arith.shrui %and3A_3077, %shift_right_logical3A_3082 : vector<16xi32>
    %gather3A_3084 = tpu.vector_load_idx %arg5[%and3A_3080, %shift_right_logical3A_3083] : memref<15x15xf32, #tpu.memory_space<vmem>>[vector<16xi32>, vector<16xi32>], vector<16xf32>,
    %swap3A_3085 = arith.constant 42 : i32
    %swap3A_3086 = arith.index_cast %swap3A_3085 : i32 to index
    %swap3A_3087 = arith.constant 32 : index
    %swap3A_3088 = tpu.vector_load %arg7[%swap3A_3086, %swap3A_3087] {strides = array<i32>} : memref<64x64xf32, #tpu.memory_space<vmem>>, vector<16xf32>,
    tpu.vector_store %arg7[%swap3A_3086, %swap3A_3087], %gather3A_3084 {strides = array<i32>} : memref<64x64xf32, #tpu.memory_space<vmem>>, vector<16xf32>,
    %shift_right_logical3A_3089 = arith.constant 24 : i32
    %shift_right_logical3A_3090 = vector.broadcast %shift_right_logical3A_3089 : i32 to vector<16xi32>
    %shift_right_logical3A_3091 = arith.shrui %get3A_3037, %shift_right_logical3A_3090 : vector<16xi32>
    %and3A_3092 = arith.constant 255 : i32
    %and3A_3093 = vector.broadcast %and3A_3092 : i32 to vector<16xi32>
    %and3A_3094 = arith.andi %shift_right_logical3A_3091, %and3A_3093 : vector<16xi32>
    %and3A_3095 = arith.constant 15 : i32
    %and3A_3096 = vector.broadcast %and3A_3095 : i32 to vector<16xi32>
    %and3A_3097 = arith.andi %and3A_3094, %and3A_3096 : vector<16xi32>
    %shift_right_logical3A_3098 = arith.constant 4 : i32
    %shift_right_logical3A_3099 = vector.broadcast %shift_right_logical3A_3098 : i32 to vector<16xi32>
    %shift_right_logical3A_3100 = arith.shrui %and3A_3094, %shift_right_logical3A_3099 : vector<16xi32>
    %gather3A_3101 = tpu.vector_load_idx %arg5[%and3A_3097, %shift_right_logical3A_3100] : memref<15x15xf32, #tpu.memory_space<vmem>>[vector<16xi32>, vector<16xi32>], vector<16xf32>,
    %swap3A_3102 = arith.constant 42 : i32
    %swap3A_3103 = arith.index_cast %swap3A_3102 : i32 to index
    %swap3A_3104 = arith.constant 48 : index
    %swap3A_3105 = tpu.vector_load %arg7[%swap3A_3103, %swap3A_3104] {strides = array<i32>} : memref<64x64xf32, #tpu.memory_space<vmem>>, vector<16xf32>,
    tpu.vector_store %arg7[%swap3A_3103, %swap3A_3104], %gather3A_3101 {strides = array<i32>} : memref<64x64xf32, #tpu.memory_space<vmem>>, vector<16xf32>,
    %get3A_3106 = arith.constant 5 : i32
    %get3A_3107 = arith.index_cast %get3A_3106 : i32 to index
    %get3A_3108 = arith.constant 48 : index
    %get3A_3109 = tpu.vector_load %arg6[%get3A_3107, %get3A_3108] {strides = array<i32>} : memref<8x128xi32, #tpu.memory_space<vmem>>, vector<16xi32>,
    %shift_right_logical3A_3110 = arith.constant 0 : i32
    %shift_right_logical3A_3111 = vector.broadcast %shift_right_logical3A_3110 : i32 to vector<16xi32>
    %shift_right_logical3A_3112 = arith.shrui %get3A_3109, %shift_right_logical3A_3111 : vector<16xi32>
    %and3A_3113 = arith.constant 255 : i32
    %and3A_3114 = vector.broadcast %and3A_3113 : i32 to vector<16xi32>
    %and3A_3115 = arith.andi %shift_right_logical3A_3112, %and3A_3114 : vector<16xi32>
    %and3A_3116 = arith.constant 15 : i32
    %and3A_3117 = vector.broadcast %and3A_3116 : i32 to vector<16xi32>
    %and3A_3118 = arith.andi %and3A_3115, %and3A_3117 : vector<16xi32>
    %shift_right_logical3A_3119 = arith.constant 4 : i32
    %shift_right_logical3A_3120 = vector.broadcast %shift_right_logical3A_3119 : i32 to vector<16xi32>
    %shift_right_logical3A_3121 = arith.shrui %and3A_3115, %shift_right_logical3A_3120 : vector<16xi32>
    %gather3A_3122 = tpu.vector_load_idx %arg5[%and3A_3118, %shift_right_logical3A_3121] : memref<15x15xf32, #tpu.memory_space<vmem>>[vector<16xi32>, vector<16xi32>], vector<16xf32>,
    %swap3A_3123 = arith.constant 43 : i32
    %swap3A_3124 = arith.index_cast %swap3A_3123 : i32 to index
    %swap3A_3125 = arith.constant 0 : index
    %swap3A_3126 = tpu.vector_load %arg7[%swap3A_3124, %swap3A_3125] {strides = array<i32>} : memref<64x64xf32, #tpu.memory_space<vmem>>, vector<16xf32>,
    tpu.vector_store %arg7[%swap3A_3124, %swap3A_3125], %gather3A_3122 {strides = array<i32>} : memref<64x64xf32, #tpu.memory_space<vmem>>, vector<16xf32>,
    %shift_right_logical3A_3127 = arith.constant 8 : i32
    %shift_right_logical3A_3128 = vector.broadcast %shift_right_logical3A_3127 : i32 to vector<16xi32>
    %shift_right_logical3A_3129 = arith.shrui %get3A_3109, %shift_right_logical3A_3128 : vector<16xi32>
    %and3A_3130 = arith.constant 255 : i32
    %and3A_3131 = vector.broadcast %and3A_3130 : i32 to vector<16xi32>
    %and3A_3132 = arith.andi %shift_right_logical3A_3129, %and3A_3131 : vector<16xi32>
    %and3A_3133 = arith.constant 15 : i32
    %and3A_3134 = vector.broadcast %and3A_3133 : i32 to vector<16xi32>
    %and3A_3135 = arith.andi %and3A_3132, %and3A_3134 : vector<16xi32>
    %shift_right_logical3A_3136 = arith.constant 4 : i32
    %shift_right_logical3A_3137 = vector.broadcast %shift_right_logical3A_3136 : i32 to vector<16xi32>
    %shift_right_logical3A_3138 = arith.shrui %and3A_3132, %shift_right_logical3A_3137 : vector<16xi32>
    %gather3A_3139 = tpu.vector_load_idx %arg5[%and3A_3135, %shift_right_logical3A_3138] : memref<15x15xf32, #tpu.memory_space<vmem>>[vector<16xi32>, vector<16xi32>], vector<16xf32>,
    %swap3A_3140 = arith.constant 43 : i32
    %swap3A_3141 = arith.index_cast %swap3A_3140 : i32 to index
    %swap3A_3142 = arith.constant 16 : index
    %swap3A_3143 = tpu.vector_load %arg7[%swap3A_3141, %swap3A_3142] {strides = array<i32>} : memref<64x64xf32, #tpu.memory_space<vmem>>, vector<16xf32>,
    tpu.vector_store %arg7[%swap3A_3141, %swap3A_3142], %gather3A_3139 {strides = array<i32>} : memref<64x64xf32, #tpu.memory_space<vmem>>, vector<16xf32>,
    %shift_right_logical3A_3144 = arith.constant 16 : i32
    %shift_right_logical3A_3145 = vector.broadcast %shift_right_logical3A_3144 : i32 to vector<16xi32>
    %shift_right_logical3A_3146 = arith.shrui %get3A_3109, %shift_right_logical3A_3145 : vector<16xi32>
    %and3A_3147 = arith.constant 255 : i32
    %and3A_3148 = vector.broadcast %and3A_3147 : i32 to vector<16xi32>
    %and3A_3149 = arith.andi %shift_right_logical3A_3146, %and3A_3148 : vector<16xi32>
    %and3A_3150 = arith.constant 15 : i32
    %and3A_3151 = vector.broadcast %and3A_3150 : i32 to vector<16xi32>
    %and3A_3152 = arith.andi %and3A_3149, %and3A_3151 : vector<16xi32>
    %shift_right_logical3A_3153 = arith.constant 4 : i32
    %shift_right_logical3A_3154 = vector.broadcast %shift_right_logical3A_3153 : i32 to vector<16xi32>
    %shift_right_logical3A_3155 = arith.shrui %and3A_3149, %shift_right_logical3A_3154 : vector<16xi32>
    %gather3A_3156 = tpu.vector_load_idx %arg5[%and3A_3152, %shift_right_logical3A_3155] : memref<15x15xf32, #tpu.memory_space<vmem>>[vector<16xi32>, vector<16xi32>], vector<16xf32>,
    %swap3A_3157 = arith.constant 43 : i32
    %swap3A_3158 = arith.index_cast %swap3A_3157 : i32 to index
    %swap3A_3159 = arith.constant 32 : index
    %swap3A_3160 = tpu.vector_load %arg7[%swap3A_3158, %swap3A_3159] {strides = array<i32>} : memref<64x64xf32, #tpu.memory_space<vmem>>, vector<16xf32>,
    tpu.vector_store %arg7[%swap3A_3158, %swap3A_3159], %gather3A_3156 {strides = array<i32>} : memref<64x64xf32, #tpu.memory_space<vmem>>, vector<16xf32>,
    %shift_right_logical3A_3161 = arith.constant 24 : i32
    %shift_right_logical3A_3162 = vector.broadcast %shift_right_logical3A_3161 : i32 to vector<16xi32>
    %shift_right_logical3A_3163 = arith.shrui %get3A_3109, %shift_right_logical3A_3162 : vector<16xi32>
    %and3A_3164 = arith.constant 255 : i32
    %and3A_3165 = vector.broadcast %and3A_3164 : i32 to vector<16xi32>
    %and3A_3166 = arith.andi %shift_right_logical3A_3163, %and3A_3165 : vector<16xi32>
    %and3A_3167 = arith.constant 15 : i32
    %and3A_3168 = vector.broadcast %and3A_3167 : i32 to vector<16xi32>
    %and3A_3169 = arith.andi %and3A_3166, %and3A_3168 : vector<16xi32>
    %shift_right_logical3A_3170 = arith.constant 4 : i32
    %shift_right_logical3A_3171 = vector.broadcast %shift_right_logical3A_3170 : i32 to vector<16xi32>
    %shift_right_logical3A_3172 = arith.shrui %and3A_3166, %shift_right_logical3A_3171 : vector<16xi32>
    %gather3A_3173 = tpu.vector_load_idx %arg5[%and3A_3169, %shift_right_logical3A_3172] : memref<15x15xf32, #tpu.memory_space<vmem>>[vector<16xi32>, vector<16xi32>], vector<16xf32>,
    %swap3A_3174 = arith.constant 43 : i32
    %swap3A_3175 = arith.index_cast %swap3A_3174 : i32 to index
    %swap3A_3176 = arith.constant 48 : index
    %swap3A_3177 = tpu.vector_load %arg7[%swap3A_3175, %swap3A_3176] {strides = array<i32>} : memref<64x64xf32, #tpu.memory_space<vmem>>, vector<16xf32>,
    tpu.vector_store %arg7[%swap3A_3175, %swap3A_3176], %gather3A_3173 {strides = array<i32>} : memref<64x64xf32, #tpu.memory_space<vmem>>, vector<16xf32>,
    %get3A_3178 = arith.constant 5 : i32
    %get3A_3179 = arith.index_cast %get3A_3178 : i32 to index
    %get3A_3180 = arith.constant 64 : index
    %get3A_3181 = tpu.vector_load %arg6[%get3A_3179, %get3A_3180] {strides = array<i32>} : memref<8x128xi32, #tpu.memory_space<vmem>>, vector<16xi32>,
    %shift_right_logical3A_3182 = arith.constant 0 : i32
    %shift_right_logical3A_3183 = vector.broadcast %shift_right_logical3A_3182 : i32 to vector<16xi32>
    %shift_right_logical3A_3184 = arith.shrui %get3A_3181, %shift_right_logical3A_3183 : vector<16xi32>
    %and3A_3185 = arith.constant 255 : i32
    %and3A_3186 = vector.broadcast %and3A_3185 : i32 to vector<16xi32>
    %and3A_3187 = arith.andi %shift_right_logical3A_3184, %and3A_3186 : vector<16xi32>
    %and3A_3188 = arith.constant 15 : i32
    %and3A_3189 = vector.broadcast %and3A_3188 : i32 to vector<16xi32>
    %and3A_3190 = arith.andi %and3A_3187, %and3A_3189 : vector<16xi32>
    %shift_right_logical3A_3191 = arith.constant 4 : i32
    %shift_right_logical3A_3192 = vector.broadcast %shift_right_logical3A_3191 : i32 to vector<16xi32>
    %shift_right_logical3A_3193 = arith.shrui %and3A_3187, %shift_right_logical3A_3192 : vector<16xi32>
    %gather3A_3194 = tpu.vector_load_idx %arg5[%and3A_3190, %shift_right_logical3A_3193] : memref<15x15xf32, #tpu.memory_space<vmem>>[vector<16xi32>, vector<16xi32>], vector<16xf32>,
    %swap3A_3195 = arith.constant 44 : i32
    %swap3A_3196 = arith.index_cast %swap3A_3195 : i32 to index
    %swap3A_3197 = arith.constant 0 : index
    %swap3A_3198 = tpu.vector_load %arg7[%swap3A_3196, %swap3A_3197] {strides = array<i32>} : memref<64x64xf32, #tpu.memory_space<vmem>>, vector<16xf32>,
    tpu.vector_store %arg7[%swap3A_3196, %swap3A_3197], %gather3A_3194 {strides = array<i32>} : memref<64x64xf32, #tpu.memory_space<vmem>>, vector<16xf32>,
    %shift_right_logical3A_3199 = arith.constant 8 : i32
    %shift_right_logical3A_3200 = vector.broadcast %shift_right_logical3A_3199 : i32 to vector<16xi32>
    %shift_right_logical3A_3201 = arith.shrui %get3A_3181, %shift_right_logical3A_3200 : vector<16xi32>
    %and3A_3202 = arith.constant 255 : i32
    %and3A_3203 = vector.broadcast %and3A_3202 : i32 to vector<16xi32>
    %and3A_3204 = arith.andi %shift_right_logical3A_3201, %and3A_3203 : vector<16xi32>
    %and3A_3205 = arith.constant 15 : i32
    %and3A_3206 = vector.broadcast %and3A_3205 : i32 to vector<16xi32>
    %and3A_3207 = arith.andi %and3A_3204, %and3A_3206 : vector<16xi32>
    %shift_right_logical3A_3208 = arith.constant 4 : i32
    %shift_right_logical3A_3209 = vector.broadcast %shift_right_logical3A_3208 : i32 to vector<16xi32>
    %shift_right_logical3A_3210 = arith.shrui %and3A_3204, %shift_right_logical3A_3209 : vector<16xi32>
    %gather3A_3211 = tpu.vector_load_idx %arg5[%and3A_3207, %shift_right_logical3A_3210] : memref<15x15xf32, #tpu.memory_space<vmem>>[vector<16xi32>, vector<16xi32>], vector<16xf32>,
    %swap3A_3212 = arith.constant 44 : i32
    %swap3A_3213 = arith.index_cast %swap3A_3212 : i32 to index
    %swap3A_3214 = arith.constant 16 : index
    %swap3A_3215 = tpu.vector_load %arg7[%swap3A_3213, %swap3A_3214] {strides = array<i32>} : memref<64x64xf32, #tpu.memory_space<vmem>>, vector<16xf32>,
    tpu.vector_store %arg7[%swap3A_3213, %swap3A_3214], %gather3A_3211 {strides = array<i32>} : memref<64x64xf32, #tpu.memory_space<vmem>>, vector<16xf32>,
    %shift_right_logical3A_3216 = arith.constant 16 : i32
    %shift_right_logical3A_3217 = vector.broadcast %shift_right_logical3A_3216 : i32 to vector<16xi32>
    %shift_right_logical3A_3218 = arith.shrui %get3A_3181, %shift_right_logical3A_3217 : vector<16xi32>
    %and3A_3219 = arith.constant 255 : i32
    %and3A_3220 = vector.broadcast %and3A_3219 : i32 to vector<16xi32>
    %and3A_3221 = arith.andi %shift_right_logical3A_3218, %and3A_3220 : vector<16xi32>
    %and3A_3222 = arith.constant 15 : i32
    %and3A_3223 = vector.broadcast %and3A_3222 : i32 to vector<16xi32>
    %and3A_3224 = arith.andi %and3A_3221, %and3A_3223 : vector<16xi32>
    %shift_right_logical3A_3225 = arith.constant 4 : i32
    %shift_right_logical3A_3226 = vector.broadcast %shift_right_logical3A_3225 : i32 to vector<16xi32>
    %shift_right_logical3A_3227 = arith.shrui %and3A_3221, %shift_right_logical3A_3226 : vector<16xi32>
    %gather3A_3228 = tpu.vector_load_idx %arg5[%and3A_3224, %shift_right_logical3A_3227] : memref<15x15xf32, #tpu.memory_space<vmem>>[vector<16xi32>, vector<16xi32>], vector<16xf32>,
    %swap3A_3229 = arith.constant 44 : i32
    %swap3A_3230 = arith.index_cast %swap3A_3229 : i32 to index
    %swap3A_3231 = arith.constant 32 : index
    %swap3A_3232 = tpu.vector_load %arg7[%swap3A_3230, %swap3A_3231] {strides = array<i32>} : memref<64x64xf32, #tpu.memory_space<vmem>>, vector<16xf32>,
    tpu.vector_store %arg7[%swap3A_3230, %swap3A_3231], %gather3A_3228 {strides = array<i32>} : memref<64x64xf32, #tpu.memory_space<vmem>>, vector<16xf32>,
    %shift_right_logical3A_3233 = arith.constant 24 : i32
    %shift_right_logical3A_3234 = vector.broadcast %shift_right_logical3A_3233 : i32 to vector<16xi32>
    %shift_right_logical3A_3235 = arith.shrui %get3A_3181, %shift_right_logical3A_3234 : vector<16xi32>
    %and3A_3236 = arith.constant 255 : i32
    %and3A_3237 = vector.broadcast %and3A_3236 : i32 to vector<16xi32>
    %and3A_3238 = arith.andi %shift_right_logical3A_3235, %and3A_3237 : vector<16xi32>
    %and3A_3239 = arith.constant 15 : i32
    %and3A_3240 = vector.broadcast %and3A_3239 : i32 to vector<16xi32>
    %and3A_3241 = arith.andi %and3A_3238, %and3A_3240 : vector<16xi32>
    %shift_right_logical3A_3242 = arith.constant 4 : i32
    %shift_right_logical3A_3243 = vector.broadcast %shift_right_logical3A_3242 : i32 to vector<16xi32>
    %shift_right_logical3A_3244 = arith.shrui %and3A_3238, %shift_right_logical3A_3243 : vector<16xi32>
    %gather3A_3245 = tpu.vector_load_idx %arg5[%and3A_3241, %shift_right_logical3A_3244] : memref<15x15xf32, #tpu.memory_space<vmem>>[vector<16xi32>, vector<16xi32>], vector<16xf32>,
    %swap3A_3246 = arith.constant 44 : i32
    %swap3A_3247 = arith.index_cast %swap3A_3246 : i32 to index
    %swap3A_3248 = arith.constant 48 : index
    %swap3A_3249 = tpu.vector_load %arg7[%swap3A_3247, %swap3A_3248] {strides = array<i32>} : memref<64x64xf32, #tpu.memory_space<vmem>>, vector<16xf32>,
    tpu.vector_store %arg7[%swap3A_3247, %swap3A_3248], %gather3A_3245 {strides = array<i32>} : memref<64x64xf32, #tpu.memory_space<vmem>>, vector<16xf32>,
    %get3A_3250 = arith.constant 5 : i32
    %get3A_3251 = arith.index_cast %get3A_3250 : i32 to index
    %get3A_3252 = arith.constant 80 : index
    %get3A_3253 = tpu.vector_load %arg6[%get3A_3251, %get3A_3252] {strides = array<i32>} : memref<8x128xi32, #tpu.memory_space<vmem>>, vector<16xi32>,
    %shift_right_logical3A_3254 = arith.constant 0 : i32
    %shift_right_logical3A_3255 = vector.broadcast %shift_right_logical3A_3254 : i32 to vector<16xi32>
    %shift_right_logical3A_3256 = arith.shrui %get3A_3253, %shift_right_logical3A_3255 : vector<16xi32>
    %and3A_3257 = arith.constant 255 : i32
    %and3A_3258 = vector.broadcast %and3A_3257 : i32 to vector<16xi32>
    %and3A_3259 = arith.andi %shift_right_logical3A_3256, %and3A_3258 : vector<16xi32>
    %and3A_3260 = arith.constant 15 : i32
    %and3A_3261 = vector.broadcast %and3A_3260 : i32 to vector<16xi32>
    %and3A_3262 = arith.andi %and3A_3259, %and3A_3261 : vector<16xi32>
    %shift_right_logical3A_3263 = arith.constant 4 : i32
    %shift_right_logical3A_3264 = vector.broadcast %shift_right_logical3A_3263 : i32 to vector<16xi32>
    %shift_right_logical3A_3265 = arith.shrui %and3A_3259, %shift_right_logical3A_3264 : vector<16xi32>
    %gather3A_3266 = tpu.vector_load_idx %arg5[%and3A_3262, %shift_right_logical3A_3265] : memref<15x15xf32, #tpu.memory_space<vmem>>[vector<16xi32>, vector<16xi32>], vector<16xf32>,
    %swap3A_3267 = arith.constant 45 : i32
    %swap3A_3268 = arith.index_cast %swap3A_3267 : i32 to index
    %swap3A_3269 = arith.constant 0 : index
    %swap3A_3270 = tpu.vector_load %arg7[%swap3A_3268, %swap3A_3269] {strides = array<i32>} : memref<64x64xf32, #tpu.memory_space<vmem>>, vector<16xf32>,
    tpu.vector_store %arg7[%swap3A_3268, %swap3A_3269], %gather3A_3266 {strides = array<i32>} : memref<64x64xf32, #tpu.memory_space<vmem>>, vector<16xf32>,
    %shift_right_logical3A_3271 = arith.constant 8 : i32
    %shift_right_logical3A_3272 = vector.broadcast %shift_right_logical3A_3271 : i32 to vector<16xi32>
    %shift_right_logical3A_3273 = arith.shrui %get3A_3253, %shift_right_logical3A_3272 : vector<16xi32>
    %and3A_3274 = arith.constant 255 : i32
    %and3A_3275 = vector.broadcast %and3A_3274 : i32 to vector<16xi32>
    %and3A_3276 = arith.andi %shift_right_logical3A_3273, %and3A_3275 : vector<16xi32>
    %and3A_3277 = arith.constant 15 : i32
    %and3A_3278 = vector.broadcast %and3A_3277 : i32 to vector<16xi32>
    %and3A_3279 = arith.andi %and3A_3276, %and3A_3278 : vector<16xi32>
    %shift_right_logical3A_3280 = arith.constant 4 : i32
    %shift_right_logical3A_3281 = vector.broadcast %shift_right_logical3A_3280 : i32 to vector<16xi32>
    %shift_right_logical3A_3282 = arith.shrui %and3A_3276, %shift_right_logical3A_3281 : vector<16xi32>
    %gather3A_3283 = tpu.vector_load_idx %arg5[%and3A_3279, %shift_right_logical3A_3282] : memref<15x15xf32, #tpu.memory_space<vmem>>[vector<16xi32>, vector<16xi32>], vector<16xf32>,
    %swap3A_3284 = arith.constant 45 : i32
    %swap3A_3285 = arith.index_cast %swap3A_3284 : i32 to index
    %swap3A_3286 = arith.constant 16 : index
    %swap3A_3287 = tpu.vector_load %arg7[%swap3A_3285, %swap3A_3286] {strides = array<i32>} : memref<64x64xf32, #tpu.memory_space<vmem>>, vector<16xf32>,
    tpu.vector_store %arg7[%swap3A_3285, %swap3A_3286], %gather3A_3283 {strides = array<i32>} : memref<64x64xf32, #tpu.memory_space<vmem>>, vector<16xf32>,
    %shift_right_logical3A_3288 = arith.constant 16 : i32
    %shift_right_logical3A_3289 = vector.broadcast %shift_right_logical3A_3288 : i32 to vector<16xi32>
    %shift_right_logical3A_3290 = arith.shrui %get3A_3253, %shift_right_logical3A_3289 : vector<16xi32>
    %and3A_3291 = arith.constant 255 : i32
    %and3A_3292 = vector.broadcast %and3A_3291 : i32 to vector<16xi32>
    %and3A_3293 = arith.andi %shift_right_logical3A_3290, %and3A_3292 : vector<16xi32>
    %and3A_3294 = arith.constant 15 : i32
    %and3A_3295 = vector.broadcast %and3A_3294 : i32 to vector<16xi32>
    %and3A_3296 = arith.andi %and3A_3293, %and3A_3295 : vector<16xi32>
    %shift_right_logical3A_3297 = arith.constant 4 : i32
    %shift_right_logical3A_3298 = vector.broadcast %shift_right_logical3A_3297 : i32 to vector<16xi32>
    %shift_right_logical3A_3299 = arith.shrui %and3A_3293, %shift_right_logical3A_3298 : vector<16xi32>
    %gather3A_3300 = tpu.vector_load_idx %arg5[%and3A_3296, %shift_right_logical3A_3299] : memref<15x15xf32, #tpu.memory_space<vmem>>[vector<16xi32>, vector<16xi32>], vector<16xf32>,
    %swap3A_3301 = arith.constant 45 : i32
    %swap3A_3302 = arith.index_cast %swap3A_3301 : i32 to index
    %swap3A_3303 = arith.constant 32 : index
    %swap3A_3304 = tpu.vector_load %arg7[%swap3A_3302, %swap3A_3303] {strides = array<i32>} : memref<64x64xf32, #tpu.memory_space<vmem>>, vector<16xf32>,
    tpu.vector_store %arg7[%swap3A_3302, %swap3A_3303], %gather3A_3300 {strides = array<i32>} : memref<64x64xf32, #tpu.memory_space<vmem>>, vector<16xf32>,
    %shift_right_logical3A_3305 = arith.constant 24 : i32
    %shift_right_logical3A_3306 = vector.broadcast %shift_right_logical3A_3305 : i32 to vector<16xi32>
    %shift_right_logical3A_3307 = arith.shrui %get3A_3253, %shift_right_logical3A_3306 : vector<16xi32>
    %and3A_3308 = arith.constant 255 : i32
    %and3A_3309 = vector.broadcast %and3A_3308 : i32 to vector<16xi32>
    %and3A_3310 = arith.andi %shift_right_logical3A_3307, %and3A_3309 : vector<16xi32>
    %and3A_3311 = arith.constant 15 : i32
    %and3A_3312 = vector.broadcast %and3A_3311 : i32 to vector<16xi32>
    %and3A_3313 = arith.andi %and3A_3310, %and3A_3312 : vector<16xi32>
    %shift_right_logical3A_3314 = arith.constant 4 : i32
    %shift_right_logical3A_3315 = vector.broadcast %shift_right_logical3A_3314 : i32 to vector<16xi32>
    %shift_right_logical3A_3316 = arith.shrui %and3A_3310, %shift_right_logical3A_3315 : vector<16xi32>
    %gather3A_3317 = tpu.vector_load_idx %arg5[%and3A_3313, %shift_right_logical3A_3316] : memref<15x15xf32, #tpu.memory_space<vmem>>[vector<16xi32>, vector<16xi32>], vector<16xf32>,
    %swap3A_3318 = arith.constant 45 : i32
    %swap3A_3319 = arith.index_cast %swap3A_3318 : i32 to index
    %swap3A_3320 = arith.constant 48 : index
    %swap3A_3321 = tpu.vector_load %arg7[%swap3A_3319, %swap3A_3320] {strides = array<i32>} : memref<64x64xf32, #tpu.memory_space<vmem>>, vector<16xf32>,
    tpu.vector_store %arg7[%swap3A_3319, %swap3A_3320], %gather3A_3317 {strides = array<i32>} : memref<64x64xf32, #tpu.memory_space<vmem>>, vector<16xf32>,
    %get3A_3322 = arith.constant 5 : i32
    %get3A_3323 = arith.index_cast %get3A_3322 : i32 to index
    %get3A_3324 = arith.constant 96 : index
    %get3A_3325 = tpu.vector_load %arg6[%get3A_3323, %get3A_3324] {strides = array<i32>} : memref<8x128xi32, #tpu.memory_space<vmem>>, vector<16xi32>,
    %shift_right_logical3A_3326 = arith.constant 0 : i32
    %shift_right_logical3A_3327 = vector.broadcast %shift_right_logical3A_3326 : i32 to vector<16xi32>
    %shift_right_logical3A_3328 = arith.shrui %get3A_3325, %shift_right_logical3A_3327 : vector<16xi32>
    %and3A_3329 = arith.constant 255 : i32
    %and3A_3330 = vector.broadcast %and3A_3329 : i32 to vector<16xi32>
    %and3A_3331 = arith.andi %shift_right_logical3A_3328, %and3A_3330 : vector<16xi32>
    %and3A_3332 = arith.constant 15 : i32
    %and3A_3333 = vector.broadcast %and3A_3332 : i32 to vector<16xi32>
    %and3A_3334 = arith.andi %and3A_3331, %and3A_3333 : vector<16xi32>
    %shift_right_logical3A_3335 = arith.constant 4 : i32
    %shift_right_logical3A_3336 = vector.broadcast %shift_right_logical3A_3335 : i32 to vector<16xi32>
    %shift_right_logical3A_3337 = arith.shrui %and3A_3331, %shift_right_logical3A_3336 : vector<16xi32>
    %gather3A_3338 = tpu.vector_load_idx %arg5[%and3A_3334, %shift_right_logical3A_3337] : memref<15x15xf32, #tpu.memory_space<vmem>>[vector<16xi32>, vector<16xi32>], vector<16xf32>,
    %swap3A_3339 = arith.constant 46 : i32
    %swap3A_3340 = arith.index_cast %swap3A_3339 : i32 to index
    %swap3A_3341 = arith.constant 0 : index
    %swap3A_3342 = tpu.vector_load %arg7[%swap3A_3340, %swap3A_3341] {strides = array<i32>} : memref<64x64xf32, #tpu.memory_space<vmem>>, vector<16xf32>,
    tpu.vector_store %arg7[%swap3A_3340, %swap3A_3341], %gather3A_3338 {strides = array<i32>} : memref<64x64xf32, #tpu.memory_space<vmem>>, vector<16xf32>,
    %shift_right_logical3A_3343 = arith.constant 8 : i32
    %shift_right_logical3A_3344 = vector.broadcast %shift_right_logical3A_3343 : i32 to vector<16xi32>
    %shift_right_logical3A_3345 = arith.shrui %get3A_3325, %shift_right_logical3A_3344 : vector<16xi32>
    %and3A_3346 = arith.constant 255 : i32
    %and3A_3347 = vector.broadcast %and3A_3346 : i32 to vector<16xi32>
    %and3A_3348 = arith.andi %shift_right_logical3A_3345, %and3A_3347 : vector<16xi32>
    %and3A_3349 = arith.constant 15 : i32
    %and3A_3350 = vector.broadcast %and3A_3349 : i32 to vector<16xi32>
    %and3A_3351 = arith.andi %and3A_3348, %and3A_3350 : vector<16xi32>
    %shift_right_logical3A_3352 = arith.constant 4 : i32
    %shift_right_logical3A_3353 = vector.broadcast %shift_right_logical3A_3352 : i32 to vector<16xi32>
    %shift_right_logical3A_3354 = arith.shrui %and3A_3348, %shift_right_logical3A_3353 : vector<16xi32>
    %gather3A_3355 = tpu.vector_load_idx %arg5[%and3A_3351, %shift_right_logical3A_3354] : memref<15x15xf32, #tpu.memory_space<vmem>>[vector<16xi32>, vector<16xi32>], vector<16xf32>,
    %swap3A_3356 = arith.constant 46 : i32
    %swap3A_3357 = arith.index_cast %swap3A_3356 : i32 to index
    %swap3A_3358 = arith.constant 16 : index
    %swap3A_3359 = tpu.vector_load %arg7[%swap3A_3357, %swap3A_3358] {strides = array<i32>} : memref<64x64xf32, #tpu.memory_space<vmem>>, vector<16xf32>,
    tpu.vector_store %arg7[%swap3A_3357, %swap3A_3358], %gather3A_3355 {strides = array<i32>} : memref<64x64xf32, #tpu.memory_space<vmem>>, vector<16xf32>,
    %shift_right_logical3A_3360 = arith.constant 16 : i32
    %shift_right_logical3A_3361 = vector.broadcast %shift_right_logical3A_3360 : i32 to vector<16xi32>
    %shift_right_logical3A_3362 = arith.shrui %get3A_3325, %shift_right_logical3A_3361 : vector<16xi32>
    %and3A_3363 = arith.constant 255 : i32
    %and3A_3364 = vector.broadcast %and3A_3363 : i32 to vector<16xi32>
    %and3A_3365 = arith.andi %shift_right_logical3A_3362, %and3A_3364 : vector<16xi32>
    %and3A_3366 = arith.constant 15 : i32
    %and3A_3367 = vector.broadcast %and3A_3366 : i32 to vector<16xi32>
    %and3A_3368 = arith.andi %and3A_3365, %and3A_3367 : vector<16xi32>
    %shift_right_logical3A_3369 = arith.constant 4 : i32
    %shift_right_logical3A_3370 = vector.broadcast %shift_right_logical3A_3369 : i32 to vector<16xi32>
    %shift_right_logical3A_3371 = arith.shrui %and3A_3365, %shift_right_logical3A_3370 : vector<16xi32>
    %gather3A_3372 = tpu.vector_load_idx %arg5[%and3A_3368, %shift_right_logical3A_3371] : memref<15x15xf32, #tpu.memory_space<vmem>>[vector<16xi32>, vector<16xi32>], vector<16xf32>,
    %swap3A_3373 = arith.constant 46 : i32
    %swap3A_3374 = arith.index_cast %swap3A_3373 : i32 to index
    %swap3A_3375 = arith.constant 32 : index
    %swap3A_3376 = tpu.vector_load %arg7[%swap3A_3374, %swap3A_3375] {strides = array<i32>} : memref<64x64xf32, #tpu.memory_space<vmem>>, vector<16xf32>,
    tpu.vector_store %arg7[%swap3A_3374, %swap3A_3375], %gather3A_3372 {strides = array<i32>} : memref<64x64xf32, #tpu.memory_space<vmem>>, vector<16xf32>,
    %shift_right_logical3A_3377 = arith.constant 24 : i32
    %shift_right_logical3A_3378 = vector.broadcast %shift_right_logical3A_3377 : i32 to vector<16xi32>
    %shift_right_logical3A_3379 = arith.shrui %get3A_3325, %shift_right_logical3A_3378 : vector<16xi32>
    %and3A_3380 = arith.constant 255 : i32
    %and3A_3381 = vector.broadcast %and3A_3380 : i32 to vector<16xi32>
    %and3A_3382 = arith.andi %shift_right_logical3A_3379, %and3A_3381 : vector<16xi32>
    %and3A_3383 = arith.constant 15 : i32
    %and3A_3384 = vector.broadcast %and3A_3383 : i32 to vector<16xi32>
    %and3A_3385 = arith.andi %and3A_3382, %and3A_3384 : vector<16xi32>
    %shift_right_logical3A_3386 = arith.constant 4 : i32
    %shift_right_logical3A_3387 = vector.broadcast %shift_right_logical3A_3386 : i32 to vector<16xi32>
    %shift_right_logical3A_3388 = arith.shrui %and3A_3382, %shift_right_logical3A_3387 : vector<16xi32>
    %gather3A_3389 = tpu.vector_load_idx %arg5[%and3A_3385, %shift_right_logical3A_3388] : memref<15x15xf32, #tpu.memory_space<vmem>>[vector<16xi32>, vector<16xi32>], vector<16xf32>,
    %swap3A_3390 = arith.constant 46 : i32
    %swap3A_3391 = arith.index_cast %swap3A_3390 : i32 to index
    %swap3A_3392 = arith.constant 48 : index
    %swap3A_3393 = tpu.vector_load %arg7[%swap3A_3391, %swap3A_3392] {strides = array<i32>} : memref<64x64xf32, #tpu.memory_space<vmem>>, vector<16xf32>,
    tpu.vector_store %arg7[%swap3A_3391, %swap3A_3392], %gather3A_3389 {strides = array<i32>} : memref<64x64xf32, #tpu.memory_space<vmem>>, vector<16xf32>,
    %get3A_3394 = arith.constant 5 : i32
    %get3A_3395 = arith.index_cast %get3A_3394 : i32 to index
    %get3A_3396 = arith.constant 112 : index
    %get3A_3397 = tpu.vector_load %arg6[%get3A_3395, %get3A_3396] {strides = array<i32>} : memref<8x128xi32, #tpu.memory_space<vmem>>, vector<16xi32>,
    %shift_right_logical3A_3398 = arith.constant 0 : i32
    %shift_right_logical3A_3399 = vector.broadcast %shift_right_logical3A_3398 : i32 to vector<16xi32>
    %shift_right_logical3A_3400 = arith.shrui %get3A_3397, %shift_right_logical3A_3399 : vector<16xi32>
    %and3A_3401 = arith.constant 255 : i32
    %and3A_3402 = vector.broadcast %and3A_3401 : i32 to vector<16xi32>
    %and3A_3403 = arith.andi %shift_right_logical3A_3400, %and3A_3402 : vector<16xi32>
    %and3A_3404 = arith.constant 15 : i32
    %and3A_3405 = vector.broadcast %and3A_3404 : i32 to vector<16xi32>
    %and3A_3406 = arith.andi %and3A_3403, %and3A_3405 : vector<16xi32>
    %shift_right_logical3A_3407 = arith.constant 4 : i32
    %shift_right_logical3A_3408 = vector.broadcast %shift_right_logical3A_3407 : i32 to vector<16xi32>
    %shift_right_logical3A_3409 = arith.shrui %and3A_3403, %shift_right_logical3A_3408 : vector<16xi32>
    %gather3A_3410 = tpu.vector_load_idx %arg5[%and3A_3406, %shift_right_logical3A_3409] : memref<15x15xf32, #tpu.memory_space<vmem>>[vector<16xi32>, vector<16xi32>], vector<16xf32>,
    %swap3A_3411 = arith.constant 47 : i32
    %swap3A_3412 = arith.index_cast %swap3A_3411 : i32 to index
    %swap3A_3413 = arith.constant 0 : index
    %swap3A_3414 = tpu.vector_load %arg7[%swap3A_3412, %swap3A_3413] {strides = array<i32>} : memref<64x64xf32, #tpu.memory_space<vmem>>, vector<16xf32>,
    tpu.vector_store %arg7[%swap3A_3412, %swap3A_3413], %gather3A_3410 {strides = array<i32>} : memref<64x64xf32, #tpu.memory_space<vmem>>, vector<16xf32>,
    %shift_right_logical3A_3415 = arith.constant 8 : i32
    %shift_right_logical3A_3416 = vector.broadcast %shift_right_logical3A_3415 : i32 to vector<16xi32>
    %shift_right_logical3A_3417 = arith.shrui %get3A_3397, %shift_right_logical3A_3416 : vector<16xi32>
    %and3A_3418 = arith.constant 255 : i32
    %and3A_3419 = vector.broadcast %and3A_3418 : i32 to vector<16xi32>
    %and3A_3420 = arith.andi %shift_right_logical3A_3417, %and3A_3419 : vector<16xi32>
    %and3A_3421 = arith.constant 15 : i32
    %and3A_3422 = vector.broadcast %and3A_3421 : i32 to vector<16xi32>
    %and3A_3423 = arith.andi %and3A_3420, %and3A_3422 : vector<16xi32>
    %shift_right_logical3A_3424 = arith.constant 4 : i32
    %shift_right_logical3A_3425 = vector.broadcast %shift_right_logical3A_3424 : i32 to vector<16xi32>
    %shift_right_logical3A_3426 = arith.shrui %and3A_3420, %shift_right_logical3A_3425 : vector<16xi32>
    %gather3A_3427 = tpu.vector_load_idx %arg5[%and3A_3423, %shift_right_logical3A_3426] : memref<15x15xf32, #tpu.memory_space<vmem>>[vector<16xi32>, vector<16xi32>], vector<16xf32>,
    %swap3A_3428 = arith.constant 47 : i32
    %swap3A_3429 = arith.index_cast %swap3A_3428 : i32 to index
    %swap3A_3430 = arith.constant 16 : index
    %swap3A_3431 = tpu.vector_load %arg7[%swap3A_3429, %swap3A_3430] {strides = array<i32>} : memref<64x64xf32, #tpu.memory_space<vmem>>, vector<16xf32>,
    tpu.vector_store %arg7[%swap3A_3429, %swap3A_3430], %gather3A_3427 {strides = array<i32>} : memref<64x64xf32, #tpu.memory_space<vmem>>, vector<16xf32>,
    %shift_right_logical3A_3432 = arith.constant 16 : i32
    %shift_right_logical3A_3433 = vector.broadcast %shift_right_logical3A_3432 : i32 to vector<16xi32>
    %shift_right_logical3A_3434 = arith.shrui %get3A_3397, %shift_right_logical3A_3433 : vector<16xi32>
    %and3A_3435 = arith.constant 255 : i32
    %and3A_3436 = vector.broadcast %and3A_3435 : i32 to vector<16xi32>
    %and3A_3437 = arith.andi %shift_right_logical3A_3434, %and3A_3436 : vector<16xi32>
    %and3A_3438 = arith.constant 15 : i32
    %and3A_3439 = vector.broadcast %and3A_3438 : i32 to vector<16xi32>
    %and3A_3440 = arith.andi %and3A_3437, %and3A_3439 : vector<16xi32>
    %shift_right_logical3A_3441 = arith.constant 4 : i32
    %shift_right_logical3A_3442 = vector.broadcast %shift_right_logical3A_3441 : i32 to vector<16xi32>
    %shift_right_logical3A_3443 = arith.shrui %and3A_3437, %shift_right_logical3A_3442 : vector<16xi32>
    %gather3A_3444 = tpu.vector_load_idx %arg5[%and3A_3440, %shift_right_logical3A_3443] : memref<15x15xf32, #tpu.memory_space<vmem>>[vector<16xi32>, vector<16xi32>], vector<16xf32>,
    %swap3A_3445 = arith.constant 47 : i32
    %swap3A_3446 = arith.index_cast %swap3A_3445 : i32 to index
    %swap3A_3447 = arith.constant 32 : index
    %swap3A_3448 = tpu.vector_load %arg7[%swap3A_3446, %swap3A_3447] {strides = array<i32>} : memref<64x64xf32, #tpu.memory_space<vmem>>, vector<16xf32>,
    tpu.vector_store %arg7[%swap3A_3446, %swap3A_3447], %gather3A_3444 {strides = array<i32>} : memref<64x64xf32, #tpu.memory_space<vmem>>, vector<16xf32>,
    %shift_right_logical3A_3449 = arith.constant 24 : i32
    %shift_right_logical3A_3450 = vector.broadcast %shift_right_logical3A_3449 : i32 to vector<16xi32>
    %shift_right_logical3A_3451 = arith.shrui %get3A_3397, %shift_right_logical3A_3450 : vector<16xi32>
    %and3A_3452 = arith.constant 255 : i32
    %and3A_3453 = vector.broadcast %and3A_3452 : i32 to vector<16xi32>
    %and3A_3454 = arith.andi %shift_right_logical3A_3451, %and3A_3453 : vector<16xi32>
    %and3A_3455 = arith.constant 15 : i32
    %and3A_3456 = vector.broadcast %and3A_3455 : i32 to vector<16xi32>
    %and3A_3457 = arith.andi %and3A_3454, %and3A_3456 : vector<16xi32>
    %shift_right_logical3A_3458 = arith.constant 4 : i32
    %shift_right_logical3A_3459 = vector.broadcast %shift_right_logical3A_3458 : i32 to vector<16xi32>
    %shift_right_logical3A_3460 = arith.shrui %and3A_3454, %shift_right_logical3A_3459 : vector<16xi32>
    %gather3A_3461 = tpu.vector_load_idx %arg5[%and3A_3457, %shift_right_logical3A_3460] : memref<15x15xf32, #tpu.memory_space<vmem>>[vector<16xi32>, vector<16xi32>], vector<16xf32>,
    %swap3A_3462 = arith.constant 47 : i32
    %swap3A_3463 = arith.index_cast %swap3A_3462 : i32 to index
    %swap3A_3464 = arith.constant 48 : index
    %swap3A_3465 = tpu.vector_load %arg7[%swap3A_3463, %swap3A_3464] {strides = array<i32>} : memref<64x64xf32, #tpu.memory_space<vmem>>, vector<16xf32>,
    tpu.vector_store %arg7[%swap3A_3463, %swap3A_3464], %gather3A_3461 {strides = array<i32>} : memref<64x64xf32, #tpu.memory_space<vmem>>, vector<16xf32>,
    %get3A_3466 = arith.constant 6 : i32
    %get3A_3467 = arith.index_cast %get3A_3466 : i32 to index
    %get3A_3468 = arith.constant 0 : index
    %get3A_3469 = tpu.vector_load %arg6[%get3A_3467, %get3A_3468] {strides = array<i32>} : memref<8x128xi32, #tpu.memory_space<vmem>>, vector<16xi32>,
    %shift_right_logical3A_3470 = arith.constant 0 : i32
    %shift_right_logical3A_3471 = vector.broadcast %shift_right_logical3A_3470 : i32 to vector<16xi32>
    %shift_right_logical3A_3472 = arith.shrui %get3A_3469, %shift_right_logical3A_3471 : vector<16xi32>
    %and3A_3473 = arith.constant 255 : i32
    %and3A_3474 = vector.broadcast %and3A_3473 : i32 to vector<16xi32>
    %and3A_3475 = arith.andi %shift_right_logical3A_3472, %and3A_3474 : vector<16xi32>
    %and3A_3476 = arith.constant 15 : i32
    %and3A_3477 = vector.broadcast %and3A_3476 : i32 to vector<16xi32>
    %and3A_3478 = arith.andi %and3A_3475, %and3A_3477 : vector<16xi32>
    %shift_right_logical3A_3479 = arith.constant 4 : i32
    %shift_right_logical3A_3480 = vector.broadcast %shift_right_logical3A_3479 : i32 to vector<16xi32>
    %shift_right_logical3A_3481 = arith.shrui %and3A_3475, %shift_right_logical3A_3480 : vector<16xi32>
    %gather3A_3482 = tpu.vector_load_idx %arg5[%and3A_3478, %shift_right_logical3A_3481] : memref<15x15xf32, #tpu.memory_space<vmem>>[vector<16xi32>, vector<16xi32>], vector<16xf32>,
    %swap3A_3483 = arith.constant 48 : i32
    %swap3A_3484 = arith.index_cast %swap3A_3483 : i32 to index
    %swap3A_3485 = arith.constant 0 : index
    %swap3A_3486 = tpu.vector_load %arg7[%swap3A_3484, %swap3A_3485] {strides = array<i32>} : memref<64x64xf32, #tpu.memory_space<vmem>>, vector<16xf32>,
    tpu.vector_store %arg7[%swap3A_3484, %swap3A_3485], %gather3A_3482 {strides = array<i32>} : memref<64x64xf32, #tpu.memory_space<vmem>>, vector<16xf32>,
    %shift_right_logical3A_3487 = arith.constant 8 : i32
    %shift_right_logical3A_3488 = vector.broadcast %shift_right_logical3A_3487 : i32 to vector<16xi32>
    %shift_right_logical3A_3489 = arith.shrui %get3A_3469, %shift_right_logical3A_3488 : vector<16xi32>
    %and3A_3490 = arith.constant 255 : i32
    %and3A_3491 = vector.broadcast %and3A_3490 : i32 to vector<16xi32>
    %and3A_3492 = arith.andi %shift_right_logical3A_3489, %and3A_3491 : vector<16xi32>
    %and3A_3493 = arith.constant 15 : i32
    %and3A_3494 = vector.broadcast %and3A_3493 : i32 to vector<16xi32>
    %and3A_3495 = arith.andi %and3A_3492, %and3A_3494 : vector<16xi32>
    %shift_right_logical3A_3496 = arith.constant 4 : i32
    %shift_right_logical3A_3497 = vector.broadcast %shift_right_logical3A_3496 : i32 to vector<16xi32>
    %shift_right_logical3A_3498 = arith.shrui %and3A_3492, %shift_right_logical3A_3497 : vector<16xi32>
    %gather3A_3499 = tpu.vector_load_idx %arg5[%and3A_3495, %shift_right_logical3A_3498] : memref<15x15xf32, #tpu.memory_space<vmem>>[vector<16xi32>, vector<16xi32>], vector<16xf32>,
    %swap3A_3500 = arith.constant 48 : i32
    %swap3A_3501 = arith.index_cast %swap3A_3500 : i32 to index
    %swap3A_3502 = arith.constant 16 : index
    %swap3A_3503 = tpu.vector_load %arg7[%swap3A_3501, %swap3A_3502] {strides = array<i32>} : memref<64x64xf32, #tpu.memory_space<vmem>>, vector<16xf32>,
    tpu.vector_store %arg7[%swap3A_3501, %swap3A_3502], %gather3A_3499 {strides = array<i32>} : memref<64x64xf32, #tpu.memory_space<vmem>>, vector<16xf32>,
    %shift_right_logical3A_3504 = arith.constant 16 : i32
    %shift_right_logical3A_3505 = vector.broadcast %shift_right_logical3A_3504 : i32 to vector<16xi32>
    %shift_right_logical3A_3506 = arith.shrui %get3A_3469, %shift_right_logical3A_3505 : vector<16xi32>
    %and3A_3507 = arith.constant 255 : i32
    %and3A_3508 = vector.broadcast %and3A_3507 : i32 to vector<16xi32>
    %and3A_3509 = arith.andi %shift_right_logical3A_3506, %and3A_3508 : vector<16xi32>
    %and3A_3510 = arith.constant 15 : i32
    %and3A_3511 = vector.broadcast %and3A_3510 : i32 to vector<16xi32>
    %and3A_3512 = arith.andi %and3A_3509, %and3A_3511 : vector<16xi32>
    %shift_right_logical3A_3513 = arith.constant 4 : i32
    %shift_right_logical3A_3514 = vector.broadcast %shift_right_logical3A_3513 : i32 to vector<16xi32>
    %shift_right_logical3A_3515 = arith.shrui %and3A_3509, %shift_right_logical3A_3514 : vector<16xi32>
    %gather3A_3516 = tpu.vector_load_idx %arg5[%and3A_3512, %shift_right_logical3A_3515] : memref<15x15xf32, #tpu.memory_space<vmem>>[vector<16xi32>, vector<16xi32>], vector<16xf32>,
    %swap3A_3517 = arith.constant 48 : i32
    %swap3A_3518 = arith.index_cast %swap3A_3517 : i32 to index
    %swap3A_3519 = arith.constant 32 : index
    %swap3A_3520 = tpu.vector_load %arg7[%swap3A_3518, %swap3A_3519] {strides = array<i32>} : memref<64x64xf32, #tpu.memory_space<vmem>>, vector<16xf32>,
    tpu.vector_store %arg7[%swap3A_3518, %swap3A_3519], %gather3A_3516 {strides = array<i32>} : memref<64x64xf32, #tpu.memory_space<vmem>>, vector<16xf32>,
    %shift_right_logical3A_3521 = arith.constant 24 : i32
    %shift_right_logical3A_3522 = vector.broadcast %shift_right_logical3A_3521 : i32 to vector<16xi32>
    %shift_right_logical3A_3523 = arith.shrui %get3A_3469, %shift_right_logical3A_3522 : vector<16xi32>
    %and3A_3524 = arith.constant 255 : i32
    %and3A_3525 = vector.broadcast %and3A_3524 : i32 to vector<16xi32>
    %and3A_3526 = arith.andi %shift_right_logical3A_3523, %and3A_3525 : vector<16xi32>
    %and3A_3527 = arith.constant 15 : i32
    %and3A_3528 = vector.broadcast %and3A_3527 : i32 to vector<16xi32>
    %and3A_3529 = arith.andi %and3A_3526, %and3A_3528 : vector<16xi32>
    %shift_right_logical3A_3530 = arith.constant 4 : i32
    %shift_right_logical3A_3531 = vector.broadcast %shift_right_logical3A_3530 : i32 to vector<16xi32>
    %shift_right_logical3A_3532 = arith.shrui %and3A_3526, %shift_right_logical3A_3531 : vector<16xi32>
    %gather3A_3533 = tpu.vector_load_idx %arg5[%and3A_3529, %shift_right_logical3A_3532] : memref<15x15xf32, #tpu.memory_space<vmem>>[vector<16xi32>, vector<16xi32>], vector<16xf32>,
    %swap3A_3534 = arith.constant 48 : i32
    %swap3A_3535 = arith.index_cast %swap3A_3534 : i32 to index
    %swap3A_3536 = arith.constant 48 : index
    %swap3A_3537 = tpu.vector_load %arg7[%swap3A_3535, %swap3A_3536] {strides = array<i32>} : memref<64x64xf32, #tpu.memory_space<vmem>>, vector<16xf32>,
    tpu.vector_store %arg7[%swap3A_3535, %swap3A_3536], %gather3A_3533 {strides = array<i32>} : memref<64x64xf32, #tpu.memory_space<vmem>>, vector<16xf32>,
    %get3A_3538 = arith.constant 6 : i32
    %get3A_3539 = arith.index_cast %get3A_3538 : i32 to index
    %get3A_3540 = arith.constant 16 : index
    %get3A_3541 = tpu.vector_load %arg6[%get3A_3539, %get3A_3540] {strides = array<i32>} : memref<8x128xi32, #tpu.memory_space<vmem>>, vector<16xi32>,
    %shift_right_logical3A_3542 = arith.constant 0 : i32
    %shift_right_logical3A_3543 = vector.broadcast %shift_right_logical3A_3542 : i32 to vector<16xi32>
    %shift_right_logical3A_3544 = arith.shrui %get3A_3541, %shift_right_logical3A_3543 : vector<16xi32>
    %and3A_3545 = arith.constant 255 : i32
    %and3A_3546 = vector.broadcast %and3A_3545 : i32 to vector<16xi32>
    %and3A_3547 = arith.andi %shift_right_logical3A_3544, %and3A_3546 : vector<16xi32>
    %and3A_3548 = arith.constant 15 : i32
    %and3A_3549 = vector.broadcast %and3A_3548 : i32 to vector<16xi32>
    %and3A_3550 = arith.andi %and3A_3547, %and3A_3549 : vector<16xi32>
    %shift_right_logical3A_3551 = arith.constant 4 : i32
    %shift_right_logical3A_3552 = vector.broadcast %shift_right_logical3A_3551 : i32 to vector<16xi32>
    %shift_right_logical3A_3553 = arith.shrui %and3A_3547, %shift_right_logical3A_3552 : vector<16xi32>
    %gather3A_3554 = tpu.vector_load_idx %arg5[%and3A_3550, %shift_right_logical3A_3553] : memref<15x15xf32, #tpu.memory_space<vmem>>[vector<16xi32>, vector<16xi32>], vector<16xf32>,
    %swap3A_3555 = arith.constant 49 : i32
    %swap3A_3556 = arith.index_cast %swap3A_3555 : i32 to index
    %swap3A_3557 = arith.constant 0 : index
    %swap3A_3558 = tpu.vector_load %arg7[%swap3A_3556, %swap3A_3557] {strides = array<i32>} : memref<64x64xf32, #tpu.memory_space<vmem>>, vector<16xf32>,
    tpu.vector_store %arg7[%swap3A_3556, %swap3A_3557], %gather3A_3554 {strides = array<i32>} : memref<64x64xf32, #tpu.memory_space<vmem>>, vector<16xf32>,
    %shift_right_logical3A_3559 = arith.constant 8 : i32
    %shift_right_logical3A_3560 = vector.broadcast %shift_right_logical3A_3559 : i32 to vector<16xi32>
    %shift_right_logical3A_3561 = arith.shrui %get3A_3541, %shift_right_logical3A_3560 : vector<16xi32>
    %and3A_3562 = arith.constant 255 : i32
    %and3A_3563 = vector.broadcast %and3A_3562 : i32 to vector<16xi32>
    %and3A_3564 = arith.andi %shift_right_logical3A_3561, %and3A_3563 : vector<16xi32>
    %and3A_3565 = arith.constant 15 : i32
    %and3A_3566 = vector.broadcast %and3A_3565 : i32 to vector<16xi32>
    %and3A_3567 = arith.andi %and3A_3564, %and3A_3566 : vector<16xi32>
    %shift_right_logical3A_3568 = arith.constant 4 : i32
    %shift_right_logical3A_3569 = vector.broadcast %shift_right_logical3A_3568 : i32 to vector<16xi32>
    %shift_right_logical3A_3570 = arith.shrui %and3A_3564, %shift_right_logical3A_3569 : vector<16xi32>
    %gather3A_3571 = tpu.vector_load_idx %arg5[%and3A_3567, %shift_right_logical3A_3570] : memref<15x15xf32, #tpu.memory_space<vmem>>[vector<16xi32>, vector<16xi32>], vector<16xf32>,
    %swap3A_3572 = arith.constant 49 : i32
    %swap3A_3573 = arith.index_cast %swap3A_3572 : i32 to index
    %swap3A_3574 = arith.constant 16 : index
    %swap3A_3575 = tpu.vector_load %arg7[%swap3A_3573, %swap3A_3574] {strides = array<i32>} : memref<64x64xf32, #tpu.memory_space<vmem>>, vector<16xf32>,
    tpu.vector_store %arg7[%swap3A_3573, %swap3A_3574], %gather3A_3571 {strides = array<i32>} : memref<64x64xf32, #tpu.memory_space<vmem>>, vector<16xf32>,
    %shift_right_logical3A_3576 = arith.constant 16 : i32
    %shift_right_logical3A_3577 = vector.broadcast %shift_right_logical3A_3576 : i32 to vector<16xi32>
    %shift_right_logical3A_3578 = arith.shrui %get3A_3541, %shift_right_logical3A_3577 : vector<16xi32>
    %and3A_3579 = arith.constant 255 : i32
    %and3A_3580 = vector.broadcast %and3A_3579 : i32 to vector<16xi32>
    %and3A_3581 = arith.andi %shift_right_logical3A_3578, %and3A_3580 : vector<16xi32>
    %and3A_3582 = arith.constant 15 : i32
    %and3A_3583 = vector.broadcast %and3A_3582 : i32 to vector<16xi32>
    %and3A_3584 = arith.andi %and3A_3581, %and3A_3583 : vector<16xi32>
    %shift_right_logical3A_3585 = arith.constant 4 : i32
    %shift_right_logical3A_3586 = vector.broadcast %shift_right_logical3A_3585 : i32 to vector<16xi32>
    %shift_right_logical3A_3587 = arith.shrui %and3A_3581, %shift_right_logical3A_3586 : vector<16xi32>
    %gather3A_3588 = tpu.vector_load_idx %arg5[%and3A_3584, %shift_right_logical3A_3587] : memref<15x15xf32, #tpu.memory_space<vmem>>[vector<16xi32>, vector<16xi32>], vector<16xf32>,
    %swap3A_3589 = arith.constant 49 : i32
    %swap3A_3590 = arith.index_cast %swap3A_3589 : i32 to index
    %swap3A_3591 = arith.constant 32 : index
    %swap3A_3592 = tpu.vector_load %arg7[%swap3A_3590, %swap3A_3591] {strides = array<i32>} : memref<64x64xf32, #tpu.memory_space<vmem>>, vector<16xf32>,
    tpu.vector_store %arg7[%swap3A_3590, %swap3A_3591], %gather3A_3588 {strides = array<i32>} : memref<64x64xf32, #tpu.memory_space<vmem>>, vector<16xf32>,
    %shift_right_logical3A_3593 = arith.constant 24 : i32
    %shift_right_logical3A_3594 = vector.broadcast %shift_right_logical3A_3593 : i32 to vector<16xi32>
    %shift_right_logical3A_3595 = arith.shrui %get3A_3541, %shift_right_logical3A_3594 : vector<16xi32>
    %and3A_3596 = arith.constant 255 : i32
    %and3A_3597 = vector.broadcast %and3A_3596 : i32 to vector<16xi32>
    %and3A_3598 = arith.andi %shift_right_logical3A_3595, %and3A_3597 : vector<16xi32>
    %and3A_3599 = arith.constant 15 : i32
    %and3A_3600 = vector.broadcast %and3A_3599 : i32 to vector<16xi32>
    %and3A_3601 = arith.andi %and3A_3598, %and3A_3600 : vector<16xi32>
    %shift_right_logical3A_3602 = arith.constant 4 : i32
    %shift_right_logical3A_3603 = vector.broadcast %shift_right_logical3A_3602 : i32 to vector<16xi32>
    %shift_right_logical3A_3604 = arith.shrui %and3A_3598, %shift_right_logical3A_3603 : vector<16xi32>
    %gather3A_3605 = tpu.vector_load_idx %arg5[%and3A_3601, %shift_right_logical3A_3604] : memref<15x15xf32, #tpu.memory_space<vmem>>[vector<16xi32>, vector<16xi32>], vector<16xf32>,
    %swap3A_3606 = arith.constant 49 : i32
    %swap3A_3607 = arith.index_cast %swap3A_3606 : i32 to index
    %swap3A_3608 = arith.constant 48 : index
    %swap3A_3609 = tpu.vector_load %arg7[%swap3A_3607, %swap3A_3608] {strides = array<i32>} : memref<64x64xf32, #tpu.memory_space<vmem>>, vector<16xf32>,
    tpu.vector_store %arg7[%swap3A_3607, %swap3A_3608], %gather3A_3605 {strides = array<i32>} : memref<64x64xf32, #tpu.memory_space<vmem>>, vector<16xf32>,
    %get3A_3610 = arith.constant 6 : i32
    %get3A_3611 = arith.index_cast %get3A_3610 : i32 to index
    %get3A_3612 = arith.constant 32 : index
    %get3A_3613 = tpu.vector_load %arg6[%get3A_3611, %get3A_3612] {strides = array<i32>} : memref<8x128xi32, #tpu.memory_space<vmem>>, vector<16xi32>,
    %shift_right_logical3A_3614 = arith.constant 0 : i32
    %shift_right_logical3A_3615 = vector.broadcast %shift_right_logical3A_3614 : i32 to vector<16xi32>
    %shift_right_logical3A_3616 = arith.shrui %get3A_3613, %shift_right_logical3A_3615 : vector<16xi32>
    %and3A_3617 = arith.constant 255 : i32
    %and3A_3618 = vector.broadcast %and3A_3617 : i32 to vector<16xi32>
    %and3A_3619 = arith.andi %shift_right_logical3A_3616, %and3A_3618 : vector<16xi32>
    %and3A_3620 = arith.constant 15 : i32
    %and3A_3621 = vector.broadcast %and3A_3620 : i32 to vector<16xi32>
    %and3A_3622 = arith.andi %and3A_3619, %and3A_3621 : vector<16xi32>
    %shift_right_logical3A_3623 = arith.constant 4 : i32
    %shift_right_logical3A_3624 = vector.broadcast %shift_right_logical3A_3623 : i32 to vector<16xi32>
    %shift_right_logical3A_3625 = arith.shrui %and3A_3619, %shift_right_logical3A_3624 : vector<16xi32>
    %gather3A_3626 = tpu.vector_load_idx %arg5[%and3A_3622, %shift_right_logical3A_3625] : memref<15x15xf32, #tpu.memory_space<vmem>>[vector<16xi32>, vector<16xi32>], vector<16xf32>,
    %swap3A_3627 = arith.constant 50 : i32
    %swap3A_3628 = arith.index_cast %swap3A_3627 : i32 to index
    %swap3A_3629 = arith.constant 0 : index
    %swap3A_3630 = tpu.vector_load %arg7[%swap3A_3628, %swap3A_3629] {strides = array<i32>} : memref<64x64xf32, #tpu.memory_space<vmem>>, vector<16xf32>,
    tpu.vector_store %arg7[%swap3A_3628, %swap3A_3629], %gather3A_3626 {strides = array<i32>} : memref<64x64xf32, #tpu.memory_space<vmem>>, vector<16xf32>,
    %shift_right_logical3A_3631 = arith.constant 8 : i32
    %shift_right_logical3A_3632 = vector.broadcast %shift_right_logical3A_3631 : i32 to vector<16xi32>
    %shift_right_logical3A_3633 = arith.shrui %get3A_3613, %shift_right_logical3A_3632 : vector<16xi32>
    %and3A_3634 = arith.constant 255 : i32
    %and3A_3635 = vector.broadcast %and3A_3634 : i32 to vector<16xi32>
    %and3A_3636 = arith.andi %shift_right_logical3A_3633, %and3A_3635 : vector<16xi32>
    %and3A_3637 = arith.constant 15 : i32
    %and3A_3638 = vector.broadcast %and3A_3637 : i32 to vector<16xi32>
    %and3A_3639 = arith.andi %and3A_3636, %and3A_3638 : vector<16xi32>
    %shift_right_logical3A_3640 = arith.constant 4 : i32
    %shift_right_logical3A_3641 = vector.broadcast %shift_right_logical3A_3640 : i32 to vector<16xi32>
    %shift_right_logical3A_3642 = arith.shrui %and3A_3636, %shift_right_logical3A_3641 : vector<16xi32>
    %gather3A_3643 = tpu.vector_load_idx %arg5[%and3A_3639, %shift_right_logical3A_3642] : memref<15x15xf32, #tpu.memory_space<vmem>>[vector<16xi32>, vector<16xi32>], vector<16xf32>,
    %swap3A_3644 = arith.constant 50 : i32
    %swap3A_3645 = arith.index_cast %swap3A_3644 : i32 to index
    %swap3A_3646 = arith.constant 16 : index
    %swap3A_3647 = tpu.vector_load %arg7[%swap3A_3645, %swap3A_3646] {strides = array<i32>} : memref<64x64xf32, #tpu.memory_space<vmem>>, vector<16xf32>,
    tpu.vector_store %arg7[%swap3A_3645, %swap3A_3646], %gather3A_3643 {strides = array<i32>} : memref<64x64xf32, #tpu.memory_space<vmem>>, vector<16xf32>,
    %shift_right_logical3A_3648 = arith.constant 16 : i32
    %shift_right_logical3A_3649 = vector.broadcast %shift_right_logical3A_3648 : i32 to vector<16xi32>
    %shift_right_logical3A_3650 = arith.shrui %get3A_3613, %shift_right_logical3A_3649 : vector<16xi32>
    %and3A_3651 = arith.constant 255 : i32
    %and3A_3652 = vector.broadcast %and3A_3651 : i32 to vector<16xi32>
    %and3A_3653 = arith.andi %shift_right_logical3A_3650, %and3A_3652 : vector<16xi32>
    %and3A_3654 = arith.constant 15 : i32
    %and3A_3655 = vector.broadcast %and3A_3654 : i32 to vector<16xi32>
    %and3A_3656 = arith.andi %and3A_3653, %and3A_3655 : vector<16xi32>
    %shift_right_logical3A_3657 = arith.constant 4 : i32
    %shift_right_logical3A_3658 = vector.broadcast %shift_right_logical3A_3657 : i32 to vector<16xi32>
    %shift_right_logical3A_3659 = arith.shrui %and3A_3653, %shift_right_logical3A_3658 : vector<16xi32>
    %gather3A_3660 = tpu.vector_load_idx %arg5[%and3A_3656, %shift_right_logical3A_3659] : memref<15x15xf32, #tpu.memory_space<vmem>>[vector<16xi32>, vector<16xi32>], vector<16xf32>,
    %swap3A_3661 = arith.constant 50 : i32
    %swap3A_3662 = arith.index_cast %swap3A_3661 : i32 to index
    %swap3A_3663 = arith.constant 32 : index
    %swap3A_3664 = tpu.vector_load %arg7[%swap3A_3662, %swap3A_3663] {strides = array<i32>} : memref<64x64xf32, #tpu.memory_space<vmem>>, vector<16xf32>,
    tpu.vector_store %arg7[%swap3A_3662, %swap3A_3663], %gather3A_3660 {strides = array<i32>} : memref<64x64xf32, #tpu.memory_space<vmem>>, vector<16xf32>,
    %shift_right_logical3A_3665 = arith.constant 24 : i32
    %shift_right_logical3A_3666 = vector.broadcast %shift_right_logical3A_3665 : i32 to vector<16xi32>
    %shift_right_logical3A_3667 = arith.shrui %get3A_3613, %shift_right_logical3A_3666 : vector<16xi32>
    %and3A_3668 = arith.constant 255 : i32
    %and3A_3669 = vector.broadcast %and3A_3668 : i32 to vector<16xi32>
    %and3A_3670 = arith.andi %shift_right_logical3A_3667, %and3A_3669 : vector<16xi32>
    %and3A_3671 = arith.constant 15 : i32
    %and3A_3672 = vector.broadcast %and3A_3671 : i32 to vector<16xi32>
    %and3A_3673 = arith.andi %and3A_3670, %and3A_3672 : vector<16xi32>
    %shift_right_logical3A_3674 = arith.constant 4 : i32
    %shift_right_logical3A_3675 = vector.broadcast %shift_right_logical3A_3674 : i32 to vector<16xi32>
    %shift_right_logical3A_3676 = arith.shrui %and3A_3670, %shift_right_logical3A_3675 : vector<16xi32>
    %gather3A_3677 = tpu.vector_load_idx %arg5[%and3A_3673, %shift_right_logical3A_3676] : memref<15x15xf32, #tpu.memory_space<vmem>>[vector<16xi32>, vector<16xi32>], vector<16xf32>,
    %swap3A_3678 = arith.constant 50 : i32
    %swap3A_3679 = arith.index_cast %swap3A_3678 : i32 to index
    %swap3A_3680 = arith.constant 48 : index
    %swap3A_3681 = tpu.vector_load %arg7[%swap3A_3679, %swap3A_3680] {strides = array<i32>} : memref<64x64xf32, #tpu.memory_space<vmem>>, vector<16xf32>,
    tpu.vector_store %arg7[%swap3A_3679, %swap3A_3680], %gather3A_3677 {strides = array<i32>} : memref<64x64xf32, #tpu.memory_space<vmem>>, vector<16xf32>,
    %get3A_3682 = arith.constant 6 : i32
    %get3A_3683 = arith.index_cast %get3A_3682 : i32 to index
    %get3A_3684 = arith.constant 48 : index
    %get3A_3685 = tpu.vector_load %arg6[%get3A_3683, %get3A_3684] {strides = array<i32>} : memref<8x128xi32, #tpu.memory_space<vmem>>, vector<16xi32>,
    %shift_right_logical3A_3686 = arith.constant 0 : i32
    %shift_right_logical3A_3687 = vector.broadcast %shift_right_logical3A_3686 : i32 to vector<16xi32>
    %shift_right_logical3A_3688 = arith.shrui %get3A_3685, %shift_right_logical3A_3687 : vector<16xi32>
    %and3A_3689 = arith.constant 255 : i32
    %and3A_3690 = vector.broadcast %and3A_3689 : i32 to vector<16xi32>
    %and3A_3691 = arith.andi %shift_right_logical3A_3688, %and3A_3690 : vector<16xi32>
    %and3A_3692 = arith.constant 15 : i32
    %and3A_3693 = vector.broadcast %and3A_3692 : i32 to vector<16xi32>
    %and3A_3694 = arith.andi %and3A_3691, %and3A_3693 : vector<16xi32>
    %shift_right_logical3A_3695 = arith.constant 4 : i32
    %shift_right_logical3A_3696 = vector.broadcast %shift_right_logical3A_3695 : i32 to vector<16xi32>
    %shift_right_logical3A_3697 = arith.shrui %and3A_3691, %shift_right_logical3A_3696 : vector<16xi32>
    %gather3A_3698 = tpu.vector_load_idx %arg5[%and3A_3694, %shift_right_logical3A_3697] : memref<15x15xf32, #tpu.memory_space<vmem>>[vector<16xi32>, vector<16xi32>], vector<16xf32>,
    %swap3A_3699 = arith.constant 51 : i32
    %swap3A_3700 = arith.index_cast %swap3A_3699 : i32 to index
    %swap3A_3701 = arith.constant 0 : index
    %swap3A_3702 = tpu.vector_load %arg7[%swap3A_3700, %swap3A_3701] {strides = array<i32>} : memref<64x64xf32, #tpu.memory_space<vmem>>, vector<16xf32>,
    tpu.vector_store %arg7[%swap3A_3700, %swap3A_3701], %gather3A_3698 {strides = array<i32>} : memref<64x64xf32, #tpu.memory_space<vmem>>, vector<16xf32>,
    %shift_right_logical3A_3703 = arith.constant 8 : i32
    %shift_right_logical3A_3704 = vector.broadcast %shift_right_logical3A_3703 : i32 to vector<16xi32>
    %shift_right_logical3A_3705 = arith.shrui %get3A_3685, %shift_right_logical3A_3704 : vector<16xi32>
    %and3A_3706 = arith.constant 255 : i32
    %and3A_3707 = vector.broadcast %and3A_3706 : i32 to vector<16xi32>
    %and3A_3708 = arith.andi %shift_right_logical3A_3705, %and3A_3707 : vector<16xi32>
    %and3A_3709 = arith.constant 15 : i32
    %and3A_3710 = vector.broadcast %and3A_3709 : i32 to vector<16xi32>
    %and3A_3711 = arith.andi %and3A_3708, %and3A_3710 : vector<16xi32>
    %shift_right_logical3A_3712 = arith.constant 4 : i32
    %shift_right_logical3A_3713 = vector.broadcast %shift_right_logical3A_3712 : i32 to vector<16xi32>
    %shift_right_logical3A_3714 = arith.shrui %and3A_3708, %shift_right_logical3A_3713 : vector<16xi32>
    %gather3A_3715 = tpu.vector_load_idx %arg5[%and3A_3711, %shift_right_logical3A_3714] : memref<15x15xf32, #tpu.memory_space<vmem>>[vector<16xi32>, vector<16xi32>], vector<16xf32>,
    %swap3A_3716 = arith.constant 51 : i32
    %swap3A_3717 = arith.index_cast %swap3A_3716 : i32 to index
    %swap3A_3718 = arith.constant 16 : index
    %swap3A_3719 = tpu.vector_load %arg7[%swap3A_3717, %swap3A_3718] {strides = array<i32>} : memref<64x64xf32, #tpu.memory_space<vmem>>, vector<16xf32>,
    tpu.vector_store %arg7[%swap3A_3717, %swap3A_3718], %gather3A_3715 {strides = array<i32>} : memref<64x64xf32, #tpu.memory_space<vmem>>, vector<16xf32>,
    %shift_right_logical3A_3720 = arith.constant 16 : i32
    %shift_right_logical3A_3721 = vector.broadcast %shift_right_logical3A_3720 : i32 to vector<16xi32>
    %shift_right_logical3A_3722 = arith.shrui %get3A_3685, %shift_right_logical3A_3721 : vector<16xi32>
    %and3A_3723 = arith.constant 255 : i32
    %and3A_3724 = vector.broadcast %and3A_3723 : i32 to vector<16xi32>
    %and3A_3725 = arith.andi %shift_right_logical3A_3722, %and3A_3724 : vector<16xi32>
    %and3A_3726 = arith.constant 15 : i32
    %and3A_3727 = vector.broadcast %and3A_3726 : i32 to vector<16xi32>
    %and3A_3728 = arith.andi %and3A_3725, %and3A_3727 : vector<16xi32>
    %shift_right_logical3A_3729 = arith.constant 4 : i32
    %shift_right_logical3A_3730 = vector.broadcast %shift_right_logical3A_3729 : i32 to vector<16xi32>
    %shift_right_logical3A_3731 = arith.shrui %and3A_3725, %shift_right_logical3A_3730 : vector<16xi32>
    %gather3A_3732 = tpu.vector_load_idx %arg5[%and3A_3728, %shift_right_logical3A_3731] : memref<15x15xf32, #tpu.memory_space<vmem>>[vector<16xi32>, vector<16xi32>], vector<16xf32>,
    %swap3A_3733 = arith.constant 51 : i32
    %swap3A_3734 = arith.index_cast %swap3A_3733 : i32 to index
    %swap3A_3735 = arith.constant 32 : index
    %swap3A_3736 = tpu.vector_load %arg7[%swap3A_3734, %swap3A_3735] {strides = array<i32>} : memref<64x64xf32, #tpu.memory_space<vmem>>, vector<16xf32>,
    tpu.vector_store %arg7[%swap3A_3734, %swap3A_3735], %gather3A_3732 {strides = array<i32>} : memref<64x64xf32, #tpu.memory_space<vmem>>, vector<16xf32>,
    %shift_right_logical3A_3737 = arith.constant 24 : i32
    %shift_right_logical3A_3738 = vector.broadcast %shift_right_logical3A_3737 : i32 to vector<16xi32>
    %shift_right_logical3A_3739 = arith.shrui %get3A_3685, %shift_right_logical3A_3738 : vector<16xi32>
    %and3A_3740 = arith.constant 255 : i32
    %and3A_3741 = vector.broadcast %and3A_3740 : i32 to vector<16xi32>
    %and3A_3742 = arith.andi %shift_right_logical3A_3739, %and3A_3741 : vector<16xi32>
    %and3A_3743 = arith.constant 15 : i32
    %and3A_3744 = vector.broadcast %and3A_3743 : i32 to vector<16xi32>
    %and3A_3745 = arith.andi %and3A_3742, %and3A_3744 : vector<16xi32>
    %shift_right_logical3A_3746 = arith.constant 4 : i32
    %shift_right_logical3A_3747 = vector.broadcast %shift_right_logical3A_3746 : i32 to vector<16xi32>
    %shift_right_logical3A_3748 = arith.shrui %and3A_3742, %shift_right_logical3A_3747 : vector<16xi32>
    %gather3A_3749 = tpu.vector_load_idx %arg5[%and3A_3745, %shift_right_logical3A_3748] : memref<15x15xf32, #tpu.memory_space<vmem>>[vector<16xi32>, vector<16xi32>], vector<16xf32>,
    %swap3A_3750 = arith.constant 51 : i32
    %swap3A_3751 = arith.index_cast %swap3A_3750 : i32 to index
    %swap3A_3752 = arith.constant 48 : index
    %swap3A_3753 = tpu.vector_load %arg7[%swap3A_3751, %swap3A_3752] {strides = array<i32>} : memref<64x64xf32, #tpu.memory_space<vmem>>, vector<16xf32>,
    tpu.vector_store %arg7[%swap3A_3751, %swap3A_3752], %gather3A_3749 {strides = array<i32>} : memref<64x64xf32, #tpu.memory_space<vmem>>, vector<16xf32>,
    %get3A_3754 = arith.constant 6 : i32
    %get3A_3755 = arith.index_cast %get3A_3754 : i32 to index
    %get3A_3756 = arith.constant 64 : index
    %get3A_3757 = tpu.vector_load %arg6[%get3A_3755, %get3A_3756] {strides = array<i32>} : memref<8x128xi32, #tpu.memory_space<vmem>>, vector<16xi32>,
    %shift_right_logical3A_3758 = arith.constant 0 : i32
    %shift_right_logical3A_3759 = vector.broadcast %shift_right_logical3A_3758 : i32 to vector<16xi32>
    %shift_right_logical3A_3760 = arith.shrui %get3A_3757, %shift_right_logical3A_3759 : vector<16xi32>
    %and3A_3761 = arith.constant 255 : i32
    %and3A_3762 = vector.broadcast %and3A_3761 : i32 to vector<16xi32>
    %and3A_3763 = arith.andi %shift_right_logical3A_3760, %and3A_3762 : vector<16xi32>
    %and3A_3764 = arith.constant 15 : i32
    %and3A_3765 = vector.broadcast %and3A_3764 : i32 to vector<16xi32>
    %and3A_3766 = arith.andi %and3A_3763, %and3A_3765 : vector<16xi32>
    %shift_right_logical3A_3767 = arith.constant 4 : i32
    %shift_right_logical3A_3768 = vector.broadcast %shift_right_logical3A_3767 : i32 to vector<16xi32>
    %shift_right_logical3A_3769 = arith.shrui %and3A_3763, %shift_right_logical3A_3768 : vector<16xi32>
    %gather3A_3770 = tpu.vector_load_idx %arg5[%and3A_3766, %shift_right_logical3A_3769] : memref<15x15xf32, #tpu.memory_space<vmem>>[vector<16xi32>, vector<16xi32>], vector<16xf32>,
    %swap3A_3771 = arith.constant 52 : i32
    %swap3A_3772 = arith.index_cast %swap3A_3771 : i32 to index
    %swap3A_3773 = arith.constant 0 : index
    %swap3A_3774 = tpu.vector_load %arg7[%swap3A_3772, %swap3A_3773] {strides = array<i32>} : memref<64x64xf32, #tpu.memory_space<vmem>>, vector<16xf32>,
    tpu.vector_store %arg7[%swap3A_3772, %swap3A_3773], %gather3A_3770 {strides = array<i32>} : memref<64x64xf32, #tpu.memory_space<vmem>>, vector<16xf32>,
    %shift_right_logical3A_3775 = arith.constant 8 : i32
    %shift_right_logical3A_3776 = vector.broadcast %shift_right_logical3A_3775 : i32 to vector<16xi32>
    %shift_right_logical3A_3777 = arith.shrui %get3A_3757, %shift_right_logical3A_3776 : vector<16xi32>
    %and3A_3778 = arith.constant 255 : i32
    %and3A_3779 = vector.broadcast %and3A_3778 : i32 to vector<16xi32>
    %and3A_3780 = arith.andi %shift_right_logical3A_3777, %and3A_3779 : vector<16xi32>
    %and3A_3781 = arith.constant 15 : i32
    %and3A_3782 = vector.broadcast %and3A_3781 : i32 to vector<16xi32>
    %and3A_3783 = arith.andi %and3A_3780, %and3A_3782 : vector<16xi32>
    %shift_right_logical3A_3784 = arith.constant 4 : i32
    %shift_right_logical3A_3785 = vector.broadcast %shift_right_logical3A_3784 : i32 to vector<16xi32>
    %shift_right_logical3A_3786 = arith.shrui %and3A_3780, %shift_right_logical3A_3785 : vector<16xi32>
    %gather3A_3787 = tpu.vector_load_idx %arg5[%and3A_3783, %shift_right_logical3A_3786] : memref<15x15xf32, #tpu.memory_space<vmem>>[vector<16xi32>, vector<16xi32>], vector<16xf32>,
    %swap3A_3788 = arith.constant 52 : i32
    %swap3A_3789 = arith.index_cast %swap3A_3788 : i32 to index
    %swap3A_3790 = arith.constant 16 : index
    %swap3A_3791 = tpu.vector_load %arg7[%swap3A_3789, %swap3A_3790] {strides = array<i32>} : memref<64x64xf32, #tpu.memory_space<vmem>>, vector<16xf32>,
    tpu.vector_store %arg7[%swap3A_3789, %swap3A_3790], %gather3A_3787 {strides = array<i32>} : memref<64x64xf32, #tpu.memory_space<vmem>>, vector<16xf32>,
    %shift_right_logical3A_3792 = arith.constant 16 : i32
    %shift_right_logical3A_3793 = vector.broadcast %shift_right_logical3A_3792 : i32 to vector<16xi32>
    %shift_right_logical3A_3794 = arith.shrui %get3A_3757, %shift_right_logical3A_3793 : vector<16xi32>
    %and3A_3795 = arith.constant 255 : i32
    %and3A_3796 = vector.broadcast %and3A_3795 : i32 to vector<16xi32>
    %and3A_3797 = arith.andi %shift_right_logical3A_3794, %and3A_3796 : vector<16xi32>
    %and3A_3798 = arith.constant 15 : i32
    %and3A_3799 = vector.broadcast %and3A_3798 : i32 to vector<16xi32>
    %and3A_3800 = arith.andi %and3A_3797, %and3A_3799 : vector<16xi32>
    %shift_right_logical3A_3801 = arith.constant 4 : i32
    %shift_right_logical3A_3802 = vector.broadcast %shift_right_logical3A_3801 : i32 to vector<16xi32>
    %shift_right_logical3A_3803 = arith.shrui %and3A_3797, %shift_right_logical3A_3802 : vector<16xi32>
    %gather3A_3804 = tpu.vector_load_idx %arg5[%and3A_3800, %shift_right_logical3A_3803] : memref<15x15xf32, #tpu.memory_space<vmem>>[vector<16xi32>, vector<16xi32>], vector<16xf32>,
    %swap3A_3805 = arith.constant 52 : i32
    %swap3A_3806 = arith.index_cast %swap3A_3805 : i32 to index
    %swap3A_3807 = arith.constant 32 : index
    %swap3A_3808 = tpu.vector_load %arg7[%swap3A_3806, %swap3A_3807] {strides = array<i32>} : memref<64x64xf32, #tpu.memory_space<vmem>>, vector<16xf32>,
    tpu.vector_store %arg7[%swap3A_3806, %swap3A_3807], %gather3A_3804 {strides = array<i32>} : memref<64x64xf32, #tpu.memory_space<vmem>>, vector<16xf32>,
    %shift_right_logical3A_3809 = arith.constant 24 : i32
    %shift_right_logical3A_3810 = vector.broadcast %shift_right_logical3A_3809 : i32 to vector<16xi32>
    %shift_right_logical3A_3811 = arith.shrui %get3A_3757, %shift_right_logical3A_3810 : vector<16xi32>
    %and3A_3812 = arith.constant 255 : i32
    %and3A_3813 = vector.broadcast %and3A_3812 : i32 to vector<16xi32>
    %and3A_3814 = arith.andi %shift_right_logical3A_3811, %and3A_3813 : vector<16xi32>
    %and3A_3815 = arith.constant 15 : i32
    %and3A_3816 = vector.broadcast %and3A_3815 : i32 to vector<16xi32>
    %and3A_3817 = arith.andi %and3A_3814, %and3A_3816 : vector<16xi32>
    %shift_right_logical3A_3818 = arith.constant 4 : i32
    %shift_right_logical3A_3819 = vector.broadcast %shift_right_logical3A_3818 : i32 to vector<16xi32>
    %shift_right_logical3A_3820 = arith.shrui %and3A_3814, %shift_right_logical3A_3819 : vector<16xi32>
    %gather3A_3821 = tpu.vector_load_idx %arg5[%and3A_3817, %shift_right_logical3A_3820] : memref<15x15xf32, #tpu.memory_space<vmem>>[vector<16xi32>, vector<16xi32>], vector<16xf32>,
    %swap3A_3822 = arith.constant 52 : i32
    %swap3A_3823 = arith.index_cast %swap3A_3822 : i32 to index
    %swap3A_3824 = arith.constant 48 : index
    %swap3A_3825 = tpu.vector_load %arg7[%swap3A_3823, %swap3A_3824] {strides = array<i32>} : memref<64x64xf32, #tpu.memory_space<vmem>>, vector<16xf32>,
    tpu.vector_store %arg7[%swap3A_3823, %swap3A_3824], %gather3A_3821 {strides = array<i32>} : memref<64x64xf32, #tpu.memory_space<vmem>>, vector<16xf32>,
    %get3A_3826 = arith.constant 6 : i32
    %get3A_3827 = arith.index_cast %get3A_3826 : i32 to index
    %get3A_3828 = arith.constant 80 : index
    %get3A_3829 = tpu.vector_load %arg6[%get3A_3827, %get3A_3828] {strides = array<i32>} : memref<8x128xi32, #tpu.memory_space<vmem>>, vector<16xi32>,
    %shift_right_logical3A_3830 = arith.constant 0 : i32
    %shift_right_logical3A_3831 = vector.broadcast %shift_right_logical3A_3830 : i32 to vector<16xi32>
    %shift_right_logical3A_3832 = arith.shrui %get3A_3829, %shift_right_logical3A_3831 : vector<16xi32>
    %and3A_3833 = arith.constant 255 : i32
    %and3A_3834 = vector.broadcast %and3A_3833 : i32 to vector<16xi32>
    %and3A_3835 = arith.andi %shift_right_logical3A_3832, %and3A_3834 : vector<16xi32>
    %and3A_3836 = arith.constant 15 : i32
    %and3A_3837 = vector.broadcast %and3A_3836 : i32 to vector<16xi32>
    %and3A_3838 = arith.andi %and3A_3835, %and3A_3837 : vector<16xi32>
    %shift_right_logical3A_3839 = arith.constant 4 : i32
    %shift_right_logical3A_3840 = vector.broadcast %shift_right_logical3A_3839 : i32 to vector<16xi32>
    %shift_right_logical3A_3841 = arith.shrui %and3A_3835, %shift_right_logical3A_3840 : vector<16xi32>
    %gather3A_3842 = tpu.vector_load_idx %arg5[%and3A_3838, %shift_right_logical3A_3841] : memref<15x15xf32, #tpu.memory_space<vmem>>[vector<16xi32>, vector<16xi32>], vector<16xf32>,
    %swap3A_3843 = arith.constant 53 : i32
    %swap3A_3844 = arith.index_cast %swap3A_3843 : i32 to index
    %swap3A_3845 = arith.constant 0 : index
    %swap3A_3846 = tpu.vector_load %arg7[%swap3A_3844, %swap3A_3845] {strides = array<i32>} : memref<64x64xf32, #tpu.memory_space<vmem>>, vector<16xf32>,
    tpu.vector_store %arg7[%swap3A_3844, %swap3A_3845], %gather3A_3842 {strides = array<i32>} : memref<64x64xf32, #tpu.memory_space<vmem>>, vector<16xf32>,
    %shift_right_logical3A_3847 = arith.constant 8 : i32
    %shift_right_logical3A_3848 = vector.broadcast %shift_right_logical3A_3847 : i32 to vector<16xi32>
    %shift_right_logical3A_3849 = arith.shrui %get3A_3829, %shift_right_logical3A_3848 : vector<16xi32>
    %and3A_3850 = arith.constant 255 : i32
    %and3A_3851 = vector.broadcast %and3A_3850 : i32 to vector<16xi32>
    %and3A_3852 = arith.andi %shift_right_logical3A_3849, %and3A_3851 : vector<16xi32>
    %and3A_3853 = arith.constant 15 : i32
    %and3A_3854 = vector.broadcast %and3A_3853 : i32 to vector<16xi32>
    %and3A_3855 = arith.andi %and3A_3852, %and3A_3854 : vector<16xi32>
    %shift_right_logical3A_3856 = arith.constant 4 : i32
    %shift_right_logical3A_3857 = vector.broadcast %shift_right_logical3A_3856 : i32 to vector<16xi32>
    %shift_right_logical3A_3858 = arith.shrui %and3A_3852, %shift_right_logical3A_3857 : vector<16xi32>
    %gather3A_3859 = tpu.vector_load_idx %arg5[%and3A_3855, %shift_right_logical3A_3858] : memref<15x15xf32, #tpu.memory_space<vmem>>[vector<16xi32>, vector<16xi32>], vector<16xf32>,
    %swap3A_3860 = arith.constant 53 : i32
    %swap3A_3861 = arith.index_cast %swap3A_3860 : i32 to index
    %swap3A_3862 = arith.constant 16 : index
    %swap3A_3863 = tpu.vector_load %arg7[%swap3A_3861, %swap3A_3862] {strides = array<i32>} : memref<64x64xf32, #tpu.memory_space<vmem>>, vector<16xf32>,
    tpu.vector_store %arg7[%swap3A_3861, %swap3A_3862], %gather3A_3859 {strides = array<i32>} : memref<64x64xf32, #tpu.memory_space<vmem>>, vector<16xf32>,
    %shift_right_logical3A_3864 = arith.constant 16 : i32
    %shift_right_logical3A_3865 = vector.broadcast %shift_right_logical3A_3864 : i32 to vector<16xi32>
    %shift_right_logical3A_3866 = arith.shrui %get3A_3829, %shift_right_logical3A_3865 : vector<16xi32>
    %and3A_3867 = arith.constant 255 : i32
    %and3A_3868 = vector.broadcast %and3A_3867 : i32 to vector<16xi32>
    %and3A_3869 = arith.andi %shift_right_logical3A_3866, %and3A_3868 : vector<16xi32>
    %and3A_3870 = arith.constant 15 : i32
    %and3A_3871 = vector.broadcast %and3A_3870 : i32 to vector<16xi32>
    %and3A_3872 = arith.andi %and3A_3869, %and3A_3871 : vector<16xi32>
    %shift_right_logical3A_3873 = arith.constant 4 : i32
    %shift_right_logical3A_3874 = vector.broadcast %shift_right_logical3A_3873 : i32 to vector<16xi32>
    %shift_right_logical3A_3875 = arith.shrui %and3A_3869, %shift_right_logical3A_3874 : vector<16xi32>
    %gather3A_3876 = tpu.vector_load_idx %arg5[%and3A_3872, %shift_right_logical3A_3875] : memref<15x15xf32, #tpu.memory_space<vmem>>[vector<16xi32>, vector<16xi32>], vector<16xf32>,
    %swap3A_3877 = arith.constant 53 : i32
    %swap3A_3878 = arith.index_cast %swap3A_3877 : i32 to index
    %swap3A_3879 = arith.constant 32 : index
    %swap3A_3880 = tpu.vector_load %arg7[%swap3A_3878, %swap3A_3879] {strides = array<i32>} : memref<64x64xf32, #tpu.memory_space<vmem>>, vector<16xf32>,
    tpu.vector_store %arg7[%swap3A_3878, %swap3A_3879], %gather3A_3876 {strides = array<i32>} : memref<64x64xf32, #tpu.memory_space<vmem>>, vector<16xf32>,
    %shift_right_logical3A_3881 = arith.constant 24 : i32
    %shift_right_logical3A_3882 = vector.broadcast %shift_right_logical3A_3881 : i32 to vector<16xi32>
    %shift_right_logical3A_3883 = arith.shrui %get3A_3829, %shift_right_logical3A_3882 : vector<16xi32>
    %and3A_3884 = arith.constant 255 : i32
    %and3A_3885 = vector.broadcast %and3A_3884 : i32 to vector<16xi32>
    %and3A_3886 = arith.andi %shift_right_logical3A_3883, %and3A_3885 : vector<16xi32>
    %and3A_3887 = arith.constant 15 : i32
    %and3A_3888 = vector.broadcast %and3A_3887 : i32 to vector<16xi32>
    %and3A_3889 = arith.andi %and3A_3886, %and3A_3888 : vector<16xi32>
    %shift_right_logical3A_3890 = arith.constant 4 : i32
    %shift_right_logical3A_3891 = vector.broadcast %shift_right_logical3A_3890 : i32 to vector<16xi32>
    %shift_right_logical3A_3892 = arith.shrui %and3A_3886, %shift_right_logical3A_3891 : vector<16xi32>
    %gather3A_3893 = tpu.vector_load_idx %arg5[%and3A_3889, %shift_right_logical3A_3892] : memref<15x15xf32, #tpu.memory_space<vmem>>[vector<16xi32>, vector<16xi32>], vector<16xf32>,
    %swap3A_3894 = arith.constant 53 : i32
    %swap3A_3895 = arith.index_cast %swap3A_3894 : i32 to index
    %swap3A_3896 = arith.constant 48 : index
    %swap3A_3897 = tpu.vector_load %arg7[%swap3A_3895, %swap3A_3896] {strides = array<i32>} : memref<64x64xf32, #tpu.memory_space<vmem>>, vector<16xf32>,
    tpu.vector_store %arg7[%swap3A_3895, %swap3A_3896], %gather3A_3893 {strides = array<i32>} : memref<64x64xf32, #tpu.memory_space<vmem>>, vector<16xf32>,
    %get3A_3898 = arith.constant 6 : i32
    %get3A_3899 = arith.index_cast %get3A_3898 : i32 to index
    %get3A_3900 = arith.constant 96 : index
    %get3A_3901 = tpu.vector_load %arg6[%get3A_3899, %get3A_3900] {strides = array<i32>} : memref<8x128xi32, #tpu.memory_space<vmem>>, vector<16xi32>,
    %shift_right_logical3A_3902 = arith.constant 0 : i32
    %shift_right_logical3A_3903 = vector.broadcast %shift_right_logical3A_3902 : i32 to vector<16xi32>
    %shift_right_logical3A_3904 = arith.shrui %get3A_3901, %shift_right_logical3A_3903 : vector<16xi32>
    %and3A_3905 = arith.constant 255 : i32
    %and3A_3906 = vector.broadcast %and3A_3905 : i32 to vector<16xi32>
    %and3A_3907 = arith.andi %shift_right_logical3A_3904, %and3A_3906 : vector<16xi32>
    %and3A_3908 = arith.constant 15 : i32
    %and3A_3909 = vector.broadcast %and3A_3908 : i32 to vector<16xi32>
    %and3A_3910 = arith.andi %and3A_3907, %and3A_3909 : vector<16xi32>
    %shift_right_logical3A_3911 = arith.constant 4 : i32
    %shift_right_logical3A_3912 = vector.broadcast %shift_right_logical3A_3911 : i32 to vector<16xi32>
    %shift_right_logical3A_3913 = arith.shrui %and3A_3907, %shift_right_logical3A_3912 : vector<16xi32>
    %gather3A_3914 = tpu.vector_load_idx %arg5[%and3A_3910, %shift_right_logical3A_3913] : memref<15x15xf32, #tpu.memory_space<vmem>>[vector<16xi32>, vector<16xi32>], vector<16xf32>,
    %swap3A_3915 = arith.constant 54 : i32
    %swap3A_3916 = arith.index_cast %swap3A_3915 : i32 to index
    %swap3A_3917 = arith.constant 0 : index
    %swap3A_3918 = tpu.vector_load %arg7[%swap3A_3916, %swap3A_3917] {strides = array<i32>} : memref<64x64xf32, #tpu.memory_space<vmem>>, vector<16xf32>,
    tpu.vector_store %arg7[%swap3A_3916, %swap3A_3917], %gather3A_3914 {strides = array<i32>} : memref<64x64xf32, #tpu.memory_space<vmem>>, vector<16xf32>,
    %shift_right_logical3A_3919 = arith.constant 8 : i32
    %shift_right_logical3A_3920 = vector.broadcast %shift_right_logical3A_3919 : i32 to vector<16xi32>
    %shift_right_logical3A_3921 = arith.shrui %get3A_3901, %shift_right_logical3A_3920 : vector<16xi32>
    %and3A_3922 = arith.constant 255 : i32
    %and3A_3923 = vector.broadcast %and3A_3922 : i32 to vector<16xi32>
    %and3A_3924 = arith.andi %shift_right_logical3A_3921, %and3A_3923 : vector<16xi32>
    %and3A_3925 = arith.constant 15 : i32
    %and3A_3926 = vector.broadcast %and3A_3925 : i32 to vector<16xi32>
    %and3A_3927 = arith.andi %and3A_3924, %and3A_3926 : vector<16xi32>
    %shift_right_logical3A_3928 = arith.constant 4 : i32
    %shift_right_logical3A_3929 = vector.broadcast %shift_right_logical3A_3928 : i32 to vector<16xi32>
    %shift_right_logical3A_3930 = arith.shrui %and3A_3924, %shift_right_logical3A_3929 : vector<16xi32>
    %gather3A_3931 = tpu.vector_load_idx %arg5[%and3A_3927, %shift_right_logical3A_3930] : memref<15x15xf32, #tpu.memory_space<vmem>>[vector<16xi32>, vector<16xi32>], vector<16xf32>,
    %swap3A_3932 = arith.constant 54 : i32
    %swap3A_3933 = arith.index_cast %swap3A_3932 : i32 to index
    %swap3A_3934 = arith.constant 16 : index
    %swap3A_3935 = tpu.vector_load %arg7[%swap3A_3933, %swap3A_3934] {strides = array<i32>} : memref<64x64xf32, #tpu.memory_space<vmem>>, vector<16xf32>,
    tpu.vector_store %arg7[%swap3A_3933, %swap3A_3934], %gather3A_3931 {strides = array<i32>} : memref<64x64xf32, #tpu.memory_space<vmem>>, vector<16xf32>,
    %shift_right_logical3A_3936 = arith.constant 16 : i32
    %shift_right_logical3A_3937 = vector.broadcast %shift_right_logical3A_3936 : i32 to vector<16xi32>
    %shift_right_logical3A_3938 = arith.shrui %get3A_3901, %shift_right_logical3A_3937 : vector<16xi32>
    %and3A_3939 = arith.constant 255 : i32
    %and3A_3940 = vector.broadcast %and3A_3939 : i32 to vector<16xi32>
    %and3A_3941 = arith.andi %shift_right_logical3A_3938, %and3A_3940 : vector<16xi32>
    %and3A_3942 = arith.constant 15 : i32
    %and3A_3943 = vector.broadcast %and3A_3942 : i32 to vector<16xi32>
    %and3A_3944 = arith.andi %and3A_3941, %and3A_3943 : vector<16xi32>
    %shift_right_logical3A_3945 = arith.constant 4 : i32
    %shift_right_logical3A_3946 = vector.broadcast %shift_right_logical3A_3945 : i32 to vector<16xi32>
    %shift_right_logical3A_3947 = arith.shrui %and3A_3941, %shift_right_logical3A_3946 : vector<16xi32>
    %gather3A_3948 = tpu.vector_load_idx %arg5[%and3A_3944, %shift_right_logical3A_3947] : memref<15x15xf32, #tpu.memory_space<vmem>>[vector<16xi32>, vector<16xi32>], vector<16xf32>,
    %swap3A_3949 = arith.constant 54 : i32
    %swap3A_3950 = arith.index_cast %swap3A_3949 : i32 to index
    %swap3A_3951 = arith.constant 32 : index
    %swap3A_3952 = tpu.vector_load %arg7[%swap3A_3950, %swap3A_3951] {strides = array<i32>} : memref<64x64xf32, #tpu.memory_space<vmem>>, vector<16xf32>,
    tpu.vector_store %arg7[%swap3A_3950, %swap3A_3951], %gather3A_3948 {strides = array<i32>} : memref<64x64xf32, #tpu.memory_space<vmem>>, vector<16xf32>,
    %shift_right_logical3A_3953 = arith.constant 24 : i32
    %shift_right_logical3A_3954 = vector.broadcast %shift_right_logical3A_3953 : i32 to vector<16xi32>
    %shift_right_logical3A_3955 = arith.shrui %get3A_3901, %shift_right_logical3A_3954 : vector<16xi32>
    %and3A_3956 = arith.constant 255 : i32
    %and3A_3957 = vector.broadcast %and3A_3956 : i32 to vector<16xi32>
    %and3A_3958 = arith.andi %shift_right_logical3A_3955, %and3A_3957 : vector<16xi32>
    %and3A_3959 = arith.constant 15 : i32
    %and3A_3960 = vector.broadcast %and3A_3959 : i32 to vector<16xi32>
    %and3A_3961 = arith.andi %and3A_3958, %and3A_3960 : vector<16xi32>
    %shift_right_logical3A_3962 = arith.constant 4 : i32
    %shift_right_logical3A_3963 = vector.broadcast %shift_right_logical3A_3962 : i32 to vector<16xi32>
    %shift_right_logical3A_3964 = arith.shrui %and3A_3958, %shift_right_logical3A_3963 : vector<16xi32>
    %gather3A_3965 = tpu.vector_load_idx %arg5[%and3A_3961, %shift_right_logical3A_3964] : memref<15x15xf32, #tpu.memory_space<vmem>>[vector<16xi32>, vector<16xi32>], vector<16xf32>,
    %swap3A_3966 = arith.constant 54 : i32
    %swap3A_3967 = arith.index_cast %swap3A_3966 : i32 to index
    %swap3A_3968 = arith.constant 48 : index
    %swap3A_3969 = tpu.vector_load %arg7[%swap3A_3967, %swap3A_3968] {strides = array<i32>} : memref<64x64xf32, #tpu.memory_space<vmem>>, vector<16xf32>,
    tpu.vector_store %arg7[%swap3A_3967, %swap3A_3968], %gather3A_3965 {strides = array<i32>} : memref<64x64xf32, #tpu.memory_space<vmem>>, vector<16xf32>,
    %get3A_3970 = arith.constant 6 : i32
    %get3A_3971 = arith.index_cast %get3A_3970 : i32 to index
    %get3A_3972 = arith.constant 112 : index
    %get3A_3973 = tpu.vector_load %arg6[%get3A_3971, %get3A_3972] {strides = array<i32>} : memref<8x128xi32, #tpu.memory_space<vmem>>, vector<16xi32>,
    %shift_right_logical3A_3974 = arith.constant 0 : i32
    %shift_right_logical3A_3975 = vector.broadcast %shift_right_logical3A_3974 : i32 to vector<16xi32>
    %shift_right_logical3A_3976 = arith.shrui %get3A_3973, %shift_right_logical3A_3975 : vector<16xi32>
    %and3A_3977 = arith.constant 255 : i32
    %and3A_3978 = vector.broadcast %and3A_3977 : i32 to vector<16xi32>
    %and3A_3979 = arith.andi %shift_right_logical3A_3976, %and3A_3978 : vector<16xi32>
    %and3A_3980 = arith.constant 15 : i32
    %and3A_3981 = vector.broadcast %and3A_3980 : i32 to vector<16xi32>
    %and3A_3982 = arith.andi %and3A_3979, %and3A_3981 : vector<16xi32>
    %shift_right_logical3A_3983 = arith.constant 4 : i32
    %shift_right_logical3A_3984 = vector.broadcast %shift_right_logical3A_3983 : i32 to vector<16xi32>
    %shift_right_logical3A_3985 = arith.shrui %and3A_3979, %shift_right_logical3A_3984 : vector<16xi32>
    %gather3A_3986 = tpu.vector_load_idx %arg5[%and3A_3982, %shift_right_logical3A_3985] : memref<15x15xf32, #tpu.memory_space<vmem>>[vector<16xi32>, vector<16xi32>], vector<16xf32>,
    %swap3A_3987 = arith.constant 55 : i32
    %swap3A_3988 = arith.index_cast %swap3A_3987 : i32 to index
    %swap3A_3989 = arith.constant 0 : index
    %swap3A_3990 = tpu.vector_load %arg7[%swap3A_3988, %swap3A_3989] {strides = array<i32>} : memref<64x64xf32, #tpu.memory_space<vmem>>, vector<16xf32>,
    tpu.vector_store %arg7[%swap3A_3988, %swap3A_3989], %gather3A_3986 {strides = array<i32>} : memref<64x64xf32, #tpu.memory_space<vmem>>, vector<16xf32>,
    %shift_right_logical3A_3991 = arith.constant 8 : i32
    %shift_right_logical3A_3992 = vector.broadcast %shift_right_logical3A_3991 : i32 to vector<16xi32>
    %shift_right_logical3A_3993 = arith.shrui %get3A_3973, %shift_right_logical3A_3992 : vector<16xi32>
    %and3A_3994 = arith.constant 255 : i32
    %and3A_3995 = vector.broadcast %and3A_3994 : i32 to vector<16xi32>
    %and3A_3996 = arith.andi %shift_right_logical3A_3993, %and3A_3995 : vector<16xi32>
    %and3A_3997 = arith.constant 15 : i32
    %and3A_3998 = vector.broadcast %and3A_3997 : i32 to vector<16xi32>
    %and3A_3999 = arith.andi %and3A_3996, %and3A_3998 : vector<16xi32>
    %shift_right_logical3A_4000 = arith.constant 4 : i32
    %shift_right_logical3A_4001 = vector.broadcast %shift_right_logical3A_4000 : i32 to vector<16xi32>
    %shift_right_logical3A_4002 = arith.shrui %and3A_3996, %shift_right_logical3A_4001 : vector<16xi32>
    %gather3A_4003 = tpu.vector_load_idx %arg5[%and3A_3999, %shift_right_logical3A_4002] : memref<15x15xf32, #tpu.memory_space<vmem>>[vector<16xi32>, vector<16xi32>], vector<16xf32>,
    %swap3A_4004 = arith.constant 55 : i32
    %swap3A_4005 = arith.index_cast %swap3A_4004 : i32 to index
    %swap3A_4006 = arith.constant 16 : index
    %swap3A_4007 = tpu.vector_load %arg7[%swap3A_4005, %swap3A_4006] {strides = array<i32>} : memref<64x64xf32, #tpu.memory_space<vmem>>, vector<16xf32>,
    tpu.vector_store %arg7[%swap3A_4005, %swap3A_4006], %gather3A_4003 {strides = array<i32>} : memref<64x64xf32, #tpu.memory_space<vmem>>, vector<16xf32>,
    %shift_right_logical3A_4008 = arith.constant 16 : i32
    %shift_right_logical3A_4009 = vector.broadcast %shift_right_logical3A_4008 : i32 to vector<16xi32>
    %shift_right_logical3A_4010 = arith.shrui %get3A_3973, %shift_right_logical3A_4009 : vector<16xi32>
    %and3A_4011 = arith.constant 255 : i32
    %and3A_4012 = vector.broadcast %and3A_4011 : i32 to vector<16xi32>
    %and3A_4013 = arith.andi %shift_right_logical3A_4010, %and3A_4012 : vector<16xi32>
    %and3A_4014 = arith.constant 15 : i32
    %and3A_4015 = vector.broadcast %and3A_4014 : i32 to vector<16xi32>
    %and3A_4016 = arith.andi %and3A_4013, %and3A_4015 : vector<16xi32>
    %shift_right_logical3A_4017 = arith.constant 4 : i32
    %shift_right_logical3A_4018 = vector.broadcast %shift_right_logical3A_4017 : i32 to vector<16xi32>
    %shift_right_logical3A_4019 = arith.shrui %and3A_4013, %shift_right_logical3A_4018 : vector<16xi32>
    %gather3A_4020 = tpu.vector_load_idx %arg5[%and3A_4016, %shift_right_logical3A_4019] : memref<15x15xf32, #tpu.memory_space<vmem>>[vector<16xi32>, vector<16xi32>], vector<16xf32>,
    %swap3A_4021 = arith.constant 55 : i32
    %swap3A_4022 = arith.index_cast %swap3A_4021 : i32 to index
    %swap3A_4023 = arith.constant 32 : index
    %swap3A_4024 = tpu.vector_load %arg7[%swap3A_4022, %swap3A_4023] {strides = array<i32>} : memref<64x64xf32, #tpu.memory_space<vmem>>, vector<16xf32>,
    tpu.vector_store %arg7[%swap3A_4022, %swap3A_4023], %gather3A_4020 {strides = array<i32>} : memref<64x64xf32, #tpu.memory_space<vmem>>, vector<16xf32>,
    %shift_right_logical3A_4025 = arith.constant 24 : i32
    %shift_right_logical3A_4026 = vector.broadcast %shift_right_logical3A_4025 : i32 to vector<16xi32>
    %shift_right_logical3A_4027 = arith.shrui %get3A_3973, %shift_right_logical3A_4026 : vector<16xi32>
    %and3A_4028 = arith.constant 255 : i32
    %and3A_4029 = vector.broadcast %and3A_4028 : i32 to vector<16xi32>
    %and3A_4030 = arith.andi %shift_right_logical3A_4027, %and3A_4029 : vector<16xi32>
    %and3A_4031 = arith.constant 15 : i32
    %and3A_4032 = vector.broadcast %and3A_4031 : i32 to vector<16xi32>
    %and3A_4033 = arith.andi %and3A_4030, %and3A_4032 : vector<16xi32>
    %shift_right_logical3A_4034 = arith.constant 4 : i32
    %shift_right_logical3A_4035 = vector.broadcast %shift_right_logical3A_4034 : i32 to vector<16xi32>
    %shift_right_logical3A_4036 = arith.shrui %and3A_4030, %shift_right_logical3A_4035 : vector<16xi32>
    %gather3A_4037 = tpu.vector_load_idx %arg5[%and3A_4033, %shift_right_logical3A_4036] : memref<15x15xf32, #tpu.memory_space<vmem>>[vector<16xi32>, vector<16xi32>], vector<16xf32>,
    %swap3A_4038 = arith.constant 55 : i32
    %swap3A_4039 = arith.index_cast %swap3A_4038 : i32 to index
    %swap3A_4040 = arith.constant 48 : index
    %swap3A_4041 = tpu.vector_load %arg7[%swap3A_4039, %swap3A_4040] {strides = array<i32>} : memref<64x64xf32, #tpu.memory_space<vmem>>, vector<16xf32>,
    tpu.vector_store %arg7[%swap3A_4039, %swap3A_4040], %gather3A_4037 {strides = array<i32>} : memref<64x64xf32, #tpu.memory_space<vmem>>, vector<16xf32>,
    %get3A_4042 = arith.constant 7 : i32
    %get3A_4043 = arith.index_cast %get3A_4042 : i32 to index
    %get3A_4044 = arith.constant 0 : index
    %get3A_4045 = tpu.vector_load %arg6[%get3A_4043, %get3A_4044] {strides = array<i32>} : memref<8x128xi32, #tpu.memory_space<vmem>>, vector<16xi32>,
    %shift_right_logical3A_4046 = arith.constant 0 : i32
    %shift_right_logical3A_4047 = vector.broadcast %shift_right_logical3A_4046 : i32 to vector<16xi32>
    %shift_right_logical3A_4048 = arith.shrui %get3A_4045, %shift_right_logical3A_4047 : vector<16xi32>
    %and3A_4049 = arith.constant 255 : i32
    %and3A_4050 = vector.broadcast %and3A_4049 : i32 to vector<16xi32>
    %and3A_4051 = arith.andi %shift_right_logical3A_4048, %and3A_4050 : vector<16xi32>
    %and3A_4052 = arith.constant 15 : i32
    %and3A_4053 = vector.broadcast %and3A_4052 : i32 to vector<16xi32>
    %and3A_4054 = arith.andi %and3A_4051, %and3A_4053 : vector<16xi32>
    %shift_right_logical3A_4055 = arith.constant 4 : i32
    %shift_right_logical3A_4056 = vector.broadcast %shift_right_logical3A_4055 : i32 to vector<16xi32>
    %shift_right_logical3A_4057 = arith.shrui %and3A_4051, %shift_right_logical3A_4056 : vector<16xi32>
    %gather3A_4058 = tpu.vector_load_idx %arg5[%and3A_4054, %shift_right_logical3A_4057] : memref<15x15xf32, #tpu.memory_space<vmem>>[vector<16xi32>, vector<16xi32>], vector<16xf32>,
    %swap3A_4059 = arith.constant 56 : i32
    %swap3A_4060 = arith.index_cast %swap3A_4059 : i32 to index
    %swap3A_4061 = arith.constant 0 : index
    %swap3A_4062 = tpu.vector_load %arg7[%swap3A_4060, %swap3A_4061] {strides = array<i32>} : memref<64x64xf32, #tpu.memory_space<vmem>>, vector<16xf32>,
    tpu.vector_store %arg7[%swap3A_4060, %swap3A_4061], %gather3A_4058 {strides = array<i32>} : memref<64x64xf32, #tpu.memory_space<vmem>>, vector<16xf32>,
    %shift_right_logical3A_4063 = arith.constant 8 : i32
    %shift_right_logical3A_4064 = vector.broadcast %shift_right_logical3A_4063 : i32 to vector<16xi32>
    %shift_right_logical3A_4065 = arith.shrui %get3A_4045, %shift_right_logical3A_4064 : vector<16xi32>
    %and3A_4066 = arith.constant 255 : i32
    %and3A_4067 = vector.broadcast %and3A_4066 : i32 to vector<16xi32>
    %and3A_4068 = arith.andi %shift_right_logical3A_4065, %and3A_4067 : vector<16xi32>
    %and3A_4069 = arith.constant 15 : i32
    %and3A_4070 = vector.broadcast %and3A_4069 : i32 to vector<16xi32>
    %and3A_4071 = arith.andi %and3A_4068, %and3A_4070 : vector<16xi32>
    %shift_right_logical3A_4072 = arith.constant 4 : i32
    %shift_right_logical3A_4073 = vector.broadcast %shift_right_logical3A_4072 : i32 to vector<16xi32>
    %shift_right_logical3A_4074 = arith.shrui %and3A_4068, %shift_right_logical3A_4073 : vector<16xi32>
    %gather3A_4075 = tpu.vector_load_idx %arg5[%and3A_4071, %shift_right_logical3A_4074] : memref<15x15xf32, #tpu.memory_space<vmem>>[vector<16xi32>, vector<16xi32>], vector<16xf32>,
    %swap3A_4076 = arith.constant 56 : i32
    %swap3A_4077 = arith.index_cast %swap3A_4076 : i32 to index
    %swap3A_4078 = arith.constant 16 : index
    %swap3A_4079 = tpu.vector_load %arg7[%swap3A_4077, %swap3A_4078] {strides = array<i32>} : memref<64x64xf32, #tpu.memory_space<vmem>>, vector<16xf32>,
    tpu.vector_store %arg7[%swap3A_4077, %swap3A_4078], %gather3A_4075 {strides = array<i32>} : memref<64x64xf32, #tpu.memory_space<vmem>>, vector<16xf32>,
    %shift_right_logical3A_4080 = arith.constant 16 : i32
    %shift_right_logical3A_4081 = vector.broadcast %shift_right_logical3A_4080 : i32 to vector<16xi32>
    %shift_right_logical3A_4082 = arith.shrui %get3A_4045, %shift_right_logical3A_4081 : vector<16xi32>
    %and3A_4083 = arith.constant 255 : i32
    %and3A_4084 = vector.broadcast %and3A_4083 : i32 to vector<16xi32>
    %and3A_4085 = arith.andi %shift_right_logical3A_4082, %and3A_4084 : vector<16xi32>
    %and3A_4086 = arith.constant 15 : i32
    %and3A_4087 = vector.broadcast %and3A_4086 : i32 to vector<16xi32>
    %and3A_4088 = arith.andi %and3A_4085, %and3A_4087 : vector<16xi32>
    %shift_right_logical3A_4089 = arith.constant 4 : i32
    %shift_right_logical3A_4090 = vector.broadcast %shift_right_logical3A_4089 : i32 to vector<16xi32>
    %shift_right_logical3A_4091 = arith.shrui %and3A_4085, %shift_right_logical3A_4090 : vector<16xi32>
    %gather3A_4092 = tpu.vector_load_idx %arg5[%and3A_4088, %shift_right_logical3A_4091] : memref<15x15xf32, #tpu.memory_space<vmem>>[vector<16xi32>, vector<16xi32>], vector<16xf32>,
    %swap3A_4093 = arith.constant 56 : i32
    %swap3A_4094 = arith.index_cast %swap3A_4093 : i32 to index
    %swap3A_4095 = arith.constant 32 : index
    %swap3A_4096 = tpu.vector_load %arg7[%swap3A_4094, %swap3A_4095] {strides = array<i32>} : memref<64x64xf32, #tpu.memory_space<vmem>>, vector<16xf32>,
    tpu.vector_store %arg7[%swap3A_4094, %swap3A_4095], %gather3A_4092 {strides = array<i32>} : memref<64x64xf32, #tpu.memory_space<vmem>>, vector<16xf32>,
    %shift_right_logical3A_4097 = arith.constant 24 : i32
    %shift_right_logical3A_4098 = vector.broadcast %shift_right_logical3A_4097 : i32 to vector<16xi32>
    %shift_right_logical3A_4099 = arith.shrui %get3A_4045, %shift_right_logical3A_4098 : vector<16xi32>
    %and3A_4100 = arith.constant 255 : i32
    %and3A_4101 = vector.broadcast %and3A_4100 : i32 to vector<16xi32>
    %and3A_4102 = arith.andi %shift_right_logical3A_4099, %and3A_4101 : vector<16xi32>
    %and3A_4103 = arith.constant 15 : i32
    %and3A_4104 = vector.broadcast %and3A_4103 : i32 to vector<16xi32>
    %and3A_4105 = arith.andi %and3A_4102, %and3A_4104 : vector<16xi32>
    %shift_right_logical3A_4106 = arith.constant 4 : i32
    %shift_right_logical3A_4107 = vector.broadcast %shift_right_logical3A_4106 : i32 to vector<16xi32>
    %shift_right_logical3A_4108 = arith.shrui %and3A_4102, %shift_right_logical3A_4107 : vector<16xi32>
    %gather3A_4109 = tpu.vector_load_idx %arg5[%and3A_4105, %shift_right_logical3A_4108] : memref<15x15xf32, #tpu.memory_space<vmem>>[vector<16xi32>, vector<16xi32>], vector<16xf32>,
    %swap3A_4110 = arith.constant 56 : i32
    %swap3A_4111 = arith.index_cast %swap3A_4110 : i32 to index
    %swap3A_4112 = arith.constant 48 : index
    %swap3A_4113 = tpu.vector_load %arg7[%swap3A_4111, %swap3A_4112] {strides = array<i32>} : memref<64x64xf32, #tpu.memory_space<vmem>>, vector<16xf32>,
    tpu.vector_store %arg7[%swap3A_4111, %swap3A_4112], %gather3A_4109 {strides = array<i32>} : memref<64x64xf32, #tpu.memory_space<vmem>>, vector<16xf32>,
    %get3A_4114 = arith.constant 7 : i32
    %get3A_4115 = arith.index_cast %get3A_4114 : i32 to index
    %get3A_4116 = arith.constant 16 : index
    %get3A_4117 = tpu.vector_load %arg6[%get3A_4115, %get3A_4116] {strides = array<i32>} : memref<8x128xi32, #tpu.memory_space<vmem>>, vector<16xi32>,
    %shift_right_logical3A_4118 = arith.constant 0 : i32
    %shift_right_logical3A_4119 = vector.broadcast %shift_right_logical3A_4118 : i32 to vector<16xi32>
    %shift_right_logical3A_4120 = arith.shrui %get3A_4117, %shift_right_logical3A_4119 : vector<16xi32>
    %and3A_4121 = arith.constant 255 : i32
    %and3A_4122 = vector.broadcast %and3A_4121 : i32 to vector<16xi32>
    %and3A_4123 = arith.andi %shift_right_logical3A_4120, %and3A_4122 : vector<16xi32>
    %and3A_4124 = arith.constant 15 : i32
    %and3A_4125 = vector.broadcast %and3A_4124 : i32 to vector<16xi32>
    %and3A_4126 = arith.andi %and3A_4123, %and3A_4125 : vector<16xi32>
    %shift_right_logical3A_4127 = arith.constant 4 : i32
    %shift_right_logical3A_4128 = vector.broadcast %shift_right_logical3A_4127 : i32 to vector<16xi32>
    %shift_right_logical3A_4129 = arith.shrui %and3A_4123, %shift_right_logical3A_4128 : vector<16xi32>
    %gather3A_4130 = tpu.vector_load_idx %arg5[%and3A_4126, %shift_right_logical3A_4129] : memref<15x15xf32, #tpu.memory_space<vmem>>[vector<16xi32>, vector<16xi32>], vector<16xf32>,
    %swap3A_4131 = arith.constant 57 : i32
    %swap3A_4132 = arith.index_cast %swap3A_4131 : i32 to index
    %swap3A_4133 = arith.constant 0 : index
    %swap3A_4134 = tpu.vector_load %arg7[%swap3A_4132, %swap3A_4133] {strides = array<i32>} : memref<64x64xf32, #tpu.memory_space<vmem>>, vector<16xf32>,
    tpu.vector_store %arg7[%swap3A_4132, %swap3A_4133], %gather3A_4130 {strides = array<i32>} : memref<64x64xf32, #tpu.memory_space<vmem>>, vector<16xf32>,
    %shift_right_logical3A_4135 = arith.constant 8 : i32
    %shift_right_logical3A_4136 = vector.broadcast %shift_right_logical3A_4135 : i32 to vector<16xi32>
    %shift_right_logical3A_4137 = arith.shrui %get3A_4117, %shift_right_logical3A_4136 : vector<16xi32>
    %and3A_4138 = arith.constant 255 : i32
    %and3A_4139 = vector.broadcast %and3A_4138 : i32 to vector<16xi32>
    %and3A_4140 = arith.andi %shift_right_logical3A_4137, %and3A_4139 : vector<16xi32>
    %and3A_4141 = arith.constant 15 : i32
    %and3A_4142 = vector.broadcast %and3A_4141 : i32 to vector<16xi32>
    %and3A_4143 = arith.andi %and3A_4140, %and3A_4142 : vector<16xi32>
    %shift_right_logical3A_4144 = arith.constant 4 : i32
    %shift_right_logical3A_4145 = vector.broadcast %shift_right_logical3A_4144 : i32 to vector<16xi32>
    %shift_right_logical3A_4146 = arith.shrui %and3A_4140, %shift_right_logical3A_4145 : vector<16xi32>
    %gather3A_4147 = tpu.vector_load_idx %arg5[%and3A_4143, %shift_right_logical3A_4146] : memref<15x15xf32, #tpu.memory_space<vmem>>[vector<16xi32>, vector<16xi32>], vector<16xf32>,
    %swap3A_4148 = arith.constant 57 : i32
    %swap3A_4149 = arith.index_cast %swap3A_4148 : i32 to index
    %swap3A_4150 = arith.constant 16 : index
    %swap3A_4151 = tpu.vector_load %arg7[%swap3A_4149, %swap3A_4150] {strides = array<i32>} : memref<64x64xf32, #tpu.memory_space<vmem>>, vector<16xf32>,
    tpu.vector_store %arg7[%swap3A_4149, %swap3A_4150], %gather3A_4147 {strides = array<i32>} : memref<64x64xf32, #tpu.memory_space<vmem>>, vector<16xf32>,
    %shift_right_logical3A_4152 = arith.constant 16 : i32
    %shift_right_logical3A_4153 = vector.broadcast %shift_right_logical3A_4152 : i32 to vector<16xi32>
    %shift_right_logical3A_4154 = arith.shrui %get3A_4117, %shift_right_logical3A_4153 : vector<16xi32>
    %and3A_4155 = arith.constant 255 : i32
    %and3A_4156 = vector.broadcast %and3A_4155 : i32 to vector<16xi32>
    %and3A_4157 = arith.andi %shift_right_logical3A_4154, %and3A_4156 : vector<16xi32>
    %and3A_4158 = arith.constant 15 : i32
    %and3A_4159 = vector.broadcast %and3A_4158 : i32 to vector<16xi32>
    %and3A_4160 = arith.andi %and3A_4157, %and3A_4159 : vector<16xi32>
    %shift_right_logical3A_4161 = arith.constant 4 : i32
    %shift_right_logical3A_4162 = vector.broadcast %shift_right_logical3A_4161 : i32 to vector<16xi32>
    %shift_right_logical3A_4163 = arith.shrui %and3A_4157, %shift_right_logical3A_4162 : vector<16xi32>
    %gather3A_4164 = tpu.vector_load_idx %arg5[%and3A_4160, %shift_right_logical3A_4163] : memref<15x15xf32, #tpu.memory_space<vmem>>[vector<16xi32>, vector<16xi32>], vector<16xf32>,
    %swap3A_4165 = arith.constant 57 : i32
    %swap3A_4166 = arith.index_cast %swap3A_4165 : i32 to index
    %swap3A_4167 = arith.constant 32 : index
    %swap3A_4168 = tpu.vector_load %arg7[%swap3A_4166, %swap3A_4167] {strides = array<i32>} : memref<64x64xf32, #tpu.memory_space<vmem>>, vector<16xf32>,
    tpu.vector_store %arg7[%swap3A_4166, %swap3A_4167], %gather3A_4164 {strides = array<i32>} : memref<64x64xf32, #tpu.memory_space<vmem>>, vector<16xf32>,
    %shift_right_logical3A_4169 = arith.constant 24 : i32
    %shift_right_logical3A_4170 = vector.broadcast %shift_right_logical3A_4169 : i32 to vector<16xi32>
    %shift_right_logical3A_4171 = arith.shrui %get3A_4117, %shift_right_logical3A_4170 : vector<16xi32>
    %and3A_4172 = arith.constant 255 : i32
    %and3A_4173 = vector.broadcast %and3A_4172 : i32 to vector<16xi32>
    %and3A_4174 = arith.andi %shift_right_logical3A_4171, %and3A_4173 : vector<16xi32>
    %and3A_4175 = arith.constant 15 : i32
    %and3A_4176 = vector.broadcast %and3A_4175 : i32 to vector<16xi32>
    %and3A_4177 = arith.andi %and3A_4174, %and3A_4176 : vector<16xi32>
    %shift_right_logical3A_4178 = arith.constant 4 : i32
    %shift_right_logical3A_4179 = vector.broadcast %shift_right_logical3A_4178 : i32 to vector<16xi32>
    %shift_right_logical3A_4180 = arith.shrui %and3A_4174, %shift_right_logical3A_4179 : vector<16xi32>
    %gather3A_4181 = tpu.vector_load_idx %arg5[%and3A_4177, %shift_right_logical3A_4180] : memref<15x15xf32, #tpu.memory_space<vmem>>[vector<16xi32>, vector<16xi32>], vector<16xf32>,
    %swap3A_4182 = arith.constant 57 : i32
    %swap3A_4183 = arith.index_cast %swap3A_4182 : i32 to index
    %swap3A_4184 = arith.constant 48 : index
    %swap3A_4185 = tpu.vector_load %arg7[%swap3A_4183, %swap3A_4184] {strides = array<i32>} : memref<64x64xf32, #tpu.memory_space<vmem>>, vector<16xf32>,
    tpu.vector_store %arg7[%swap3A_4183, %swap3A_4184], %gather3A_4181 {strides = array<i32>} : memref<64x64xf32, #tpu.memory_space<vmem>>, vector<16xf32>,
    %get3A_4186 = arith.constant 7 : i32
    %get3A_4187 = arith.index_cast %get3A_4186 : i32 to index
    %get3A_4188 = arith.constant 32 : index
    %get3A_4189 = tpu.vector_load %arg6[%get3A_4187, %get3A_4188] {strides = array<i32>} : memref<8x128xi32, #tpu.memory_space<vmem>>, vector<16xi32>,
    %shift_right_logical3A_4190 = arith.constant 0 : i32
    %shift_right_logical3A_4191 = vector.broadcast %shift_right_logical3A_4190 : i32 to vector<16xi32>
    %shift_right_logical3A_4192 = arith.shrui %get3A_4189, %shift_right_logical3A_4191 : vector<16xi32>
    %and3A_4193 = arith.constant 255 : i32
    %and3A_4194 = vector.broadcast %and3A_4193 : i32 to vector<16xi32>
    %and3A_4195 = arith.andi %shift_right_logical3A_4192, %and3A_4194 : vector<16xi32>
    %and3A_4196 = arith.constant 15 : i32
    %and3A_4197 = vector.broadcast %and3A_4196 : i32 to vector<16xi32>
    %and3A_4198 = arith.andi %and3A_4195, %and3A_4197 : vector<16xi32>
    %shift_right_logical3A_4199 = arith.constant 4 : i32
    %shift_right_logical3A_4200 = vector.broadcast %shift_right_logical3A_4199 : i32 to vector<16xi32>
    %shift_right_logical3A_4201 = arith.shrui %and3A_4195, %shift_right_logical3A_4200 : vector<16xi32>
    %gather3A_4202 = tpu.vector_load_idx %arg5[%and3A_4198, %shift_right_logical3A_4201] : memref<15x15xf32, #tpu.memory_space<vmem>>[vector<16xi32>, vector<16xi32>], vector<16xf32>,
    %swap3A_4203 = arith.constant 58 : i32
    %swap3A_4204 = arith.index_cast %swap3A_4203 : i32 to index
    %swap3A_4205 = arith.constant 0 : index
    %swap3A_4206 = tpu.vector_load %arg7[%swap3A_4204, %swap3A_4205] {strides = array<i32>} : memref<64x64xf32, #tpu.memory_space<vmem>>, vector<16xf32>,
    tpu.vector_store %arg7[%swap3A_4204, %swap3A_4205], %gather3A_4202 {strides = array<i32>} : memref<64x64xf32, #tpu.memory_space<vmem>>, vector<16xf32>,
    %shift_right_logical3A_4207 = arith.constant 8 : i32
    %shift_right_logical3A_4208 = vector.broadcast %shift_right_logical3A_4207 : i32 to vector<16xi32>
    %shift_right_logical3A_4209 = arith.shrui %get3A_4189, %shift_right_logical3A_4208 : vector<16xi32>
    %and3A_4210 = arith.constant 255 : i32
    %and3A_4211 = vector.broadcast %and3A_4210 : i32 to vector<16xi32>
    %and3A_4212 = arith.andi %shift_right_logical3A_4209, %and3A_4211 : vector<16xi32>
    %and3A_4213 = arith.constant 15 : i32
    %and3A_4214 = vector.broadcast %and3A_4213 : i32 to vector<16xi32>
    %and3A_4215 = arith.andi %and3A_4212, %and3A_4214 : vector<16xi32>
    %shift_right_logical3A_4216 = arith.constant 4 : i32
    %shift_right_logical3A_4217 = vector.broadcast %shift_right_logical3A_4216 : i32 to vector<16xi32>
    %shift_right_logical3A_4218 = arith.shrui %and3A_4212, %shift_right_logical3A_4217 : vector<16xi32>
    %gather3A_4219 = tpu.vector_load_idx %arg5[%and3A_4215, %shift_right_logical3A_4218] : memref<15x15xf32, #tpu.memory_space<vmem>>[vector<16xi32>, vector<16xi32>], vector<16xf32>,
    %swap3A_4220 = arith.constant 58 : i32
    %swap3A_4221 = arith.index_cast %swap3A_4220 : i32 to index
    %swap3A_4222 = arith.constant 16 : index
    %swap3A_4223 = tpu.vector_load %arg7[%swap3A_4221, %swap3A_4222] {strides = array<i32>} : memref<64x64xf32, #tpu.memory_space<vmem>>, vector<16xf32>,
    tpu.vector_store %arg7[%swap3A_4221, %swap3A_4222], %gather3A_4219 {strides = array<i32>} : memref<64x64xf32, #tpu.memory_space<vmem>>, vector<16xf32>,
    %shift_right_logical3A_4224 = arith.constant 16 : i32
    %shift_right_logical3A_4225 = vector.broadcast %shift_right_logical3A_4224 : i32 to vector<16xi32>
    %shift_right_logical3A_4226 = arith.shrui %get3A_4189, %shift_right_logical3A_4225 : vector<16xi32>
    %and3A_4227 = arith.constant 255 : i32
    %and3A_4228 = vector.broadcast %and3A_4227 : i32 to vector<16xi32>
    %and3A_4229 = arith.andi %shift_right_logical3A_4226, %and3A_4228 : vector<16xi32>
    %and3A_4230 = arith.constant 15 : i32
    %and3A_4231 = vector.broadcast %and3A_4230 : i32 to vector<16xi32>
    %and3A_4232 = arith.andi %and3A_4229, %and3A_4231 : vector<16xi32>
    %shift_right_logical3A_4233 = arith.constant 4 : i32
    %shift_right_logical3A_4234 = vector.broadcast %shift_right_logical3A_4233 : i32 to vector<16xi32>
    %shift_right_logical3A_4235 = arith.shrui %and3A_4229, %shift_right_logical3A_4234 : vector<16xi32>
    %gather3A_4236 = tpu.vector_load_idx %arg5[%and3A_4232, %shift_right_logical3A_4235] : memref<15x15xf32, #tpu.memory_space<vmem>>[vector<16xi32>, vector<16xi32>], vector<16xf32>,
    %swap3A_4237 = arith.constant 58 : i32
    %swap3A_4238 = arith.index_cast %swap3A_4237 : i32 to index
    %swap3A_4239 = arith.constant 32 : index
    %swap3A_4240 = tpu.vector_load %arg7[%swap3A_4238, %swap3A_4239] {strides = array<i32>} : memref<64x64xf32, #tpu.memory_space<vmem>>, vector<16xf32>,
    tpu.vector_store %arg7[%swap3A_4238, %swap3A_4239], %gather3A_4236 {strides = array<i32>} : memref<64x64xf32, #tpu.memory_space<vmem>>, vector<16xf32>,
    %shift_right_logical3A_4241 = arith.constant 24 : i32
    %shift_right_logical3A_4242 = vector.broadcast %shift_right_logical3A_4241 : i32 to vector<16xi32>
    %shift_right_logical3A_4243 = arith.shrui %get3A_4189, %shift_right_logical3A_4242 : vector<16xi32>
    %and3A_4244 = arith.constant 255 : i32
    %and3A_4245 = vector.broadcast %and3A_4244 : i32 to vector<16xi32>
    %and3A_4246 = arith.andi %shift_right_logical3A_4243, %and3A_4245 : vector<16xi32>
    %and3A_4247 = arith.constant 15 : i32
    %and3A_4248 = vector.broadcast %and3A_4247 : i32 to vector<16xi32>
    %and3A_4249 = arith.andi %and3A_4246, %and3A_4248 : vector<16xi32>
    %shift_right_logical3A_4250 = arith.constant 4 : i32
    %shift_right_logical3A_4251 = vector.broadcast %shift_right_logical3A_4250 : i32 to vector<16xi32>
    %shift_right_logical3A_4252 = arith.shrui %and3A_4246, %shift_right_logical3A_4251 : vector<16xi32>
    %gather3A_4253 = tpu.vector_load_idx %arg5[%and3A_4249, %shift_right_logical3A_4252] : memref<15x15xf32, #tpu.memory_space<vmem>>[vector<16xi32>, vector<16xi32>], vector<16xf32>,
    %swap3A_4254 = arith.constant 58 : i32
    %swap3A_4255 = arith.index_cast %swap3A_4254 : i32 to index
    %swap3A_4256 = arith.constant 48 : index
    %swap3A_4257 = tpu.vector_load %arg7[%swap3A_4255, %swap3A_4256] {strides = array<i32>} : memref<64x64xf32, #tpu.memory_space<vmem>>, vector<16xf32>,
    tpu.vector_store %arg7[%swap3A_4255, %swap3A_4256], %gather3A_4253 {strides = array<i32>} : memref<64x64xf32, #tpu.memory_space<vmem>>, vector<16xf32>,
    %get3A_4258 = arith.constant 7 : i32
    %get3A_4259 = arith.index_cast %get3A_4258 : i32 to index
    %get3A_4260 = arith.constant 48 : index
    %get3A_4261 = tpu.vector_load %arg6[%get3A_4259, %get3A_4260] {strides = array<i32>} : memref<8x128xi32, #tpu.memory_space<vmem>>, vector<16xi32>,
    %shift_right_logical3A_4262 = arith.constant 0 : i32
    %shift_right_logical3A_4263 = vector.broadcast %shift_right_logical3A_4262 : i32 to vector<16xi32>
    %shift_right_logical3A_4264 = arith.shrui %get3A_4261, %shift_right_logical3A_4263 : vector<16xi32>
    %and3A_4265 = arith.constant 255 : i32
    %and3A_4266 = vector.broadcast %and3A_4265 : i32 to vector<16xi32>
    %and3A_4267 = arith.andi %shift_right_logical3A_4264, %and3A_4266 : vector<16xi32>
    %and3A_4268 = arith.constant 15 : i32
    %and3A_4269 = vector.broadcast %and3A_4268 : i32 to vector<16xi32>
    %and3A_4270 = arith.andi %and3A_4267, %and3A_4269 : vector<16xi32>
    %shift_right_logical3A_4271 = arith.constant 4 : i32
    %shift_right_logical3A_4272 = vector.broadcast %shift_right_logical3A_4271 : i32 to vector<16xi32>
    %shift_right_logical3A_4273 = arith.shrui %and3A_4267, %shift_right_logical3A_4272 : vector<16xi32>
    %gather3A_4274 = tpu.vector_load_idx %arg5[%and3A_4270, %shift_right_logical3A_4273] : memref<15x15xf32, #tpu.memory_space<vmem>>[vector<16xi32>, vector<16xi32>], vector<16xf32>,
    %swap3A_4275 = arith.constant 59 : i32
    %swap3A_4276 = arith.index_cast %swap3A_4275 : i32 to index
    %swap3A_4277 = arith.constant 0 : index
    %swap3A_4278 = tpu.vector_load %arg7[%swap3A_4276, %swap3A_4277] {strides = array<i32>} : memref<64x64xf32, #tpu.memory_space<vmem>>, vector<16xf32>,
    tpu.vector_store %arg7[%swap3A_4276, %swap3A_4277], %gather3A_4274 {strides = array<i32>} : memref<64x64xf32, #tpu.memory_space<vmem>>, vector<16xf32>,
    %shift_right_logical3A_4279 = arith.constant 8 : i32
    %shift_right_logical3A_4280 = vector.broadcast %shift_right_logical3A_4279 : i32 to vector<16xi32>
    %shift_right_logical3A_4281 = arith.shrui %get3A_4261, %shift_right_logical3A_4280 : vector<16xi32>
    %and3A_4282 = arith.constant 255 : i32
    %and3A_4283 = vector.broadcast %and3A_4282 : i32 to vector<16xi32>
    %and3A_4284 = arith.andi %shift_right_logical3A_4281, %and3A_4283 : vector<16xi32>
    %and3A_4285 = arith.constant 15 : i32
    %and3A_4286 = vector.broadcast %and3A_4285 : i32 to vector<16xi32>
    %and3A_4287 = arith.andi %and3A_4284, %and3A_4286 : vector<16xi32>
    %shift_right_logical3A_4288 = arith.constant 4 : i32
    %shift_right_logical3A_4289 = vector.broadcast %shift_right_logical3A_4288 : i32 to vector<16xi32>
    %shift_right_logical3A_4290 = arith.shrui %and3A_4284, %shift_right_logical3A_4289 : vector<16xi32>
    %gather3A_4291 = tpu.vector_load_idx %arg5[%and3A_4287, %shift_right_logical3A_4290] : memref<15x15xf32, #tpu.memory_space<vmem>>[vector<16xi32>, vector<16xi32>], vector<16xf32>,
    %swap3A_4292 = arith.constant 59 : i32
    %swap3A_4293 = arith.index_cast %swap3A_4292 : i32 to index
    %swap3A_4294 = arith.constant 16 : index
    %swap3A_4295 = tpu.vector_load %arg7[%swap3A_4293, %swap3A_4294] {strides = array<i32>} : memref<64x64xf32, #tpu.memory_space<vmem>>, vector<16xf32>,
    tpu.vector_store %arg7[%swap3A_4293, %swap3A_4294], %gather3A_4291 {strides = array<i32>} : memref<64x64xf32, #tpu.memory_space<vmem>>, vector<16xf32>,
    %shift_right_logical3A_4296 = arith.constant 16 : i32
    %shift_right_logical3A_4297 = vector.broadcast %shift_right_logical3A_4296 : i32 to vector<16xi32>
    %shift_right_logical3A_4298 = arith.shrui %get3A_4261, %shift_right_logical3A_4297 : vector<16xi32>
    %and3A_4299 = arith.constant 255 : i32
    %and3A_4300 = vector.broadcast %and3A_4299 : i32 to vector<16xi32>
    %and3A_4301 = arith.andi %shift_right_logical3A_4298, %and3A_4300 : vector<16xi32>
    %and3A_4302 = arith.constant 15 : i32
    %and3A_4303 = vector.broadcast %and3A_4302 : i32 to vector<16xi32>
    %and3A_4304 = arith.andi %and3A_4301, %and3A_4303 : vector<16xi32>
    %shift_right_logical3A_4305 = arith.constant 4 : i32
    %shift_right_logical3A_4306 = vector.broadcast %shift_right_logical3A_4305 : i32 to vector<16xi32>
    %shift_right_logical3A_4307 = arith.shrui %and3A_4301, %shift_right_logical3A_4306 : vector<16xi32>
    %gather3A_4308 = tpu.vector_load_idx %arg5[%and3A_4304, %shift_right_logical3A_4307] : memref<15x15xf32, #tpu.memory_space<vmem>>[vector<16xi32>, vector<16xi32>], vector<16xf32>,
    %swap3A_4309 = arith.constant 59 : i32
    %swap3A_4310 = arith.index_cast %swap3A_4309 : i32 to index
    %swap3A_4311 = arith.constant 32 : index
    %swap3A_4312 = tpu.vector_load %arg7[%swap3A_4310, %swap3A_4311] {strides = array<i32>} : memref<64x64xf32, #tpu.memory_space<vmem>>, vector<16xf32>,
    tpu.vector_store %arg7[%swap3A_4310, %swap3A_4311], %gather3A_4308 {strides = array<i32>} : memref<64x64xf32, #tpu.memory_space<vmem>>, vector<16xf32>,
    %shift_right_logical3A_4313 = arith.constant 24 : i32
    %shift_right_logical3A_4314 = vector.broadcast %shift_right_logical3A_4313 : i32 to vector<16xi32>
    %shift_right_logical3A_4315 = arith.shrui %get3A_4261, %shift_right_logical3A_4314 : vector<16xi32>
    %and3A_4316 = arith.constant 255 : i32
    %and3A_4317 = vector.broadcast %and3A_4316 : i32 to vector<16xi32>
    %and3A_4318 = arith.andi %shift_right_logical3A_4315, %and3A_4317 : vector<16xi32>
    %and3A_4319 = arith.constant 15 : i32
    %and3A_4320 = vector.broadcast %and3A_4319 : i32 to vector<16xi32>
    %and3A_4321 = arith.andi %and3A_4318, %and3A_4320 : vector<16xi32>
    %shift_right_logical3A_4322 = arith.constant 4 : i32
    %shift_right_logical3A_4323 = vector.broadcast %shift_right_logical3A_4322 : i32 to vector<16xi32>
    %shift_right_logical3A_4324 = arith.shrui %and3A_4318, %shift_right_logical3A_4323 : vector<16xi32>
    %gather3A_4325 = tpu.vector_load_idx %arg5[%and3A_4321, %shift_right_logical3A_4324] : memref<15x15xf32, #tpu.memory_space<vmem>>[vector<16xi32>, vector<16xi32>], vector<16xf32>,
    %swap3A_4326 = arith.constant 59 : i32
    %swap3A_4327 = arith.index_cast %swap3A_4326 : i32 to index
    %swap3A_4328 = arith.constant 48 : index
    %swap3A_4329 = tpu.vector_load %arg7[%swap3A_4327, %swap3A_4328] {strides = array<i32>} : memref<64x64xf32, #tpu.memory_space<vmem>>, vector<16xf32>,
    tpu.vector_store %arg7[%swap3A_4327, %swap3A_4328], %gather3A_4325 {strides = array<i32>} : memref<64x64xf32, #tpu.memory_space<vmem>>, vector<16xf32>,
    %get3A_4330 = arith.constant 7 : i32
    %get3A_4331 = arith.index_cast %get3A_4330 : i32 to index
    %get3A_4332 = arith.constant 64 : index
    %get3A_4333 = tpu.vector_load %arg6[%get3A_4331, %get3A_4332] {strides = array<i32>} : memref<8x128xi32, #tpu.memory_space<vmem>>, vector<16xi32>,
    %shift_right_logical3A_4334 = arith.constant 0 : i32
    %shift_right_logical3A_4335 = vector.broadcast %shift_right_logical3A_4334 : i32 to vector<16xi32>
    %shift_right_logical3A_4336 = arith.shrui %get3A_4333, %shift_right_logical3A_4335 : vector<16xi32>
    %and3A_4337 = arith.constant 255 : i32
    %and3A_4338 = vector.broadcast %and3A_4337 : i32 to vector<16xi32>
    %and3A_4339 = arith.andi %shift_right_logical3A_4336, %and3A_4338 : vector<16xi32>
    %and3A_4340 = arith.constant 15 : i32
    %and3A_4341 = vector.broadcast %and3A_4340 : i32 to vector<16xi32>
    %and3A_4342 = arith.andi %and3A_4339, %and3A_4341 : vector<16xi32>
    %shift_right_logical3A_4343 = arith.constant 4 : i32
    %shift_right_logical3A_4344 = vector.broadcast %shift_right_logical3A_4343 : i32 to vector<16xi32>
    %shift_right_logical3A_4345 = arith.shrui %and3A_4339, %shift_right_logical3A_4344 : vector<16xi32>
    %gather3A_4346 = tpu.vector_load_idx %arg5[%and3A_4342, %shift_right_logical3A_4345] : memref<15x15xf32, #tpu.memory_space<vmem>>[vector<16xi32>, vector<16xi32>], vector<16xf32>,
    %swap3A_4347 = arith.constant 60 : i32
    %swap3A_4348 = arith.index_cast %swap3A_4347 : i32 to index
    %swap3A_4349 = arith.constant 0 : index
    %swap3A_4350 = tpu.vector_load %arg7[%swap3A_4348, %swap3A_4349] {strides = array<i32>} : memref<64x64xf32, #tpu.memory_space<vmem>>, vector<16xf32>,
    tpu.vector_store %arg7[%swap3A_4348, %swap3A_4349], %gather3A_4346 {strides = array<i32>} : memref<64x64xf32, #tpu.memory_space<vmem>>, vector<16xf32>,
    %shift_right_logical3A_4351 = arith.constant 8 : i32
    %shift_right_logical3A_4352 = vector.broadcast %shift_right_logical3A_4351 : i32 to vector<16xi32>
    %shift_right_logical3A_4353 = arith.shrui %get3A_4333, %shift_right_logical3A_4352 : vector<16xi32>
    %and3A_4354 = arith.constant 255 : i32
    %and3A_4355 = vector.broadcast %and3A_4354 : i32 to vector<16xi32>
    %and3A_4356 = arith.andi %shift_right_logical3A_4353, %and3A_4355 : vector<16xi32>
    %and3A_4357 = arith.constant 15 : i32
    %and3A_4358 = vector.broadcast %and3A_4357 : i32 to vector<16xi32>
    %and3A_4359 = arith.andi %and3A_4356, %and3A_4358 : vector<16xi32>
    %shift_right_logical3A_4360 = arith.constant 4 : i32
    %shift_right_logical3A_4361 = vector.broadcast %shift_right_logical3A_4360 : i32 to vector<16xi32>
    %shift_right_logical3A_4362 = arith.shrui %and3A_4356, %shift_right_logical3A_4361 : vector<16xi32>
    %gather3A_4363 = tpu.vector_load_idx %arg5[%and3A_4359, %shift_right_logical3A_4362] : memref<15x15xf32, #tpu.memory_space<vmem>>[vector<16xi32>, vector<16xi32>], vector<16xf32>,
    %swap3A_4364 = arith.constant 60 : i32
    %swap3A_4365 = arith.index_cast %swap3A_4364 : i32 to index
    %swap3A_4366 = arith.constant 16 : index
    %swap3A_4367 = tpu.vector_load %arg7[%swap3A_4365, %swap3A_4366] {strides = array<i32>} : memref<64x64xf32, #tpu.memory_space<vmem>>, vector<16xf32>,
    tpu.vector_store %arg7[%swap3A_4365, %swap3A_4366], %gather3A_4363 {strides = array<i32>} : memref<64x64xf32, #tpu.memory_space<vmem>>, vector<16xf32>,
    %shift_right_logical3A_4368 = arith.constant 16 : i32
    %shift_right_logical3A_4369 = vector.broadcast %shift_right_logical3A_4368 : i32 to vector<16xi32>
    %shift_right_logical3A_4370 = arith.shrui %get3A_4333, %shift_right_logical3A_4369 : vector<16xi32>
    %and3A_4371 = arith.constant 255 : i32
    %and3A_4372 = vector.broadcast %and3A_4371 : i32 to vector<16xi32>
    %and3A_4373 = arith.andi %shift_right_logical3A_4370, %and3A_4372 : vector<16xi32>
    %and3A_4374 = arith.constant 15 : i32
    %and3A_4375 = vector.broadcast %and3A_4374 : i32 to vector<16xi32>
    %and3A_4376 = arith.andi %and3A_4373, %and3A_4375 : vector<16xi32>
    %shift_right_logical3A_4377 = arith.constant 4 : i32
    %shift_right_logical3A_4378 = vector.broadcast %shift_right_logical3A_4377 : i32 to vector<16xi32>
    %shift_right_logical3A_4379 = arith.shrui %and3A_4373, %shift_right_logical3A_4378 : vector<16xi32>
    %gather3A_4380 = tpu.vector_load_idx %arg5[%and3A_4376, %shift_right_logical3A_4379] : memref<15x15xf32, #tpu.memory_space<vmem>>[vector<16xi32>, vector<16xi32>], vector<16xf32>,
    %swap3A_4381 = arith.constant 60 : i32
    %swap3A_4382 = arith.index_cast %swap3A_4381 : i32 to index
    %swap3A_4383 = arith.constant 32 : index
    %swap3A_4384 = tpu.vector_load %arg7[%swap3A_4382, %swap3A_4383] {strides = array<i32>} : memref<64x64xf32, #tpu.memory_space<vmem>>, vector<16xf32>,
    tpu.vector_store %arg7[%swap3A_4382, %swap3A_4383], %gather3A_4380 {strides = array<i32>} : memref<64x64xf32, #tpu.memory_space<vmem>>, vector<16xf32>,
    %shift_right_logical3A_4385 = arith.constant 24 : i32
    %shift_right_logical3A_4386 = vector.broadcast %shift_right_logical3A_4385 : i32 to vector<16xi32>
    %shift_right_logical3A_4387 = arith.shrui %get3A_4333, %shift_right_logical3A_4386 : vector<16xi32>
    %and3A_4388 = arith.constant 255 : i32
    %and3A_4389 = vector.broadcast %and3A_4388 : i32 to vector<16xi32>
    %and3A_4390 = arith.andi %shift_right_logical3A_4387, %and3A_4389 : vector<16xi32>
    %and3A_4391 = arith.constant 15 : i32
    %and3A_4392 = vector.broadcast %and3A_4391 : i32 to vector<16xi32>
    %and3A_4393 = arith.andi %and3A_4390, %and3A_4392 : vector<16xi32>
    %shift_right_logical3A_4394 = arith.constant 4 : i32
    %shift_right_logical3A_4395 = vector.broadcast %shift_right_logical3A_4394 : i32 to vector<16xi32>
    %shift_right_logical3A_4396 = arith.shrui %and3A_4390, %shift_right_logical3A_4395 : vector<16xi32>
    %gather3A_4397 = tpu.vector_load_idx %arg5[%and3A_4393, %shift_right_logical3A_4396] : memref<15x15xf32, #tpu.memory_space<vmem>>[vector<16xi32>, vector<16xi32>], vector<16xf32>,
    %swap3A_4398 = arith.constant 60 : i32
    %swap3A_4399 = arith.index_cast %swap3A_4398 : i32 to index
    %swap3A_4400 = arith.constant 48 : index
    %swap3A_4401 = tpu.vector_load %arg7[%swap3A_4399, %swap3A_4400] {strides = array<i32>} : memref<64x64xf32, #tpu.memory_space<vmem>>, vector<16xf32>,
    tpu.vector_store %arg7[%swap3A_4399, %swap3A_4400], %gather3A_4397 {strides = array<i32>} : memref<64x64xf32, #tpu.memory_space<vmem>>, vector<16xf32>,
    %get3A_4402 = arith.constant 7 : i32
    %get3A_4403 = arith.index_cast %get3A_4402 : i32 to index
    %get3A_4404 = arith.constant 80 : index
    %get3A_4405 = tpu.vector_load %arg6[%get3A_4403, %get3A_4404] {strides = array<i32>} : memref<8x128xi32, #tpu.memory_space<vmem>>, vector<16xi32>,
    %shift_right_logical3A_4406 = arith.constant 0 : i32
    %shift_right_logical3A_4407 = vector.broadcast %shift_right_logical3A_4406 : i32 to vector<16xi32>
    %shift_right_logical3A_4408 = arith.shrui %get3A_4405, %shift_right_logical3A_4407 : vector<16xi32>
    %and3A_4409 = arith.constant 255 : i32
    %and3A_4410 = vector.broadcast %and3A_4409 : i32 to vector<16xi32>
    %and3A_4411 = arith.andi %shift_right_logical3A_4408, %and3A_4410 : vector<16xi32>
    %and3A_4412 = arith.constant 15 : i32
    %and3A_4413 = vector.broadcast %and3A_4412 : i32 to vector<16xi32>
    %and3A_4414 = arith.andi %and3A_4411, %and3A_4413 : vector<16xi32>
    %shift_right_logical3A_4415 = arith.constant 4 : i32
    %shift_right_logical3A_4416 = vector.broadcast %shift_right_logical3A_4415 : i32 to vector<16xi32>
    %shift_right_logical3A_4417 = arith.shrui %and3A_4411, %shift_right_logical3A_4416 : vector<16xi32>
    %gather3A_4418 = tpu.vector_load_idx %arg5[%and3A_4414, %shift_right_logical3A_4417] : memref<15x15xf32, #tpu.memory_space<vmem>>[vector<16xi32>, vector<16xi32>], vector<16xf32>,
    %swap3A_4419 = arith.constant 61 : i32
    %swap3A_4420 = arith.index_cast %swap3A_4419 : i32 to index
    %swap3A_4421 = arith.constant 0 : index
    %swap3A_4422 = tpu.vector_load %arg7[%swap3A_4420, %swap3A_4421] {strides = array<i32>} : memref<64x64xf32, #tpu.memory_space<vmem>>, vector<16xf32>,
    tpu.vector_store %arg7[%swap3A_4420, %swap3A_4421], %gather3A_4418 {strides = array<i32>} : memref<64x64xf32, #tpu.memory_space<vmem>>, vector<16xf32>,
    %shift_right_logical3A_4423 = arith.constant 8 : i32
    %shift_right_logical3A_4424 = vector.broadcast %shift_right_logical3A_4423 : i32 to vector<16xi32>
    %shift_right_logical3A_4425 = arith.shrui %get3A_4405, %shift_right_logical3A_4424 : vector<16xi32>
    %and3A_4426 = arith.constant 255 : i32
    %and3A_4427 = vector.broadcast %and3A_4426 : i32 to vector<16xi32>
    %and3A_4428 = arith.andi %shift_right_logical3A_4425, %and3A_4427 : vector<16xi32>
    %and3A_4429 = arith.constant 15 : i32
    %and3A_4430 = vector.broadcast %and3A_4429 : i32 to vector<16xi32>
    %and3A_4431 = arith.andi %and3A_4428, %and3A_4430 : vector<16xi32>
    %shift_right_logical3A_4432 = arith.constant 4 : i32
    %shift_right_logical3A_4433 = vector.broadcast %shift_right_logical3A_4432 : i32 to vector<16xi32>
    %shift_right_logical3A_4434 = arith.shrui %and3A_4428, %shift_right_logical3A_4433 : vector<16xi32>
    %gather3A_4435 = tpu.vector_load_idx %arg5[%and3A_4431, %shift_right_logical3A_4434] : memref<15x15xf32, #tpu.memory_space<vmem>>[vector<16xi32>, vector<16xi32>], vector<16xf32>,
    %swap3A_4436 = arith.constant 61 : i32
    %swap3A_4437 = arith.index_cast %swap3A_4436 : i32 to index
    %swap3A_4438 = arith.constant 16 : index
    %swap3A_4439 = tpu.vector_load %arg7[%swap3A_4437, %swap3A_4438] {strides = array<i32>} : memref<64x64xf32, #tpu.memory_space<vmem>>, vector<16xf32>,
    tpu.vector_store %arg7[%swap3A_4437, %swap3A_4438], %gather3A_4435 {strides = array<i32>} : memref<64x64xf32, #tpu.memory_space<vmem>>, vector<16xf32>,
    %shift_right_logical3A_4440 = arith.constant 16 : i32
    %shift_right_logical3A_4441 = vector.broadcast %shift_right_logical3A_4440 : i32 to vector<16xi32>
    %shift_right_logical3A_4442 = arith.shrui %get3A_4405, %shift_right_logical3A_4441 : vector<16xi32>
    %and3A_4443 = arith.constant 255 : i32
    %and3A_4444 = vector.broadcast %and3A_4443 : i32 to vector<16xi32>
    %and3A_4445 = arith.andi %shift_right_logical3A_4442, %and3A_4444 : vector<16xi32>
    %and3A_4446 = arith.constant 15 : i32
    %and3A_4447 = vector.broadcast %and3A_4446 : i32 to vector<16xi32>
    %and3A_4448 = arith.andi %and3A_4445, %and3A_4447 : vector<16xi32>
    %shift_right_logical3A_4449 = arith.constant 4 : i32
    %shift_right_logical3A_4450 = vector.broadcast %shift_right_logical3A_4449 : i32 to vector<16xi32>
    %shift_right_logical3A_4451 = arith.shrui %and3A_4445, %shift_right_logical3A_4450 : vector<16xi32>
    %gather3A_4452 = tpu.vector_load_idx %arg5[%and3A_4448, %shift_right_logical3A_4451] : memref<15x15xf32, #tpu.memory_space<vmem>>[vector<16xi32>, vector<16xi32>], vector<16xf32>,
    %swap3A_4453 = arith.constant 61 : i32
    %swap3A_4454 = arith.index_cast %swap3A_4453 : i32 to index
    %swap3A_4455 = arith.constant 32 : index
    %swap3A_4456 = tpu.vector_load %arg7[%swap3A_4454, %swap3A_4455] {strides = array<i32>} : memref<64x64xf32, #tpu.memory_space<vmem>>, vector<16xf32>,
    tpu.vector_store %arg7[%swap3A_4454, %swap3A_4455], %gather3A_4452 {strides = array<i32>} : memref<64x64xf32, #tpu.memory_space<vmem>>, vector<16xf32>,
    %shift_right_logical3A_4457 = arith.constant 24 : i32
    %shift_right_logical3A_4458 = vector.broadcast %shift_right_logical3A_4457 : i32 to vector<16xi32>
    %shift_right_logical3A_4459 = arith.shrui %get3A_4405, %shift_right_logical3A_4458 : vector<16xi32>
    %and3A_4460 = arith.constant 255 : i32
    %and3A_4461 = vector.broadcast %and3A_4460 : i32 to vector<16xi32>
    %and3A_4462 = arith.andi %shift_right_logical3A_4459, %and3A_4461 : vector<16xi32>
    %and3A_4463 = arith.constant 15 : i32
    %and3A_4464 = vector.broadcast %and3A_4463 : i32 to vector<16xi32>
    %and3A_4465 = arith.andi %and3A_4462, %and3A_4464 : vector<16xi32>
    %shift_right_logical3A_4466 = arith.constant 4 : i32
    %shift_right_logical3A_4467 = vector.broadcast %shift_right_logical3A_4466 : i32 to vector<16xi32>
    %shift_right_logical3A_4468 = arith.shrui %and3A_4462, %shift_right_logical3A_4467 : vector<16xi32>
    %gather3A_4469 = tpu.vector_load_idx %arg5[%and3A_4465, %shift_right_logical3A_4468] : memref<15x15xf32, #tpu.memory_space<vmem>>[vector<16xi32>, vector<16xi32>], vector<16xf32>,
    %swap3A_4470 = arith.constant 61 : i32
    %swap3A_4471 = arith.index_cast %swap3A_4470 : i32 to index
    %swap3A_4472 = arith.constant 48 : index
    %swap3A_4473 = tpu.vector_load %arg7[%swap3A_4471, %swap3A_4472] {strides = array<i32>} : memref<64x64xf32, #tpu.memory_space<vmem>>, vector<16xf32>,
    tpu.vector_store %arg7[%swap3A_4471, %swap3A_4472], %gather3A_4469 {strides = array<i32>} : memref<64x64xf32, #tpu.memory_space<vmem>>, vector<16xf32>,
    %get3A_4474 = arith.constant 7 : i32
    %get3A_4475 = arith.index_cast %get3A_4474 : i32 to index
    %get3A_4476 = arith.constant 96 : index
    %get3A_4477 = tpu.vector_load %arg6[%get3A_4475, %get3A_4476] {strides = array<i32>} : memref<8x128xi32, #tpu.memory_space<vmem>>, vector<16xi32>,
    %shift_right_logical3A_4478 = arith.constant 0 : i32
    %shift_right_logical3A_4479 = vector.broadcast %shift_right_logical3A_4478 : i32 to vector<16xi32>
    %shift_right_logical3A_4480 = arith.shrui %get3A_4477, %shift_right_logical3A_4479 : vector<16xi32>
    %and3A_4481 = arith.constant 255 : i32
    %and3A_4482 = vector.broadcast %and3A_4481 : i32 to vector<16xi32>
    %and3A_4483 = arith.andi %shift_right_logical3A_4480, %and3A_4482 : vector<16xi32>
    %and3A_4484 = arith.constant 15 : i32
    %and3A_4485 = vector.broadcast %and3A_4484 : i32 to vector<16xi32>
    %and3A_4486 = arith.andi %and3A_4483, %and3A_4485 : vector<16xi32>
    %shift_right_logical3A_4487 = arith.constant 4 : i32
    %shift_right_logical3A_4488 = vector.broadcast %shift_right_logical3A_4487 : i32 to vector<16xi32>
    %shift_right_logical3A_4489 = arith.shrui %and3A_4483, %shift_right_logical3A_4488 : vector<16xi32>
    %gather3A_4490 = tpu.vector_load_idx %arg5[%and3A_4486, %shift_right_logical3A_4489] : memref<15x15xf32, #tpu.memory_space<vmem>>[vector<16xi32>, vector<16xi32>], vector<16xf32>,
    %swap3A_4491 = arith.constant 62 : i32
    %swap3A_4492 = arith.index_cast %swap3A_4491 : i32 to index
    %swap3A_4493 = arith.constant 0 : index
    %swap3A_4494 = tpu.vector_load %arg7[%swap3A_4492, %swap3A_4493] {strides = array<i32>} : memref<64x64xf32, #tpu.memory_space<vmem>>, vector<16xf32>,
    tpu.vector_store %arg7[%swap3A_4492, %swap3A_4493], %gather3A_4490 {strides = array<i32>} : memref<64x64xf32, #tpu.memory_space<vmem>>, vector<16xf32>,
    %shift_right_logical3A_4495 = arith.constant 8 : i32
    %shift_right_logical3A_4496 = vector.broadcast %shift_right_logical3A_4495 : i32 to vector<16xi32>
    %shift_right_logical3A_4497 = arith.shrui %get3A_4477, %shift_right_logical3A_4496 : vector<16xi32>
    %and3A_4498 = arith.constant 255 : i32
    %and3A_4499 = vector.broadcast %and3A_4498 : i32 to vector<16xi32>
    %and3A_4500 = arith.andi %shift_right_logical3A_4497, %and3A_4499 : vector<16xi32>
    %and3A_4501 = arith.constant 15 : i32
    %and3A_4502 = vector.broadcast %and3A_4501 : i32 to vector<16xi32>
    %and3A_4503 = arith.andi %and3A_4500, %and3A_4502 : vector<16xi32>
    %shift_right_logical3A_4504 = arith.constant 4 : i32
    %shift_right_logical3A_4505 = vector.broadcast %shift_right_logical3A_4504 : i32 to vector<16xi32>
    %shift_right_logical3A_4506 = arith.shrui %and3A_4500, %shift_right_logical3A_4505 : vector<16xi32>
    %gather3A_4507 = tpu.vector_load_idx %arg5[%and3A_4503, %shift_right_logical3A_4506] : memref<15x15xf32, #tpu.memory_space<vmem>>[vector<16xi32>, vector<16xi32>], vector<16xf32>,
    %swap3A_4508 = arith.constant 62 : i32
    %swap3A_4509 = arith.index_cast %swap3A_4508 : i32 to index
    %swap3A_4510 = arith.constant 16 : index
    %swap3A_4511 = tpu.vector_load %arg7[%swap3A_4509, %swap3A_4510] {strides = array<i32>} : memref<64x64xf32, #tpu.memory_space<vmem>>, vector<16xf32>,
    tpu.vector_store %arg7[%swap3A_4509, %swap3A_4510], %gather3A_4507 {strides = array<i32>} : memref<64x64xf32, #tpu.memory_space<vmem>>, vector<16xf32>,
    %shift_right_logical3A_4512 = arith.constant 16 : i32
    %shift_right_logical3A_4513 = vector.broadcast %shift_right_logical3A_4512 : i32 to vector<16xi32>
    %shift_right_logical3A_4514 = arith.shrui %get3A_4477, %shift_right_logical3A_4513 : vector<16xi32>
    %and3A_4515 = arith.constant 255 : i32
    %and3A_4516 = vector.broadcast %and3A_4515 : i32 to vector<16xi32>
    %and3A_4517 = arith.andi %shift_right_logical3A_4514, %and3A_4516 : vector<16xi32>
    %and3A_4518 = arith.constant 15 : i32
    %and3A_4519 = vector.broadcast %and3A_4518 : i32 to vector<16xi32>
    %and3A_4520 = arith.andi %and3A_4517, %and3A_4519 : vector<16xi32>
    %shift_right_logical3A_4521 = arith.constant 4 : i32
    %shift_right_logical3A_4522 = vector.broadcast %shift_right_logical3A_4521 : i32 to vector<16xi32>
    %shift_right_logical3A_4523 = arith.shrui %and3A_4517, %shift_right_logical3A_4522 : vector<16xi32>
    %gather3A_4524 = tpu.vector_load_idx %arg5[%and3A_4520, %shift_right_logical3A_4523] : memref<15x15xf32, #tpu.memory_space<vmem>>[vector<16xi32>, vector<16xi32>], vector<16xf32>,
    %swap3A_4525 = arith.constant 62 : i32
    %swap3A_4526 = arith.index_cast %swap3A_4525 : i32 to index
    %swap3A_4527 = arith.constant 32 : index
    %swap3A_4528 = tpu.vector_load %arg7[%swap3A_4526, %swap3A_4527] {strides = array<i32>} : memref<64x64xf32, #tpu.memory_space<vmem>>, vector<16xf32>,
    tpu.vector_store %arg7[%swap3A_4526, %swap3A_4527], %gather3A_4524 {strides = array<i32>} : memref<64x64xf32, #tpu.memory_space<vmem>>, vector<16xf32>,
    %shift_right_logical3A_4529 = arith.constant 24 : i32
    %shift_right_logical3A_4530 = vector.broadcast %shift_right_logical3A_4529 : i32 to vector<16xi32>
    %shift_right_logical3A_4531 = arith.shrui %get3A_4477, %shift_right_logical3A_4530 : vector<16xi32>
    %and3A_4532 = arith.constant 255 : i32
    %and3A_4533 = vector.broadcast %and3A_4532 : i32 to vector<16xi32>
    %and3A_4534 = arith.andi %shift_right_logical3A_4531, %and3A_4533 : vector<16xi32>
    %and3A_4535 = arith.constant 15 : i32
    %and3A_4536 = vector.broadcast %and3A_4535 : i32 to vector<16xi32>
    %and3A_4537 = arith.andi %and3A_4534, %and3A_4536 : vector<16xi32>
    %shift_right_logical3A_4538 = arith.constant 4 : i32
    %shift_right_logical3A_4539 = vector.broadcast %shift_right_logical3A_4538 : i32 to vector<16xi32>
    %shift_right_logical3A_4540 = arith.shrui %and3A_4534, %shift_right_logical3A_4539 : vector<16xi32>
    %gather3A_4541 = tpu.vector_load_idx %arg5[%and3A_4537, %shift_right_logical3A_4540] : memref<15x15xf32, #tpu.memory_space<vmem>>[vector<16xi32>, vector<16xi32>], vector<16xf32>,
    %swap3A_4542 = arith.constant 62 : i32
    %swap3A_4543 = arith.index_cast %swap3A_4542 : i32 to index
    %swap3A_4544 = arith.constant 48 : index
    %swap3A_4545 = tpu.vector_load %arg7[%swap3A_4543, %swap3A_4544] {strides = array<i32>} : memref<64x64xf32, #tpu.memory_space<vmem>>, vector<16xf32>,
    tpu.vector_store %arg7[%swap3A_4543, %swap3A_4544], %gather3A_4541 {strides = array<i32>} : memref<64x64xf32, #tpu.memory_space<vmem>>, vector<16xf32>,
    %get3A_4546 = arith.constant 7 : i32
    %get3A_4547 = arith.index_cast %get3A_4546 : i32 to index
    %get3A_4548 = arith.constant 112 : index
    %get3A_4549 = tpu.vector_load %arg6[%get3A_4547, %get3A_4548] {strides = array<i32>} : memref<8x128xi32, #tpu.memory_space<vmem>>, vector<16xi32>,
    %shift_right_logical3A_4550 = arith.constant 0 : i32
    %shift_right_logical3A_4551 = vector.broadcast %shift_right_logical3A_4550 : i32 to vector<16xi32>
    %shift_right_logical3A_4552 = arith.shrui %get3A_4549, %shift_right_logical3A_4551 : vector<16xi32>
    %and3A_4553 = arith.constant 255 : i32
    %and3A_4554 = vector.broadcast %and3A_4553 : i32 to vector<16xi32>
    %and3A_4555 = arith.andi %shift_right_logical3A_4552, %and3A_4554 : vector<16xi32>
    %and3A_4556 = arith.constant 15 : i32
    %and3A_4557 = vector.broadcast %and3A_4556 : i32 to vector<16xi32>
    %and3A_4558 = arith.andi %and3A_4555, %and3A_4557 : vector<16xi32>
    %shift_right_logical3A_4559 = arith.constant 4 : i32
    %shift_right_logical3A_4560 = vector.broadcast %shift_right_logical3A_4559 : i32 to vector<16xi32>
    %shift_right_logical3A_4561 = arith.shrui %and3A_4555, %shift_right_logical3A_4560 : vector<16xi32>
    %gather3A_4562 = tpu.vector_load_idx %arg5[%and3A_4558, %shift_right_logical3A_4561] : memref<15x15xf32, #tpu.memory_space<vmem>>[vector<16xi32>, vector<16xi32>], vector<16xf32>,
    %swap3A_4563 = arith.constant 63 : i32
    %swap3A_4564 = arith.index_cast %swap3A_4563 : i32 to index
    %swap3A_4565 = arith.constant 0 : index
    %swap3A_4566 = tpu.vector_load %arg7[%swap3A_4564, %swap3A_4565] {strides = array<i32>} : memref<64x64xf32, #tpu.memory_space<vmem>>, vector<16xf32>,
    tpu.vector_store %arg7[%swap3A_4564, %swap3A_4565], %gather3A_4562 {strides = array<i32>} : memref<64x64xf32, #tpu.memory_space<vmem>>, vector<16xf32>,
    %shift_right_logical3A_4567 = arith.constant 8 : i32
    %shift_right_logical3A_4568 = vector.broadcast %shift_right_logical3A_4567 : i32 to vector<16xi32>
    %shift_right_logical3A_4569 = arith.shrui %get3A_4549, %shift_right_logical3A_4568 : vector<16xi32>
    %and3A_4570 = arith.constant 255 : i32
    %and3A_4571 = vector.broadcast %and3A_4570 : i32 to vector<16xi32>
    %and3A_4572 = arith.andi %shift_right_logical3A_4569, %and3A_4571 : vector<16xi32>
    %and3A_4573 = arith.constant 15 : i32
    %and3A_4574 = vector.broadcast %and3A_4573 : i32 to vector<16xi32>
    %and3A_4575 = arith.andi %and3A_4572, %and3A_4574 : vector<16xi32>
    %shift_right_logical3A_4576 = arith.constant 4 : i32
    %shift_right_logical3A_4577 = vector.broadcast %shift_right_logical3A_4576 : i32 to vector<16xi32>
    %shift_right_logical3A_4578 = arith.shrui %and3A_4572, %shift_right_logical3A_4577 : vector<16xi32>
    %gather3A_4579 = tpu.vector_load_idx %arg5[%and3A_4575, %shift_right_logical3A_4578] : memref<15x15xf32, #tpu.memory_space<vmem>>[vector<16xi32>, vector<16xi32>], vector<16xf32>,
    %swap3A_4580 = arith.constant 63 : i32
    %swap3A_4581 = arith.index_cast %swap3A_4580 : i32 to index
    %swap3A_4582 = arith.constant 16 : index
    %swap3A_4583 = tpu.vector_load %arg7[%swap3A_4581, %swap3A_4582] {strides = array<i32>} : memref<64x64xf32, #tpu.memory_space<vmem>>, vector<16xf32>,
    tpu.vector_store %arg7[%swap3A_4581, %swap3A_4582], %gather3A_4579 {strides = array<i32>} : memref<64x64xf32, #tpu.memory_space<vmem>>, vector<16xf32>,
    %shift_right_logical3A_4584 = arith.constant 16 : i32
    %shift_right_logical3A_4585 = vector.broadcast %shift_right_logical3A_4584 : i32 to vector<16xi32>
    %shift_right_logical3A_4586 = arith.shrui %get3A_4549, %shift_right_logical3A_4585 : vector<16xi32>
    %and3A_4587 = arith.constant 255 : i32
    %and3A_4588 = vector.broadcast %and3A_4587 : i32 to vector<16xi32>
    %and3A_4589 = arith.andi %shift_right_logical3A_4586, %and3A_4588 : vector<16xi32>
    %and3A_4590 = arith.constant 15 : i32
    %and3A_4591 = vector.broadcast %and3A_4590 : i32 to vector<16xi32>
    %and3A_4592 = arith.andi %and3A_4589, %and3A_4591 : vector<16xi32>
    %shift_right_logical3A_4593 = arith.constant 4 : i32
    %shift_right_logical3A_4594 = vector.broadcast %shift_right_logical3A_4593 : i32 to vector<16xi32>
    %shift_right_logical3A_4595 = arith.shrui %and3A_4589, %shift_right_logical3A_4594 : vector<16xi32>
    %gather3A_4596 = tpu.vector_load_idx %arg5[%and3A_4592, %shift_right_logical3A_4595] : memref<15x15xf32, #tpu.memory_space<vmem>>[vector<16xi32>, vector<16xi32>], vector<16xf32>,
    %swap3A_4597 = arith.constant 63 : i32
    %swap3A_4598 = arith.index_cast %swap3A_4597 : i32 to index
    %swap3A_4599 = arith.constant 32 : index
    %swap3A_4600 = tpu.vector_load %arg7[%swap3A_4598, %swap3A_4599] {strides = array<i32>} : memref<64x64xf32, #tpu.memory_space<vmem>>, vector<16xf32>,
    tpu.vector_store %arg7[%swap3A_4598, %swap3A_4599], %gather3A_4596 {strides = array<i32>} : memref<64x64xf32, #tpu.memory_space<vmem>>, vector<16xf32>,
    %shift_right_logical3A_4601 = arith.constant 24 : i32
    %shift_right_logical3A_4602 = vector.broadcast %shift_right_logical3A_4601 : i32 to vector<16xi32>
    %shift_right_logical3A_4603 = arith.shrui %get3A_4549, %shift_right_logical3A_4602 : vector<16xi32>
    %and3A_4604 = arith.constant 255 : i32
    %and3A_4605 = vector.broadcast %and3A_4604 : i32 to vector<16xi32>
    %and3A_4606 = arith.andi %shift_right_logical3A_4603, %and3A_4605 : vector<16xi32>
    %and3A_4607 = arith.constant 15 : i32
    %and3A_4608 = vector.broadcast %and3A_4607 : i32 to vector<16xi32>
    %and3A_4609 = arith.andi %and3A_4606, %and3A_4608 : vector<16xi32>
    %shift_right_logical3A_4610 = arith.constant 4 : i32
    %shift_right_logical3A_4611 = vector.broadcast %shift_right_logical3A_4610 : i32 to vector<16xi32>
    %shift_right_logical3A_4612 = arith.shrui %and3A_4606, %shift_right_logical3A_4611 : vector<16xi32>
    %gather3A_4613 = tpu.vector_load_idx %arg5[%and3A_4609, %shift_right_logical3A_4612] : memref<15x15xf32, #tpu.memory_space<vmem>>[vector<16xi32>, vector<16xi32>], vector<16xf32>,
    %swap3A_4614 = arith.constant 63 : i32
    %swap3A_4615 = arith.index_cast %swap3A_4614 : i32 to index
    %swap3A_4616 = arith.constant 48 : index
    %swap3A_4617 = tpu.vector_load %arg7[%swap3A_4615, %swap3A_4616] {strides = array<i32>} : memref<64x64xf32, #tpu.memory_space<vmem>>, vector<16xf32>,
    tpu.vector_store %arg7[%swap3A_4615, %swap3A_4616], %gather3A_4613 {strides = array<i32>} : memref<64x64xf32, #tpu.memory_space<vmem>>, vector<16xf32>,
    "tpu.region"() ({
      %run_scoped3A = tpu.sem_alloc : memref<!tpu.dma_semaphore, #tpu.memory_space<semaphore_mem>>
      %dma_start3A_4618 = arith.constant 0 : i32
      %dma_start3A_4619 = arith.constant 0 : i32
      %dma_start3A_4620 = tpu.memref_slice %arg4[%add3A, %dma_start3A_4618, %dma_start3A_4619] : memref<32x64x64xf32, #tpu.memory_space<hbm>> -> memref<1x64x64xf32, #tpu.memory_space<hbm>>
      %dma_start3A_4621 = tpu.memref_squeeze %dma_start3A_4620 : memref<1x64x64xf32, #tpu.memory_space<hbm>> -> memref<64x64xf32, #tpu.memory_space<hbm>>
      %dma_start3A_4622 = arith.constant 0 : i32
      %dma_start3A_4623 = arith.constant 0 : i32
      %dma_start3A_4624 = tpu.memref_slice %arg4[%add3A, %dma_start3A_4622, %dma_start3A_4623] : memref<32x64x64xf32, #tpu.memory_space<hbm>> -> memref<1x64x64xf32, #tpu.memory_space<hbm>>
      %dma_start3A_4625 = tpu.memref_squeeze %dma_start3A_4624 : memref<1x64x64xf32, #tpu.memory_space<hbm>> -> memref<64x64xf32, #tpu.memory_space<hbm>>
      tpu.enqueue_dma source(%arg7 : memref<64x64xf32, #tpu.memory_space<vmem>>) target(%dma_start3A_4625 : memref<64x64xf32, #tpu.memory_space<hbm>>) target_semaphore(%run_scoped3A : memref<!tpu.dma_semaphore, #tpu.memory_space<semaphore_mem>>)
      %dma_wait3A_4626 = arith.constant 0 : i32
      %dma_wait3A_4627 = arith.constant 0 : i32
      %dma_wait3A_4628 = tpu.memref_slice %arg4[%add3A, %dma_wait3A_4626, %dma_wait3A_4627] : memref<32x64x64xf32, #tpu.memory_space<hbm>> -> memref<1x64x64xf32, #tpu.memory_space<hbm>>
      %dma_wait3A_4629 = tpu.memref_squeeze %dma_wait3A_4628 : memref<1x64x64xf32, #tpu.memory_space<hbm>> -> memref<64x64xf32, #tpu.memory_space<hbm>>
      %dma_wait3A_4630 = arith.constant 0 : i32
      %dma_wait3A_4631 = arith.constant 0 : i32
      %dma_wait3A_4632 = tpu.memref_slice %arg4[%add3A, %dma_wait3A_4630, %dma_wait3A_4631] : memref<32x64x64xf32, #tpu.memory_space<hbm>> -> memref<1x64x64xf32, #tpu.memory_space<hbm>>
      %dma_wait3A_4633 = tpu.memref_squeeze %dma_wait3A_4632 : memref<1x64x64xf32, #tpu.memory_space<hbm>> -> memref<64x64xf32, #tpu.memory_space<hbm>>
      tpu.wait_dma2 semaphore(%run_scoped3A : memref<!tpu.dma_semaphore, #tpu.memory_space<semaphore_mem>>) src(%arg7 : memref<64x64xf32, #tpu.memory_space<vmem>>) dst(%dma_wait3A_4633 : memref<64x64xf32, #tpu.memory_space<hbm>>)
      tpu.yield
    }) : () -> ()
    return
  }
}

</mosaic_0001>

<sc_bundles>
// kernel: kernel.3.cloned.1.call-start
scs
__scs_entry_jumppad:
0x0: {  	(pc) =	sbr.rel $0x88, $3  }
0x1: {  	(tag) =	ssettag $0x0;
	lr =	simm.s32 $0x1  }
0x2: {  	[smem:$0x3F9E] =	sst lr;
	_ =	strace $0xD0000000  }
0x3: {  	_ = 	snop  }
0x4: {  	_ = 	snop  }
0x5: {  	_ = 	snop  }
0x6: {  	_ = 	snop  }
0x7: {  	_ = 	snop  }
__scs_overlays_trampoline_lowered:
0x8: {  	[smem:$0x3FAD] =	sst s0  }
0x9: {  	[smem:$0x3FAE] =	sst s1  }
0xa: {  	[smem:$0x3FAF] =	sst s2  }
0xb: {  	[smem:$0x3FB0] =	sst s3  }
0xc: {  	[smem:$0x3FB1] =	sst s4  }
0xd: {  	[smem:$0x3FB2] =	sst s5  }
0xe: {  	[smem:$0x3FB3] =	sst s6  }
0xf: {  	[smem:$0x3FB4] =	sst s7  }
0x10: {  	[smem:$0x3FB5] =	sst s8  }
0x11: {  	[smem:$0x3FB6] =	sst s9;
	s0 =	simm.s32 @!p0 $0x0  }
0x12: {  	s1 =	sld [smem:$0x3F9C];
	s0 =	simm.s32 @p0 $0x1  }
0x13: {  	[smem:$0x3FB7] =	sst s0;
	s0 =	simm.s32 @!p1 $0x0  }
0x14: {  	s2 =	sld [smem:$0x3F9B];
	s0 =	simm.s32 @p1 $0x1  }
0x15: {  	[smem:$0x3FB8] =	sst s0;
	s0 =	simm.s32 @!p2 $0x0  }
0x16: {  	s3 =	sld [smem:$0x3FDB];
	s0 =	simm.s32 @p2 $0x1  }
0x17: {  	s4 =	simm.s32 $0x1BF5;
	[smem:$0x3FBA] =	sst s0  }
0x18: {  	s0 =	sld [smem:$0x3F9D];
	_ =	swait.ge [sflag:s4], $0x0  }
0x19: {  	s7 =	sld [smem:$0x3F9E]  }
0x1a: {  	s8 =	sadd.s32 $0xFFFFE003, lr  }
0x1b: {  	s9 =	sadd.s32 $0xFFFFFEF7, lr;
	s5 =	simm.s32 $0xFFFFFFFF;
	p2 =	slt.u32 s8, $0xFFFFF086  }
0x1c: {  	p1 =	slt.u32 s9, $0xF7A;
	s5 =	simm.s32 @!p2 $0x0  }
0x1d: {  	s5 =	simm.s32 @p1 $0x1;
	p0 =	seq.s32 s7, s2  }
0x1e: {  	s7 =	smul.u32 @!p0 $0xF7A, s2;
	p2 =	seq.s32 @!p0 s5, $0x0  }
0x1f: {  	s9 =	smul.u32 $0xF7A, s1;
	s8 =	simm.s32 @!p0 $0x1BF5;
	p2 =	por !p2, p0  }
0x20: {  	[sflag:s8] =	ssyncset.s32 @!p0 $0xFFFFF086;
	s6 =	sadd.s32 @!p0 s3, s7;
	s7 =	simm.s32 @!p0 $0x108  }
0x21: {  	s3 =	sadd.s32 s3, s9;
	s6 =	sadd.s32 @!p0 $0x88, s6;
	s7 =	simm.s32 @p2 $0x1082  }
0x22: {  	[simem:s7], [sflag:s8] =	dma.local @!p0 [hbm:s6], $0xF7A  }
0x23: {  	s9 =	sor.u32 $0xD0000000, s2;
	s6 =	simm.s32 $0x108;
	_ =	swait.ge @!p0 [sflag:s8], $0x0  }
0x24: {  	s3 =	sadd.s32 $0x88, s3;
	s6 =	simm.s32 @!p1 $0x1082;
	[sflag:s4] =	ssyncset.s32 $0xFFFFF086  }
0x25: {  	[simem:s6], [sflag:s4] =	dma.local [hbm:s3], $0xF7A  }
0x26: {  	[smem:$0x3F9E] =	sst s1;
	(tag) =	ssettag s2;
	_ =	strace s9  }
0x27: {  	s1 =	sld [smem:$0x3FAE]  }
0x28: {  	s2 =	sld [smem:$0x3FAF]  }
0x29: {  	s4 =	sld [smem:$0x3FB1]  }
0x2a: {  	p0 =	seq.s32 s5, $0x0;
	s5 =	sld [smem:$0x3FB2]  }
0x2b: {  	s6 =	sld [smem:$0x3FB3]  }
0x2c: {  	s7 =	sld [smem:$0x3FB4]  }
0x2d: {  	s3 =	simm.s32 $0x108;
	s8 =	sld [smem:$0x3FB5]  }
0x2e: {  	s3 =	simm.s32 @!p0 $0x1082;
	s9 =	sld [smem:$0x3FB6]  }
0x2f: {  	lr =	sadd.s32 s0, s3;
	s0 =	sld [smem:$0x3FAD]  }
0x30: {  	s3 =	sld [smem:$0x3FB0]  }
0x31: {  	[smem:$0x3FB9] =	sst s10  }
0x32: {  	s10 =	sld [smem:$0x3FB7];
	_ =	sdelay $0x3  }
0x33: {  	p0 =	seq.s32 s10, $0x1;
	s10 =	sld [smem:$0x3FB9];
	_ =	sdelay $0x3  }
0x34: {  	[smem:$0x3FB9] =	sst s10  }
0x35: {  	s10 =	sld [smem:$0x3FB8];
	_ =	sdelay $0x3  }
0x36: {  	p1 =	seq.s32 s10, $0x1;
	s10 =	sld [smem:$0x3FB9];
	_ =	sdelay $0x3  }
0x37: {  	[smem:$0x3FB9] =	sst s10  }
0x38: {  	s10 =	sld [smem:$0x3FBA]  }
0x39: {  	_ = 	snop;
	(pc) =	sbr.ind lr, $3  }
0x3a: {  	_ = 	snop  }
0x3b: {  	_ = 	snop  }
0x3c: {  	p2 =	seq.s32 s10, $0x1;
	s10 =	sld [smem:$0x3FB9]  }
0x3d: {  	_ =	shalt  }
0x3e: {  	_ =	shalt  }
0x3f: {  	_ =	shalt  }
0x40: {  	_ =	shalt  }
0x41: {  	_ =	shalt  }
0x42: {  	_ =	shalt  }
0x43: {  	_ =	shalt  }
0x44: {  	_ =	shalt  }
0x45: {  	_ =	shalt  }
0x46: {  	_ =	shalt  }
0x47: {  	_ =	shalt  }
0x48: {  	_ =	shalt  }
0x49: {  	_ =	shalt  }
0x4a: {  	_ =	shalt  }
0x4b: {  	_ =	shalt  }
0x4c: {  	_ =	shalt  }
0x4d: {  	_ =	shalt  }
0x4e: {  	_ =	shalt  }
0x4f: {  	_ =	shalt  }
0x50: {  	_ =	shalt  }
0x51: {  	_ =	shalt  }
0x52: {  	_ =	shalt  }
0x53: {  	_ =	shalt  }
0x54: {  	_ =	shalt  }
0x55: {  	_ =	shalt  }
0x56: {  	_ =	shalt  }
0x57: {  	_ =	shalt  }
0x58: {  	_ =	shalt  }
0x59: {  	_ =	shalt  }
0x5a: {  	_ =	shalt  }
0x5b: {  	_ =	shalt  }
0x5c: {  	_ =	shalt  }
0x5d: {  	_ =	shalt  }
0x5e: {  	_ =	shalt  }
0x5f: {  	_ =	shalt  }
0x60: {  	_ =	shalt  }
0x61: {  	_ =	shalt  }
0x62: {  	_ =	shalt  }
0x63: {  	_ =	shalt  }
0x64: {  	_ =	shalt  }
0x65: {  	_ =	shalt  }
0x66: {  	_ =	shalt  }
0x67: {  	_ =	shalt  }
0x68: {  	_ =	shalt  }
0x69: {  	_ =	shalt  }
0x6a: {  	_ =	shalt  }
0x6b: {  	_ =	shalt  }
0x6c: {  	_ =	shalt  }
0x6d: {  	_ =	shalt  }
0x6e: {  	_ =	shalt  }
0x6f: {  	_ =	shalt  }
0x70: {  	_ =	shalt  }
0x71: {  	_ =	shalt  }
0x72: {  	_ =	shalt  }
0x73: {  	_ =	shalt  }
0x74: {  	_ =	shalt  }
0x75: {  	_ =	shalt  }
0x76: {  	_ =	shalt  }
0x77: {  	_ =	shalt  }
0x78: {  	_ =	shalt  }
0x79: {  	_ =	shalt  }
0x7a: {  	_ =	shalt  }
0x7b: {  	_ =	shalt  }
0x7c: {  	_ =	shalt  }
0x7d: {  	_ =	shalt  }
0x7e: {  	_ =	shalt  }
0x7f: {  	_ =	shalt  }
0x80: {  	_ =	shalt  }
0x81: {  	_ =	shalt  }
0x82: {  	_ =	shalt  }
0x83: {  	_ =	shalt  }
0x84: {  	_ =	shalt  }
0x85: {  	_ =	shalt  }
0x86: {  	_ =	shalt  }
0x87: {  	_ =	shalt  }
.Lfunc_end0:
.L_simem_size_0:
called_computation_lowered:
.L_overlay_start_0:
0x88: {  	s2 =	sld [smem:$0x3FD9]  }
0x89: {  	s3 =	sld [smem:$0x3FFE];
	_ =	sdelay $0x1  }
0x8a: {  	s1 =	srdreg.scid  }
0x8b: {  	s0 =	sand.u32 $0x1, s1  }
0x8c: {  	s17 =	sshll.u32 s0, $0xA;
	s2 =	sadd.s32 s3, s2  }
0x8d: {  	s2 =	sadd.s32 s2, s17  }
0x8e: {  	[smem:$0x3FC5] =	sst s2  }
0x8f: {  	_ = 	snop  }
0x90: {  	s2 =	sld [smem:$0x3FD0];
	(tm) =	ssettm $0x1  }
0x91: {  	s18 =	sld [smem:$0x3FFB];
	_ =	sdelay $0x3  }
0x92: {  	_ =	strace s18  }
0x93: {  	s3 =	sld [smem:$0x3FFC];
	_ =	sdelay $0x3  }
0x94: {  	_ =	strace s3  }
0x95: {  	s3 =	sld [smem:$0x3FFD];
	_ =	sdelay $0x3  }
0x96: {  	_ =	strace s3  }
0x97: {  	_ =	strace $0x8FFFFFFF  }
0x98: {  	s19 =	sld [smem:$0x3FDB];
	_ =	sdelay $0x1  }
0x99: {  	s4 =	simm.s32 $_scs_section_size  }
0x9a: {  	s5 =	simm.s32 $_size__tile_overlayer_lowered;
	s6 =	simm.s32 $_tile_overlayer_lowered  }
0x9b: {  	s22 =	simm.s32 $0x1BFF;
	s21 =	sshll.u32 s6, $0x1;
	s3 =	sadd.s32 s4, s19  }
0x9c: {  	s7 =	simm.s32 $0x0;
	s20 =	sshll.u32 s5, $0x1;
	s5 =	sadd.s32 s21, s3  }
0x9d: {  	[timem:s7], [sflag:s22] =	dma.local [hbm:s5], s20  }
0x9e: {  	_ =	swait.ge [sflag:s22], s20  }
0x9f: {  	s4 =	ssub.s32 $0x0, s20;
	[sflag:s22] =	ssyncset.done $0x0  }
0xa0: {  	[sflag:s22] =	ssyncadd.s32 s4;
	_ =	sdelay $0x1  }
0xa1: {  	s23 =	simm.s32 $0x1B8B  }
0xa2: {  	_ =	swait.ge [sflag:s23], $0x1  }
0xa3: {  	[sflag:s23] =	ssyncset.done $0x0  }
0xa4: {  	s25 =	simm.s32 $0x1B8E;
	s24 =	sld [smem:$0x3FFE];
	[sflag:s23] =	ssyncadd.s32 $0xFFFFFFFF  }
0xa5: {  	s26 =	simm.s32 $execute0_lowered;
	[smem:$0x3FD2] =	sst s25  }
0xa6: {  	s5 =	sshll.u32 s26, $0x1;
	_ =	strace $0x80000046;
	[dreg:$0x1] =	wrdreg $0xFFFFFFFF  }
0xa7: {  	s28 =	simm.s32 $_size_execute0_lowered;
	s3 =	sadd.s32 s3, s5;
	[dreg:$0x0] =	wrdreg $0x0  }
0xa8: {  	s5 =	sshll.u32 s28, $0x1;
	[dreg:$0x2] =	wrdreg s3  }
0xa9: {  	[dreg:$0x3] =	wrdreg s5  }
0xaa: {  	[dreg:$0x4] =	wrdreg $0xC0  }
0xab: {  	_ =	task [dreg:s7], $0x5FFFF  }
0xac: {  	[dreg:$0x1] =	wrdreg $0xFFFFFFFF  }
0xad: {  	[dreg:$0x0] =	wrdreg $0x60  }
0xae: {  	[dreg:$0x2] =	wrdreg s24  }
0xaf: {  	[dreg:$0x3] =	wrdreg s2  }
0xb0: {  	[dreg:$0x4] =	wrdreg $0x9  }
0xb1: {  	_ =	task.clear_ibuf [dreg:s7], $0x5FFFF;
	_ =	strace $0x90000046  }
0xb2: {  	s29 =	simm.s32 $0x9;
	_ =	strace $0x80000048  }
0xb3: {  	_ =	swait.ge [sflag:s29], $0x1  }
0xb4: {  	[sflag:s29] =	ssyncadd.s32 $0xFFFFFFFF  }
0xb5: {  	_ =	strace $0x90000048  }
0xb6: {  	_ =	sfence  }
0xb7: {  	s30 =	sld [smem:$0x0];
	_ =	sdelay $0x2  }
0xb8: {  	s31 =	sshll.u32 s1, $0xD;
	s1 =	sshrl.u32 s1, $0x2  }
0xb9: {  	s3 =	sand.u32 $0x4000, s31;
	s1 =	sadd.s32 s1, s30  }
0xba: {  	s0 =	sor.u32 s3, s0;
	s1 =	sshll.u32 s1, $0x11  }
0xbb: {  	s0 =	sor.u32 s1, s0  }
0xbc: {  	s0 =	sadd.s32 $0x8F2B, s0  }
0xbd: {  	[sflag:s0] =	ssyncadd.remote.s32 $0x1  }
0xbe: {  	_ =	sfence.sel $0xFFFF  }
0xbf: {  	[dreg:$0x0] =	wrdreg $0xFFFFFFFF;
	(pc) =	sbr.abs _section_cstart, $3  }
0xc0: {  	[dreg:$0x1] =	wrdreg $0xFFFFFFFF  }
0xc1: {  	_ =	task.clear_ibuf [dreg:s7], $0x2FFFF;
	_ =	strace $0x9FFFFFFF  }
0xc2: {  	(tm) =	ssettm $0x7FFFFFFF  }
0xc3: {  	_ =	shalt  }
tec
execute0_lowered:
.L_overlay_start_1:
0x0: {  	(tag) =	ssettag $0x1  }
0x1: {  	s3 =	rddreg [dreg:$0x0];
	s1 =	srdreg.scid  }
0x2: {  	s0 =	stileid.u32;
	s5 =	rddreg [dreg:$0x1];
	s2 =	simm.s32 $0x0  }
0x3: {  	s9 =	simm.s32 $0x2;
	s10 =	simm.s32 $0xC00;
	s11 =	simm.s32 $0x3  }
0x4: {  	s4 =	sand.u32 $0x1, s1;
	s6 =	sshll.u32 s0, $0x1;
	s1 =	rddreg [dreg:$0x2]  }
0x5: {  	[smem:$0x7FF] =	sst s2;
	s6 =	sor.u32 s4, s6;
	s4 =	ssub.s32 $0x2, s4  }
0x6: {  	_ =	strace $0x80000047;
	s7 =	sshll.u32 s6, $0x8;
	s8 =	sshrl.u32 s4, $0x1  }
0x7: {  	s6 =	sshll.u32 s6, $0xA;
	s7 =	sadd.s32 s7, s3;
	s3 =	sadd.s32 $0x800, s3  }
0x8: {  	s8 =	ssub.s32 s4, s8;
	s5 =	sadd.s32 s5, s6;
	s4 =	sadd.s32 $0xA00, s7  }
0x9: {  	s6 =	smax.u32 s8, $0x1;
	s7 =	simm.s32 $0x800;
	s8 =	simm.s32 $0x1  }
.LBB2_1:
0xa: {  	[tilespmem:s2], [sflag:$0x1] =	stream.linear.gather [hbm4b:s4+s2], $0x780, $0x38;
	[tilespmem:$0x2C00] =	vst v63  }
0xb: {  	_ = 	snop  }
0xc: {  	[tilespmem:s7], [sflag:$0x2] =	stream.linear.gather [hbm4b:s3+s2], $0x400, $0x38;
	[tilespmem:$0x2C00] =	vst v63  }
0xd: {  	_ =	swait.ge [sflag:s8], $0x780  }
0xe: {  	[sflag:s8] =	ssyncset.done $0x0  }
0xf: {  	[sflag:s8] =	ssyncadd.s32 $0xFFFFF880  }
0x10: {  	_ =	swait.ge [sflag:s9], $0x400  }
0x11: {  	[sflag:s9] =	ssyncset.done $0x0  }
0x12: {  	[sflag:s9] =	ssyncadd.s32 $0xFFFFFC00  }
0x13: {  	v0 =	vld [tilespmem:$0x800];
	_ =	sdelay $0x4  }
0x14: {  	v1 =	vshrl.u32 v0, $0x4;
	v2 =	vshll.u32 v0, $0x7  }
0x15: {  	v1 =	vand.u32 $0xF, v1;
	v2 =	vand.u32 $0x780, v2  }
0x16: {  	v1 =	vor.u32 v1, v2;
	_ =	sdelay $0x3  }
0x17: {  	v31 =	vshrl.u32 v0, $0xC;
	v3 =	vshrl.u32 v0, $0x1  }
0x18: {  	v3 =	vand.u32 $0x780, v3;
	v2 =	vand.u32 $0xF, v31;
	v1 =	vld.idx.msk [tilespmem:v1+s2+$0x0], $0xffff  }
0x19: {  	v2 =	vor.u32 v2, v3;
	_ =	sdelay $0x3  }
0x1a: {  	v32 =	vshrl.u32 v0, $0x14;
	v33 =	vshrl.u32 v0, $0x9;
	[tilespmem:$0xC00] =	vst v1  }
0x1b: {  	v3 =	vand.u32 $0x780, v33;
	v1 =	vand.u32 $0xF, v32;
	v2 =	vld.idx.msk [tilespmem:v2+s2+$0x0], $0xffff  }
0x1c: {  	v1 =	vor.u32 v1, v3;
	_ =	sdelay $0x3  }
0x1d: {  	v35 =	vld [tilespmem:$0x810];
	v34 =	vshrl.u32 v0, $0x11;
	[tilespmem:$0xC10] =	vst v2  }
0x1e: {  	v0 =	vshrl.u32 v0, $0x1C;
	v2 =	vand.u32 $0x780, v34;
	v1 =	vld.idx.msk [tilespmem:v1+s2+$0x0], $0xffff  }
0x1f: {  	v0 =	vor.u32 v0, v2;
	_ =	sdelay $0x3  }
0x20: {  	v36 =	vshrl.u32 v35, $0x4;
	v37 =	vshll.u32 v35, $0x7;
	[tilespmem:$0xC20] =	vst v1  }
0x21: {  	v2 =	vand.u32 $0x780, v37;
	v1 =	vand.u32 $0xF, v36;
	v0 =	vld.idx.msk [tilespmem:v0+s2+$0x0], $0xffff  }
0x22: {  	v1 =	vor.u32 v1, v2;
	_ =	sdelay $0x3  }
0x23: {  	v38 =	vshrl.u32 v35, $0xC;
	v39 =	vshrl.u32 v35, $0x1;
	[tilespmem:$0xC30] =	vst v0  }
0x24: {  	v2 =	vand.u32 $0x780, v39;
	v0 =	vand.u32 $0xF, v38;
	v1 =	vld.idx.msk [tilespmem:v1+s2+$0x0], $0xffff  }
0x25: {  	v0 =	vor.u32 v0, v2;
	_ =	sdelay $0x3  }
0x26: {  	v40 =	vshrl.u32 v35, $0x14;
	v41 =	vshrl.u32 v35, $0x9;
	[tilespmem:$0xC80] =	vst v1  }
0x27: {  	v2 =	vand.u32 $0x780, v41;
	v1 =	vand.u32 $0xF, v40;
	v0 =	vld.idx.msk [tilespmem:v0+s2+$0x0], $0xffff  }
0x28: {  	v1 =	vor.u32 v1, v2;
	_ =	sdelay $0x3  }
0x29: {  	v44 =	vld [tilespmem:$0x820];
	v42 =	vshrl.u32 v35, $0x11;
	[tilespmem:$0xC90] =	vst v0  }
0x2a: {  	v43 =	vshrl.u32 v35, $0x1C;
	v0 =	vld.idx.msk [tilespmem:v1+s2+$0x0], $0xffff;
	v1 =	vand.u32 $0x780, v42  }
0x2b: {  	v1 =	vor.u32 v43, v1;
	_ =	sdelay $0x3  }
0x2c: {  	v45 =	vshrl.u32 v44, $0x4;
	v46 =	vshll.u32 v44, $0x7;
	[tilespmem:$0xCA0] =	vst v0  }
0x2d: {  	v2 =	vand.u32 $0x780, v46;
	v0 =	vand.u32 $0xF, v45;
	v1 =	vld.idx.msk [tilespmem:v1+s2+$0x0], $0xffff  }
0x2e: {  	v0 =	vor.u32 v0, v2;
	_ =	sdelay $0x3  }
0x2f: {  	v47 =	vshrl.u32 v44, $0xC;
	v48 =	vshrl.u32 v44, $0x1;
	[tilespmem:$0xCB0] =	vst v1  }
0x30: {  	v2 =	vand.u32 $0x780, v48;
	v1 =	vand.u32 $0xF, v47;
	v0 =	vld.idx.msk [tilespmem:v0+s2+$0x0], $0xffff  }
0x31: {  	v1 =	vor.u32 v1, v2;
	_ =	sdelay $0x3  }
0x32: {  	v49 =	vshrl.u32 v44, $0x14;
	v50 =	vshrl.u32 v44, $0x9;
	[tilespmem:$0xD00] =	vst v0  }
0x33: {  	v2 =	vand.u32 $0x780, v50;
	v0 =	vand.u32 $0xF, v49;
	v1 =	vld.idx.msk [tilespmem:v1+s2+$0x0], $0xffff  }
0x34: {  	v0 =	vor.u32 v0, v2;
	_ =	sdelay $0x3  }
0x35: {  	v53 =	vld [tilespmem:$0x830];
	v51 =	vshrl.u32 v44, $0x11;
	[tilespmem:$0xD10] =	vst v1  }
0x36: {  	v52 =	vshrl.u32 v44, $0x1C;
	v1 =	vand.u32 $0x780, v51;
	v0 =	vld.idx.msk [tilespmem:v0+s2+$0x0], $0xffff  }
0x37: {  	v1 =	vor.u32 v52, v1;
	_ =	sdelay $0x3  }
0x38: {  	v54 =	vshrl.u32 v53, $0x4;
	v55 =	vshll.u32 v53, $0x7;
	[tilespmem:$0xD20] =	vst v0  }
0x39: {  	v2 =	vand.u32 $0x780, v55;
	v0 =	vand.u32 $0xF, v54;
	v1 =	vld.idx.msk [tilespmem:v1+s2+$0x0], $0xffff  }
0x3a: {  	v0 =	vor.u32 v0, v2;
	_ =	sdelay $0x3  }
0x3b: {  	v56 =	vshrl.u32 v53, $0xC;
	v57 =	vshrl.u32 v53, $0x1;
	[tilespmem:$0xD30] =	vst v1  }
0x3c: {  	v2 =	vand.u32 $0x780, v57;
	v1 =	vand.u32 $0xF, v56;
	v0 =	vld.idx.msk [tilespmem:v0+s2+$0x0], $0xffff  }
0x3d: {  	v1 =	vor.u32 v1, v2;
	_ =	sdelay $0x3  }
0x3e: {  	v58 =	vshrl.u32 v53, $0x14;
	v59 =	vshrl.u32 v53, $0x9;
	[tilespmem:$0xD80] =	vst v0  }
0x3f: {  	v2 =	vand.u32 $0x780, v59;
	v0 =	vand.u32 $0xF, v58;
	v1 =	vld.idx.msk [tilespmem:v1+s2+$0x0], $0xffff  }
0x40: {  	v0 =	vor.u32 v0, v2;
	_ =	sdelay $0x3  }
0x41: {  	v62 =	vld [tilespmem:$0x840];
	v60 =	vshrl.u32 v53, $0x11;
	[tilespmem:$0xD90] =	vst v1  }
0x42: {  	v61 =	vshrl.u32 v53, $0x1C;
	v1 =	vand.u32 $0x780, v60;
	v0 =	vld.idx.msk [tilespmem:v0+s2+$0x0], $0xffff  }
0x43: {  	v1 =	vor.u32 v61, v1;
	_ =	sdelay $0x3  }
0x44: {  	v63 =	vshrl.u32 v62, $0x4;
	v4 =	vshll.u32 v62, $0x7;
	[tilespmem:$0xDA0] =	vst v0  }
0x45: {  	v2 =	vand.u32 $0x780, v4;
	v0 =	vand.u32 $0xF, v63;
	v1 =	vld.idx.msk [tilespmem:v1+s2+$0x0], $0xffff  }
0x46: {  	v0 =	vor.u32 v0, v2;
	_ =	sdelay $0x3  }
0x47: {  	v5 =	vshrl.u32 v62, $0xC;
	v6 =	vshrl.u32 v62, $0x1;
	[tilespmem:$0xDB0] =	vst v1  }
0x48: {  	v2 =	vand.u32 $0x780, v6;
	v1 =	vand.u32 $0xF, v5;
	v0 =	vld.idx.msk [tilespmem:v0+s2+$0x0], $0xffff  }
0x49: {  	v1 =	vor.u32 v1, v2;
	_ =	sdelay $0x3  }
0x4a: {  	v7 =	vshrl.u32 v62, $0x14;
	v8 =	vshrl.u32 v62, $0x9;
	[tilespmem:$0xE00] =	vst v0  }
0x4b: {  	v2 =	vand.u32 $0x780, v8;
	v0 =	vand.u32 $0xF, v7;
	v1 =	vld.idx.msk [tilespmem:v1+s2+$0x0], $0xffff  }
0x4c: {  	v0 =	vor.u32 v0, v2;
	_ =	sdelay $0x3  }
0x4d: {  	v11 =	vld [tilespmem:$0x850];
	v9 =	vshrl.u32 v62, $0x11;
	[tilespmem:$0xE10] =	vst v1  }
0x4e: {  	v10 =	vshrl.u32 v62, $0x1C;
	v1 =	vand.u32 $0x780, v9;
	v0 =	vld.idx.msk [tilespmem:v0+s2+$0x0], $0xffff  }
0x4f: {  	v1 =	vor.u32 v10, v1;
	_ =	sdelay $0x3  }
0x50: {  	v12 =	vshrl.u32 v11, $0x4;
	v13 =	vshll.u32 v11, $0x7;
	[tilespmem:$0xE20] =	vst v0  }
0x51: {  	v2 =	vand.u32 $0x780, v13;
	v0 =	vand.u32 $0xF, v12;
	v1 =	vld.idx.msk [tilespmem:v1+s2+$0x0], $0xffff  }
0x52: {  	v0 =	vor.u32 v0, v2;
	_ =	sdelay $0x3  }
0x53: {  	v14 =	vshrl.u32 v11, $0xC;
	v15 =	vshrl.u32 v11, $0x1;
	[tilespmem:$0xE30] =	vst v1  }
0x54: {  	v2 =	vand.u32 $0x780, v15;
	v1 =	vand.u32 $0xF, v14;
	v0 =	vld.idx.msk [tilespmem:v0+s2+$0x0], $0xffff  }
0x55: {  	v1 =	vor.u32 v1, v2;
	_ =	sdelay $0x3  }
0x56: {  	v16 =	vshrl.u32 v11, $0x14;
	v17 =	vshrl.u32 v11, $0x9;
	[tilespmem:$0xE80] =	vst v0  }
0x57: {  	v2 =	vand.u32 $0x780, v17;
	v0 =	vand.u32 $0xF, v16;
	v1 =	vld.idx.msk [tilespmem:v1+s2+$0x0], $0xffff  }
0x58: {  	v0 =	vor.u32 v0, v2;
	_ =	sdelay $0x3  }
0x59: {  	v20 =	vld [tilespmem:$0x860];
	v18 =	vshrl.u32 v11, $0x11;
	[tilespmem:$0xE90] =	vst v1  }
0x5a: {  	v19 =	vshrl.u32 v11, $0x1C;
	v1 =	vand.u32 $0x780, v18;
	v0 =	vld.idx.msk [tilespmem:v0+s2+$0x0], $0xffff  }
0x5b: {  	v1 =	vor.u32 v19, v1;
	_ =	sdelay $0x3  }
0x5c: {  	v21 =	vshrl.u32 v20, $0x4;
	v22 =	vshll.u32 v20, $0x7;
	[tilespmem:$0xEA0] =	vst v0  }
0x5d: {  	v2 =	vand.u32 $0x780, v22;
	v0 =	vand.u32 $0xF, v21;
	v1 =	vld.idx.msk [tilespmem:v1+s2+$0x0], $0xffff  }
0x5e: {  	v0 =	vor.u32 v0, v2;
	_ =	sdelay $0x3  }
0x5f: {  	v23 =	vshrl.u32 v20, $0xC;
	v24 =	vshrl.u32 v20, $0x1;
	[tilespmem:$0xEB0] =	vst v1  }
0x60: {  	v2 =	vand.u32 $0x780, v24;
	v1 =	vand.u32 $0xF, v23;
	v0 =	vld.idx.msk [tilespmem:v0+s2+$0x0], $0xffff  }
0x61: {  	v1 =	vor.u32 v1, v2;
	_ =	sdelay $0x3  }
0x62: {  	v25 =	vshrl.u32 v20, $0x14;
	v26 =	vshrl.u32 v20, $0x9;
	[tilespmem:$0xF00] =	vst v0  }
0x63: {  	v2 =	vand.u32 $0x780, v26;
	v0 =	vand.u32 $0xF, v25;
	v1 =	vld.idx.msk [tilespmem:v1+s2+$0x0], $0xffff  }
0x64: {  	v0 =	vor.u32 v0, v2;
	_ =	sdelay $0x3  }
0x65: {  	v29 =	vld [tilespmem:$0x870];
	v27 =	vshrl.u32 v20, $0x11;
	[tilespmem:$0xF10] =	vst v1  }
0x66: {  	v28 =	vshrl.u32 v20, $0x1C;
	v1 =	vand.u32 $0x780, v27;
	v0 =	vld.idx.msk [tilespmem:v0+s2+$0x0], $0xffff  }
0x67: {  	v1 =	vor.u32 v28, v1;
	_ =	sdelay $0x3  }
0x68: {  	v30 =	vshrl.u32 v29, $0x4;
	v31 =	vshll.u32 v29, $0x7;
	[tilespmem:$0xF20] =	vst v0  }
0x69: {  	v2 =	vand.u32 $0x780, v31;
	v0 =	vand.u32 $0xF, v30;
	v1 =	vld.idx.msk [tilespmem:v1+s2+$0x0], $0xffff  }
0x6a: {  	v0 =	vor.u32 v0, v2;
	_ =	sdelay $0x3  }
0x6b: {  	v33 =	vshrl.u32 v29, $0x1;
	v32 =	vshrl.u32 v29, $0xC;
	[tilespmem:$0xF30] =	vst v1  }
0x6c: {  	v2 =	vand.u32 $0x780, v33;
	v1 =	vand.u32 $0xF, v32;
	v0 =	vld.idx.msk [tilespmem:v0+s2+$0x0], $0xffff  }
0x6d: {  	v1 =	vor.u32 v1, v2;
	_ =	sdelay $0x3  }
0x6e: {  	v35 =	vshrl.u32 v29, $0x9;
	v34 =	vshrl.u32 v29, $0x14;
	[tilespmem:$0xF80] =	vst v0  }
0x6f: {  	v2 =	vand.u32 $0x780, v35;
	v0 =	vand.u32 $0xF, v34;
	v1 =	vld.idx.msk [tilespmem:v1+s2+$0x0], $0xffff  }
0x70: {  	v0 =	vor.u32 v0, v2;
	_ =	sdelay $0x3  }
0x71: {  	v36 =	vshrl.u32 v29, $0x11;
	v38 =	vld [tilespmem:$0x880];
	[tilespmem:$0xF90] =	vst v1  }
0x72: {  	v37 =	vshrl.u32 v29, $0x1C;
	v1 =	vand.u32 $0x780, v36;
	v0 =	vld.idx.msk [tilespmem:v0+s2+$0x0], $0xffff  }
0x73: {  	v1 =	vor.u32 v37, v1;
	_ =	sdelay $0x3  }
0x74: {  	v39 =	vshrl.u32 v38, $0x4;
	v40 =	vshll.u32 v38, $0x7;
	[tilespmem:$0xFA0] =	vst v0  }
0x75: {  	v2 =	vand.u32 $0x780, v40;
	v0 =	vand.u32 $0xF, v39;
	v1 =	vld.idx.msk [tilespmem:v1+s2+$0x0], $0xffff  }
0x76: {  	v0 =	vor.u32 v0, v2;
	_ =	sdelay $0x3  }
0x77: {  	v41 =	vshrl.u32 v38, $0xC;
	v42 =	vshrl.u32 v38, $0x1;
	[tilespmem:$0xFB0] =	vst v1  }
0x78: {  	v2 =	vand.u32 $0x780, v42;
	v1 =	vand.u32 $0xF, v41;
	v0 =	vld.idx.msk [tilespmem:v0+s2+$0x0], $0xffff  }
0x79: {  	v1 =	vor.u32 v1, v2;
	_ =	sdelay $0x3  }
0x7a: {  	v44 =	vshrl.u32 v38, $0x9;
	v43 =	vshrl.u32 v38, $0x14;
	[tilespmem:$0x1000] =	vst v0  }
0x7b: {  	v2 =	vand.u32 $0x780, v44;
	v0 =	vand.u32 $0xF, v43;
	v1 =	vld.idx.msk [tilespmem:v1+s2+$0x0], $0xffff  }
0x7c: {  	v0 =	vor.u32 v0, v2;
	_ =	sdelay $0x3  }
0x7d: {  	v45 =	vshrl.u32 v38, $0x11;
	[tilespmem:$0x1010] =	vst v1  }
0x7e: {  	v46 =	vshrl.u32 v38, $0x1C;
	v1 =	vand.u32 $0x780, v45;
	v0 =	vld.idx.msk [tilespmem:v0+s2+$0x0], $0xffff  }
0x7f: {  	v1 =	vor.u32 v46, v1;
	_ =	sdelay $0x3  }
0x80: {  	[tilespmem:$0x1020] =	vst v0  }
0x81: {  	v0 =	vld.idx.msk [tilespmem:v1+s2+$0x0], $0xffff  }
0x82: {  	v1 =	vld [tilespmem:$0x890];
	_ =	sdelay $0x4  }
0x83: {  	v47 =	vshrl.u32 v1, $0x4;
	v48 =	vshll.u32 v1, $0x7  }
0x84: {  	v2 =	vand.u32 $0xF, v47;
	v3 =	vand.u32 $0x780, v48  }
0x85: {  	v2 =	vor.u32 v2, v3;
	_ =	sdelay $0x3  }
0x86: {  	[tilespmem:$0x1030] =	vst v0;
	v49 =	vshrl.u32 v1, $0xC;
	v50 =	vshrl.u32 v1, $0x1  }
0x87: {  	v0 =	vand.u32 $0xF, v49;
	v3 =	vand.u32 $0x780, v50;
	v2 =	vld.idx.msk [tilespmem:v2+s2+$0x0], $0xffff  }
0x88: {  	v0 =	vor.u32 v0, v3;
	_ =	sdelay $0x3  }
0x89: {  	v51 =	vshrl.u32 v1, $0x14;
	v52 =	vshrl.u32 v1, $0x9;
	[tilespmem:$0x1080] =	vst v2  }
0x8a: {  	v3 =	vand.u32 $0x780, v52;
	v2 =	vand.u32 $0xF, v51;
	v0 =	vld.idx.msk [tilespmem:v0+s2+$0x0], $0xffff  }
0x8b: {  	v2 =	vor.u32 v2, v3;
	_ =	sdelay $0x3  }
0x8c: {  	v54 =	vld [tilespmem:$0x8A0];
	v53 =	vshrl.u32 v1, $0x11;
	[tilespmem:$0x1090] =	vst v0  }
0x8d: {  	v1 =	vshrl.u32 v1, $0x1C;
	v0 =	vld.idx.msk [tilespmem:v2+s2+$0x0], $0xffff;
	v2 =	vand.u32 $0x780, v53  }
0x8e: {  	v1 =	vor.u32 v1, v2;
	_ =	sdelay $0x3  }
0x8f: {  	v55 =	vshrl.u32 v54, $0x4;
	v56 =	vshll.u32 v54, $0x7;
	[tilespmem:$0x10A0] =	vst v0  }
0x90: {  	v2 =	vand.u32 $0x780, v56;
	v0 =	vand.u32 $0xF, v55;
	v1 =	vld.idx.msk [tilespmem:v1+s2+$0x0], $0xffff  }
0x91: {  	v0 =	vor.u32 v0, v2;
	_ =	sdelay $0x3  }
0x92: {  	v57 =	vshrl.u32 v54, $0xC;
	v58 =	vshrl.u32 v54, $0x1;
	[tilespmem:$0x10B0] =	vst v1  }
0x93: {  	v2 =	vand.u32 $0x780, v58;
	v1 =	vand.u32 $0xF, v57;
	v0 =	vld.idx.msk [tilespmem:v0+s2+$0x0], $0xffff  }
0x94: {  	v1 =	vor.u32 v1, v2;
	_ =	sdelay $0x3  }
0x95: {  	v59 =	vshrl.u32 v54, $0x14;
	v60 =	vshrl.u32 v54, $0x9;
	[tilespmem:$0x1100] =	vst v0  }
0x96: {  	v2 =	vand.u32 $0x780, v60;
	v0 =	vand.u32 $0xF, v59;
	v1 =	vld.idx.msk [tilespmem:v1+s2+$0x0], $0xffff  }
0x97: {  	v0 =	vor.u32 v0, v2;
	_ =	sdelay $0x3  }
0x98: {  	v63 =	vld [tilespmem:$0x8B0];
	v61 =	vshrl.u32 v54, $0x11;
	[tilespmem:$0x1110] =	vst v1  }
0x99: {  	v62 =	vshrl.u32 v54, $0x1C;
	v1 =	vand.u32 $0x780, v61;
	v0 =	vld.idx.msk [tilespmem:v0+s2+$0x0], $0xffff  }
0x9a: {  	v1 =	vor.u32 v62, v1;
	_ =	sdelay $0x3  }
0x9b: {  	v5 =	vshrl.u32 v63, $0x4;
	v6 =	vshll.u32 v63, $0x7;
	[tilespmem:$0x1120] =	vst v0  }
0x9c: {  	v2 =	vand.u32 $0x780, v6;
	v0 =	vand.u32 $0xF, v5;
	v1 =	vld.idx.msk [tilespmem:v1+s2+$0x0], $0xffff  }
0x9d: {  	v0 =	vor.u32 v0, v2;
	_ =	sdelay $0x3  }
0x9e: {  	v7 =	vshrl.u32 v63, $0xC;
	v8 =	vshrl.u32 v63, $0x1;
	[tilespmem:$0x1130] =	vst v1  }
0x9f: {  	v2 =	vand.u32 $0x780, v8;
	v1 =	vand.u32 $0xF, v7;
	v0 =	vld.idx.msk [tilespmem:v0+s2+$0x0], $0xffff  }
0xa0: {  	v1 =	vor.u32 v1, v2;
	_ =	sdelay $0x3  }
0xa1: {  	v9 =	vshrl.u32 v63, $0x14;
	v10 =	vshrl.u32 v63, $0x9;
	[tilespmem:$0x1180] =	vst v0  }
0xa2: {  	v2 =	vand.u32 $0x780, v10;
	v0 =	vand.u32 $0xF, v9;
	v1 =	vld.idx.msk [tilespmem:v1+s2+$0x0], $0xffff  }
0xa3: {  	v0 =	vor.u32 v0, v2;
	_ =	sdelay $0x3  }
0xa4: {  	v13 =	vld [tilespmem:$0x8C0];
	v11 =	vshrl.u32 v63, $0x11;
	[tilespmem:$0x1190] =	vst v1  }
0xa5: {  	v12 =	vshrl.u32 v63, $0x1C;
	v1 =	vand.u32 $0x780, v11;
	v0 =	vld.idx.msk [tilespmem:v0+s2+$0x0], $0xffff  }
0xa6: {  	v1 =	vor.u32 v12, v1;
	_ =	sdelay $0x3  }
0xa7: {  	v14 =	vshrl.u32 v13, $0x4;
	v15 =	vshll.u32 v13, $0x7;
	[tilespmem:$0x11A0] =	vst v0  }
0xa8: {  	v2 =	vand.u32 $0x780, v15;
	v0 =	vand.u32 $0xF, v14;
	v1 =	vld.idx.msk [tilespmem:v1+s2+$0x0], $0xffff  }
0xa9: {  	v0 =	vor.u32 v0, v2;
	_ =	sdelay $0x3  }
0xaa: {  	v16 =	vshrl.u32 v13, $0xC;
	v17 =	vshrl.u32 v13, $0x1;
	[tilespmem:$0x11B0] =	vst v1  }
0xab: {  	v2 =	vand.u32 $0x780, v17;
	v1 =	vand.u32 $0xF, v16;
	v0 =	vld.idx.msk [tilespmem:v0+s2+$0x0], $0xffff  }
0xac: {  	v1 =	vor.u32 v1, v2;
	_ =	sdelay $0x3  }
0xad: {  	v18 =	vshrl.u32 v13, $0x14;
	v19 =	vshrl.u32 v13, $0x9;
	[tilespmem:$0x1200] =	vst v0  }
0xae: {  	v2 =	vand.u32 $0x780, v19;
	v0 =	vand.u32 $0xF, v18;
	v1 =	vld.idx.msk [tilespmem:v1+s2+$0x0], $0xffff  }
0xaf: {  	v0 =	vor.u32 v0, v2;
	_ =	sdelay $0x3  }
0xb0: {  	v22 =	vld [tilespmem:$0x8D0];
	v20 =	vshrl.u32 v13, $0x11;
	[tilespmem:$0x1210] =	vst v1  }
0xb1: {  	v21 =	vshrl.u32 v13, $0x1C;
	v1 =	vand.u32 $0x780, v20;
	v0 =	vld.idx.msk [tilespmem:v0+s2+$0x0], $0xffff  }
0xb2: {  	v1 =	vor.u32 v21, v1;
	_ =	sdelay $0x3  }
0xb3: {  	v23 =	vshrl.u32 v22, $0x4;
	v24 =	vshll.u32 v22, $0x7;
	[tilespmem:$0x1220] =	vst v0  }
0xb4: {  	v2 =	vand.u32 $0x780, v24;
	v0 =	vand.u32 $0xF, v23;
	v1 =	vld.idx.msk [tilespmem:v1+s2+$0x0], $0xffff  }
0xb5: {  	v0 =	vor.u32 v0, v2;
	_ =	sdelay $0x3  }
0xb6: {  	v25 =	vshrl.u32 v22, $0xC;
	v26 =	vshrl.u32 v22, $0x1;
	[tilespmem:$0x1230] =	vst v1  }
0xb7: {  	v2 =	vand.u32 $0x780, v26;
	v1 =	vand.u32 $0xF, v25;
	v0 =	vld.idx.msk [tilespmem:v0+s2+$0x0], $0xffff  }
0xb8: {  	v1 =	vor.u32 v1, v2;
	_ =	sdelay $0x3  }
0xb9: {  	v27 =	vshrl.u32 v22, $0x14;
	v28 =	vshrl.u32 v22, $0x9;
	[tilespmem:$0x1280] =	vst v0  }
0xba: {  	v2 =	vand.u32 $0x780, v28;
	v0 =	vand.u32 $0xF, v27;
	v1 =	vld.idx.msk [tilespmem:v1+s2+$0x0], $0xffff  }
0xbb: {  	v0 =	vor.u32 v0, v2;
	_ =	sdelay $0x3  }
0xbc: {  	v31 =	vld [tilespmem:$0x8E0];
	v29 =	vshrl.u32 v22, $0x11;
	[tilespmem:$0x1290] =	vst v1  }
0xbd: {  	v30 =	vshrl.u32 v22, $0x1C;
	v1 =	vand.u32 $0x780, v29;
	v0 =	vld.idx.msk [tilespmem:v0+s2+$0x0], $0xffff  }
0xbe: {  	v1 =	vor.u32 v30, v1;
	_ =	sdelay $0x3  }
0xbf: {  	v32 =	vshrl.u32 v31, $0x4;
	v33 =	vshll.u32 v31, $0x7;
	[tilespmem:$0x12A0] =	vst v0  }
0xc0: {  	v2 =	vand.u32 $0x780, v33;
	v0 =	vand.u32 $0xF, v32;
	v1 =	vld.idx.msk [tilespmem:v1+s2+$0x0], $0xffff  }
0xc1: {  	v0 =	vor.u32 v0, v2;
	_ =	sdelay $0x3  }
0xc2: {  	v34 =	vshrl.u32 v31, $0xC;
	v35 =	vshrl.u32 v31, $0x1;
	[tilespmem:$0x12B0] =	vst v1  }
0xc3: {  	v2 =	vand.u32 $0x780, v35;
	v1 =	vand.u32 $0xF, v34;
	v0 =	vld.idx.msk [tilespmem:v0+s2+$0x0], $0xffff  }
0xc4: {  	v1 =	vor.u32 v1, v2;
	_ =	sdelay $0x3  }
0xc5: {  	v36 =	vshrl.u32 v31, $0x14;
	v37 =	vshrl.u32 v31, $0x9;
	[tilespmem:$0x1300] =	vst v0  }
0xc6: {  	v2 =	vand.u32 $0x780, v37;
	v0 =	vand.u32 $0xF, v36;
	v1 =	vld.idx.msk [tilespmem:v1+s2+$0x0], $0xffff  }
0xc7: {  	v0 =	vor.u32 v0, v2;
	_ =	sdelay $0x3  }
0xc8: {  	v40 =	vld [tilespmem:$0x8F0];
	v38 =	vshrl.u32 v31, $0x11;
	[tilespmem:$0x1310] =	vst v1  }
0xc9: {  	v39 =	vshrl.u32 v31, $0x1C;
	v1 =	vand.u32 $0x780, v38;
	v0 =	vld.idx.msk [tilespmem:v0+s2+$0x0], $0xffff  }
0xca: {  	v1 =	vor.u32 v39, v1;
	_ =	sdelay $0x3  }
0xcb: {  	v41 =	vshrl.u32 v40, $0x4;
	v42 =	vshll.u32 v40, $0x7;
	[tilespmem:$0x1320] =	vst v0  }
0xcc: {  	v2 =	vand.u32 $0x780, v42;
	v0 =	vand.u32 $0xF, v41;
	v1 =	vld.idx.msk [tilespmem:v1+s2+$0x0], $0xffff  }
0xcd: {  	v0 =	vor.u32 v0, v2;
	_ =	sdelay $0x3  }
0xce: {  	v43 =	vshrl.u32 v40, $0xC;
	v44 =	vshrl.u32 v40, $0x1;
	[tilespmem:$0x1330] =	vst v1  }
0xcf: {  	v2 =	vand.u32 $0x780, v44;
	v1 =	vand.u32 $0xF, v43;
	v0 =	vld.idx.msk [tilespmem:v0+s2+$0x0], $0xffff  }
0xd0: {  	v1 =	vor.u32 v1, v2;
	_ =	sdelay $0x3  }
0xd1: {  	v45 =	vshrl.u32 v40, $0x14;
	v46 =	vshrl.u32 v40, $0x9;
	[tilespmem:$0x1380] =	vst v0  }
0xd2: {  	v2 =	vand.u32 $0x780, v46;
	v0 =	vand.u32 $0xF, v45;
	v1 =	vld.idx.msk [tilespmem:v1+s2+$0x0], $0xffff  }
0xd3: {  	v0 =	vor.u32 v0, v2;
	_ =	sdelay $0x3  }
0xd4: {  	v47 =	vshrl.u32 v40, $0x11;
	v49 =	vld [tilespmem:$0x900];
	[tilespmem:$0x1390] =	vst v1  }
0xd5: {  	v48 =	vshrl.u32 v40, $0x1C;
	v1 =	vand.u32 $0x780, v47;
	v0 =	vld.idx.msk [tilespmem:v0+s2+$0x0], $0xffff  }
0xd6: {  	v1 =	vor.u32 v48, v1;
	_ =	sdelay $0x3  }
0xd7: {  	v50 =	vshrl.u32 v49, $0x4;
	v51 =	vshll.u32 v49, $0x7;
	[tilespmem:$0x13A0] =	vst v0  }
0xd8: {  	v2 =	vand.u32 $0x780, v51;
	v0 =	vand.u32 $0xF, v50;
	v1 =	vld.idx.msk [tilespmem:v1+s2+$0x0], $0xffff  }
0xd9: {  	v0 =	vor.u32 v0, v2;
	_ =	sdelay $0x3  }
0xda: {  	v52 =	vshrl.u32 v49, $0xC;
	v53 =	vshrl.u32 v49, $0x1;
	[tilespmem:$0x13B0] =	vst v1  }
0xdb: {  	v2 =	vand.u32 $0x780, v53;
	v1 =	vand.u32 $0xF, v52;
	v0 =	vld.idx.msk [tilespmem:v0+s2+$0x0], $0xffff  }
0xdc: {  	v1 =	vor.u32 v1, v2;
	_ =	sdelay $0x3  }
0xdd: {  	v54 =	vshrl.u32 v49, $0x14;
	v55 =	vshrl.u32 v49, $0x9;
	[tilespmem:$0x1400] =	vst v0  }
0xde: {  	v2 =	vand.u32 $0x780, v55;
	v0 =	vand.u32 $0xF, v54;
	v1 =	vld.idx.msk [tilespmem:v1+s2+$0x0], $0xffff  }
0xdf: {  	v0 =	vor.u32 v0, v2;
	_ =	sdelay $0x3  }
0xe0: {  	v56 =	vshrl.u32 v49, $0x11;
	v58 =	vld [tilespmem:$0x910];
	[tilespmem:$0x1410] =	vst v1  }
0xe1: {  	v57 =	vshrl.u32 v49, $0x1C;
	v1 =	vand.u32 $0x780, v56;
	v0 =	vld.idx.msk [tilespmem:v0+s2+$0x0], $0xffff  }
0xe2: {  	v1 =	vor.u32 v57, v1;
	_ =	sdelay $0x3  }
0xe3: {  	v60 =	vshll.u32 v58, $0x7;
	v59 =	vshrl.u32 v58, $0x4;
	[tilespmem:$0x1420] =	vst v0  }
0xe4: {  	v2 =	vand.u32 $0x780, v60;
	v0 =	vand.u32 $0xF, v59;
	v1 =	vld.idx.msk [tilespmem:v1+s2+$0x0], $0xffff  }
0xe5: {  	v0 =	vor.u32 v0, v2;
	_ =	sdelay $0x3  }
0xe6: {  	v61 =	vshrl.u32 v58, $0xC;
	v62 =	vshrl.u32 v58, $0x1;
	[tilespmem:$0x1430] =	vst v1  }
0xe7: {  	v2 =	vand.u32 $0x780, v62;
	v1 =	vand.u32 $0xF, v61;
	v0 =	vld.idx.msk [tilespmem:v0+s2+$0x0], $0xffff  }
0xe8: {  	v1 =	vor.u32 v1, v2;
	_ =	sdelay $0x3  }
0xe9: {  	v63 =	vshrl.u32 v58, $0x14;
	v4 =	vshrl.u32 v58, $0x9;
	[tilespmem:$0x1480] =	vst v0  }
0xea: {  	v2 =	vand.u32 $0x780, v4;
	v0 =	vand.u32 $0xF, v63;
	v1 =	vld.idx.msk [tilespmem:v1+s2+$0x0], $0xffff  }
0xeb: {  	v0 =	vor.u32 v0, v2;
	_ =	sdelay $0x3  }
0xec: {  	v5 =	vshrl.u32 v58, $0x11;
	v7 =	vld [tilespmem:$0x920];
	[tilespmem:$0x1490] =	vst v1  }
0xed: {  	v6 =	vshrl.u32 v58, $0x1C;
	v1 =	vand.u32 $0x780, v5;
	v0 =	vld.idx.msk [tilespmem:v0+s2+$0x0], $0xffff  }
0xee: {  	v1 =	vor.u32 v6, v1;
	_ =	sdelay $0x3  }
0xef: {  	v8 =	vshrl.u32 v7, $0x4;
	v9 =	vshll.u32 v7, $0x7;
	[tilespmem:$0x14A0] =	vst v0  }
0xf0: {  	v2 =	vand.u32 $0x780, v9;
	v0 =	vand.u32 $0xF, v8;
	v1 =	vld.idx.msk [tilespmem:v1+s2+$0x0], $0xffff  }
0xf1: {  	v0 =	vor.u32 v0, v2;
	_ =	sdelay $0x3  }
0xf2: {  	v10 =	vshrl.u32 v7, $0xC;
	v11 =	vshrl.u32 v7, $0x1;
	[tilespmem:$0x14B0] =	vst v1  }
0xf3: {  	v2 =	vand.u32 $0x780, v11;
	v1 =	vand.u32 $0xF, v10;
	v0 =	vld.idx.msk [tilespmem:v0+s2+$0x0], $0xffff  }
0xf4: {  	v1 =	vor.u32 v1, v2;
	_ =	sdelay $0x3  }
0xf5: {  	v13 =	vshrl.u32 v7, $0x9;
	v12 =	vshrl.u32 v7, $0x14;
	[tilespmem:$0x1500] =	vst v0  }
0xf6: {  	v2 =	vand.u32 $0x780, v13;
	v0 =	vand.u32 $0xF, v12;
	v1 =	vld.idx.msk [tilespmem:v1+s2+$0x0], $0xffff  }
0xf7: {  	v0 =	vor.u32 v0, v2;
	_ =	sdelay $0x3  }
0xf8: {  	v14 =	vshrl.u32 v7, $0x11;
	v16 =	vld [tilespmem:$0x930];
	[tilespmem:$0x1510] =	vst v1  }
0xf9: {  	v15 =	vshrl.u32 v7, $0x1C;
	v1 =	vand.u32 $0x780, v14;
	v0 =	vld.idx.msk [tilespmem:v0+s2+$0x0], $0xffff  }
0xfa: {  	v1 =	vor.u32 v15, v1;
	_ =	sdelay $0x3  }
0xfb: {  	v17 =	vshrl.u32 v16, $0x4;
	v18 =	vshll.u32 v16, $0x7;
	[tilespmem:$0x1520] =	vst v0  }
0xfc: {  	v2 =	vand.u32 $0x780, v18;
	v0 =	vand.u32 $0xF, v17;
	v1 =	vld.idx.msk [tilespmem:v1+s2+$0x0], $0xffff  }
0xfd: {  	v0 =	vor.u32 v0, v2;
	_ =	sdelay $0x3  }
0xfe: {  	v19 =	vshrl.u32 v16, $0xC;
	v20 =	vshrl.u32 v16, $0x1;
	[tilespmem:$0x1530] =	vst v1  }
0xff: {  	v2 =	vand.u32 $0x780, v20;
	v1 =	vand.u32 $0xF, v19;
	v0 =	vld.idx.msk [tilespmem:v0+s2+$0x0], $0xffff  }
0x100: {  	v1 =	vor.u32 v1, v2;
	_ =	sdelay $0x3  }
0x101: {  	v22 =	vshrl.u32 v16, $0x9;
	v21 =	vshrl.u32 v16, $0x14;
	[tilespmem:$0x1580] =	vst v0  }
0x102: {  	v2 =	vand.u32 $0x780, v22;
	v0 =	vand.u32 $0xF, v21;
	v1 =	vld.idx.msk [tilespmem:v1+s2+$0x0], $0xffff  }
0x103: {  	v0 =	vor.u32 v0, v2;
	_ =	sdelay $0x3  }
0x104: {  	v23 =	vshrl.u32 v16, $0x11;
	v25 =	vld [tilespmem:$0x940];
	[tilespmem:$0x1590] =	vst v1  }
0x105: {  	v24 =	vshrl.u32 v16, $0x1C;
	v1 =	vand.u32 $0x780, v23;
	v0 =	vld.idx.msk [tilespmem:v0+s2+$0x0], $0xffff  }
0x106: {  	v1 =	vor.u32 v24, v1;
	_ =	sdelay $0x3  }
0x107: {  	v26 =	vshrl.u32 v25, $0x4;
	v27 =	vshll.u32 v25, $0x7;
	[tilespmem:$0x15A0] =	vst v0  }
0x108: {  	v2 =	vand.u32 $0x780, v27;
	v0 =	vand.u32 $0xF, v26;
	v1 =	vld.idx.msk [tilespmem:v1+s2+$0x0], $0xffff  }
0x109: {  	v0 =	vor.u32 v0, v2;
	_ =	sdelay $0x3  }
0x10a: {  	v28 =	vshrl.u32 v25, $0xC;
	v29 =	vshrl.u32 v25, $0x1;
	[tilespmem:$0x15B0] =	vst v1  }
0x10b: {  	v2 =	vand.u32 $0x780, v29;
	v1 =	vand.u32 $0xF, v28;
	v0 =	vld.idx.msk [tilespmem:v0+s2+$0x0], $0xffff  }
0x10c: {  	v1 =	vor.u32 v1, v2;
	_ =	sdelay $0x3  }
0x10d: {  	v31 =	vshrl.u32 v25, $0x9;
	v30 =	vshrl.u32 v25, $0x14;
	[tilespmem:$0x1600] =	vst v0  }
0x10e: {  	v2 =	vand.u32 $0x780, v31;
	v0 =	vand.u32 $0xF, v30;
	v1 =	vld.idx.msk [tilespmem:v1+s2+$0x0], $0xffff  }
0x10f: {  	v0 =	vor.u32 v0, v2;
	_ =	sdelay $0x3  }
0x110: {  	v32 =	vshrl.u32 v25, $0x11;
	v34 =	vld [tilespmem:$0x950];
	[tilespmem:$0x1610] =	vst v1  }
0x111: {  	v33 =	vshrl.u32 v25, $0x1C;
	v1 =	vand.u32 $0x780, v32;
	v0 =	vld.idx.msk [tilespmem:v0+s2+$0x0], $0xffff  }
0x112: {  	v1 =	vor.u32 v33, v1;
	_ =	sdelay $0x3  }
0x113: {  	v35 =	vshrl.u32 v34, $0x4;
	v36 =	vshll.u32 v34, $0x7;
	[tilespmem:$0x1620] =	vst v0  }
0x114: {  	v2 =	vand.u32 $0x780, v36;
	v0 =	vand.u32 $0xF, v35;
	v1 =	vld.idx.msk [tilespmem:v1+s2+$0x0], $0xffff  }
0x115: {  	v0 =	vor.u32 v0, v2;
	_ =	sdelay $0x3  }
0x116: {  	v37 =	vshrl.u32 v34, $0xC;
	v38 =	vshrl.u32 v34, $0x1;
	[tilespmem:$0x1630] =	vst v1  }
0x117: {  	v2 =	vand.u32 $0x780, v38;
	v1 =	vand.u32 $0xF, v37;
	v0 =	vld.idx.msk [tilespmem:v0+s2+$0x0], $0xffff  }
0x118: {  	v1 =	vor.u32 v1, v2;
	_ =	sdelay $0x3  }
0x119: {  	v40 =	vshrl.u32 v34, $0x9;
	v39 =	vshrl.u32 v34, $0x14;
	[tilespmem:$0x1680] =	vst v0  }
0x11a: {  	v2 =	vand.u32 $0x780, v40;
	v0 =	vand.u32 $0xF, v39;
	v1 =	vld.idx.msk [tilespmem:v1+s2+$0x0], $0xffff  }
0x11b: {  	v0 =	vor.u32 v0, v2;
	_ =	sdelay $0x3  }
0x11c: {  	v41 =	vshrl.u32 v34, $0x11;
	v43 =	vld [tilespmem:$0x960];
	[tilespmem:$0x1690] =	vst v1  }
0x11d: {  	v42 =	vshrl.u32 v34, $0x1C;
	v1 =	vand.u32 $0x780, v41;
	v0 =	vld.idx.msk [tilespmem:v0+s2+$0x0], $0xffff  }
0x11e: {  	v1 =	vor.u32 v42, v1;
	_ =	sdelay $0x3  }
0x11f: {  	v44 =	vshrl.u32 v43, $0x4;
	v45 =	vshll.u32 v43, $0x7;
	[tilespmem:$0x16A0] =	vst v0  }
0x120: {  	v2 =	vand.u32 $0x780, v45;
	v0 =	vand.u32 $0xF, v44;
	v1 =	vld.idx.msk [tilespmem:v1+s2+$0x0], $0xffff  }
0x121: {  	v0 =	vor.u32 v0, v2;
	_ =	sdelay $0x3  }
0x122: {  	v46 =	vshrl.u32 v43, $0xC;
	v47 =	vshrl.u32 v43, $0x1;
	[tilespmem:$0x16B0] =	vst v1  }
0x123: {  	v2 =	vand.u32 $0x780, v47;
	v1 =	vand.u32 $0xF, v46;
	v0 =	vld.idx.msk [tilespmem:v0+s2+$0x0], $0xffff  }
0x124: {  	v1 =	vor.u32 v1, v2;
	_ =	sdelay $0x3  }
0x125: {  	v49 =	vshrl.u32 v43, $0x9;
	v48 =	vshrl.u32 v43, $0x14;
	[tilespmem:$0x1700] =	vst v0  }
0x126: {  	v2 =	vand.u32 $0x780, v49;
	v0 =	vand.u32 $0xF, v48;
	v1 =	vld.idx.msk [tilespmem:v1+s2+$0x0], $0xffff  }
0x127: {  	v0 =	vor.u32 v0, v2;
	_ =	sdelay $0x3  }
0x128: {  	v50 =	vshrl.u32 v43, $0x11;
	v52 =	vld [tilespmem:$0x970];
	[tilespmem:$0x1710] =	vst v1  }
0x129: {  	v51 =	vshrl.u32 v43, $0x1C;
	v1 =	vand.u32 $0x780, v50;
	v0 =	vld.idx.msk [tilespmem:v0+s2+$0x0], $0xffff  }
0x12a: {  	v1 =	vor.u32 v51, v1;
	_ =	sdelay $0x3  }
0x12b: {  	v53 =	vshrl.u32 v52, $0x4;
	v54 =	vshll.u32 v52, $0x7;
	[tilespmem:$0x1720] =	vst v0  }
0x12c: {  	v2 =	vand.u32 $0x780, v54;
	v0 =	vand.u32 $0xF, v53;
	v1 =	vld.idx.msk [tilespmem:v1+s2+$0x0], $0xffff  }
0x12d: {  	v0 =	vor.u32 v0, v2;
	_ =	sdelay $0x3  }
0x12e: {  	v55 =	vshrl.u32 v52, $0xC;
	v56 =	vshrl.u32 v52, $0x1;
	[tilespmem:$0x1730] =	vst v1  }
0x12f: {  	v2 =	vand.u32 $0x780, v56;
	v1 =	vand.u32 $0xF, v55;
	v0 =	vld.idx.msk [tilespmem:v0+s2+$0x0], $0xffff  }
0x130: {  	v1 =	vor.u32 v1, v2;
	_ =	sdelay $0x3  }
0x131: {  	v58 =	vshrl.u32 v52, $0x9;
	v57 =	vshrl.u32 v52, $0x14;
	[tilespmem:$0x1780] =	vst v0  }
0x132: {  	v2 =	vand.u32 $0x780, v58;
	v0 =	vand.u32 $0xF, v57;
	v1 =	vld.idx.msk [tilespmem:v1+s2+$0x0], $0xffff  }
0x133: {  	v0 =	vor.u32 v0, v2;
	_ =	sdelay $0x3  }
0x134: {  	v59 =	vshrl.u32 v52, $0x11;
	v61 =	vld [tilespmem:$0x980];
	[tilespmem:$0x1790] =	vst v1  }
0x135: {  	v60 =	vshrl.u32 v52, $0x1C;
	v1 =	vand.u32 $0x780, v59;
	v0 =	vld.idx.msk [tilespmem:v0+s2+$0x0], $0xffff  }
0x136: {  	v1 =	vor.u32 v60, v1;
	_ =	sdelay $0x3  }
0x137: {  	v62 =	vshrl.u32 v61, $0x4;
	v63 =	vshll.u32 v61, $0x7;
	[tilespmem:$0x17A0] =	vst v0  }
0x138: {  	v2 =	vand.u32 $0x780, v63;
	v0 =	vand.u32 $0xF, v62;
	v1 =	vld.idx.msk [tilespmem:v1+s2+$0x0], $0xffff  }
0x139: {  	v0 =	vor.u32 v0, v2;
	_ =	sdelay $0x3  }
0x13a: {  	v4 =	vshrl.u32 v61, $0xC;
	v5 =	vshrl.u32 v61, $0x1;
	[tilespmem:$0x17B0] =	vst v1  }
0x13b: {  	v2 =	vand.u32 $0x780, v5;
	v1 =	vand.u32 $0xF, v4;
	v0 =	vld.idx.msk [tilespmem:v0+s2+$0x0], $0xffff  }
0x13c: {  	v1 =	vor.u32 v1, v2;
	_ =	sdelay $0x3  }
0x13d: {  	v7 =	vshrl.u32 v61, $0x9;
	v6 =	vshrl.u32 v61, $0x14;
	[tilespmem:$0x1800] =	vst v0  }
0x13e: {  	v2 =	vand.u32 $0x780, v7;
	v0 =	vand.u32 $0xF, v6;
	v1 =	vld.idx.msk [tilespmem:v1+s2+$0x0], $0xffff  }
0x13f: {  	v0 =	vor.u32 v0, v2;
	_ =	sdelay $0x3  }
0x140: {  	v8 =	vshrl.u32 v61, $0x11;
	v10 =	vld [tilespmem:$0x990];
	[tilespmem:$0x1810] =	vst v1  }
0x141: {  	v9 =	vshrl.u32 v61, $0x1C;
	v1 =	vand.u32 $0x780, v8;
	v0 =	vld.idx.msk [tilespmem:v0+s2+$0x0], $0xffff  }
0x142: {  	v1 =	vor.u32 v9, v1;
	_ =	sdelay $0x3  }
0x143: {  	v11 =	vshrl.u32 v10, $0x4;
	v12 =	vshll.u32 v10, $0x7;
	[tilespmem:$0x1820] =	vst v0  }
0x144: {  	v2 =	vand.u32 $0x780, v12;
	v0 =	vand.u32 $0xF, v11;
	v1 =	vld.idx.msk [tilespmem:v1+s2+$0x0], $0xffff  }
0x145: {  	v0 =	vor.u32 v0, v2;
	_ =	sdelay $0x3  }
0x146: {  	v13 =	vshrl.u32 v10, $0xC;
	v14 =	vshrl.u32 v10, $0x1;
	[tilespmem:$0x1830] =	vst v1  }
0x147: {  	v2 =	vand.u32 $0x780, v14;
	v1 =	vand.u32 $0xF, v13;
	v0 =	vld.idx.msk [tilespmem:v0+s2+$0x0], $0xffff  }
0x148: {  	v1 =	vor.u32 v1, v2;
	_ =	sdelay $0x3  }
0x149: {  	v16 =	vshrl.u32 v10, $0x9;
	v15 =	vshrl.u32 v10, $0x14;
	[tilespmem:$0x1880] =	vst v0  }
0x14a: {  	v2 =	vand.u32 $0x780, v16;
	v0 =	vand.u32 $0xF, v15;
	v1 =	vld.idx.msk [tilespmem:v1+s2+$0x0], $0xffff  }
0x14b: {  	v0 =	vor.u32 v0, v2;
	_ =	sdelay $0x3  }
0x14c: {  	v17 =	vshrl.u32 v10, $0x11;
	v19 =	vld [tilespmem:$0x9A0];
	[tilespmem:$0x1890] =	vst v1  }
0x14d: {  	v18 =	vshrl.u32 v10, $0x1C;
	v1 =	vand.u32 $0x780, v17;
	v0 =	vld.idx.msk [tilespmem:v0+s2+$0x0], $0xffff  }
0x14e: {  	v1 =	vor.u32 v18, v1;
	_ =	sdelay $0x3  }
0x14f: {  	v20 =	vshrl.u32 v19, $0x4;
	v21 =	vshll.u32 v19, $0x7;
	[tilespmem:$0x18A0] =	vst v0  }
0x150: {  	v2 =	vand.u32 $0x780, v21;
	v0 =	vand.u32 $0xF, v20;
	v1 =	vld.idx.msk [tilespmem:v1+s2+$0x0], $0xffff  }
0x151: {  	v0 =	vor.u32 v0, v2;
	_ =	sdelay $0x3  }
0x152: {  	v22 =	vshrl.u32 v19, $0xC;
	v23 =	vshrl.u32 v19, $0x1;
	[tilespmem:$0x18B0] =	vst v1  }
0x153: {  	v2 =	vand.u32 $0x780, v23;
	v1 =	vand.u32 $0xF, v22;
	v0 =	vld.idx.msk [tilespmem:v0+s2+$0x0], $0xffff  }
0x154: {  	v1 =	vor.u32 v1, v2;
	_ =	sdelay $0x3  }
0x155: {  	v25 =	vshrl.u32 v19, $0x9;
	v24 =	vshrl.u32 v19, $0x14;
	[tilespmem:$0x1900] =	vst v0  }
0x156: {  	v2 =	vand.u32 $0x780, v25;
	v0 =	vand.u32 $0xF, v24;
	v1 =	vld.idx.msk [tilespmem:v1+s2+$0x0], $0xffff  }
0x157: {  	v0 =	vor.u32 v0, v2;
	_ =	sdelay $0x3  }
0x158: {  	v26 =	vshrl.u32 v19, $0x11;
	v28 =	vld [tilespmem:$0x9B0];
	[tilespmem:$0x1910] =	vst v1  }
0x159: {  	v27 =	vshrl.u32 v19, $0x1C;
	v1 =	vand.u32 $0x780, v26;
	v0 =	vld.idx.msk [tilespmem:v0+s2+$0x0], $0xffff  }
0x15a: {  	v1 =	vor.u32 v27, v1;
	_ =	sdelay $0x3  }
0x15b: {  	v29 =	vshrl.u32 v28, $0x4;
	v30 =	vshll.u32 v28, $0x7;
	[tilespmem:$0x1920] =	vst v0  }
0x15c: {  	v2 =	vand.u32 $0x780, v30;
	v0 =	vand.u32 $0xF, v29;
	v1 =	vld.idx.msk [tilespmem:v1+s2+$0x0], $0xffff  }
0x15d: {  	v0 =	vor.u32 v0, v2;
	_ =	sdelay $0x3  }
0x15e: {  	v31 =	vshrl.u32 v28, $0xC;
	v32 =	vshrl.u32 v28, $0x1;
	[tilespmem:$0x1930] =	vst v1  }
0x15f: {  	v2 =	vand.u32 $0x780, v32;
	v1 =	vand.u32 $0xF, v31;
	v0 =	vld.idx.msk [tilespmem:v0+s2+$0x0], $0xffff  }
0x160: {  	v1 =	vor.u32 v1, v2;
	_ =	sdelay $0x3  }
0x161: {  	v34 =	vshrl.u32 v28, $0x9;
	v33 =	vshrl.u32 v28, $0x14;
	[tilespmem:$0x1980] =	vst v0  }
0x162: {  	v2 =	vand.u32 $0x780, v34;
	v0 =	vand.u32 $0xF, v33;
	v1 =	vld.idx.msk [tilespmem:v1+s2+$0x0], $0xffff  }
0x163: {  	v0 =	vor.u32 v0, v2;
	_ =	sdelay $0x3  }
0x164: {  	v35 =	vshrl.u32 v28, $0x11;
	v37 =	vld [tilespmem:$0x9C0];
	[tilespmem:$0x1990] =	vst v1  }
0x165: {  	v36 =	vshrl.u32 v28, $0x1C;
	v1 =	vand.u32 $0x780, v35;
	v0 =	vld.idx.msk [tilespmem:v0+s2+$0x0], $0xffff  }
0x166: {  	v1 =	vor.u32 v36, v1;
	_ =	sdelay $0x3  }
0x167: {  	v38 =	vshrl.u32 v37, $0x4;
	v39 =	vshll.u32 v37, $0x7;
	[tilespmem:$0x19A0] =	vst v0  }
0x168: {  	v2 =	vand.u32 $0x780, v39;
	v0 =	vand.u32 $0xF, v38;
	v1 =	vld.idx.msk [tilespmem:v1+s2+$0x0], $0xffff  }
0x169: {  	v0 =	vor.u32 v0, v2;
	_ =	sdelay $0x3  }
0x16a: {  	v40 =	vshrl.u32 v37, $0xC;
	v41 =	vshrl.u32 v37, $0x1;
	[tilespmem:$0x19B0] =	vst v1  }
0x16b: {  	v2 =	vand.u32 $0x780, v41;
	v1 =	vand.u32 $0xF, v40;
	v0 =	vld.idx.msk [tilespmem:v0+s2+$0x0], $0xffff  }
0x16c: {  	v1 =	vor.u32 v1, v2;
	_ =	sdelay $0x3  }
0x16d: {  	v43 =	vshrl.u32 v37, $0x9;
	v42 =	vshrl.u32 v37, $0x14;
	[tilespmem:$0x1A00] =	vst v0  }
0x16e: {  	v2 =	vand.u32 $0x780, v43;
	v0 =	vand.u32 $0xF, v42;
	v1 =	vld.idx.msk [tilespmem:v1+s2+$0x0], $0xffff  }
0x16f: {  	v0 =	vor.u32 v0, v2;
	_ =	sdelay $0x3  }
0x170: {  	v44 =	vshrl.u32 v37, $0x11;
	v46 =	vld [tilespmem:$0x9D0];
	[tilespmem:$0x1A10] =	vst v1  }
0x171: {  	v45 =	vshrl.u32 v37, $0x1C;
	v1 =	vand.u32 $0x780, v44;
	v0 =	vld.idx.msk [tilespmem:v0+s2+$0x0], $0xffff  }
0x172: {  	v1 =	vor.u32 v45, v1;
	_ =	sdelay $0x3  }
0x173: {  	v47 =	vshrl.u32 v46, $0x4;
	v48 =	vshll.u32 v46, $0x7;
	[tilespmem:$0x1A20] =	vst v0  }
0x174: {  	v2 =	vand.u32 $0x780, v48;
	v0 =	vand.u32 $0xF, v47;
	v1 =	vld.idx.msk [tilespmem:v1+s2+$0x0], $0xffff  }
0x175: {  	v0 =	vor.u32 v0, v2;
	_ =	sdelay $0x3  }
0x176: {  	v49 =	vshrl.u32 v46, $0xC;
	v50 =	vshrl.u32 v46, $0x1;
	[tilespmem:$0x1A30] =	vst v1  }
0x177: {  	v2 =	vand.u32 $0x780, v50;
	v1 =	vand.u32 $0xF, v49;
	v0 =	vld.idx.msk [tilespmem:v0+s2+$0x0], $0xffff  }
0x178: {  	v1 =	vor.u32 v1, v2;
	_ =	sdelay $0x3  }
0x179: {  	v52 =	vshrl.u32 v46, $0x9;
	v51 =	vshrl.u32 v46, $0x14;
	[tilespmem:$0x1A80] =	vst v0  }
0x17a: {  	v2 =	vand.u32 $0x780, v52;
	v0 =	vand.u32 $0xF, v51;
	v1 =	vld.idx.msk [tilespmem:v1+s2+$0x0], $0xffff  }
0x17b: {  	v0 =	vor.u32 v0, v2;
	_ =	sdelay $0x3  }
0x17c: {  	v53 =	vshrl.u32 v46, $0x11;
	v55 =	vld [tilespmem:$0x9E0];
	[tilespmem:$0x1A90] =	vst v1  }
0x17d: {  	v54 =	vshrl.u32 v46, $0x1C;
	v1 =	vand.u32 $0x780, v53;
	v0 =	vld.idx.msk [tilespmem:v0+s2+$0x0], $0xffff  }
0x17e: {  	v1 =	vor.u32 v54, v1;
	_ =	sdelay $0x3  }
0x17f: {  	v56 =	vshrl.u32 v55, $0x4;
	v57 =	vshll.u32 v55, $0x7;
	[tilespmem:$0x1AA0] =	vst v0  }
0x180: {  	v2 =	vand.u32 $0x780, v57;
	v0 =	vand.u32 $0xF, v56;
	v1 =	vld.idx.msk [tilespmem:v1+s2+$0x0], $0xffff  }
0x181: {  	v0 =	vor.u32 v0, v2;
	_ =	sdelay $0x3  }
0x182: {  	v58 =	vshrl.u32 v55, $0xC;
	v59 =	vshrl.u32 v55, $0x1;
	[tilespmem:$0x1AB0] =	vst v1  }
0x183: {  	v2 =	vand.u32 $0x780, v59;
	v1 =	vand.u32 $0xF, v58;
	v0 =	vld.idx.msk [tilespmem:v0+s2+$0x0], $0xffff  }
0x184: {  	v1 =	vor.u32 v1, v2;
	_ =	sdelay $0x3  }
0x185: {  	v61 =	vshrl.u32 v55, $0x9;
	v60 =	vshrl.u32 v55, $0x14;
	[tilespmem:$0x1B00] =	vst v0  }
0x186: {  	v2 =	vand.u32 $0x780, v61;
	v0 =	vand.u32 $0xF, v60;
	v1 =	vld.idx.msk [tilespmem:v1+s2+$0x0], $0xffff  }
0x187: {  	v0 =	vor.u32 v0, v2;
	_ =	sdelay $0x3  }
0x188: {  	v62 =	vshrl.u32 v55, $0x11;
	v6 =	vld [tilespmem:$0x9F0];
	[tilespmem:$0x1B10] =	vst v1  }
0x189: {  	v63 =	vshrl.u32 v55, $0x1C;
	v1 =	vand.u32 $0x780, v62;
	v0 =	vld.idx.msk [tilespmem:v0+s2+$0x0], $0xffff  }
0x18a: {  	v1 =	vor.u32 v63, v1;
	_ =	sdelay $0x3  }
0x18b: {  	v7 =	vshrl.u32 v6, $0x4;
	v8 =	vshll.u32 v6, $0x7;
	[tilespmem:$0x1B20] =	vst v0  }
0x18c: {  	v2 =	vand.u32 $0x780, v8;
	v0 =	vand.u32 $0xF, v7;
	v1 =	vld.idx.msk [tilespmem:v1+s2+$0x0], $0xffff  }
0x18d: {  	v0 =	vor.u32 v0, v2;
	_ =	sdelay $0x3  }
0x18e: {  	v10 =	vshrl.u32 v6, $0x1;
	v9 =	vshrl.u32 v6, $0xC;
	[tilespmem:$0x1B30] =	vst v1  }
0x18f: {  	v2 =	vand.u32 $0x780, v10;
	v1 =	vand.u32 $0xF, v9;
	v0 =	vld.idx.msk [tilespmem:v0+s2+$0x0], $0xffff  }
0x190: {  	v1 =	vor.u32 v1, v2;
	_ =	sdelay $0x3  }
0x191: {  	v12 =	vshrl.u32 v6, $0x9;
	v11 =	vshrl.u32 v6, $0x14;
	[tilespmem:$0x1B80] =	vst v0  }
0x192: {  	v2 =	vand.u32 $0x780, v12;
	v0 =	vand.u32 $0xF, v11;
	v1 =	vld.idx.msk [tilespmem:v1+s2+$0x0], $0xffff  }
0x193: {  	v0 =	vor.u32 v0, v2;
	_ =	sdelay $0x3  }
0x194: {  	v13 =	vshrl.u32 v6, $0x11;
	v15 =	vld [tilespmem:$0xA00];
	[tilespmem:$0x1B90] =	vst v1  }
0x195: {  	v14 =	vshrl.u32 v6, $0x1C;
	v1 =	vand.u32 $0x780, v13;
	v0 =	vld.idx.msk [tilespmem:v0+s2+$0x0], $0xffff  }
0x196: {  	v1 =	vor.u32 v14, v1;
	_ =	sdelay $0x3  }
0x197: {  	v16 =	vshrl.u32 v15, $0x4;
	v17 =	vshll.u32 v15, $0x7;
	[tilespmem:$0x1BA0] =	vst v0  }
0x198: {  	v2 =	vand.u32 $0x780, v17;
	v0 =	vand.u32 $0xF, v16;
	v1 =	vld.idx.msk [tilespmem:v1+s2+$0x0], $0xffff  }
0x199: {  	v0 =	vor.u32 v0, v2;
	_ =	sdelay $0x3  }
0x19a: {  	v19 =	vshrl.u32 v15, $0x1;
	v18 =	vshrl.u32 v15, $0xC;
	[tilespmem:$0x1BB0] =	vst v1  }
0x19b: {  	v2 =	vand.u32 $0x780, v19;
	v1 =	vand.u32 $0xF, v18;
	v0 =	vld.idx.msk [tilespmem:v0+s2+$0x0], $0xffff  }
0x19c: {  	v1 =	vor.u32 v1, v2;
	_ =	sdelay $0x3  }
0x19d: {  	v21 =	vshrl.u32 v15, $0x9;
	v20 =	vshrl.u32 v15, $0x14;
	[tilespmem:$0x1C00] =	vst v0  }
0x19e: {  	v2 =	vand.u32 $0x780, v21;
	v0 =	vand.u32 $0xF, v20;
	v1 =	vld.idx.msk [tilespmem:v1+s2+$0x0], $0xffff  }
0x19f: {  	v0 =	vor.u32 v0, v2;
	_ =	sdelay $0x3  }
0x1a0: {  	v22 =	vshrl.u32 v15, $0x11;
	v24 =	vld [tilespmem:$0xA10];
	[tilespmem:$0x1C10] =	vst v1  }
0x1a1: {  	v23 =	vshrl.u32 v15, $0x1C;
	v1 =	vand.u32 $0x780, v22;
	v0 =	vld.idx.msk [tilespmem:v0+s2+$0x0], $0xffff  }
0x1a2: {  	v1 =	vor.u32 v23, v1;
	_ =	sdelay $0x3  }
0x1a3: {  	v25 =	vshrl.u32 v24, $0x4;
	v26 =	vshll.u32 v24, $0x7;
	[tilespmem:$0x1C20] =	vst v0  }
0x1a4: {  	v2 =	vand.u32 $0x780, v26;
	v0 =	vand.u32 $0xF, v25;
	v1 =	vld.idx.msk [tilespmem:v1+s2+$0x0], $0xffff  }
0x1a5: {  	v0 =	vor.u32 v0, v2;
	_ =	sdelay $0x3  }
0x1a6: {  	v28 =	vshrl.u32 v24, $0x1;
	v27 =	vshrl.u32 v24, $0xC;
	[tilespmem:$0x1C30] =	vst v1  }
0x1a7: {  	v2 =	vand.u32 $0x780, v28;
	v1 =	vand.u32 $0xF, v27;
	v0 =	vld.idx.msk [tilespmem:v0+s2+$0x0], $0xffff  }
0x1a8: {  	v1 =	vor.u32 v1, v2;
	_ =	sdelay $0x3  }
0x1a9: {  	v30 =	vshrl.u32 v24, $0x9;
	v29 =	vshrl.u32 v24, $0x14;
	[tilespmem:$0x1C80] =	vst v0  }
0x1aa: {  	v2 =	vand.u32 $0x780, v30;
	v0 =	vand.u32 $0xF, v29;
	v1 =	vld.idx.msk [tilespmem:v1+s2+$0x0], $0xffff  }
0x1ab: {  	v0 =	vor.u32 v0, v2;
	_ =	sdelay $0x3  }
0x1ac: {  	v31 =	vshrl.u32 v24, $0x11;
	v33 =	vld [tilespmem:$0xA20];
	[tilespmem:$0x1C90] =	vst v1  }
0x1ad: {  	v32 =	vshrl.u32 v24, $0x1C;
	v1 =	vand.u32 $0x780, v31;
	v0 =	vld.idx.msk [tilespmem:v0+s2+$0x0], $0xffff  }
0x1ae: {  	v1 =	vor.u32 v32, v1;
	_ =	sdelay $0x3  }
0x1af: {  	v34 =	vshrl.u32 v33, $0x4;
	v35 =	vshll.u32 v33, $0x7;
	[tilespmem:$0x1CA0] =	vst v0  }
0x1b0: {  	v2 =	vand.u32 $0x780, v35;
	v0 =	vand.u32 $0xF, v34;
	v1 =	vld.idx.msk [tilespmem:v1+s2+$0x0], $0xffff  }
0x1b1: {  	v0 =	vor.u32 v0, v2;
	_ =	sdelay $0x3  }
0x1b2: {  	v37 =	vshrl.u32 v33, $0x1;
	v36 =	vshrl.u32 v33, $0xC;
	[tilespmem:$0x1CB0] =	vst v1  }
0x1b3: {  	v2 =	vand.u32 $0x780, v37;
	v1 =	vand.u32 $0xF, v36;
	v0 =	vld.idx.msk [tilespmem:v0+s2+$0x0], $0xffff  }
0x1b4: {  	v1 =	vor.u32 v1, v2;
	_ =	sdelay $0x3  }
0x1b5: {  	v39 =	vshrl.u32 v33, $0x9;
	v38 =	vshrl.u32 v33, $0x14;
	[tilespmem:$0x1D00] =	vst v0  }
0x1b6: {  	v2 =	vand.u32 $0x780, v39;
	v0 =	vand.u32 $0xF, v38;
	v1 =	vld.idx.msk [tilespmem:v1+s2+$0x0], $0xffff  }
0x1b7: {  	v0 =	vor.u32 v0, v2;
	_ =	sdelay $0x3  }
0x1b8: {  	v40 =	vshrl.u32 v33, $0x11;
	v42 =	vld [tilespmem:$0xA30];
	[tilespmem:$0x1D10] =	vst v1  }
0x1b9: {  	v41 =	vshrl.u32 v33, $0x1C;
	v1 =	vand.u32 $0x780, v40;
	v0 =	vld.idx.msk [tilespmem:v0+s2+$0x0], $0xffff  }
0x1ba: {  	v1 =	vor.u32 v41, v1;
	_ =	sdelay $0x3  }
0x1bb: {  	v43 =	vshrl.u32 v42, $0x4;
	v44 =	vshll.u32 v42, $0x7;
	[tilespmem:$0x1D20] =	vst v0  }
0x1bc: {  	v2 =	vand.u32 $0x780, v44;
	v0 =	vand.u32 $0xF, v43;
	v1 =	vld.idx.msk [tilespmem:v1+s2+$0x0], $0xffff  }
0x1bd: {  	v0 =	vor.u32 v0, v2;
	_ =	sdelay $0x3  }
0x1be: {  	v46 =	vshrl.u32 v42, $0x1;
	v45 =	vshrl.u32 v42, $0xC;
	[tilespmem:$0x1D30] =	vst v1  }
0x1bf: {  	v2 =	vand.u32 $0x780, v46;
	v1 =	vand.u32 $0xF, v45;
	v0 =	vld.idx.msk [tilespmem:v0+s2+$0x0], $0xffff  }
0x1c0: {  	v1 =	vor.u32 v1, v2;
	_ =	sdelay $0x3  }
0x1c1: {  	v48 =	vshrl.u32 v42, $0x9;
	v47 =	vshrl.u32 v42, $0x14;
	[tilespmem:$0x1D80] =	vst v0  }
0x1c2: {  	v2 =	vand.u32 $0x780, v48;
	v0 =	vand.u32 $0xF, v47;
	v1 =	vld.idx.msk [tilespmem:v1+s2+$0x0], $0xffff  }
0x1c3: {  	v0 =	vor.u32 v0, v2;
	_ =	sdelay $0x3  }
0x1c4: {  	v49 =	vshrl.u32 v42, $0x11;
	v51 =	vld [tilespmem:$0xA40];
	[tilespmem:$0x1D90] =	vst v1  }
0x1c5: {  	v50 =	vshrl.u32 v42, $0x1C;
	v1 =	vand.u32 $0x780, v49;
	v0 =	vld.idx.msk [tilespmem:v0+s2+$0x0], $0xffff  }
0x1c6: {  	v1 =	vor.u32 v50, v1;
	_ =	sdelay $0x3  }
0x1c7: {  	v52 =	vshrl.u32 v51, $0x4;
	v53 =	vshll.u32 v51, $0x7;
	[tilespmem:$0x1DA0] =	vst v0  }
0x1c8: {  	v2 =	vand.u32 $0x780, v53;
	v0 =	vand.u32 $0xF, v52;
	v1 =	vld.idx.msk [tilespmem:v1+s2+$0x0], $0xffff  }
0x1c9: {  	v0 =	vor.u32 v0, v2;
	_ =	sdelay $0x3  }
0x1ca: {  	v55 =	vshrl.u32 v51, $0x1;
	v54 =	vshrl.u32 v51, $0xC;
	[tilespmem:$0x1DB0] =	vst v1  }
0x1cb: {  	v2 =	vand.u32 $0x780, v55;
	v1 =	vand.u32 $0xF, v54;
	v0 =	vld.idx.msk [tilespmem:v0+s2+$0x0], $0xffff  }
0x1cc: {  	v1 =	vor.u32 v1, v2;
	_ =	sdelay $0x3  }
0x1cd: {  	v57 =	vshrl.u32 v51, $0x9;
	v56 =	vshrl.u32 v51, $0x14;
	[tilespmem:$0x1E00] =	vst v0  }
0x1ce: {  	v2 =	vand.u32 $0x780, v57;
	v0 =	vand.u32 $0xF, v56;
	v1 =	vld.idx.msk [tilespmem:v1+s2+$0x0], $0xffff  }
0x1cf: {  	v0 =	vor.u32 v0, v2;
	_ =	sdelay $0x3  }
0x1d0: {  	v58 =	vshrl.u32 v51, $0x11;
	v60 =	vld [tilespmem:$0xA50];
	[tilespmem:$0x1E10] =	vst v1  }
0x1d1: {  	v59 =	vshrl.u32 v51, $0x1C;
	v1 =	vand.u32 $0x780, v58;
	v0 =	vld.idx.msk [tilespmem:v0+s2+$0x0], $0xffff  }
0x1d2: {  	v1 =	vor.u32 v59, v1;
	_ =	sdelay $0x3  }
0x1d3: {  	v61 =	vshrl.u32 v60, $0x4;
	v62 =	vshll.u32 v60, $0x7;
	[tilespmem:$0x1E20] =	vst v0  }
0x1d4: {  	v2 =	vand.u32 $0x780, v62;
	v0 =	vand.u32 $0xF, v61;
	v1 =	vld.idx.msk [tilespmem:v1+s2+$0x0], $0xffff  }
0x1d5: {  	v0 =	vor.u32 v0, v2;
	_ =	sdelay $0x3  }
0x1d6: {  	v4 =	vshrl.u32 v60, $0x1;
	v63 =	vshrl.u32 v60, $0xC;
	[tilespmem:$0x1E30] =	vst v1  }
0x1d7: {  	v2 =	vand.u32 $0x780, v4;
	v1 =	vand.u32 $0xF, v63;
	v0 =	vld.idx.msk [tilespmem:v0+s2+$0x0], $0xffff  }
0x1d8: {  	v1 =	vor.u32 v1, v2;
	_ =	sdelay $0x3  }
0x1d9: {  	v5 =	vshrl.u32 v60, $0x14;
	v6 =	vshrl.u32 v60, $0x9;
	[tilespmem:$0x1E80] =	vst v0  }
0x1da: {  	v2 =	vand.u32 $0x780, v6;
	v0 =	vand.u32 $0xF, v5;
	v1 =	vld.idx.msk [tilespmem:v1+s2+$0x0], $0xffff  }
0x1db: {  	v0 =	vor.u32 v0, v2;
	_ =	sdelay $0x3  }
0x1dc: {  	v7 =	vshrl.u32 v60, $0x11;
	v9 =	vld [tilespmem:$0xA60];
	[tilespmem:$0x1E90] =	vst v1  }
0x1dd: {  	v8 =	vshrl.u32 v60, $0x1C;
	v1 =	vand.u32 $0x780, v7;
	v0 =	vld.idx.msk [tilespmem:v0+s2+$0x0], $0xffff  }
0x1de: {  	v1 =	vor.u32 v8, v1;
	_ =	sdelay $0x3  }
0x1df: {  	v10 =	vshrl.u32 v9, $0x4;
	v11 =	vshll.u32 v9, $0x7;
	[tilespmem:$0x1EA0] =	vst v0  }
0x1e0: {  	v2 =	vand.u32 $0x780, v11;
	v0 =	vand.u32 $0xF, v10;
	v1 =	vld.idx.msk [tilespmem:v1+s2+$0x0], $0xffff  }
0x1e1: {  	v0 =	vor.u32 v0, v2;
	_ =	sdelay $0x3  }
0x1e2: {  	v12 =	vshrl.u32 v9, $0xC;
	v13 =	vshrl.u32 v9, $0x1;
	[tilespmem:$0x1EB0] =	vst v1  }
0x1e3: {  	v2 =	vand.u32 $0x780, v13;
	v1 =	vand.u32 $0xF, v12;
	v0 =	vld.idx.msk [tilespmem:v0+s2+$0x0], $0xffff  }
0x1e4: {  	v1 =	vor.u32 v1, v2;
	_ =	sdelay $0x3  }
0x1e5: {  	v15 =	vshrl.u32 v9, $0x9;
	v14 =	vshrl.u32 v9, $0x14;
	[tilespmem:$0x1F00] =	vst v0  }
0x1e6: {  	v2 =	vand.u32 $0x780, v15;
	v0 =	vand.u32 $0xF, v14;
	v1 =	vld.idx.msk [tilespmem:v1+s2+$0x0], $0xffff  }
0x1e7: {  	v0 =	vor.u32 v0, v2;
	_ =	sdelay $0x3  }
0x1e8: {  	v16 =	vshrl.u32 v9, $0x11;
	v18 =	vld [tilespmem:$0xA70];
	[tilespmem:$0x1F10] =	vst v1  }
0x1e9: {  	v17 =	vshrl.u32 v9, $0x1C;
	v1 =	vand.u32 $0x780, v16;
	v0 =	vld.idx.msk [tilespmem:v0+s2+$0x0], $0xffff  }
0x1ea: {  	v1 =	vor.u32 v17, v1;
	_ =	sdelay $0x3  }
0x1eb: {  	v19 =	vshrl.u32 v18, $0x4;
	v20 =	vshll.u32 v18, $0x7;
	[tilespmem:$0x1F20] =	vst v0  }
0x1ec: {  	v2 =	vand.u32 $0x780, v20;
	v0 =	vand.u32 $0xF, v19;
	v1 =	vld.idx.msk [tilespmem:v1+s2+$0x0], $0xffff  }
0x1ed: {  	v0 =	vor.u32 v0, v2;
	_ =	sdelay $0x3  }
0x1ee: {  	v21 =	vshrl.u32 v18, $0xC;
	v22 =	vshrl.u32 v18, $0x1;
	[tilespmem:$0x1F30] =	vst v1  }
0x1ef: {  	v2 =	vand.u32 $0x780, v22;
	v1 =	vand.u32 $0xF, v21;
	v0 =	vld.idx.msk [tilespmem:v0+s2+$0x0], $0xffff  }
0x1f0: {  	v1 =	vor.u32 v1, v2;
	_ =	sdelay $0x3  }
0x1f1: {  	v24 =	vshrl.u32 v18, $0x9;
	v23 =	vshrl.u32 v18, $0x14;
	[tilespmem:$0x1F80] =	vst v0  }
0x1f2: {  	v2 =	vand.u32 $0x780, v24;
	v0 =	vand.u32 $0xF, v23;
	v1 =	vld.idx.msk [tilespmem:v1+s2+$0x0], $0xffff  }
0x1f3: {  	v0 =	vor.u32 v0, v2;
	_ =	sdelay $0x3  }
0x1f4: {  	v25 =	vshrl.u32 v18, $0x11;
	v27 =	vld [tilespmem:$0xA80];
	[tilespmem:$0x1F90] =	vst v1  }
0x1f5: {  	v26 =	vshrl.u32 v18, $0x1C;
	v1 =	vand.u32 $0x780, v25;
	v0 =	vld.idx.msk [tilespmem:v0+s2+$0x0], $0xffff  }
0x1f6: {  	v1 =	vor.u32 v26, v1;
	_ =	sdelay $0x3  }
0x1f7: {  	v28 =	vshrl.u32 v27, $0x4;
	v29 =	vshll.u32 v27, $0x7;
	[tilespmem:$0x1FA0] =	vst v0  }
0x1f8: {  	v2 =	vand.u32 $0x780, v29;
	v0 =	vand.u32 $0xF, v28;
	v1 =	vld.idx.msk [tilespmem:v1+s2+$0x0], $0xffff  }
0x1f9: {  	v0 =	vor.u32 v0, v2;
	_ =	sdelay $0x3  }
0x1fa: {  	v30 =	vshrl.u32 v27, $0xC;
	v31 =	vshrl.u32 v27, $0x1;
	[tilespmem:$0x1FB0] =	vst v1  }
0x1fb: {  	v2 =	vand.u32 $0x780, v31;
	v1 =	vand.u32 $0xF, v30;
	v0 =	vld.idx.msk [tilespmem:v0+s2+$0x0], $0xffff  }
0x1fc: {  	v1 =	vor.u32 v1, v2;
	_ =	sdelay $0x3  }
0x1fd: {  	v33 =	vshrl.u32 v27, $0x9;
	v32 =	vshrl.u32 v27, $0x14;
	[tilespmem:$0x2000] =	vst v0  }
0x1fe: {  	v2 =	vand.u32 $0x780, v33;
	v0 =	vand.u32 $0xF, v32;
	v1 =	vld.idx.msk [tilespmem:v1+s2+$0x0], $0xffff  }
0x1ff: {  	v0 =	vor.u32 v0, v2;
	_ =	sdelay $0x3  }
0x200: {  	v34 =	vshrl.u32 v27, $0x11;
	v36 =	vld [tilespmem:$0xA90];
	[tilespmem:$0x2010] =	vst v1  }
0x201: {  	v35 =	vshrl.u32 v27, $0x1C;
	v1 =	vand.u32 $0x780, v34;
	v0 =	vld.idx.msk [tilespmem:v0+s2+$0x0], $0xffff  }
0x202: {  	v1 =	vor.u32 v35, v1;
	_ =	sdelay $0x3  }
0x203: {  	v37 =	vshrl.u32 v36, $0x4;
	v38 =	vshll.u32 v36, $0x7;
	[tilespmem:$0x2020] =	vst v0  }
0x204: {  	v2 =	vand.u32 $0x780, v38;
	v0 =	vand.u32 $0xF, v37;
	v1 =	vld.idx.msk [tilespmem:v1+s2+$0x0], $0xffff  }
0x205: {  	v0 =	vor.u32 v0, v2;
	_ =	sdelay $0x3  }
0x206: {  	v39 =	vshrl.u32 v36, $0xC;
	v40 =	vshrl.u32 v36, $0x1;
	[tilespmem:$0x2030] =	vst v1  }
0x207: {  	v2 =	vand.u32 $0x780, v40;
	v1 =	vand.u32 $0xF, v39;
	v0 =	vld.idx.msk [tilespmem:v0+s2+$0x0], $0xffff  }
0x208: {  	v1 =	vor.u32 v1, v2;
	_ =	sdelay $0x3  }
0x209: {  	v42 =	vshrl.u32 v36, $0x9;
	v41 =	vshrl.u32 v36, $0x14;
	[tilespmem:$0x2080] =	vst v0  }
0x20a: {  	v2 =	vand.u32 $0x780, v42;
	v0 =	vand.u32 $0xF, v41;
	v1 =	vld.idx.msk [tilespmem:v1+s2+$0x0], $0xffff  }
0x20b: {  	v0 =	vor.u32 v0, v2;
	_ =	sdelay $0x3  }
0x20c: {  	v43 =	vshrl.u32 v36, $0x11;
	v45 =	vld [tilespmem:$0xAA0];
	[tilespmem:$0x2090] =	vst v1  }
0x20d: {  	v44 =	vshrl.u32 v36, $0x1C;
	v1 =	vand.u32 $0x780, v43;
	v0 =	vld.idx.msk [tilespmem:v0+s2+$0x0], $0xffff  }
0x20e: {  	v1 =	vor.u32 v44, v1;
	_ =	sdelay $0x3  }
0x20f: {  	v46 =	vshrl.u32 v45, $0x4;
	v47 =	vshll.u32 v45, $0x7;
	[tilespmem:$0x20A0] =	vst v0  }
0x210: {  	v2 =	vand.u32 $0x780, v47;
	v0 =	vand.u32 $0xF, v46;
	v1 =	vld.idx.msk [tilespmem:v1+s2+$0x0], $0xffff  }
0x211: {  	v0 =	vor.u32 v0, v2;
	_ =	sdelay $0x3  }
0x212: {  	v48 =	vshrl.u32 v45, $0xC;
	v49 =	vshrl.u32 v45, $0x1;
	[tilespmem:$0x20B0] =	vst v1  }
0x213: {  	v2 =	vand.u32 $0x780, v49;
	v1 =	vand.u32 $0xF, v48;
	v0 =	vld.idx.msk [tilespmem:v0+s2+$0x0], $0xffff  }
0x214: {  	v1 =	vor.u32 v1, v2;
	_ =	sdelay $0x3  }
0x215: {  	v51 =	vshrl.u32 v45, $0x9;
	v50 =	vshrl.u32 v45, $0x14;
	[tilespmem:$0x2100] =	vst v0  }
0x216: {  	v2 =	vand.u32 $0x780, v51;
	v0 =	vand.u32 $0xF, v50;
	v1 =	vld.idx.msk [tilespmem:v1+s2+$0x0], $0xffff  }
0x217: {  	v0 =	vor.u32 v0, v2;
	_ =	sdelay $0x3  }
0x218: {  	v52 =	vshrl.u32 v45, $0x11;
	v54 =	vld [tilespmem:$0xAB0];
	[tilespmem:$0x2110] =	vst v1  }
0x219: {  	v53 =	vshrl.u32 v45, $0x1C;
	v1 =	vand.u32 $0x780, v52;
	v0 =	vld.idx.msk [tilespmem:v0+s2+$0x0], $0xffff  }
0x21a: {  	v1 =	vor.u32 v53, v1;
	_ =	sdelay $0x3  }
0x21b: {  	v55 =	vshrl.u32 v54, $0x4;
	v56 =	vshll.u32 v54, $0x7;
	[tilespmem:$0x2120] =	vst v0  }
0x21c: {  	v2 =	vand.u32 $0x780, v56;
	v0 =	vand.u32 $0xF, v55;
	v1 =	vld.idx.msk [tilespmem:v1+s2+$0x0], $0xffff  }
0x21d: {  	v0 =	vor.u32 v0, v2;
	_ =	sdelay $0x3  }
0x21e: {  	v57 =	vshrl.u32 v54, $0xC;
	v58 =	vshrl.u32 v54, $0x1;
	[tilespmem:$0x2130] =	vst v1  }
0x21f: {  	v2 =	vand.u32 $0x780, v58;
	v1 =	vand.u32 $0xF, v57;
	v0 =	vld.idx.msk [tilespmem:v0+s2+$0x0], $0xffff  }
0x220: {  	v1 =	vor.u32 v1, v2;
	_ =	sdelay $0x3  }
0x221: {  	v60 =	vshrl.u32 v54, $0x9;
	v59 =	vshrl.u32 v54, $0x14;
	[tilespmem:$0x2180] =	vst v0  }
0x222: {  	v2 =	vand.u32 $0x780, v60;
	v0 =	vand.u32 $0xF, v59;
	v1 =	vld.idx.msk [tilespmem:v1+s2+$0x0], $0xffff  }
0x223: {  	v0 =	vor.u32 v0, v2;
	_ =	sdelay $0x3  }
0x224: {  	v61 =	vshrl.u32 v54, $0x11;
	v63 =	vld [tilespmem:$0xAC0];
	[tilespmem:$0x2190] =	vst v1  }
0x225: {  	v62 =	vshrl.u32 v54, $0x1C;
	v1 =	vand.u32 $0x780, v61;
	v0 =	vld.idx.msk [tilespmem:v0+s2+$0x0], $0xffff  }
0x226: {  	v1 =	vor.u32 v62, v1;
	_ =	sdelay $0x3  }
0x227: {  	v6 =	vshll.u32 v63, $0x7;
	v5 =	vshrl.u32 v63, $0x4;
	[tilespmem:$0x21A0] =	vst v0  }
0x228: {  	v2 =	vand.u32 $0x780, v6;
	v0 =	vand.u32 $0xF, v5;
	v1 =	vld.idx.msk [tilespmem:v1+s2+$0x0], $0xffff  }
0x229: {  	v0 =	vor.u32 v0, v2;
	_ =	sdelay $0x3  }
0x22a: {  	v7 =	vshrl.u32 v63, $0xC;
	v8 =	vshrl.u32 v63, $0x1;
	[tilespmem:$0x21B0] =	vst v1  }
0x22b: {  	v2 =	vand.u32 $0x780, v8;
	v1 =	vand.u32 $0xF, v7;
	v0 =	vld.idx.msk [tilespmem:v0+s2+$0x0], $0xffff  }
0x22c: {  	v1 =	vor.u32 v1, v2;
	_ =	sdelay $0x3  }
0x22d: {  	v9 =	vshrl.u32 v63, $0x14;
	v10 =	vshrl.u32 v63, $0x9;
	[tilespmem:$0x2200] =	vst v0  }
0x22e: {  	v2 =	vand.u32 $0x780, v10;
	v0 =	vand.u32 $0xF, v9;
	v1 =	vld.idx.msk [tilespmem:v1+s2+$0x0], $0xffff  }
0x22f: {  	v0 =	vor.u32 v0, v2;
	_ =	sdelay $0x3  }
0x230: {  	v11 =	vshrl.u32 v63, $0x11;
	v13 =	vld [tilespmem:$0xAD0];
	[tilespmem:$0x2210] =	vst v1  }
0x231: {  	v12 =	vshrl.u32 v63, $0x1C;
	v1 =	vand.u32 $0x780, v11;
	v0 =	vld.idx.msk [tilespmem:v0+s2+$0x0], $0xffff  }
0x232: {  	v1 =	vor.u32 v12, v1;
	_ =	sdelay $0x3  }
0x233: {  	v15 =	vshll.u32 v13, $0x7;
	v14 =	vshrl.u32 v13, $0x4;
	[tilespmem:$0x2220] =	vst v0  }
0x234: {  	v2 =	vand.u32 $0x780, v15;
	v0 =	vand.u32 $0xF, v14;
	v1 =	vld.idx.msk [tilespmem:v1+s2+$0x0], $0xffff  }
0x235: {  	v0 =	vor.u32 v0, v2;
	_ =	sdelay $0x3  }
0x236: {  	v16 =	vshrl.u32 v13, $0xC;
	v17 =	vshrl.u32 v13, $0x1;
	[tilespmem:$0x2230] =	vst v1  }
0x237: {  	v2 =	vand.u32 $0x780, v17;
	v1 =	vand.u32 $0xF, v16;
	v0 =	vld.idx.msk [tilespmem:v0+s2+$0x0], $0xffff  }
0x238: {  	v1 =	vor.u32 v1, v2;
	_ =	sdelay $0x3  }
0x239: {  	v18 =	vshrl.u32 v13, $0x14;
	v19 =	vshrl.u32 v13, $0x9;
	[tilespmem:$0x2280] =	vst v0  }
0x23a: {  	v2 =	vand.u32 $0x780, v19;
	v0 =	vand.u32 $0xF, v18;
	v1 =	vld.idx.msk [tilespmem:v1+s2+$0x0], $0xffff  }
0x23b: {  	v0 =	vor.u32 v0, v2;
	_ =	sdelay $0x3  }
0x23c: {  	v20 =	vshrl.u32 v13, $0x11;
	v22 =	vld [tilespmem:$0xAE0];
	[tilespmem:$0x2290] =	vst v1  }
0x23d: {  	v21 =	vshrl.u32 v13, $0x1C;
	v1 =	vand.u32 $0x780, v20;
	v0 =	vld.idx.msk [tilespmem:v0+s2+$0x0], $0xffff  }
0x23e: {  	v1 =	vor.u32 v21, v1;
	_ =	sdelay $0x3  }
0x23f: {  	v24 =	vshll.u32 v22, $0x7;
	v23 =	vshrl.u32 v22, $0x4;
	[tilespmem:$0x22A0] =	vst v0  }
0x240: {  	v2 =	vand.u32 $0x780, v24;
	v0 =	vand.u32 $0xF, v23;
	v1 =	vld.idx.msk [tilespmem:v1+s2+$0x0], $0xffff  }
0x241: {  	v0 =	vor.u32 v0, v2;
	_ =	sdelay $0x3  }
0x242: {  	v25 =	vshrl.u32 v22, $0xC;
	v26 =	vshrl.u32 v22, $0x1;
	[tilespmem:$0x22B0] =	vst v1  }
0x243: {  	v2 =	vand.u32 $0x780, v26;
	v1 =	vand.u32 $0xF, v25;
	v0 =	vld.idx.msk [tilespmem:v0+s2+$0x0], $0xffff  }
0x244: {  	v1 =	vor.u32 v1, v2;
	_ =	sdelay $0x3  }
0x245: {  	v27 =	vshrl.u32 v22, $0x14;
	v28 =	vshrl.u32 v22, $0x9;
	[tilespmem:$0x2300] =	vst v0  }
0x246: {  	v2 =	vand.u32 $0x780, v28;
	v0 =	vand.u32 $0xF, v27;
	v1 =	vld.idx.msk [tilespmem:v1+s2+$0x0], $0xffff  }
0x247: {  	v0 =	vor.u32 v0, v2;
	_ =	sdelay $0x3  }
0x248: {  	v29 =	vshrl.u32 v22, $0x11;
	v31 =	vld [tilespmem:$0xAF0];
	[tilespmem:$0x2310] =	vst v1  }
0x249: {  	v30 =	vshrl.u32 v22, $0x1C;
	v1 =	vand.u32 $0x780, v29;
	v0 =	vld.idx.msk [tilespmem:v0+s2+$0x0], $0xffff  }
0x24a: {  	v1 =	vor.u32 v30, v1;
	_ =	sdelay $0x3  }
0x24b: {  	v33 =	vshll.u32 v31, $0x7;
	v32 =	vshrl.u32 v31, $0x4;
	[tilespmem:$0x2320] =	vst v0  }
0x24c: {  	v2 =	vand.u32 $0x780, v33;
	v0 =	vand.u32 $0xF, v32;
	v1 =	vld.idx.msk [tilespmem:v1+s2+$0x0], $0xffff  }
0x24d: {  	v0 =	vor.u32 v0, v2;
	_ =	sdelay $0x3  }
0x24e: {  	v34 =	vshrl.u32 v31, $0xC;
	v35 =	vshrl.u32 v31, $0x1;
	[tilespmem:$0x2330] =	vst v1  }
0x24f: {  	v2 =	vand.u32 $0x780, v35;
	v1 =	vand.u32 $0xF, v34;
	v0 =	vld.idx.msk [tilespmem:v0+s2+$0x0], $0xffff  }
0x250: {  	v1 =	vor.u32 v1, v2;
	_ =	sdelay $0x3  }
0x251: {  	v36 =	vshrl.u32 v31, $0x14;
	v37 =	vshrl.u32 v31, $0x9;
	[tilespmem:$0x2380] =	vst v0  }
0x252: {  	v2 =	vand.u32 $0x780, v37;
	v0 =	vand.u32 $0xF, v36;
	v1 =	vld.idx.msk [tilespmem:v1+s2+$0x0], $0xffff  }
0x253: {  	v0 =	vor.u32 v0, v2;
	_ =	sdelay $0x3  }
0x254: {  	v38 =	vshrl.u32 v31, $0x11;
	v40 =	vld [tilespmem:$0xB00];
	[tilespmem:$0x2390] =	vst v1  }
0x255: {  	v39 =	vshrl.u32 v31, $0x1C;
	v1 =	vand.u32 $0x780, v38;
	v0 =	vld.idx.msk [tilespmem:v0+s2+$0x0], $0xffff  }
0x256: {  	v1 =	vor.u32 v39, v1;
	_ =	sdelay $0x3  }
0x257: {  	v42 =	vshll.u32 v40, $0x7;
	v41 =	vshrl.u32 v40, $0x4;
	[tilespmem:$0x23A0] =	vst v0  }
0x258: {  	v2 =	vand.u32 $0x780, v42;
	v0 =	vand.u32 $0xF, v41;
	v1 =	vld.idx.msk [tilespmem:v1+s2+$0x0], $0xffff  }
0x259: {  	v0 =	vor.u32 v0, v2;
	_ =	sdelay $0x3  }
0x25a: {  	v43 =	vshrl.u32 v40, $0xC;
	v44 =	vshrl.u32 v40, $0x1;
	[tilespmem:$0x23B0] =	vst v1  }
0x25b: {  	v2 =	vand.u32 $0x780, v44;
	v1 =	vand.u32 $0xF, v43;
	v0 =	vld.idx.msk [tilespmem:v0+s2+$0x0], $0xffff  }
0x25c: {  	v1 =	vor.u32 v1, v2;
	_ =	sdelay $0x3  }
0x25d: {  	v45 =	vshrl.u32 v40, $0x14;
	v46 =	vshrl.u32 v40, $0x9;
	[tilespmem:$0x2400] =	vst v0  }
0x25e: {  	v2 =	vand.u32 $0x780, v46;
	v0 =	vand.u32 $0xF, v45;
	v1 =	vld.idx.msk [tilespmem:v1+s2+$0x0], $0xffff  }
0x25f: {  	v0 =	vor.u32 v0, v2;
	_ =	sdelay $0x3  }
0x260: {  	v47 =	vshrl.u32 v40, $0x11;
	v49 =	vld [tilespmem:$0xB10];
	[tilespmem:$0x2410] =	vst v1  }
0x261: {  	v48 =	vshrl.u32 v40, $0x1C;
	v1 =	vand.u32 $0x780, v47;
	v0 =	vld.idx.msk [tilespmem:v0+s2+$0x0], $0xffff  }
0x262: {  	v1 =	vor.u32 v48, v1;
	_ =	sdelay $0x3  }
0x263: {  	v51 =	vshll.u32 v49, $0x7;
	v50 =	vshrl.u32 v49, $0x4;
	[tilespmem:$0x2420] =	vst v0  }
0x264: {  	v2 =	vand.u32 $0x780, v51;
	v0 =	vand.u32 $0xF, v50;
	v1 =	vld.idx.msk [tilespmem:v1+s2+$0x0], $0xffff  }
0x265: {  	v0 =	vor.u32 v0, v2;
	_ =	sdelay $0x3  }
0x266: {  	v52 =	vshrl.u32 v49, $0xC;
	v53 =	vshrl.u32 v49, $0x1;
	[tilespmem:$0x2430] =	vst v1  }
0x267: {  	v2 =	vand.u32 $0x780, v53;
	v1 =	vand.u32 $0xF, v52;
	v0 =	vld.idx.msk [tilespmem:v0+s2+$0x0], $0xffff  }
0x268: {  	v1 =	vor.u32 v1, v2;
	_ =	sdelay $0x3  }
0x269: {  	v54 =	vshrl.u32 v49, $0x14;
	v55 =	vshrl.u32 v49, $0x9;
	[tilespmem:$0x2480] =	vst v0  }
0x26a: {  	v2 =	vand.u32 $0x780, v55;
	v0 =	vand.u32 $0xF, v54;
	v1 =	vld.idx.msk [tilespmem:v1+s2+$0x0], $0xffff  }
0x26b: {  	v0 =	vor.u32 v0, v2;
	_ =	sdelay $0x3  }
0x26c: {  	v56 =	vshrl.u32 v49, $0x11;
	v58 =	vld [tilespmem:$0xB20];
	[tilespmem:$0x2490] =	vst v1  }
0x26d: {  	v57 =	vshrl.u32 v49, $0x1C;
	v1 =	vand.u32 $0x780, v56;
	v0 =	vld.idx.msk [tilespmem:v0+s2+$0x0], $0xffff  }
0x26e: {  	v1 =	vor.u32 v57, v1;
	_ =	sdelay $0x3  }
0x26f: {  	v60 =	vshll.u32 v58, $0x7;
	v59 =	vshrl.u32 v58, $0x4;
	[tilespmem:$0x24A0] =	vst v0  }
0x270: {  	v2 =	vand.u32 $0x780, v60;
	v0 =	vand.u32 $0xF, v59;
	v1 =	vld.idx.msk [tilespmem:v1+s2+$0x0], $0xffff  }
0x271: {  	v0 =	vor.u32 v0, v2;
	_ =	sdelay $0x3  }
0x272: {  	v61 =	vshrl.u32 v58, $0xC;
	v62 =	vshrl.u32 v58, $0x1;
	[tilespmem:$0x24B0] =	vst v1  }
0x273: {  	v2 =	vand.u32 $0x780, v62;
	v1 =	vand.u32 $0xF, v61;
	v0 =	vld.idx.msk [tilespmem:v0+s2+$0x0], $0xffff  }
0x274: {  	v1 =	vor.u32 v1, v2;
	_ =	sdelay $0x3  }
0x275: {  	v63 =	vshrl.u32 v58, $0x14;
	v4 =	vshrl.u32 v58, $0x9;
	[tilespmem:$0x2500] =	vst v0  }
0x276: {  	v2 =	vand.u32 $0x780, v4;
	v0 =	vand.u32 $0xF, v63;
	v1 =	vld.idx.msk [tilespmem:v1+s2+$0x0], $0xffff  }
0x277: {  	v0 =	vor.u32 v0, v2;
	_ =	sdelay $0x3  }
0x278: {  	v5 =	vshrl.u32 v58, $0x11;
	v7 =	vld [tilespmem:$0xB30];
	[tilespmem:$0x2510] =	vst v1  }
0x279: {  	v6 =	vshrl.u32 v58, $0x1C;
	v1 =	vand.u32 $0x780, v5;
	v0 =	vld.idx.msk [tilespmem:v0+s2+$0x0], $0xffff  }
0x27a: {  	v1 =	vor.u32 v6, v1;
	_ =	sdelay $0x3  }
0x27b: {  	v8 =	vshrl.u32 v7, $0x4;
	v9 =	vshll.u32 v7, $0x7;
	[tilespmem:$0x2520] =	vst v0  }
0x27c: {  	v2 =	vand.u32 $0x780, v9;
	v0 =	vand.u32 $0xF, v8;
	v1 =	vld.idx.msk [tilespmem:v1+s2+$0x0], $0xffff  }
0x27d: {  	v0 =	vor.u32 v0, v2;
	_ =	sdelay $0x3  }
0x27e: {  	v10 =	vshrl.u32 v7, $0xC;
	v11 =	vshrl.u32 v7, $0x1;
	[tilespmem:$0x2530] =	vst v1  }
0x27f: {  	v2 =	vand.u32 $0x780, v11;
	v1 =	vand.u32 $0xF, v10;
	v0 =	vld.idx.msk [tilespmem:v0+s2+$0x0], $0xffff  }
0x280: {  	v1 =	vor.u32 v1, v2;
	_ =	sdelay $0x3  }
0x281: {  	v13 =	vshrl.u32 v7, $0x9;
	v12 =	vshrl.u32 v7, $0x14;
	[tilespmem:$0x2580] =	vst v0  }
0x282: {  	v2 =	vand.u32 $0x780, v13;
	v0 =	vand.u32 $0xF, v12;
	v1 =	vld.idx.msk [tilespmem:v1+s2+$0x0], $0xffff  }
0x283: {  	v0 =	vor.u32 v0, v2;
	_ =	sdelay $0x3  }
0x284: {  	v14 =	vshrl.u32 v7, $0x11;
	v16 =	vld [tilespmem:$0xB40];
	[tilespmem:$0x2590] =	vst v1  }
0x285: {  	v15 =	vshrl.u32 v7, $0x1C;
	v1 =	vand.u32 $0x780, v14;
	v0 =	vld.idx.msk [tilespmem:v0+s2+$0x0], $0xffff  }
0x286: {  	v1 =	vor.u32 v15, v1;
	_ =	sdelay $0x3  }
0x287: {  	v17 =	vshrl.u32 v16, $0x4;
	v18 =	vshll.u32 v16, $0x7;
	[tilespmem:$0x25A0] =	vst v0  }
0x288: {  	v2 =	vand.u32 $0x780, v18;
	v0 =	vand.u32 $0xF, v17;
	v1 =	vld.idx.msk [tilespmem:v1+s2+$0x0], $0xffff  }
0x289: {  	v0 =	vor.u32 v0, v2;
	_ =	sdelay $0x3  }
0x28a: {  	v19 =	vshrl.u32 v16, $0xC;
	v20 =	vshrl.u32 v16, $0x1;
	[tilespmem:$0x25B0] =	vst v1  }
0x28b: {  	v2 =	vand.u32 $0x780, v20;
	v1 =	vand.u32 $0xF, v19;
	v0 =	vld.idx.msk [tilespmem:v0+s2+$0x0], $0xffff  }
0x28c: {  	v1 =	vor.u32 v1, v2;
	_ =	sdelay $0x3  }
0x28d: {  	v22 =	vshrl.u32 v16, $0x9;
	v21 =	vshrl.u32 v16, $0x14;
	[tilespmem:$0x2600] =	vst v0  }
0x28e: {  	v2 =	vand.u32 $0x780, v22;
	v0 =	vand.u32 $0xF, v21;
	v1 =	vld.idx.msk [tilespmem:v1+s2+$0x0], $0xffff  }
0x28f: {  	v0 =	vor.u32 v0, v2;
	_ =	sdelay $0x3  }
0x290: {  	v23 =	vshrl.u32 v16, $0x11;
	v25 =	vld [tilespmem:$0xB50];
	[tilespmem:$0x2610] =	vst v1  }
0x291: {  	v24 =	vshrl.u32 v16, $0x1C;
	v1 =	vand.u32 $0x780, v23;
	v0 =	vld.idx.msk [tilespmem:v0+s2+$0x0], $0xffff  }
0x292: {  	v1 =	vor.u32 v24, v1;
	_ =	sdelay $0x3  }
0x293: {  	v26 =	vshrl.u32 v25, $0x4;
	v27 =	vshll.u32 v25, $0x7;
	[tilespmem:$0x2620] =	vst v0  }
0x294: {  	v2 =	vand.u32 $0x780, v27;
	v0 =	vand.u32 $0xF, v26;
	v1 =	vld.idx.msk [tilespmem:v1+s2+$0x0], $0xffff  }
0x295: {  	v0 =	vor.u32 v0, v2;
	_ =	sdelay $0x3  }
0x296: {  	v28 =	vshrl.u32 v25, $0xC;
	v29 =	vshrl.u32 v25, $0x1;
	[tilespmem:$0x2630] =	vst v1  }
0x297: {  	v2 =	vand.u32 $0x780, v29;
	v1 =	vand.u32 $0xF, v28;
	v0 =	vld.idx.msk [tilespmem:v0+s2+$0x0], $0xffff  }
0x298: {  	v1 =	vor.u32 v1, v2;
	_ =	sdelay $0x3  }
0x299: {  	v31 =	vshrl.u32 v25, $0x9;
	v30 =	vshrl.u32 v25, $0x14;
	[tilespmem:$0x2680] =	vst v0  }
0x29a: {  	v2 =	vand.u32 $0x780, v31;
	v0 =	vand.u32 $0xF, v30;
	v1 =	vld.idx.msk [tilespmem:v1+s2+$0x0], $0xffff  }
0x29b: {  	v0 =	vor.u32 v0, v2;
	_ =	sdelay $0x3  }
0x29c: {  	v32 =	vshrl.u32 v25, $0x11;
	v34 =	vld [tilespmem:$0xB60];
	[tilespmem:$0x2690] =	vst v1  }
0x29d: {  	v33 =	vshrl.u32 v25, $0x1C;
	v1 =	vand.u32 $0x780, v32;
	v0 =	vld.idx.msk [tilespmem:v0+s2+$0x0], $0xffff  }
0x29e: {  	v1 =	vor.u32 v33, v1;
	_ =	sdelay $0x3  }
0x29f: {  	v35 =	vshrl.u32 v34, $0x4;
	v36 =	vshll.u32 v34, $0x7;
	[tilespmem:$0x26A0] =	vst v0  }
0x2a0: {  	v2 =	vand.u32 $0x780, v36;
	v0 =	vand.u32 $0xF, v35;
	v1 =	vld.idx.msk [tilespmem:v1+s2+$0x0], $0xffff  }
0x2a1: {  	v0 =	vor.u32 v0, v2;
	_ =	sdelay $0x3  }
0x2a2: {  	v37 =	vshrl.u32 v34, $0xC;
	v38 =	vshrl.u32 v34, $0x1;
	[tilespmem:$0x26B0] =	vst v1  }
0x2a3: {  	v2 =	vand.u32 $0x780, v38;
	v1 =	vand.u32 $0xF, v37;
	v0 =	vld.idx.msk [tilespmem:v0+s2+$0x0], $0xffff  }
0x2a4: {  	v1 =	vor.u32 v1, v2;
	_ =	sdelay $0x3  }
0x2a5: {  	v40 =	vshrl.u32 v34, $0x9;
	v39 =	vshrl.u32 v34, $0x14;
	[tilespmem:$0x2700] =	vst v0  }
0x2a6: {  	v2 =	vand.u32 $0x780, v40;
	v0 =	vand.u32 $0xF, v39;
	v1 =	vld.idx.msk [tilespmem:v1+s2+$0x0], $0xffff  }
0x2a7: {  	v0 =	vor.u32 v0, v2;
	_ =	sdelay $0x3  }
0x2a8: {  	v41 =	vshrl.u32 v34, $0x11;
	v43 =	vld [tilespmem:$0xB70];
	[tilespmem:$0x2710] =	vst v1  }
0x2a9: {  	v42 =	vshrl.u32 v34, $0x1C;
	v1 =	vand.u32 $0x780, v41;
	v0 =	vld.idx.msk [tilespmem:v0+s2+$0x0], $0xffff  }
0x2aa: {  	v1 =	vor.u32 v42, v1;
	_ =	sdelay $0x3  }
0x2ab: {  	v44 =	vshrl.u32 v43, $0x4;
	v45 =	vshll.u32 v43, $0x7;
	[tilespmem:$0x2720] =	vst v0  }
0x2ac: {  	v2 =	vand.u32 $0x780, v45;
	v0 =	vand.u32 $0xF, v44;
	v1 =	vld.idx.msk [tilespmem:v1+s2+$0x0], $0xffff  }
0x2ad: {  	v0 =	vor.u32 v0, v2;
	_ =	sdelay $0x3  }
0x2ae: {  	v46 =	vshrl.u32 v43, $0xC;
	v47 =	vshrl.u32 v43, $0x1;
	[tilespmem:$0x2730] =	vst v1  }
0x2af: {  	v2 =	vand.u32 $0x780, v47;
	v1 =	vand.u32 $0xF, v46;
	v0 =	vld.idx.msk [tilespmem:v0+s2+$0x0], $0xffff  }
0x2b0: {  	v1 =	vor.u32 v1, v2;
	_ =	sdelay $0x3  }
0x2b1: {  	v49 =	vshrl.u32 v43, $0x9;
	v48 =	vshrl.u32 v43, $0x14;
	[tilespmem:$0x2780] =	vst v0  }
0x2b2: {  	v2 =	vand.u32 $0x780, v49;
	v0 =	vand.u32 $0xF, v48;
	v1 =	vld.idx.msk [tilespmem:v1+s2+$0x0], $0xffff  }
0x2b3: {  	v0 =	vor.u32 v0, v2;
	_ =	sdelay $0x3  }
0x2b4: {  	v50 =	vshrl.u32 v43, $0x11;
	v52 =	vld [tilespmem:$0xB80];
	[tilespmem:$0x2790] =	vst v1  }
0x2b5: {  	v51 =	vshrl.u32 v43, $0x1C;
	v1 =	vand.u32 $0x780, v50;
	v0 =	vld.idx.msk [tilespmem:v0+s2+$0x0], $0xffff  }
0x2b6: {  	v1 =	vor.u32 v51, v1;
	_ =	sdelay $0x3  }
0x2b7: {  	v53 =	vshrl.u32 v52, $0x4;
	v54 =	vshll.u32 v52, $0x7;
	[tilespmem:$0x27A0] =	vst v0  }
0x2b8: {  	v2 =	vand.u32 $0x780, v54;
	v0 =	vand.u32 $0xF, v53;
	v1 =	vld.idx.msk [tilespmem:v1+s2+$0x0], $0xffff  }
0x2b9: {  	v0 =	vor.u32 v0, v2;
	_ =	sdelay $0x3  }
0x2ba: {  	v55 =	vshrl.u32 v52, $0xC;
	v56 =	vshrl.u32 v52, $0x1;
	[tilespmem:$0x27B0] =	vst v1  }
0x2bb: {  	v2 =	vand.u32 $0x780, v56;
	v1 =	vand.u32 $0xF, v55;
	v0 =	vld.idx.msk [tilespmem:v0+s2+$0x0], $0xffff  }
0x2bc: {  	v1 =	vor.u32 v1, v2;
	_ =	sdelay $0x3  }
0x2bd: {  	v58 =	vshrl.u32 v52, $0x9;
	v57 =	vshrl.u32 v52, $0x14;
	[tilespmem:$0x2800] =	vst v0  }
0x2be: {  	v2 =	vand.u32 $0x780, v58;
	v0 =	vand.u32 $0xF, v57;
	v1 =	vld.idx.msk [tilespmem:v1+s2+$0x0], $0xffff  }
0x2bf: {  	v0 =	vor.u32 v0, v2;
	_ =	sdelay $0x3  }
0x2c0: {  	v59 =	vshrl.u32 v52, $0x11;
	v61 =	vld [tilespmem:$0xB90];
	[tilespmem:$0x2810] =	vst v1  }
0x2c1: {  	v60 =	vshrl.u32 v52, $0x1C;
	v1 =	vand.u32 $0x780, v59;
	v0 =	vld.idx.msk [tilespmem:v0+s2+$0x0], $0xffff  }
0x2c2: {  	v1 =	vor.u32 v60, v1;
	_ =	sdelay $0x3  }
0x2c3: {  	v62 =	vshrl.u32 v61, $0x4;
	v63 =	vshll.u32 v61, $0x7;
	[tilespmem:$0x2820] =	vst v0  }
0x2c4: {  	v2 =	vand.u32 $0x780, v63;
	v0 =	vand.u32 $0xF, v62;
	v1 =	vld.idx.msk [tilespmem:v1+s2+$0x0], $0xffff  }
0x2c5: {  	v0 =	vor.u32 v0, v2;
	_ =	sdelay $0x3  }
0x2c6: {  	v4 =	vshrl.u32 v61, $0xC;
	v5 =	vshrl.u32 v61, $0x1;
	[tilespmem:$0x2830] =	vst v1  }
0x2c7: {  	v2 =	vand.u32 $0x780, v5;
	v1 =	vand.u32 $0xF, v4;
	v0 =	vld.idx.msk [tilespmem:v0+s2+$0x0], $0xffff  }
0x2c8: {  	v1 =	vor.u32 v1, v2;
	_ =	sdelay $0x3  }
0x2c9: {  	v7 =	vshrl.u32 v61, $0x9;
	v6 =	vshrl.u32 v61, $0x14;
	[tilespmem:$0x2880] =	vst v0  }
0x2ca: {  	v2 =	vand.u32 $0x780, v7;
	v0 =	vand.u32 $0xF, v6;
	v1 =	vld.idx.msk [tilespmem:v1+s2+$0x0], $0xffff  }
0x2cb: {  	v0 =	vor.u32 v0, v2;
	_ =	sdelay $0x3  }
0x2cc: {  	v8 =	vshrl.u32 v61, $0x11;
	v10 =	vld [tilespmem:$0xBA0];
	[tilespmem:$0x2890] =	vst v1  }
0x2cd: {  	v9 =	vshrl.u32 v61, $0x1C;
	v1 =	vand.u32 $0x780, v8;
	v0 =	vld.idx.msk [tilespmem:v0+s2+$0x0], $0xffff  }
0x2ce: {  	v1 =	vor.u32 v9, v1;
	_ =	sdelay $0x3  }
0x2cf: {  	v11 =	vshrl.u32 v10, $0x4;
	v12 =	vshll.u32 v10, $0x7;
	[tilespmem:$0x28A0] =	vst v0  }
0x2d0: {  	v2 =	vand.u32 $0x780, v12;
	v0 =	vand.u32 $0xF, v11;
	v1 =	vld.idx.msk [tilespmem:v1+s2+$0x0], $0xffff  }
0x2d1: {  	v0 =	vor.u32 v0, v2;
	_ =	sdelay $0x3  }
0x2d2: {  	v13 =	vshrl.u32 v10, $0xC;
	v14 =	vshrl.u32 v10, $0x1;
	[tilespmem:$0x28B0] =	vst v1  }
0x2d3: {  	v2 =	vand.u32 $0x780, v14;
	v1 =	vand.u32 $0xF, v13;
	v0 =	vld.idx.msk [tilespmem:v0+s2+$0x0], $0xffff  }
0x2d4: {  	v1 =	vor.u32 v1, v2;
	_ =	sdelay $0x3  }
0x2d5: {  	v16 =	vshrl.u32 v10, $0x9;
	v15 =	vshrl.u32 v10, $0x14;
	[tilespmem:$0x2900] =	vst v0  }
0x2d6: {  	v2 =	vand.u32 $0x780, v16;
	v0 =	vand.u32 $0xF, v15;
	v1 =	vld.idx.msk [tilespmem:v1+s2+$0x0], $0xffff  }
0x2d7: {  	v0 =	vor.u32 v0, v2;
	_ =	sdelay $0x3  }
0x2d8: {  	v17 =	vshrl.u32 v10, $0x11;
	v19 =	vld [tilespmem:$0xBB0];
	[tilespmem:$0x2910] =	vst v1  }
0x2d9: {  	v18 =	vshrl.u32 v10, $0x1C;
	v1 =	vand.u32 $0x780, v17;
	v0 =	vld.idx.msk [tilespmem:v0+s2+$0x0], $0xffff  }
0x2da: {  	v1 =	vor.u32 v18, v1;
	_ =	sdelay $0x3  }
0x2db: {  	v20 =	vshrl.u32 v19, $0x4;
	v21 =	vshll.u32 v19, $0x7;
	[tilespmem:$0x2920] =	vst v0  }
0x2dc: {  	v2 =	vand.u32 $0x780, v21;
	v0 =	vand.u32 $0xF, v20;
	v1 =	vld.idx.msk [tilespmem:v1+s2+$0x0], $0xffff  }
0x2dd: {  	v0 =	vor.u32 v0, v2;
	_ =	sdelay $0x3  }
0x2de: {  	v22 =	vshrl.u32 v19, $0xC;
	v23 =	vshrl.u32 v19, $0x1;
	[tilespmem:$0x2930] =	vst v1  }
0x2df: {  	v2 =	vand.u32 $0x780, v23;
	v1 =	vand.u32 $0xF, v22;
	v0 =	vld.idx.msk [tilespmem:v0+s2+$0x0], $0xffff  }
0x2e0: {  	v1 =	vor.u32 v1, v2;
	_ =	sdelay $0x3  }
0x2e1: {  	v25 =	vshrl.u32 v19, $0x9;
	v24 =	vshrl.u32 v19, $0x14;
	[tilespmem:$0x2980] =	vst v0  }
0x2e2: {  	v2 =	vand.u32 $0x780, v25;
	v0 =	vand.u32 $0xF, v24;
	v1 =	vld.idx.msk [tilespmem:v1+s2+$0x0], $0xffff  }
0x2e3: {  	v0 =	vor.u32 v0, v2;
	_ =	sdelay $0x3  }
0x2e4: {  	v26 =	vshrl.u32 v19, $0x11;
	v28 =	vld [tilespmem:$0xBC0];
	[tilespmem:$0x2990] =	vst v1  }
0x2e5: {  	v27 =	vshrl.u32 v19, $0x1C;
	v1 =	vand.u32 $0x780, v26;
	v0 =	vld.idx.msk [tilespmem:v0+s2+$0x0], $0xffff  }
0x2e6: {  	v1 =	vor.u32 v27, v1;
	_ =	sdelay $0x3  }
0x2e7: {  	v29 =	vshrl.u32 v28, $0x4;
	v30 =	vshll.u32 v28, $0x7;
	[tilespmem:$0x29A0] =	vst v0  }
0x2e8: {  	v2 =	vand.u32 $0x780, v30;
	v0 =	vand.u32 $0xF, v29;
	v1 =	vld.idx.msk [tilespmem:v1+s2+$0x0], $0xffff  }
0x2e9: {  	v0 =	vor.u32 v0, v2;
	_ =	sdelay $0x3  }
0x2ea: {  	v31 =	vshrl.u32 v28, $0xC;
	v32 =	vshrl.u32 v28, $0x1;
	[tilespmem:$0x29B0] =	vst v1  }
0x2eb: {  	v2 =	vand.u32 $0x780, v32;
	v1 =	vand.u32 $0xF, v31;
	v0 =	vld.idx.msk [tilespmem:v0+s2+$0x0], $0xffff  }
0x2ec: {  	v1 =	vor.u32 v1, v2;
	_ =	sdelay $0x3  }
0x2ed: {  	v34 =	vshrl.u32 v28, $0x9;
	v33 =	vshrl.u32 v28, $0x14;
	[tilespmem:$0x2A00] =	vst v0  }
0x2ee: {  	v2 =	vand.u32 $0x780, v34;
	v0 =	vand.u32 $0xF, v33;
	v1 =	vld.idx.msk [tilespmem:v1+s2+$0x0], $0xffff  }
0x2ef: {  	v0 =	vor.u32 v0, v2;
	_ =	sdelay $0x3  }
0x2f0: {  	v35 =	vshrl.u32 v28, $0x11;
	v37 =	vld [tilespmem:$0xBD0];
	[tilespmem:$0x2A10] =	vst v1  }
0x2f1: {  	v36 =	vshrl.u32 v28, $0x1C;
	v1 =	vand.u32 $0x780, v35;
	v0 =	vld.idx.msk [tilespmem:v0+s2+$0x0], $0xffff  }
0x2f2: {  	v1 =	vor.u32 v36, v1;
	_ =	sdelay $0x3  }
0x2f3: {  	v38 =	vshrl.u32 v37, $0x4;
	v39 =	vshll.u32 v37, $0x7;
	[tilespmem:$0x2A20] =	vst v0  }
0x2f4: {  	v2 =	vand.u32 $0x780, v39;
	v0 =	vand.u32 $0xF, v38;
	v1 =	vld.idx.msk [tilespmem:v1+s2+$0x0], $0xffff  }
0x2f5: {  	v0 =	vor.u32 v0, v2;
	_ =	sdelay $0x3  }
0x2f6: {  	v40 =	vshrl.u32 v37, $0xC;
	v41 =	vshrl.u32 v37, $0x1;
	[tilespmem:$0x2A30] =	vst v1  }
0x2f7: {  	v2 =	vand.u32 $0x780, v41;
	v1 =	vand.u32 $0xF, v40;
	v0 =	vld.idx.msk [tilespmem:v0+s2+$0x0], $0xffff  }
0x2f8: {  	v1 =	vor.u32 v1, v2;
	_ =	sdelay $0x3  }
0x2f9: {  	v43 =	vshrl.u32 v37, $0x9;
	v42 =	vshrl.u32 v37, $0x14;
	[tilespmem:$0x2A80] =	vst v0  }
0x2fa: {  	v2 =	vand.u32 $0x780, v43;
	v0 =	vand.u32 $0xF, v42;
	v1 =	vld.idx.msk [tilespmem:v1+s2+$0x0], $0xffff  }
0x2fb: {  	v0 =	vor.u32 v0, v2;
	_ =	sdelay $0x3  }
0x2fc: {  	v44 =	vshrl.u32 v37, $0x11;
	v46 =	vld [tilespmem:$0xBE0];
	[tilespmem:$0x2A90] =	vst v1  }
0x2fd: {  	v45 =	vshrl.u32 v37, $0x1C;
	v1 =	vand.u32 $0x780, v44;
	v0 =	vld.idx.msk [tilespmem:v0+s2+$0x0], $0xffff  }
0x2fe: {  	v1 =	vor.u32 v45, v1;
	_ =	sdelay $0x3  }
0x2ff: {  	v47 =	vshrl.u32 v46, $0x4;
	v48 =	vshll.u32 v46, $0x7;
	[tilespmem:$0x2AA0] =	vst v0  }
0x300: {  	v2 =	vand.u32 $0x780, v48;
	v0 =	vand.u32 $0xF, v47;
	v1 =	vld.idx.msk [tilespmem:v1+s2+$0x0], $0xffff  }
0x301: {  	v0 =	vor.u32 v0, v2;
	_ =	sdelay $0x3  }
0x302: {  	v49 =	vshrl.u32 v46, $0xC;
	v50 =	vshrl.u32 v46, $0x1;
	[tilespmem:$0x2AB0] =	vst v1  }
0x303: {  	v2 =	vand.u32 $0x780, v50;
	v1 =	vand.u32 $0xF, v49;
	v0 =	vld.idx.msk [tilespmem:v0+s2+$0x0], $0xffff  }
0x304: {  	v1 =	vor.u32 v1, v2;
	_ =	sdelay $0x3  }
0x305: {  	v52 =	vshrl.u32 v46, $0x9;
	v51 =	vshrl.u32 v46, $0x14;
	[tilespmem:$0x2B00] =	vst v0  }
0x306: {  	v2 =	vand.u32 $0x780, v52;
	v0 =	vand.u32 $0xF, v51;
	v1 =	vld.idx.msk [tilespmem:v1+s2+$0x0], $0xffff  }
0x307: {  	v0 =	vor.u32 v0, v2;
	_ =	sdelay $0x3  }
0x308: {  	v53 =	vshrl.u32 v46, $0x11;
	v55 =	vld [tilespmem:$0xBF0];
	[tilespmem:$0x2B10] =	vst v1  }
0x309: {  	v54 =	vshrl.u32 v46, $0x1C;
	v1 =	vand.u32 $0x780, v53;
	v0 =	vld.idx.msk [tilespmem:v0+s2+$0x0], $0xffff  }
0x30a: {  	v1 =	vor.u32 v54, v1;
	_ =	sdelay $0x3  }
0x30b: {  	v56 =	vshrl.u32 v55, $0x4;
	v57 =	vshll.u32 v55, $0x7;
	[tilespmem:$0x2B20] =	vst v0  }
0x30c: {  	v2 =	vand.u32 $0x780, v57;
	v0 =	vand.u32 $0xF, v56;
	v1 =	vld.idx.msk [tilespmem:v1+s2+$0x0], $0xffff  }
0x30d: {  	v0 =	vor.u32 v0, v2;
	_ =	sdelay $0x3  }
0x30e: {  	v58 =	vshrl.u32 v55, $0xC;
	v59 =	vshrl.u32 v55, $0x1;
	[tilespmem:$0x2B30] =	vst v1  }
0x30f: {  	v2 =	vand.u32 $0x780, v59;
	v1 =	vand.u32 $0xF, v58;
	v0 =	vld.idx.msk [tilespmem:v0+s2+$0x0], $0xffff  }
0x310: {  	v1 =	vor.u32 v1, v2;
	_ =	sdelay $0x3  }
0x311: {  	v61 =	vshrl.u32 v55, $0x9;
	v60 =	vshrl.u32 v55, $0x14;
	[tilespmem:$0x2B80] =	vst v0  }
0x312: {  	v2 =	vand.u32 $0x780, v61;
	v0 =	vand.u32 $0xF, v60;
	v1 =	vld.idx.msk [tilespmem:v1+s2+$0x0], $0xffff  }
0x313: {  	v0 =	vor.u32 v0, v2;
	_ =	sdelay $0x3  }
0x314: {  	v62 =	vshrl.u32 v55, $0x11;
	[tilespmem:$0x2B90] =	vst v1  }
0x315: {  	v63 =	vshrl.u32 v55, $0x1C;
	v1 =	vand.u32 $0x780, v62;
	v0 =	vld.idx.msk [tilespmem:v0+s2+$0x0], $0xffff  }
0x316: {  	v1 =	vor.u32 v63, v1;
	_ =	sdelay $0x3  }
0x317: {  	[tilespmem:$0x2BA0] =	vst v0  }
0x318: {  	v0 =	vld.idx.msk [tilespmem:v1+s2+$0x0], $0xffff;
	_ =	sdelay $0x3  }
0x319: {  	p0 =	sne.s32 s6, $0x1  }
.Ltmp0:
0x31a: {  	[tilespmem:$0x2BB0] =	vst v0;
	(pc) =	sbr.rel @p0 .LBB2_1-.Ltmp0, $4  }
0x31b: {  	[hbm4b:s5+s2] =	stream.linear.scatter [tilespmem:s10], [sflag:$0x3], $0x2000, $0x38;
	[tilespmem:$0x2C00] =	vst v63  }
0x31c: {  	_ =	swait.ge [sflag:s11], $0x2000  }
0x31d: {  	[sflag:s11] =	ssyncset.done $0x0  }
0x31e: {  	s6 =	sadd.s32 $0xFFFFFFFF, s6;
	[sflag:s11] =	ssyncadd.s32 $0xFFFFE000  }
0x31f: {  	_ =	sfence.sel $0x180000  }
0x320: {  	[bflag:$0x0] =	sbarrier.arrive $0xFFFF  }
0x321: {  	p0 =	sne.s32 s0, $0x0;
	_ =	strace $0x90000047  }
0x322: {  	s0 =	sadd.s32 @!p0 $0x100000, s1;
	[bflag:$0x2] =	sbarrier.arrive $0xFFFF  }
0x323: {  	[sflag:s0] =	ssyncadd.tile.s32 @!p0 $0x1;
	_ =	shalt  }
.Lfunc_end2:
_tile_overlayer_lowered:
.L_overlay_start_2:
0x324: {  	(tag) =	ssettag $0x2  }
0x325: {  	s0 =	rddreg [dreg:$0x0];
	s2 =	stileid.u32  }
0x326: {  	s1 =	rddreg [dreg:$0x1];
	p0 =	sne.s32 s2, $0x0  }
0x327: {  	s3 =	rddreg [dreg:$0x2];
	[bflag:$0x3] =	sbarrier.arrive $0xFFFF;
	s2 =	simm.s32 @!p0 $0x1C03  }
0x328: {  	[timem:s3], [sflag:s2] =	dma.local @!p0 [hbm:s0], s1  }
0x329: {  	s0 =	simm.s32 @!p0 $0x3  }
0x32a: {  	_ =	swait.ge @!p0 [sflag:s0], s1  }
0x32b: {  	s1 =	ssub.s32 @!p0 $0x0, s1;
	[sflag:s0] =	ssyncset.done @!p0 $0x0  }
0x32c: {  	[sflag:s0] =	ssyncadd.s32 @!p0 s1  }
0x32d: {  	[bflag:$0x3] =	sbarrier.arrive $0xFFFF  }
0x32e: {  	_ =	shalt  }

</sc_bundles>
